<compile_context>
chip_gen: v7x
topology: tpu7x:2x2x1
jax: 0.10.2.dev20260603
libtpu: 0.0.44.dev20260713+nightly
codegen_flags: <defaults>
</compile_context>

<pallas_src>
import functools

import jax
import jax.numpy as jnp
from jax import lax
from jax.experimental import pallas as pl
from jax.experimental.pallas import tpu as pltpu
from jax.experimental.pallas import tpu_sc as plsc

L = 16
G = 4
NBUF = 6


@functools.lru_cache(maxsize=None)
def _build(seq, embed, vocab):
    info = plsc.get_sparse_core_info()
    nw = info.num_cores * info.num_subcores
    b_per_w = seq // nw
    n_groups = b_per_w // G
    mesh = plsc.VectorSubcoreMesh(core_axis_name="c", subcore_axis_name="s")

    @functools.partial(
        pl.kernel,
        mesh=mesh,
        out_type=jax.ShapeDtypeStruct((embed, seq), jnp.float32),
        scratch_types=[
            pltpu.VMEM((b_per_w + L,), jnp.int32),
            pltpu.VMEM((NBUF, G, embed, 128), jnp.float32),
            pltpu.VMEM((embed, b_per_w), jnp.float32),
        ] + [pltpu.SemaphoreType.DMA] * NBUF,
        compiler_params=pltpu.CompilerParams(needs_layout_passes=False),
    )
    def emb(
        sentence_hbm,
        table_t_hbm,
        out_t_hbm,
        sidx_v,
        blk_v,
        cols_v,
        *sems,
    ):
        wid = lax.axis_index("s") * info.num_cores + lax.axis_index("c")
        base = wid * b_per_w
        pltpu.sync_copy(
            sentence_hbm.at[pl.ds(base, b_per_w)],
            sidx_v.at[pl.ds(0, b_per_w)],
        )

        rows_lo = lax.iota(jnp.int32, L)

        def fire(g, b, lane0):
            iv = sidx_v[pl.ds((g // 2) * 8, L)]
            for k in range(G):
                i = iv[lane0 + k]
                tile_col = pl.multiple_of((i // 128) * 128, 128)
                pltpu.async_copy(
                    table_t_hbm.at[:, pl.ds(tile_col, 128)],
                    blk_v.at[b, k],
                    sems[b],
                )

        def drain_extract(g, b, lane0):
            for k in range(G):
                pltpu.make_async_copy(
                    table_t_hbm.at[:, pl.ds(0, 128)], blk_v.at[b, k], sems[b]
                ).wait()
            iv = sidx_v[pl.ds((g // 2) * 8, L)]
            for k in range(G):
                i = iv[lane0 + k]
                c = jnp.full((L,), i % 128, jnp.int32)
                jcol = jnp.full((L,), g * G + k, jnp.int32)
                blk = blk_v.at[b, k]
                for h in range(embed // L):
                    rows = rows_lo + h * L
                    vals = plsc.load_gather(blk, [rows, c])
                    plsc.store_scatter(cols_v, [rows, jcol], vals)

        for b in range(NBUF):
            fire(b, b, G * (b % 2))

        def body(q, _):
            for b in range(NBUF):
                g = q * NBUF + b
                lane0 = G * (b % 2)
                drain_extract(g, b, lane0)
                gn = g + NBUF

                @pl.when(gn < n_groups)
                def _():
                    fire(gn, b, lane0)

            return 0

        n_main = (n_groups // NBUF) * NBUF
        lax.fori_loop(0, n_groups // NBUF, body, 0)
        for g in range(n_main, n_groups):
            drain_extract(g, g % NBUF, G * (g % 2))
        pltpu.sync_copy(cols_v, out_t_hbm.at[:, pl.ds(base, b_per_w)])

    return emb


def kernel(sentence, table):
    vocab, embed = table.shape
    emb = _build(sentence.shape[0], embed, vocab)
    out_t = emb(sentence, table.T)
    return out_t.T

# --- scband reference (transcript-rebuilt; emitter-appended) ---
"""Pipeline reference for scband-word-embedding-54133767799522 (READ-ONLY COPY).

The authoritative reference and input builder live on the scoring server;
editing this copy changes nothing except your own understanding.
"""

import jax, jax.numpy as jnp
import numpy as np

VOCAB = 1000000
EMBED = 32
SEQ = 16384

def setup_inputs(seed: int = 0) -> dict:
    key = jax.random.key(seed)
    k1, k2 = jax.random.split(key)
    sentence = jax.random.randint(k1, (SEQ,), 0, VOCAB, dtype=jnp.int64 if jax.config.jax_enable_x64 else jnp.int32)
    table = jax.random.normal(k2, (VOCAB, EMBED), dtype=jnp.float32)
    return {"sentence": sentence, "table": table}

def reference(sentence, table):
    # Faithful translation of nn.Embedding lookup: result = embedding(sentence)
    assert sentence.ndim == 1
    result = jnp.take(table, sentence, axis=0)
    return result

if __name__ == "__main__":
    import jax
    _d = setup_inputs()
    print(jax.jit(kernel)(*tuple(_d.values())))

</pallas_src>

<mosaic_0001>
#map = affine_map<(d0, d1) -> (0)>
#map1 = affine_map<(d0, d1) -> (0, 0)>
module attributes {stable_mosaic.version = 14 : i64} {
  func.func @emb(%arg0: i32, %arg1: i32, %arg2: memref<16384xi32, #tpu.memory_space<hbm>>, %arg3: memref<32x1000000xf32, #tpu.memory_space<hbm>>, %arg4: memref<32x16384xf32, #tpu.memory_space<hbm>>, %arg5: memref<528xi32, #tpu.memory_space<vmem>>, %arg6: memref<6x4x32x128xf32, #tpu.memory_space<vmem>>, %arg7: memref<32x512xf32, #tpu.memory_space<vmem>>, %arg8: memref<!tpu.dma_semaphore, #tpu.memory_space<semaphore_mem>>, %arg9: memref<!tpu.dma_semaphore, #tpu.memory_space<semaphore_mem>>, %arg10: memref<!tpu.dma_semaphore, #tpu.memory_space<semaphore_mem>>, %arg11: memref<!tpu.dma_semaphore, #tpu.memory_space<semaphore_mem>>, %arg12: memref<!tpu.dma_semaphore, #tpu.memory_space<semaphore_mem>>, %arg13: memref<!tpu.dma_semaphore, #tpu.memory_space<semaphore_mem>>) attributes {dimension_semantics = [#tpu.dimension_semantics<core_parallel>, #tpu.dimension_semantics<subcore_parallel>], iteration_bounds = array<i64: 2, 16>, scalar_prefetch = 0 : i64, scratch_operands = 9 : i64, tpu.core_type = #tpu.core_type<sc_vector_subcore>, window_params = [{transform_indices = #map}, {transform_indices = #map1}, {transform_indices = #map1}]} {
    %mul3A = arith.constant 2 : i32
    %mul3A_0 = arith.muli %arg1, %mul3A : i32
    %add3A = arith.addi %mul3A_0, %arg0 : i32
    %mul3A_1 = arith.constant 512 : i32
    %mul3A_2 = arith.muli %add3A, %mul3A_1 : i32
    "tpu.region"() ({
      %run_scoped3A = tpu.sem_alloc : memref<!tpu.dma_semaphore, #tpu.memory_space<semaphore_mem>>
      %dma_start3A_1495 = arith.constant 0 : i32
      %dma_start3A_1496 = tpu.memref_slice %arg5[%dma_start3A_1495] : memref<528xi32, #tpu.memory_space<vmem>> -> memref<512xi32, #tpu.memory_space<vmem>>
      %dma_start3A_1497 = tpu.memref_slice %arg2[%mul3A_2] : memref<16384xi32, #tpu.memory_space<hbm>> -> memref<512xi32, #tpu.memory_space<hbm>>
      %dma_start3A_1498 = arith.constant 0 : i32
      %dma_start3A_1499 = tpu.memref_slice %arg5[%dma_start3A_1498] : memref<528xi32, #tpu.memory_space<vmem>> -> memref<512xi32, #tpu.memory_space<vmem>>
      %dma_start3A_1500 = tpu.memref_slice %arg2[%mul3A_2] : memref<16384xi32, #tpu.memory_space<hbm>> -> memref<512xi32, #tpu.memory_space<hbm>>
      tpu.enqueue_dma source(%dma_start3A_1500 : memref<512xi32, #tpu.memory_space<hbm>>) target(%dma_start3A_1499 : memref<512xi32, #tpu.memory_space<vmem>>) target_semaphore(%run_scoped3A : memref<!tpu.dma_semaphore, #tpu.memory_space<semaphore_mem>>)
      %dma_wait3A_1501 = arith.constant 0 : i32
      %dma_wait3A_1502 = tpu.memref_slice %arg5[%dma_wait3A_1501] : memref<528xi32, #tpu.memory_space<vmem>> -> memref<512xi32, #tpu.memory_space<vmem>>
      %dma_wait3A_1503 = tpu.memref_slice %arg2[%mul3A_2] : memref<16384xi32, #tpu.memory_space<hbm>> -> memref<512xi32, #tpu.memory_space<hbm>>
      %dma_wait3A_1504 = arith.constant 0 : i32
      %dma_wait3A_1505 = tpu.memref_slice %arg5[%dma_wait3A_1504] : memref<528xi32, #tpu.memory_space<vmem>> -> memref<512xi32, #tpu.memory_space<vmem>>
      %dma_wait3A_1506 = tpu.memref_slice %arg2[%mul3A_2] : memref<16384xi32, #tpu.memory_space<hbm>> -> memref<512xi32, #tpu.memory_space<hbm>>
      tpu.wait_dma2 semaphore(%run_scoped3A : memref<!tpu.dma_semaphore, #tpu.memory_space<semaphore_mem>>) src(%dma_wait3A_1506 : memref<512xi32, #tpu.memory_space<hbm>>) dst(%dma_wait3A_1505 : memref<512xi32, #tpu.memory_space<vmem>>)
      tpu.yield
    }) : () -> ()
    %iota3A = tpu.iota {dimensions = array<i32: 0>} : vector<16xi32>
    %get3A = arith.constant 0 : index
    %get3A_3 = tpu.vector_load %arg5[%get3A] {strides = array<i32>} : memref<528xi32, #tpu.memory_space<vmem>>, vector<16xi32>,
    %slice3A = vector.extract_strided_slice %get3A_3 {offsets = [0], sizes = [1], strides = [1]} : vector<16xi32> to vector<1xi32>
    %squeeze3A = vector.extract %slice3A[0] : i32 from vector<1xi32>
    %jit3A = arith.constant 128 : i32
    %div3A = arith.divsi %squeeze3A, %jit3A : i32
    %sign3A = arith.constant 0 : i32
    %sign3A_4 = arith.cmpi sgt, %squeeze3A, %sign3A : i32
    %sign3A_5 = arith.extui %sign3A_4 : i1 to i32
    %sign3A_6 = arith.constant 0 : i32
    %sign3A_7 = arith.cmpi slt, %squeeze3A, %sign3A_6 : i32
    %sign3A_8 = arith.extui %sign3A_7 : i1 to i32
    %sign3A_9 = arith.subi %sign3A_5, %sign3A_8 : i32
    %sign3A_10 = arith.constant 0 : i32
    %sign3A_11 = arith.cmpi sgt, %jit3A, %sign3A_10 : i32
    %sign3A_12 = arith.extui %sign3A_11 : i1 to i32
    %sign3A_13 = arith.constant 0 : i32
    %sign3A_14 = arith.cmpi slt, %jit3A, %sign3A_13 : i32
    %sign3A_15 = arith.extui %sign3A_14 : i1 to i32
    %sign3A_16 = arith.subi %sign3A_12, %sign3A_15 : i32
    %ne3A = arith.cmpi ne, %sign3A_9, %sign3A_16 : i32
    %rem3A = arith.remsi %squeeze3A, %jit3A : i32
    %ne3A_17 = arith.constant 0 : i32
    %ne3A_18 = arith.cmpi ne, %rem3A, %ne3A_17 : i32
    %and3A = arith.andi %ne3A, %ne3A_18 : i1
    %sub3A = arith.constant 1 : i32
    %sub3A_19 = arith.subi %div3A, %sub3A : i32
    %select_n3A = arith.select %and3A, %sub3A_19, %div3A : i32
    %mul3A_20 = arith.constant 128 : i32
    %mul3A_21 = arith.muli %select_n3A, %mul3A_20 : i32
    %multiple_of3A = tpu.assume_multiple %mul3A_21, 128 : i32
    %dma_start3A = arith.constant 0 : i32
    %dma_start3A_22 = arith.constant 0 : i32
    %dma_start3A_23 = arith.constant 0 : i32
    %dma_start3A_24 = arith.constant 0 : i32
    %dma_start3A_25 = tpu.memref_slice %arg6[%dma_start3A, %dma_start3A_22, %dma_start3A_23, %dma_start3A_24] : memref<6x4x32x128xf32, #tpu.memory_space<vmem>> -> memref<1x1x32x128xf32, #tpu.memory_space<vmem>>
    %dma_start3A_26 = tpu.memref_squeeze %dma_start3A_25 : memref<1x1x32x128xf32, #tpu.memory_space<vmem>> -> memref<32x128xf32, #tpu.memory_space<vmem>>
    %dma_start3A_27 = arith.constant 0 : i32
    %dma_start3A_28 = tpu.memref_slice %arg3[%dma_start3A_27, %multiple_of3A] : memref<32x1000000xf32, #tpu.memory_space<hbm>> -> memref<32x128xf32, #tpu.memory_space<hbm>>
    %dma_start3A_29 = arith.constant 0 : i32
    %dma_start3A_30 = arith.constant 0 : i32
    %dma_start3A_31 = tpu.memref_slice %arg6[%dma_start3A, %dma_start3A_22, %dma_start3A_29, %dma_start3A_30] : memref<6x4x32x128xf32, #tpu.memory_space<vmem>> -> memref<1x1x32x128xf32, #tpu.memory_space<vmem>>
    %dma_start3A_32 = tpu.memref_squeeze %dma_start3A_31 : memref<1x1x32x128xf32, #tpu.memory_space<vmem>> -> memref<32x128xf32, #tpu.memory_space<vmem>>
    %dma_start3A_33 = arith.constant 0 : i32
    %dma_start3A_34 = tpu.memref_slice %arg3[%dma_start3A_33, %multiple_of3A] : memref<32x1000000xf32, #tpu.memory_space<hbm>> -> memref<32x128xf32, #tpu.memory_space<hbm>>
    tpu.enqueue_dma source(%dma_start3A_34 : memref<32x128xf32, #tpu.memory_space<hbm>>) target(%dma_start3A_32 : memref<32x128xf32, #tpu.memory_space<vmem>>) target_semaphore(%arg8 : memref<!tpu.dma_semaphore, #tpu.memory_space<semaphore_mem>>)
    %slice3A_35 = vector.extract_strided_slice %get3A_3 {offsets = [1], sizes = [1], strides = [1]} : vector<16xi32> to vector<1xi32>
    %squeeze3A_36 = vector.extract %slice3A_35[0] : i32 from vector<1xi32>
    %jit3A_37 = arith.constant 128 : i32
    %div3A_38 = arith.divsi %squeeze3A_36, %jit3A_37 : i32
    %sign3A_39 = arith.constant 0 : i32
    %sign3A_40 = arith.cmpi sgt, %squeeze3A_36, %sign3A_39 : i32
    %sign3A_41 = arith.extui %sign3A_40 : i1 to i32
    %sign3A_42 = arith.constant 0 : i32
    %sign3A_43 = arith.cmpi slt, %squeeze3A_36, %sign3A_42 : i32
    %sign3A_44 = arith.extui %sign3A_43 : i1 to i32
    %sign3A_45 = arith.subi %sign3A_41, %sign3A_44 : i32
    %sign3A_46 = arith.constant 0 : i32
    %sign3A_47 = arith.cmpi sgt, %jit3A_37, %sign3A_46 : i32
    %sign3A_48 = arith.extui %sign3A_47 : i1 to i32
    %sign3A_49 = arith.constant 0 : i32
    %sign3A_50 = arith.cmpi slt, %jit3A_37, %sign3A_49 : i32
    %sign3A_51 = arith.extui %sign3A_50 : i1 to i32
    %sign3A_52 = arith.subi %sign3A_48, %sign3A_51 : i32
    %ne3A_53 = arith.cmpi ne, %sign3A_45, %sign3A_52 : i32
    %rem3A_54 = arith.remsi %squeeze3A_36, %jit3A_37 : i32
    %ne3A_55 = arith.constant 0 : i32
    %ne3A_56 = arith.cmpi ne, %rem3A_54, %ne3A_55 : i32
    %and3A_57 = arith.andi %ne3A_53, %ne3A_56 : i1
    %sub3A_58 = arith.constant 1 : i32
    %sub3A_59 = arith.subi %div3A_38, %sub3A_58 : i32
    %select_n3A_60 = arith.select %and3A_57, %sub3A_59, %div3A_38 : i32
    %mul3A_61 = arith.constant 128 : i32
    %mul3A_62 = arith.muli %select_n3A_60, %mul3A_61 : i32
    %multiple_of3A_63 = tpu.assume_multiple %mul3A_62, 128 : i32
    %dma_start3A_64 = arith.constant 0 : i32
    %dma_start3A_65 = arith.constant 1 : i32
    %dma_start3A_66 = arith.constant 0 : i32
    %dma_start3A_67 = arith.constant 0 : i32
    %dma_start3A_68 = tpu.memref_slice %arg6[%dma_start3A_64, %dma_start3A_65, %dma_start3A_66, %dma_start3A_67] : memref<6x4x32x128xf32, #tpu.memory_space<vmem>> -> memref<1x1x32x128xf32, #tpu.memory_space<vmem>>
    %dma_start3A_69 = tpu.memref_squeeze %dma_start3A_68 : memref<1x1x32x128xf32, #tpu.memory_space<vmem>> -> memref<32x128xf32, #tpu.memory_space<vmem>>
    %dma_start3A_70 = arith.constant 0 : i32
    %dma_start3A_71 = tpu.memref_slice %arg3[%dma_start3A_70, %multiple_of3A_63] : memref<32x1000000xf32, #tpu.memory_space<hbm>> -> memref<32x128xf32, #tpu.memory_space<hbm>>
    %dma_start3A_72 = arith.constant 0 : i32
    %dma_start3A_73 = arith.constant 0 : i32
    %dma_start3A_74 = tpu.memref_slice %arg6[%dma_start3A_64, %dma_start3A_65, %dma_start3A_72, %dma_start3A_73] : memref<6x4x32x128xf32, #tpu.memory_space<vmem>> -> memref<1x1x32x128xf32, #tpu.memory_space<vmem>>
    %dma_start3A_75 = tpu.memref_squeeze %dma_start3A_74 : memref<1x1x32x128xf32, #tpu.memory_space<vmem>> -> memref<32x128xf32, #tpu.memory_space<vmem>>
    %dma_start3A_76 = arith.constant 0 : i32
    %dma_start3A_77 = tpu.memref_slice %arg3[%dma_start3A_76, %multiple_of3A_63] : memref<32x1000000xf32, #tpu.memory_space<hbm>> -> memref<32x128xf32, #tpu.memory_space<hbm>>
    tpu.enqueue_dma source(%dma_start3A_77 : memref<32x128xf32, #tpu.memory_space<hbm>>) target(%dma_start3A_75 : memref<32x128xf32, #tpu.memory_space<vmem>>) target_semaphore(%arg8 : memref<!tpu.dma_semaphore, #tpu.memory_space<semaphore_mem>>)
    %slice3A_78 = vector.extract_strided_slice %get3A_3 {offsets = [2], sizes = [1], strides = [1]} : vector<16xi32> to vector<1xi32>
    %squeeze3A_79 = vector.extract %slice3A_78[0] : i32 from vector<1xi32>
    %jit3A_80 = arith.constant 128 : i32
    %div3A_81 = arith.divsi %squeeze3A_79, %jit3A_80 : i32
    %sign3A_82 = arith.constant 0 : i32
    %sign3A_83 = arith.cmpi sgt, %squeeze3A_79, %sign3A_82 : i32
    %sign3A_84 = arith.extui %sign3A_83 : i1 to i32
    %sign3A_85 = arith.constant 0 : i32
    %sign3A_86 = arith.cmpi slt, %squeeze3A_79, %sign3A_85 : i32
    %sign3A_87 = arith.extui %sign3A_86 : i1 to i32
    %sign3A_88 = arith.subi %sign3A_84, %sign3A_87 : i32
    %sign3A_89 = arith.constant 0 : i32
    %sign3A_90 = arith.cmpi sgt, %jit3A_80, %sign3A_89 : i32
    %sign3A_91 = arith.extui %sign3A_90 : i1 to i32
    %sign3A_92 = arith.constant 0 : i32
    %sign3A_93 = arith.cmpi slt, %jit3A_80, %sign3A_92 : i32
    %sign3A_94 = arith.extui %sign3A_93 : i1 to i32
    %sign3A_95 = arith.subi %sign3A_91, %sign3A_94 : i32
    %ne3A_96 = arith.cmpi ne, %sign3A_88, %sign3A_95 : i32
    %rem3A_97 = arith.remsi %squeeze3A_79, %jit3A_80 : i32
    %ne3A_98 = arith.constant 0 : i32
    %ne3A_99 = arith.cmpi ne, %rem3A_97, %ne3A_98 : i32
    %and3A_100 = arith.andi %ne3A_96, %ne3A_99 : i1
    %sub3A_101 = arith.constant 1 : i32
    %sub3A_102 = arith.subi %div3A_81, %sub3A_101 : i32
    %select_n3A_103 = arith.select %and3A_100, %sub3A_102, %div3A_81 : i32
    %mul3A_104 = arith.constant 128 : i32
    %mul3A_105 = arith.muli %select_n3A_103, %mul3A_104 : i32
    %multiple_of3A_106 = tpu.assume_multiple %mul3A_105, 128 : i32
    %dma_start3A_107 = arith.constant 0 : i32
    %dma_start3A_108 = arith.constant 2 : i32
    %dma_start3A_109 = arith.constant 0 : i32
    %dma_start3A_110 = arith.constant 0 : i32
    %dma_start3A_111 = tpu.memref_slice %arg6[%dma_start3A_107, %dma_start3A_108, %dma_start3A_109, %dma_start3A_110] : memref<6x4x32x128xf32, #tpu.memory_space<vmem>> -> memref<1x1x32x128xf32, #tpu.memory_space<vmem>>
    %dma_start3A_112 = tpu.memref_squeeze %dma_start3A_111 : memref<1x1x32x128xf32, #tpu.memory_space<vmem>> -> memref<32x128xf32, #tpu.memory_space<vmem>>
    %dma_start3A_113 = arith.constant 0 : i32
    %dma_start3A_114 = tpu.memref_slice %arg3[%dma_start3A_113, %multiple_of3A_106] : memref<32x1000000xf32, #tpu.memory_space<hbm>> -> memref<32x128xf32, #tpu.memory_space<hbm>>
    %dma_start3A_115 = arith.constant 0 : i32
    %dma_start3A_116 = arith.constant 0 : i32
    %dma_start3A_117 = tpu.memref_slice %arg6[%dma_start3A_107, %dma_start3A_108, %dma_start3A_115, %dma_start3A_116] : memref<6x4x32x128xf32, #tpu.memory_space<vmem>> -> memref<1x1x32x128xf32, #tpu.memory_space<vmem>>
    %dma_start3A_118 = tpu.memref_squeeze %dma_start3A_117 : memref<1x1x32x128xf32, #tpu.memory_space<vmem>> -> memref<32x128xf32, #tpu.memory_space<vmem>>
    %dma_start3A_119 = arith.constant 0 : i32
    %dma_start3A_120 = tpu.memref_slice %arg3[%dma_start3A_119, %multiple_of3A_106] : memref<32x1000000xf32, #tpu.memory_space<hbm>> -> memref<32x128xf32, #tpu.memory_space<hbm>>
    tpu.enqueue_dma source(%dma_start3A_120 : memref<32x128xf32, #tpu.memory_space<hbm>>) target(%dma_start3A_118 : memref<32x128xf32, #tpu.memory_space<vmem>>) target_semaphore(%arg8 : memref<!tpu.dma_semaphore, #tpu.memory_space<semaphore_mem>>)
    %slice3A_121 = vector.extract_strided_slice %get3A_3 {offsets = [3], sizes = [1], strides = [1]} : vector<16xi32> to vector<1xi32>
    %squeeze3A_122 = vector.extract %slice3A_121[0] : i32 from vector<1xi32>
    %jit3A_123 = arith.constant 128 : i32
    %div3A_124 = arith.divsi %squeeze3A_122, %jit3A_123 : i32
    %sign3A_125 = arith.constant 0 : i32
    %sign3A_126 = arith.cmpi sgt, %squeeze3A_122, %sign3A_125 : i32
    %sign3A_127 = arith.extui %sign3A_126 : i1 to i32
    %sign3A_128 = arith.constant 0 : i32
    %sign3A_129 = arith.cmpi slt, %squeeze3A_122, %sign3A_128 : i32
    %sign3A_130 = arith.extui %sign3A_129 : i1 to i32
    %sign3A_131 = arith.subi %sign3A_127, %sign3A_130 : i32
    %sign3A_132 = arith.constant 0 : i32
    %sign3A_133 = arith.cmpi sgt, %jit3A_123, %sign3A_132 : i32
    %sign3A_134 = arith.extui %sign3A_133 : i1 to i32
    %sign3A_135 = arith.constant 0 : i32
    %sign3A_136 = arith.cmpi slt, %jit3A_123, %sign3A_135 : i32
    %sign3A_137 = arith.extui %sign3A_136 : i1 to i32
    %sign3A_138 = arith.subi %sign3A_134, %sign3A_137 : i32
    %ne3A_139 = arith.cmpi ne, %sign3A_131, %sign3A_138 : i32
    %rem3A_140 = arith.remsi %squeeze3A_122, %jit3A_123 : i32
    %ne3A_141 = arith.constant 0 : i32
    %ne3A_142 = arith.cmpi ne, %rem3A_140, %ne3A_141 : i32
    %and3A_143 = arith.andi %ne3A_139, %ne3A_142 : i1
    %sub3A_144 = arith.constant 1 : i32
    %sub3A_145 = arith.subi %div3A_124, %sub3A_144 : i32
    %select_n3A_146 = arith.select %and3A_143, %sub3A_145, %div3A_124 : i32
    %mul3A_147 = arith.constant 128 : i32
    %mul3A_148 = arith.muli %select_n3A_146, %mul3A_147 : i32
    %multiple_of3A_149 = tpu.assume_multiple %mul3A_148, 128 : i32
    %dma_start3A_150 = arith.constant 0 : i32
    %dma_start3A_151 = arith.constant 3 : i32
    %dma_start3A_152 = arith.constant 0 : i32
    %dma_start3A_153 = arith.constant 0 : i32
    %dma_start3A_154 = tpu.memref_slice %arg6[%dma_start3A_150, %dma_start3A_151, %dma_start3A_152, %dma_start3A_153] : memref<6x4x32x128xf32, #tpu.memory_space<vmem>> -> memref<1x1x32x128xf32, #tpu.memory_space<vmem>>
    %dma_start3A_155 = tpu.memref_squeeze %dma_start3A_154 : memref<1x1x32x128xf32, #tpu.memory_space<vmem>> -> memref<32x128xf32, #tpu.memory_space<vmem>>
    %dma_start3A_156 = arith.constant 0 : i32
    %dma_start3A_157 = tpu.memref_slice %arg3[%dma_start3A_156, %multiple_of3A_149] : memref<32x1000000xf32, #tpu.memory_space<hbm>> -> memref<32x128xf32, #tpu.memory_space<hbm>>
    %dma_start3A_158 = arith.constant 0 : i32
    %dma_start3A_159 = arith.constant 0 : i32
    %dma_start3A_160 = tpu.memref_slice %arg6[%dma_start3A_150, %dma_start3A_151, %dma_start3A_158, %dma_start3A_159] : memref<6x4x32x128xf32, #tpu.memory_space<vmem>> -> memref<1x1x32x128xf32, #tpu.memory_space<vmem>>
    %dma_start3A_161 = tpu.memref_squeeze %dma_start3A_160 : memref<1x1x32x128xf32, #tpu.memory_space<vmem>> -> memref<32x128xf32, #tpu.memory_space<vmem>>
    %dma_start3A_162 = arith.constant 0 : i32
    %dma_start3A_163 = tpu.memref_slice %arg3[%dma_start3A_162, %multiple_of3A_149] : memref<32x1000000xf32, #tpu.memory_space<hbm>> -> memref<32x128xf32, #tpu.memory_space<hbm>>
    tpu.enqueue_dma source(%dma_start3A_163 : memref<32x128xf32, #tpu.memory_space<hbm>>) target(%dma_start3A_161 : memref<32x128xf32, #tpu.memory_space<vmem>>) target_semaphore(%arg8 : memref<!tpu.dma_semaphore, #tpu.memory_space<semaphore_mem>>)
    %get3A_164 = arith.constant 0 : index
    %get3A_165 = tpu.vector_load %arg5[%get3A_164] {strides = array<i32>} : memref<528xi32, #tpu.memory_space<vmem>>, vector<16xi32>,
    %slice3A_166 = vector.extract_strided_slice %get3A_165 {offsets = [4], sizes = [1], strides = [1]} : vector<16xi32> to vector<1xi32>
    %squeeze3A_167 = vector.extract %slice3A_166[0] : i32 from vector<1xi32>
    %jit3A_168 = arith.constant 128 : i32
    %div3A_169 = arith.divsi %squeeze3A_167, %jit3A_168 : i32
    %sign3A_170 = arith.constant 0 : i32
    %sign3A_171 = arith.cmpi sgt, %squeeze3A_167, %sign3A_170 : i32
    %sign3A_172 = arith.extui %sign3A_171 : i1 to i32
    %sign3A_173 = arith.constant 0 : i32
    %sign3A_174 = arith.cmpi slt, %squeeze3A_167, %sign3A_173 : i32
    %sign3A_175 = arith.extui %sign3A_174 : i1 to i32
    %sign3A_176 = arith.subi %sign3A_172, %sign3A_175 : i32
    %sign3A_177 = arith.constant 0 : i32
    %sign3A_178 = arith.cmpi sgt, %jit3A_168, %sign3A_177 : i32
    %sign3A_179 = arith.extui %sign3A_178 : i1 to i32
    %sign3A_180 = arith.constant 0 : i32
    %sign3A_181 = arith.cmpi slt, %jit3A_168, %sign3A_180 : i32
    %sign3A_182 = arith.extui %sign3A_181 : i1 to i32
    %sign3A_183 = arith.subi %sign3A_179, %sign3A_182 : i32
    %ne3A_184 = arith.cmpi ne, %sign3A_176, %sign3A_183 : i32
    %rem3A_185 = arith.remsi %squeeze3A_167, %jit3A_168 : i32
    %ne3A_186 = arith.constant 0 : i32
    %ne3A_187 = arith.cmpi ne, %rem3A_185, %ne3A_186 : i32
    %and3A_188 = arith.andi %ne3A_184, %ne3A_187 : i1
    %sub3A_189 = arith.constant 1 : i32
    %sub3A_190 = arith.subi %div3A_169, %sub3A_189 : i32
    %select_n3A_191 = arith.select %and3A_188, %sub3A_190, %div3A_169 : i32
    %mul3A_192 = arith.constant 128 : i32
    %mul3A_193 = arith.muli %select_n3A_191, %mul3A_192 : i32
    %multiple_of3A_194 = tpu.assume_multiple %mul3A_193, 128 : i32
    %dma_start3A_195 = arith.constant 1 : i32
    %dma_start3A_196 = arith.constant 0 : i32
    %dma_start3A_197 = arith.constant 0 : i32
    %dma_start3A_198 = arith.constant 0 : i32
    %dma_start3A_199 = tpu.memref_slice %arg6[%dma_start3A_195, %dma_start3A_196, %dma_start3A_197, %dma_start3A_198] : memref<6x4x32x128xf32, #tpu.memory_space<vmem>> -> memref<1x1x32x128xf32, #tpu.memory_space<vmem>>
    %dma_start3A_200 = tpu.memref_squeeze %dma_start3A_199 : memref<1x1x32x128xf32, #tpu.memory_space<vmem>> -> memref<32x128xf32, #tpu.memory_space<vmem>>
    %dma_start3A_201 = arith.constant 0 : i32
    %dma_start3A_202 = tpu.memref_slice %arg3[%dma_start3A_201, %multiple_of3A_194] : memref<32x1000000xf32, #tpu.memory_space<hbm>> -> memref<32x128xf32, #tpu.memory_space<hbm>>
    %dma_start3A_203 = arith.constant 0 : i32
    %dma_start3A_204 = arith.constant 0 : i32
    %dma_start3A_205 = tpu.memref_slice %arg6[%dma_start3A_195, %dma_start3A_196, %dma_start3A_203, %dma_start3A_204] : memref<6x4x32x128xf32, #tpu.memory_space<vmem>> -> memref<1x1x32x128xf32, #tpu.memory_space<vmem>>
    %dma_start3A_206 = tpu.memref_squeeze %dma_start3A_205 : memref<1x1x32x128xf32, #tpu.memory_space<vmem>> -> memref<32x128xf32, #tpu.memory_space<vmem>>
    %dma_start3A_207 = arith.constant 0 : i32
    %dma_start3A_208 = tpu.memref_slice %arg3[%dma_start3A_207, %multiple_of3A_194] : memref<32x1000000xf32, #tpu.memory_space<hbm>> -> memref<32x128xf32, #tpu.memory_space<hbm>>
    tpu.enqueue_dma source(%dma_start3A_208 : memref<32x128xf32, #tpu.memory_space<hbm>>) target(%dma_start3A_206 : memref<32x128xf32, #tpu.memory_space<vmem>>) target_semaphore(%arg9 : memref<!tpu.dma_semaphore, #tpu.memory_space<semaphore_mem>>)
    %slice3A_209 = vector.extract_strided_slice %get3A_165 {offsets = [5], sizes = [1], strides = [1]} : vector<16xi32> to vector<1xi32>
    %squeeze3A_210 = vector.extract %slice3A_209[0] : i32 from vector<1xi32>
    %jit3A_211 = arith.constant 128 : i32
    %div3A_212 = arith.divsi %squeeze3A_210, %jit3A_211 : i32
    %sign3A_213 = arith.constant 0 : i32
    %sign3A_214 = arith.cmpi sgt, %squeeze3A_210, %sign3A_213 : i32
    %sign3A_215 = arith.extui %sign3A_214 : i1 to i32
    %sign3A_216 = arith.constant 0 : i32
    %sign3A_217 = arith.cmpi slt, %squeeze3A_210, %sign3A_216 : i32
    %sign3A_218 = arith.extui %sign3A_217 : i1 to i32
    %sign3A_219 = arith.subi %sign3A_215, %sign3A_218 : i32
    %sign3A_220 = arith.constant 0 : i32
    %sign3A_221 = arith.cmpi sgt, %jit3A_211, %sign3A_220 : i32
    %sign3A_222 = arith.extui %sign3A_221 : i1 to i32
    %sign3A_223 = arith.constant 0 : i32
    %sign3A_224 = arith.cmpi slt, %jit3A_211, %sign3A_223 : i32
    %sign3A_225 = arith.extui %sign3A_224 : i1 to i32
    %sign3A_226 = arith.subi %sign3A_222, %sign3A_225 : i32
    %ne3A_227 = arith.cmpi ne, %sign3A_219, %sign3A_226 : i32
    %rem3A_228 = arith.remsi %squeeze3A_210, %jit3A_211 : i32
    %ne3A_229 = arith.constant 0 : i32
    %ne3A_230 = arith.cmpi ne, %rem3A_228, %ne3A_229 : i32
    %and3A_231 = arith.andi %ne3A_227, %ne3A_230 : i1
    %sub3A_232 = arith.constant 1 : i32
    %sub3A_233 = arith.subi %div3A_212, %sub3A_232 : i32
    %select_n3A_234 = arith.select %and3A_231, %sub3A_233, %div3A_212 : i32
    %mul3A_235 = arith.constant 128 : i32
    %mul3A_236 = arith.muli %select_n3A_234, %mul3A_235 : i32
    %multiple_of3A_237 = tpu.assume_multiple %mul3A_236, 128 : i32
    %dma_start3A_238 = arith.constant 1 : i32
    %dma_start3A_239 = arith.constant 1 : i32
    %dma_start3A_240 = arith.constant 0 : i32
    %dma_start3A_241 = arith.constant 0 : i32
    %dma_start3A_242 = tpu.memref_slice %arg6[%dma_start3A_238, %dma_start3A_239, %dma_start3A_240, %dma_start3A_241] : memref<6x4x32x128xf32, #tpu.memory_space<vmem>> -> memref<1x1x32x128xf32, #tpu.memory_space<vmem>>
    %dma_start3A_243 = tpu.memref_squeeze %dma_start3A_242 : memref<1x1x32x128xf32, #tpu.memory_space<vmem>> -> memref<32x128xf32, #tpu.memory_space<vmem>>
    %dma_start3A_244 = arith.constant 0 : i32
    %dma_start3A_245 = tpu.memref_slice %arg3[%dma_start3A_244, %multiple_of3A_237] : memref<32x1000000xf32, #tpu.memory_space<hbm>> -> memref<32x128xf32, #tpu.memory_space<hbm>>
    %dma_start3A_246 = arith.constant 0 : i32
    %dma_start3A_247 = arith.constant 0 : i32
    %dma_start3A_248 = tpu.memref_slice %arg6[%dma_start3A_238, %dma_start3A_239, %dma_start3A_246, %dma_start3A_247] : memref<6x4x32x128xf32, #tpu.memory_space<vmem>> -> memref<1x1x32x128xf32, #tpu.memory_space<vmem>>
    %dma_start3A_249 = tpu.memref_squeeze %dma_start3A_248 : memref<1x1x32x128xf32, #tpu.memory_space<vmem>> -> memref<32x128xf32, #tpu.memory_space<vmem>>
    %dma_start3A_250 = arith.constant 0 : i32
    %dma_start3A_251 = tpu.memref_slice %arg3[%dma_start3A_250, %multiple_of3A_237] : memref<32x1000000xf32, #tpu.memory_space<hbm>> -> memref<32x128xf32, #tpu.memory_space<hbm>>
    tpu.enqueue_dma source(%dma_start3A_251 : memref<32x128xf32, #tpu.memory_space<hbm>>) target(%dma_start3A_249 : memref<32x128xf32, #tpu.memory_space<vmem>>) target_semaphore(%arg9 : memref<!tpu.dma_semaphore, #tpu.memory_space<semaphore_mem>>)
    %slice3A_252 = vector.extract_strided_slice %get3A_165 {offsets = [6], sizes = [1], strides = [1]} : vector<16xi32> to vector<1xi32>
    %squeeze3A_253 = vector.extract %slice3A_252[0] : i32 from vector<1xi32>
    %jit3A_254 = arith.constant 128 : i32
    %div3A_255 = arith.divsi %squeeze3A_253, %jit3A_254 : i32
    %sign3A_256 = arith.constant 0 : i32
    %sign3A_257 = arith.cmpi sgt, %squeeze3A_253, %sign3A_256 : i32
    %sign3A_258 = arith.extui %sign3A_257 : i1 to i32
    %sign3A_259 = arith.constant 0 : i32
    %sign3A_260 = arith.cmpi slt, %squeeze3A_253, %sign3A_259 : i32
    %sign3A_261 = arith.extui %sign3A_260 : i1 to i32
    %sign3A_262 = arith.subi %sign3A_258, %sign3A_261 : i32
    %sign3A_263 = arith.constant 0 : i32
    %sign3A_264 = arith.cmpi sgt, %jit3A_254, %sign3A_263 : i32
    %sign3A_265 = arith.extui %sign3A_264 : i1 to i32
    %sign3A_266 = arith.constant 0 : i32
    %sign3A_267 = arith.cmpi slt, %jit3A_254, %sign3A_266 : i32
    %sign3A_268 = arith.extui %sign3A_267 : i1 to i32
    %sign3A_269 = arith.subi %sign3A_265, %sign3A_268 : i32
    %ne3A_270 = arith.cmpi ne, %sign3A_262, %sign3A_269 : i32
    %rem3A_271 = arith.remsi %squeeze3A_253, %jit3A_254 : i32
    %ne3A_272 = arith.constant 0 : i32
    %ne3A_273 = arith.cmpi ne, %rem3A_271, %ne3A_272 : i32
    %and3A_274 = arith.andi %ne3A_270, %ne3A_273 : i1
    %sub3A_275 = arith.constant 1 : i32
    %sub3A_276 = arith.subi %div3A_255, %sub3A_275 : i32
    %select_n3A_277 = arith.select %and3A_274, %sub3A_276, %div3A_255 : i32
    %mul3A_278 = arith.constant 128 : i32
    %mul3A_279 = arith.muli %select_n3A_277, %mul3A_278 : i32
    %multiple_of3A_280 = tpu.assume_multiple %mul3A_279, 128 : i32
    %dma_start3A_281 = arith.constant 1 : i32
    %dma_start3A_282 = arith.constant 2 : i32
    %dma_start3A_283 = arith.constant 0 : i32
    %dma_start3A_284 = arith.constant 0 : i32
    %dma_start3A_285 = tpu.memref_slice %arg6[%dma_start3A_281, %dma_start3A_282, %dma_start3A_283, %dma_start3A_284] : memref<6x4x32x128xf32, #tpu.memory_space<vmem>> -> memref<1x1x32x128xf32, #tpu.memory_space<vmem>>
    %dma_start3A_286 = tpu.memref_squeeze %dma_start3A_285 : memref<1x1x32x128xf32, #tpu.memory_space<vmem>> -> memref<32x128xf32, #tpu.memory_space<vmem>>
    %dma_start3A_287 = arith.constant 0 : i32
    %dma_start3A_288 = tpu.memref_slice %arg3[%dma_start3A_287, %multiple_of3A_280] : memref<32x1000000xf32, #tpu.memory_space<hbm>> -> memref<32x128xf32, #tpu.memory_space<hbm>>
    %dma_start3A_289 = arith.constant 0 : i32
    %dma_start3A_290 = arith.constant 0 : i32
    %dma_start3A_291 = tpu.memref_slice %arg6[%dma_start3A_281, %dma_start3A_282, %dma_start3A_289, %dma_start3A_290] : memref<6x4x32x128xf32, #tpu.memory_space<vmem>> -> memref<1x1x32x128xf32, #tpu.memory_space<vmem>>
    %dma_start3A_292 = tpu.memref_squeeze %dma_start3A_291 : memref<1x1x32x128xf32, #tpu.memory_space<vmem>> -> memref<32x128xf32, #tpu.memory_space<vmem>>
    %dma_start3A_293 = arith.constant 0 : i32
    %dma_start3A_294 = tpu.memref_slice %arg3[%dma_start3A_293, %multiple_of3A_280] : memref<32x1000000xf32, #tpu.memory_space<hbm>> -> memref<32x128xf32, #tpu.memory_space<hbm>>
    tpu.enqueue_dma source(%dma_start3A_294 : memref<32x128xf32, #tpu.memory_space<hbm>>) target(%dma_start3A_292 : memref<32x128xf32, #tpu.memory_space<vmem>>) target_semaphore(%arg9 : memref<!tpu.dma_semaphore, #tpu.memory_space<semaphore_mem>>)
    %slice3A_295 = vector.extract_strided_slice %get3A_165 {offsets = [7], sizes = [1], strides = [1]} : vector<16xi32> to vector<1xi32>
    %squeeze3A_296 = vector.extract %slice3A_295[0] : i32 from vector<1xi32>
    %jit3A_297 = arith.constant 128 : i32
    %div3A_298 = arith.divsi %squeeze3A_296, %jit3A_297 : i32
    %sign3A_299 = arith.constant 0 : i32
    %sign3A_300 = arith.cmpi sgt, %squeeze3A_296, %sign3A_299 : i32
    %sign3A_301 = arith.extui %sign3A_300 : i1 to i32
    %sign3A_302 = arith.constant 0 : i32
    %sign3A_303 = arith.cmpi slt, %squeeze3A_296, %sign3A_302 : i32
    %sign3A_304 = arith.extui %sign3A_303 : i1 to i32
    %sign3A_305 = arith.subi %sign3A_301, %sign3A_304 : i32
    %sign3A_306 = arith.constant 0 : i32
    %sign3A_307 = arith.cmpi sgt, %jit3A_297, %sign3A_306 : i32
    %sign3A_308 = arith.extui %sign3A_307 : i1 to i32
    %sign3A_309 = arith.constant 0 : i32
    %sign3A_310 = arith.cmpi slt, %jit3A_297, %sign3A_309 : i32
    %sign3A_311 = arith.extui %sign3A_310 : i1 to i32
    %sign3A_312 = arith.subi %sign3A_308, %sign3A_311 : i32
    %ne3A_313 = arith.cmpi ne, %sign3A_305, %sign3A_312 : i32
    %rem3A_314 = arith.remsi %squeeze3A_296, %jit3A_297 : i32
    %ne3A_315 = arith.constant 0 : i32
    %ne3A_316 = arith.cmpi ne, %rem3A_314, %ne3A_315 : i32
    %and3A_317 = arith.andi %ne3A_313, %ne3A_316 : i1
    %sub3A_318 = arith.constant 1 : i32
    %sub3A_319 = arith.subi %div3A_298, %sub3A_318 : i32
    %select_n3A_320 = arith.select %and3A_317, %sub3A_319, %div3A_298 : i32
    %mul3A_321 = arith.constant 128 : i32
    %mul3A_322 = arith.muli %select_n3A_320, %mul3A_321 : i32
    %multiple_of3A_323 = tpu.assume_multiple %mul3A_322, 128 : i32
    %dma_start3A_324 = arith.constant 1 : i32
    %dma_start3A_325 = arith.constant 3 : i32
    %dma_start3A_326 = arith.constant 0 : i32
    %dma_start3A_327 = arith.constant 0 : i32
    %dma_start3A_328 = tpu.memref_slice %arg6[%dma_start3A_324, %dma_start3A_325, %dma_start3A_326, %dma_start3A_327] : memref<6x4x32x128xf32, #tpu.memory_space<vmem>> -> memref<1x1x32x128xf32, #tpu.memory_space<vmem>>
    %dma_start3A_329 = tpu.memref_squeeze %dma_start3A_328 : memref<1x1x32x128xf32, #tpu.memory_space<vmem>> -> memref<32x128xf32, #tpu.memory_space<vmem>>
    %dma_start3A_330 = arith.constant 0 : i32
    %dma_start3A_331 = tpu.memref_slice %arg3[%dma_start3A_330, %multiple_of3A_323] : memref<32x1000000xf32, #tpu.memory_space<hbm>> -> memref<32x128xf32, #tpu.memory_space<hbm>>
    %dma_start3A_332 = arith.constant 0 : i32
    %dma_start3A_333 = arith.constant 0 : i32
    %dma_start3A_334 = tpu.memref_slice %arg6[%dma_start3A_324, %dma_start3A_325, %dma_start3A_332, %dma_start3A_333] : memref<6x4x32x128xf32, #tpu.memory_space<vmem>> -> memref<1x1x32x128xf32, #tpu.memory_space<vmem>>
    %dma_start3A_335 = tpu.memref_squeeze %dma_start3A_334 : memref<1x1x32x128xf32, #tpu.memory_space<vmem>> -> memref<32x128xf32, #tpu.memory_space<vmem>>
    %dma_start3A_336 = arith.constant 0 : i32
    %dma_start3A_337 = tpu.memref_slice %arg3[%dma_start3A_336, %multiple_of3A_323] : memref<32x1000000xf32, #tpu.memory_space<hbm>> -> memref<32x128xf32, #tpu.memory_space<hbm>>
    tpu.enqueue_dma source(%dma_start3A_337 : memref<32x128xf32, #tpu.memory_space<hbm>>) target(%dma_start3A_335 : memref<32x128xf32, #tpu.memory_space<vmem>>) target_semaphore(%arg9 : memref<!tpu.dma_semaphore, #tpu.memory_space<semaphore_mem>>)
    %get3A_338 = arith.constant 8 : index
    %get3A_339 = tpu.vector_load %arg5[%get3A_338] {strides = array<i32>} : memref<528xi32, #tpu.memory_space<vmem>>, vector<16xi32>,
    %slice3A_340 = vector.extract_strided_slice %get3A_339 {offsets = [0], sizes = [1], strides = [1]} : vector<16xi32> to vector<1xi32>
    %squeeze3A_341 = vector.extract %slice3A_340[0] : i32 from vector<1xi32>
    %jit3A_342 = arith.constant 128 : i32
    %div3A_343 = arith.divsi %squeeze3A_341, %jit3A_342 : i32
    %sign3A_344 = arith.constant 0 : i32
    %sign3A_345 = arith.cmpi sgt, %squeeze3A_341, %sign3A_344 : i32
    %sign3A_346 = arith.extui %sign3A_345 : i1 to i32
    %sign3A_347 = arith.constant 0 : i32
    %sign3A_348 = arith.cmpi slt, %squeeze3A_341, %sign3A_347 : i32
    %sign3A_349 = arith.extui %sign3A_348 : i1 to i32
    %sign3A_350 = arith.subi %sign3A_346, %sign3A_349 : i32
    %sign3A_351 = arith.constant 0 : i32
    %sign3A_352 = arith.cmpi sgt, %jit3A_342, %sign3A_351 : i32
    %sign3A_353 = arith.extui %sign3A_352 : i1 to i32
    %sign3A_354 = arith.constant 0 : i32
    %sign3A_355 = arith.cmpi slt, %jit3A_342, %sign3A_354 : i32
    %sign3A_356 = arith.extui %sign3A_355 : i1 to i32
    %sign3A_357 = arith.subi %sign3A_353, %sign3A_356 : i32
    %ne3A_358 = arith.cmpi ne, %sign3A_350, %sign3A_357 : i32
    %rem3A_359 = arith.remsi %squeeze3A_341, %jit3A_342 : i32
    %ne3A_360 = arith.constant 0 : i32
    %ne3A_361 = arith.cmpi ne, %rem3A_359, %ne3A_360 : i32
    %and3A_362 = arith.andi %ne3A_358, %ne3A_361 : i1
    %sub3A_363 = arith.constant 1 : i32
    %sub3A_364 = arith.subi %div3A_343, %sub3A_363 : i32
    %select_n3A_365 = arith.select %and3A_362, %sub3A_364, %div3A_343 : i32
    %mul3A_366 = arith.constant 128 : i32
    %mul3A_367 = arith.muli %select_n3A_365, %mul3A_366 : i32
    %multiple_of3A_368 = tpu.assume_multiple %mul3A_367, 128 : i32
    %dma_start3A_369 = arith.constant 2 : i32
    %dma_start3A_370 = arith.constant 0 : i32
    %dma_start3A_371 = arith.constant 0 : i32
    %dma_start3A_372 = arith.constant 0 : i32
    %dma_start3A_373 = tpu.memref_slice %arg6[%dma_start3A_369, %dma_start3A_370, %dma_start3A_371, %dma_start3A_372] : memref<6x4x32x128xf32, #tpu.memory_space<vmem>> -> memref<1x1x32x128xf32, #tpu.memory_space<vmem>>
    %dma_start3A_374 = tpu.memref_squeeze %dma_start3A_373 : memref<1x1x32x128xf32, #tpu.memory_space<vmem>> -> memref<32x128xf32, #tpu.memory_space<vmem>>
    %dma_start3A_375 = arith.constant 0 : i32
    %dma_start3A_376 = tpu.memref_slice %arg3[%dma_start3A_375, %multiple_of3A_368] : memref<32x1000000xf32, #tpu.memory_space<hbm>> -> memref<32x128xf32, #tpu.memory_space<hbm>>
    %dma_start3A_377 = arith.constant 0 : i32
    %dma_start3A_378 = arith.constant 0 : i32
    %dma_start3A_379 = tpu.memref_slice %arg6[%dma_start3A_369, %dma_start3A_370, %dma_start3A_377, %dma_start3A_378] : memref<6x4x32x128xf32, #tpu.memory_space<vmem>> -> memref<1x1x32x128xf32, #tpu.memory_space<vmem>>
    %dma_start3A_380 = tpu.memref_squeeze %dma_start3A_379 : memref<1x1x32x128xf32, #tpu.memory_space<vmem>> -> memref<32x128xf32, #tpu.memory_space<vmem>>
    %dma_start3A_381 = arith.constant 0 : i32
    %dma_start3A_382 = tpu.memref_slice %arg3[%dma_start3A_381, %multiple_of3A_368] : memref<32x1000000xf32, #tpu.memory_space<hbm>> -> memref<32x128xf32, #tpu.memory_space<hbm>>
    tpu.enqueue_dma source(%dma_start3A_382 : memref<32x128xf32, #tpu.memory_space<hbm>>) target(%dma_start3A_380 : memref<32x128xf32, #tpu.memory_space<vmem>>) target_semaphore(%arg10 : memref<!tpu.dma_semaphore, #tpu.memory_space<semaphore_mem>>)
    %slice3A_383 = vector.extract_strided_slice %get3A_339 {offsets = [1], sizes = [1], strides = [1]} : vector<16xi32> to vector<1xi32>
    %squeeze3A_384 = vector.extract %slice3A_383[0] : i32 from vector<1xi32>
    %jit3A_385 = arith.constant 128 : i32
    %div3A_386 = arith.divsi %squeeze3A_384, %jit3A_385 : i32
    %sign3A_387 = arith.constant 0 : i32
    %sign3A_388 = arith.cmpi sgt, %squeeze3A_384, %sign3A_387 : i32
    %sign3A_389 = arith.extui %sign3A_388 : i1 to i32
    %sign3A_390 = arith.constant 0 : i32
    %sign3A_391 = arith.cmpi slt, %squeeze3A_384, %sign3A_390 : i32
    %sign3A_392 = arith.extui %sign3A_391 : i1 to i32
    %sign3A_393 = arith.subi %sign3A_389, %sign3A_392 : i32
    %sign3A_394 = arith.constant 0 : i32
    %sign3A_395 = arith.cmpi sgt, %jit3A_385, %sign3A_394 : i32
    %sign3A_396 = arith.extui %sign3A_395 : i1 to i32
    %sign3A_397 = arith.constant 0 : i32
    %sign3A_398 = arith.cmpi slt, %jit3A_385, %sign3A_397 : i32
    %sign3A_399 = arith.extui %sign3A_398 : i1 to i32
    %sign3A_400 = arith.subi %sign3A_396, %sign3A_399 : i32
    %ne3A_401 = arith.cmpi ne, %sign3A_393, %sign3A_400 : i32
    %rem3A_402 = arith.remsi %squeeze3A_384, %jit3A_385 : i32
    %ne3A_403 = arith.constant 0 : i32
    %ne3A_404 = arith.cmpi ne, %rem3A_402, %ne3A_403 : i32
    %and3A_405 = arith.andi %ne3A_401, %ne3A_404 : i1
    %sub3A_406 = arith.constant 1 : i32
    %sub3A_407 = arith.subi %div3A_386, %sub3A_406 : i32
    %select_n3A_408 = arith.select %and3A_405, %sub3A_407, %div3A_386 : i32
    %mul3A_409 = arith.constant 128 : i32
    %mul3A_410 = arith.muli %select_n3A_408, %mul3A_409 : i32
    %multiple_of3A_411 = tpu.assume_multiple %mul3A_410, 128 : i32
    %dma_start3A_412 = arith.constant 2 : i32
    %dma_start3A_413 = arith.constant 1 : i32
    %dma_start3A_414 = arith.constant 0 : i32
    %dma_start3A_415 = arith.constant 0 : i32
    %dma_start3A_416 = tpu.memref_slice %arg6[%dma_start3A_412, %dma_start3A_413, %dma_start3A_414, %dma_start3A_415] : memref<6x4x32x128xf32, #tpu.memory_space<vmem>> -> memref<1x1x32x128xf32, #tpu.memory_space<vmem>>
    %dma_start3A_417 = tpu.memref_squeeze %dma_start3A_416 : memref<1x1x32x128xf32, #tpu.memory_space<vmem>> -> memref<32x128xf32, #tpu.memory_space<vmem>>
    %dma_start3A_418 = arith.constant 0 : i32
    %dma_start3A_419 = tpu.memref_slice %arg3[%dma_start3A_418, %multiple_of3A_411] : memref<32x1000000xf32, #tpu.memory_space<hbm>> -> memref<32x128xf32, #tpu.memory_space<hbm>>
    %dma_start3A_420 = arith.constant 0 : i32
    %dma_start3A_421 = arith.constant 0 : i32
    %dma_start3A_422 = tpu.memref_slice %arg6[%dma_start3A_412, %dma_start3A_413, %dma_start3A_420, %dma_start3A_421] : memref<6x4x32x128xf32, #tpu.memory_space<vmem>> -> memref<1x1x32x128xf32, #tpu.memory_space<vmem>>
    %dma_start3A_423 = tpu.memref_squeeze %dma_start3A_422 : memref<1x1x32x128xf32, #tpu.memory_space<vmem>> -> memref<32x128xf32, #tpu.memory_space<vmem>>
    %dma_start3A_424 = arith.constant 0 : i32
    %dma_start3A_425 = tpu.memref_slice %arg3[%dma_start3A_424, %multiple_of3A_411] : memref<32x1000000xf32, #tpu.memory_space<hbm>> -> memref<32x128xf32, #tpu.memory_space<hbm>>
    tpu.enqueue_dma source(%dma_start3A_425 : memref<32x128xf32, #tpu.memory_space<hbm>>) target(%dma_start3A_423 : memref<32x128xf32, #tpu.memory_space<vmem>>) target_semaphore(%arg10 : memref<!tpu.dma_semaphore, #tpu.memory_space<semaphore_mem>>)
    %slice3A_426 = vector.extract_strided_slice %get3A_339 {offsets = [2], sizes = [1], strides = [1]} : vector<16xi32> to vector<1xi32>
    %squeeze3A_427 = vector.extract %slice3A_426[0] : i32 from vector<1xi32>
    %jit3A_428 = arith.constant 128 : i32
    %div3A_429 = arith.divsi %squeeze3A_427, %jit3A_428 : i32
    %sign3A_430 = arith.constant 0 : i32
    %sign3A_431 = arith.cmpi sgt, %squeeze3A_427, %sign3A_430 : i32
    %sign3A_432 = arith.extui %sign3A_431 : i1 to i32
    %sign3A_433 = arith.constant 0 : i32
    %sign3A_434 = arith.cmpi slt, %squeeze3A_427, %sign3A_433 : i32
    %sign3A_435 = arith.extui %sign3A_434 : i1 to i32
    %sign3A_436 = arith.subi %sign3A_432, %sign3A_435 : i32
    %sign3A_437 = arith.constant 0 : i32
    %sign3A_438 = arith.cmpi sgt, %jit3A_428, %sign3A_437 : i32
    %sign3A_439 = arith.extui %sign3A_438 : i1 to i32
    %sign3A_440 = arith.constant 0 : i32
    %sign3A_441 = arith.cmpi slt, %jit3A_428, %sign3A_440 : i32
    %sign3A_442 = arith.extui %sign3A_441 : i1 to i32
    %sign3A_443 = arith.subi %sign3A_439, %sign3A_442 : i32
    %ne3A_444 = arith.cmpi ne, %sign3A_436, %sign3A_443 : i32
    %rem3A_445 = arith.remsi %squeeze3A_427, %jit3A_428 : i32
    %ne3A_446 = arith.constant 0 : i32
    %ne3A_447 = arith.cmpi ne, %rem3A_445, %ne3A_446 : i32
    %and3A_448 = arith.andi %ne3A_444, %ne3A_447 : i1
    %sub3A_449 = arith.constant 1 : i32
    %sub3A_450 = arith.subi %div3A_429, %sub3A_449 : i32
    %select_n3A_451 = arith.select %and3A_448, %sub3A_450, %div3A_429 : i32
    %mul3A_452 = arith.constant 128 : i32
    %mul3A_453 = arith.muli %select_n3A_451, %mul3A_452 : i32
    %multiple_of3A_454 = tpu.assume_multiple %mul3A_453, 128 : i32
    %dma_start3A_455 = arith.constant 2 : i32
    %dma_start3A_456 = arith.constant 2 : i32
    %dma_start3A_457 = arith.constant 0 : i32
    %dma_start3A_458 = arith.constant 0 : i32
    %dma_start3A_459 = tpu.memref_slice %arg6[%dma_start3A_455, %dma_start3A_456, %dma_start3A_457, %dma_start3A_458] : memref<6x4x32x128xf32, #tpu.memory_space<vmem>> -> memref<1x1x32x128xf32, #tpu.memory_space<vmem>>
    %dma_start3A_460 = tpu.memref_squeeze %dma_start3A_459 : memref<1x1x32x128xf32, #tpu.memory_space<vmem>> -> memref<32x128xf32, #tpu.memory_space<vmem>>
    %dma_start3A_461 = arith.constant 0 : i32
    %dma_start3A_462 = tpu.memref_slice %arg3[%dma_start3A_461, %multiple_of3A_454] : memref<32x1000000xf32, #tpu.memory_space<hbm>> -> memref<32x128xf32, #tpu.memory_space<hbm>>
    %dma_start3A_463 = arith.constant 0 : i32
    %dma_start3A_464 = arith.constant 0 : i32
    %dma_start3A_465 = tpu.memref_slice %arg6[%dma_start3A_455, %dma_start3A_456, %dma_start3A_463, %dma_start3A_464] : memref<6x4x32x128xf32, #tpu.memory_space<vmem>> -> memref<1x1x32x128xf32, #tpu.memory_space<vmem>>
    %dma_start3A_466 = tpu.memref_squeeze %dma_start3A_465 : memref<1x1x32x128xf32, #tpu.memory_space<vmem>> -> memref<32x128xf32, #tpu.memory_space<vmem>>
    %dma_start3A_467 = arith.constant 0 : i32
    %dma_start3A_468 = tpu.memref_slice %arg3[%dma_start3A_467, %multiple_of3A_454] : memref<32x1000000xf32, #tpu.memory_space<hbm>> -> memref<32x128xf32, #tpu.memory_space<hbm>>
    tpu.enqueue_dma source(%dma_start3A_468 : memref<32x128xf32, #tpu.memory_space<hbm>>) target(%dma_start3A_466 : memref<32x128xf32, #tpu.memory_space<vmem>>) target_semaphore(%arg10 : memref<!tpu.dma_semaphore, #tpu.memory_space<semaphore_mem>>)
    %slice3A_469 = vector.extract_strided_slice %get3A_339 {offsets = [3], sizes = [1], strides = [1]} : vector<16xi32> to vector<1xi32>
    %squeeze3A_470 = vector.extract %slice3A_469[0] : i32 from vector<1xi32>
    %jit3A_471 = arith.constant 128 : i32
    %div3A_472 = arith.divsi %squeeze3A_470, %jit3A_471 : i32
    %sign3A_473 = arith.constant 0 : i32
    %sign3A_474 = arith.cmpi sgt, %squeeze3A_470, %sign3A_473 : i32
    %sign3A_475 = arith.extui %sign3A_474 : i1 to i32
    %sign3A_476 = arith.constant 0 : i32
    %sign3A_477 = arith.cmpi slt, %squeeze3A_470, %sign3A_476 : i32
    %sign3A_478 = arith.extui %sign3A_477 : i1 to i32
    %sign3A_479 = arith.subi %sign3A_475, %sign3A_478 : i32
    %sign3A_480 = arith.constant 0 : i32
    %sign3A_481 = arith.cmpi sgt, %jit3A_471, %sign3A_480 : i32
    %sign3A_482 = arith.extui %sign3A_481 : i1 to i32
    %sign3A_483 = arith.constant 0 : i32
    %sign3A_484 = arith.cmpi slt, %jit3A_471, %sign3A_483 : i32
    %sign3A_485 = arith.extui %sign3A_484 : i1 to i32
    %sign3A_486 = arith.subi %sign3A_482, %sign3A_485 : i32
    %ne3A_487 = arith.cmpi ne, %sign3A_479, %sign3A_486 : i32
    %rem3A_488 = arith.remsi %squeeze3A_470, %jit3A_471 : i32
    %ne3A_489 = arith.constant 0 : i32
    %ne3A_490 = arith.cmpi ne, %rem3A_488, %ne3A_489 : i32
    %and3A_491 = arith.andi %ne3A_487, %ne3A_490 : i1
    %sub3A_492 = arith.constant 1 : i32
    %sub3A_493 = arith.subi %div3A_472, %sub3A_492 : i32
    %select_n3A_494 = arith.select %and3A_491, %sub3A_493, %div3A_472 : i32
    %mul3A_495 = arith.constant 128 : i32
    %mul3A_496 = arith.muli %select_n3A_494, %mul3A_495 : i32
    %multiple_of3A_497 = tpu.assume_multiple %mul3A_496, 128 : i32
    %dma_start3A_498 = arith.constant 2 : i32
    %dma_start3A_499 = arith.constant 3 : i32
    %dma_start3A_500 = arith.constant 0 : i32
    %dma_start3A_501 = arith.constant 0 : i32
    %dma_start3A_502 = tpu.memref_slice %arg6[%dma_start3A_498, %dma_start3A_499, %dma_start3A_500, %dma_start3A_501] : memref<6x4x32x128xf32, #tpu.memory_space<vmem>> -> memref<1x1x32x128xf32, #tpu.memory_space<vmem>>
    %dma_start3A_503 = tpu.memref_squeeze %dma_start3A_502 : memref<1x1x32x128xf32, #tpu.memory_space<vmem>> -> memref<32x128xf32, #tpu.memory_space<vmem>>
    %dma_start3A_504 = arith.constant 0 : i32
    %dma_start3A_505 = tpu.memref_slice %arg3[%dma_start3A_504, %multiple_of3A_497] : memref<32x1000000xf32, #tpu.memory_space<hbm>> -> memref<32x128xf32, #tpu.memory_space<hbm>>
    %dma_start3A_506 = arith.constant 0 : i32
    %dma_start3A_507 = arith.constant 0 : i32
    %dma_start3A_508 = tpu.memref_slice %arg6[%dma_start3A_498, %dma_start3A_499, %dma_start3A_506, %dma_start3A_507] : memref<6x4x32x128xf32, #tpu.memory_space<vmem>> -> memref<1x1x32x128xf32, #tpu.memory_space<vmem>>
    %dma_start3A_509 = tpu.memref_squeeze %dma_start3A_508 : memref<1x1x32x128xf32, #tpu.memory_space<vmem>> -> memref<32x128xf32, #tpu.memory_space<vmem>>
    %dma_start3A_510 = arith.constant 0 : i32
    %dma_start3A_511 = tpu.memref_slice %arg3[%dma_start3A_510, %multiple_of3A_497] : memref<32x1000000xf32, #tpu.memory_space<hbm>> -> memref<32x128xf32, #tpu.memory_space<hbm>>
    tpu.enqueue_dma source(%dma_start3A_511 : memref<32x128xf32, #tpu.memory_space<hbm>>) target(%dma_start3A_509 : memref<32x128xf32, #tpu.memory_space<vmem>>) target_semaphore(%arg10 : memref<!tpu.dma_semaphore, #tpu.memory_space<semaphore_mem>>)
    %get3A_512 = arith.constant 8 : index
    %get3A_513 = tpu.vector_load %arg5[%get3A_512] {strides = array<i32>} : memref<528xi32, #tpu.memory_space<vmem>>, vector<16xi32>,
    %slice3A_514 = vector.extract_strided_slice %get3A_513 {offsets = [4], sizes = [1], strides = [1]} : vector<16xi32> to vector<1xi32>
    %squeeze3A_515 = vector.extract %slice3A_514[0] : i32 from vector<1xi32>
    %jit3A_516 = arith.constant 128 : i32
    %div3A_517 = arith.divsi %squeeze3A_515, %jit3A_516 : i32
    %sign3A_518 = arith.constant 0 : i32
    %sign3A_519 = arith.cmpi sgt, %squeeze3A_515, %sign3A_518 : i32
    %sign3A_520 = arith.extui %sign3A_519 : i1 to i32
    %sign3A_521 = arith.constant 0 : i32
    %sign3A_522 = arith.cmpi slt, %squeeze3A_515, %sign3A_521 : i32
    %sign3A_523 = arith.extui %sign3A_522 : i1 to i32
    %sign3A_524 = arith.subi %sign3A_520, %sign3A_523 : i32
    %sign3A_525 = arith.constant 0 : i32
    %sign3A_526 = arith.cmpi sgt, %jit3A_516, %sign3A_525 : i32
    %sign3A_527 = arith.extui %sign3A_526 : i1 to i32
    %sign3A_528 = arith.constant 0 : i32
    %sign3A_529 = arith.cmpi slt, %jit3A_516, %sign3A_528 : i32
    %sign3A_530 = arith.extui %sign3A_529 : i1 to i32
    %sign3A_531 = arith.subi %sign3A_527, %sign3A_530 : i32
    %ne3A_532 = arith.cmpi ne, %sign3A_524, %sign3A_531 : i32
    %rem3A_533 = arith.remsi %squeeze3A_515, %jit3A_516 : i32
    %ne3A_534 = arith.constant 0 : i32
    %ne3A_535 = arith.cmpi ne, %rem3A_533, %ne3A_534 : i32
    %and3A_536 = arith.andi %ne3A_532, %ne3A_535 : i1
    %sub3A_537 = arith.constant 1 : i32
    %sub3A_538 = arith.subi %div3A_517, %sub3A_537 : i32
    %select_n3A_539 = arith.select %and3A_536, %sub3A_538, %div3A_517 : i32
    %mul3A_540 = arith.constant 128 : i32
    %mul3A_541 = arith.muli %select_n3A_539, %mul3A_540 : i32
    %multiple_of3A_542 = tpu.assume_multiple %mul3A_541, 128 : i32
    %dma_start3A_543 = arith.constant 3 : i32
    %dma_start3A_544 = arith.constant 0 : i32
    %dma_start3A_545 = arith.constant 0 : i32
    %dma_start3A_546 = arith.constant 0 : i32
    %dma_start3A_547 = tpu.memref_slice %arg6[%dma_start3A_543, %dma_start3A_544, %dma_start3A_545, %dma_start3A_546] : memref<6x4x32x128xf32, #tpu.memory_space<vmem>> -> memref<1x1x32x128xf32, #tpu.memory_space<vmem>>
    %dma_start3A_548 = tpu.memref_squeeze %dma_start3A_547 : memref<1x1x32x128xf32, #tpu.memory_space<vmem>> -> memref<32x128xf32, #tpu.memory_space<vmem>>
    %dma_start3A_549 = arith.constant 0 : i32
    %dma_start3A_550 = tpu.memref_slice %arg3[%dma_start3A_549, %multiple_of3A_542] : memref<32x1000000xf32, #tpu.memory_space<hbm>> -> memref<32x128xf32, #tpu.memory_space<hbm>>
    %dma_start3A_551 = arith.constant 0 : i32
    %dma_start3A_552 = arith.constant 0 : i32
    %dma_start3A_553 = tpu.memref_slice %arg6[%dma_start3A_543, %dma_start3A_544, %dma_start3A_551, %dma_start3A_552] : memref<6x4x32x128xf32, #tpu.memory_space<vmem>> -> memref<1x1x32x128xf32, #tpu.memory_space<vmem>>
    %dma_start3A_554 = tpu.memref_squeeze %dma_start3A_553 : memref<1x1x32x128xf32, #tpu.memory_space<vmem>> -> memref<32x128xf32, #tpu.memory_space<vmem>>
    %dma_start3A_555 = arith.constant 0 : i32
    %dma_start3A_556 = tpu.memref_slice %arg3[%dma_start3A_555, %multiple_of3A_542] : memref<32x1000000xf32, #tpu.memory_space<hbm>> -> memref<32x128xf32, #tpu.memory_space<hbm>>
    tpu.enqueue_dma source(%dma_start3A_556 : memref<32x128xf32, #tpu.memory_space<hbm>>) target(%dma_start3A_554 : memref<32x128xf32, #tpu.memory_space<vmem>>) target_semaphore(%arg11 : memref<!tpu.dma_semaphore, #tpu.memory_space<semaphore_mem>>)
    %slice3A_557 = vector.extract_strided_slice %get3A_513 {offsets = [5], sizes = [1], strides = [1]} : vector<16xi32> to vector<1xi32>
    %squeeze3A_558 = vector.extract %slice3A_557[0] : i32 from vector<1xi32>
    %jit3A_559 = arith.constant 128 : i32
    %div3A_560 = arith.divsi %squeeze3A_558, %jit3A_559 : i32
    %sign3A_561 = arith.constant 0 : i32
    %sign3A_562 = arith.cmpi sgt, %squeeze3A_558, %sign3A_561 : i32
    %sign3A_563 = arith.extui %sign3A_562 : i1 to i32
    %sign3A_564 = arith.constant 0 : i32
    %sign3A_565 = arith.cmpi slt, %squeeze3A_558, %sign3A_564 : i32
    %sign3A_566 = arith.extui %sign3A_565 : i1 to i32
    %sign3A_567 = arith.subi %sign3A_563, %sign3A_566 : i32
    %sign3A_568 = arith.constant 0 : i32
    %sign3A_569 = arith.cmpi sgt, %jit3A_559, %sign3A_568 : i32
    %sign3A_570 = arith.extui %sign3A_569 : i1 to i32
    %sign3A_571 = arith.constant 0 : i32
    %sign3A_572 = arith.cmpi slt, %jit3A_559, %sign3A_571 : i32
    %sign3A_573 = arith.extui %sign3A_572 : i1 to i32
    %sign3A_574 = arith.subi %sign3A_570, %sign3A_573 : i32
    %ne3A_575 = arith.cmpi ne, %sign3A_567, %sign3A_574 : i32
    %rem3A_576 = arith.remsi %squeeze3A_558, %jit3A_559 : i32
    %ne3A_577 = arith.constant 0 : i32
    %ne3A_578 = arith.cmpi ne, %rem3A_576, %ne3A_577 : i32
    %and3A_579 = arith.andi %ne3A_575, %ne3A_578 : i1
    %sub3A_580 = arith.constant 1 : i32
    %sub3A_581 = arith.subi %div3A_560, %sub3A_580 : i32
    %select_n3A_582 = arith.select %and3A_579, %sub3A_581, %div3A_560 : i32
    %mul3A_583 = arith.constant 128 : i32
    %mul3A_584 = arith.muli %select_n3A_582, %mul3A_583 : i32
    %multiple_of3A_585 = tpu.assume_multiple %mul3A_584, 128 : i32
    %dma_start3A_586 = arith.constant 3 : i32
    %dma_start3A_587 = arith.constant 1 : i32
    %dma_start3A_588 = arith.constant 0 : i32
    %dma_start3A_589 = arith.constant 0 : i32
    %dma_start3A_590 = tpu.memref_slice %arg6[%dma_start3A_586, %dma_start3A_587, %dma_start3A_588, %dma_start3A_589] : memref<6x4x32x128xf32, #tpu.memory_space<vmem>> -> memref<1x1x32x128xf32, #tpu.memory_space<vmem>>
    %dma_start3A_591 = tpu.memref_squeeze %dma_start3A_590 : memref<1x1x32x128xf32, #tpu.memory_space<vmem>> -> memref<32x128xf32, #tpu.memory_space<vmem>>
    %dma_start3A_592 = arith.constant 0 : i32
    %dma_start3A_593 = tpu.memref_slice %arg3[%dma_start3A_592, %multiple_of3A_585] : memref<32x1000000xf32, #tpu.memory_space<hbm>> -> memref<32x128xf32, #tpu.memory_space<hbm>>
    %dma_start3A_594 = arith.constant 0 : i32
    %dma_start3A_595 = arith.constant 0 : i32
    %dma_start3A_596 = tpu.memref_slice %arg6[%dma_start3A_586, %dma_start3A_587, %dma_start3A_594, %dma_start3A_595] : memref<6x4x32x128xf32, #tpu.memory_space<vmem>> -> memref<1x1x32x128xf32, #tpu.memory_space<vmem>>
    %dma_start3A_597 = tpu.memref_squeeze %dma_start3A_596 : memref<1x1x32x128xf32, #tpu.memory_space<vmem>> -> memref<32x128xf32, #tpu.memory_space<vmem>>
    %dma_start3A_598 = arith.constant 0 : i32
    %dma_start3A_599 = tpu.memref_slice %arg3[%dma_start3A_598, %multiple_of3A_585] : memref<32x1000000xf32, #tpu.memory_space<hbm>> -> memref<32x128xf32, #tpu.memory_space<hbm>>
    tpu.enqueue_dma source(%dma_start3A_599 : memref<32x128xf32, #tpu.memory_space<hbm>>) target(%dma_start3A_597 : memref<32x128xf32, #tpu.memory_space<vmem>>) target_semaphore(%arg11 : memref<!tpu.dma_semaphore, #tpu.memory_space<semaphore_mem>>)
    %slice3A_600 = vector.extract_strided_slice %get3A_513 {offsets = [6], sizes = [1], strides = [1]} : vector<16xi32> to vector<1xi32>
    %squeeze3A_601 = vector.extract %slice3A_600[0] : i32 from vector<1xi32>
    %jit3A_602 = arith.constant 128 : i32
    %div3A_603 = arith.divsi %squeeze3A_601, %jit3A_602 : i32
    %sign3A_604 = arith.constant 0 : i32
    %sign3A_605 = arith.cmpi sgt, %squeeze3A_601, %sign3A_604 : i32
    %sign3A_606 = arith.extui %sign3A_605 : i1 to i32
    %sign3A_607 = arith.constant 0 : i32
    %sign3A_608 = arith.cmpi slt, %squeeze3A_601, %sign3A_607 : i32
    %sign3A_609 = arith.extui %sign3A_608 : i1 to i32
    %sign3A_610 = arith.subi %sign3A_606, %sign3A_609 : i32
    %sign3A_611 = arith.constant 0 : i32
    %sign3A_612 = arith.cmpi sgt, %jit3A_602, %sign3A_611 : i32
    %sign3A_613 = arith.extui %sign3A_612 : i1 to i32
    %sign3A_614 = arith.constant 0 : i32
    %sign3A_615 = arith.cmpi slt, %jit3A_602, %sign3A_614 : i32
    %sign3A_616 = arith.extui %sign3A_615 : i1 to i32
    %sign3A_617 = arith.subi %sign3A_613, %sign3A_616 : i32
    %ne3A_618 = arith.cmpi ne, %sign3A_610, %sign3A_617 : i32
    %rem3A_619 = arith.remsi %squeeze3A_601, %jit3A_602 : i32
    %ne3A_620 = arith.constant 0 : i32
    %ne3A_621 = arith.cmpi ne, %rem3A_619, %ne3A_620 : i32
    %and3A_622 = arith.andi %ne3A_618, %ne3A_621 : i1
    %sub3A_623 = arith.constant 1 : i32
    %sub3A_624 = arith.subi %div3A_603, %sub3A_623 : i32
    %select_n3A_625 = arith.select %and3A_622, %sub3A_624, %div3A_603 : i32
    %mul3A_626 = arith.constant 128 : i32
    %mul3A_627 = arith.muli %select_n3A_625, %mul3A_626 : i32
    %multiple_of3A_628 = tpu.assume_multiple %mul3A_627, 128 : i32
    %dma_start3A_629 = arith.constant 3 : i32
    %dma_start3A_630 = arith.constant 2 : i32
    %dma_start3A_631 = arith.constant 0 : i32
    %dma_start3A_632 = arith.constant 0 : i32
    %dma_start3A_633 = tpu.memref_slice %arg6[%dma_start3A_629, %dma_start3A_630, %dma_start3A_631, %dma_start3A_632] : memref<6x4x32x128xf32, #tpu.memory_space<vmem>> -> memref<1x1x32x128xf32, #tpu.memory_space<vmem>>
    %dma_start3A_634 = tpu.memref_squeeze %dma_start3A_633 : memref<1x1x32x128xf32, #tpu.memory_space<vmem>> -> memref<32x128xf32, #tpu.memory_space<vmem>>
    %dma_start3A_635 = arith.constant 0 : i32
    %dma_start3A_636 = tpu.memref_slice %arg3[%dma_start3A_635, %multiple_of3A_628] : memref<32x1000000xf32, #tpu.memory_space<hbm>> -> memref<32x128xf32, #tpu.memory_space<hbm>>
    %dma_start3A_637 = arith.constant 0 : i32
    %dma_start3A_638 = arith.constant 0 : i32
    %dma_start3A_639 = tpu.memref_slice %arg6[%dma_start3A_629, %dma_start3A_630, %dma_start3A_637, %dma_start3A_638] : memref<6x4x32x128xf32, #tpu.memory_space<vmem>> -> memref<1x1x32x128xf32, #tpu.memory_space<vmem>>
    %dma_start3A_640 = tpu.memref_squeeze %dma_start3A_639 : memref<1x1x32x128xf32, #tpu.memory_space<vmem>> -> memref<32x128xf32, #tpu.memory_space<vmem>>
    %dma_start3A_641 = arith.constant 0 : i32
    %dma_start3A_642 = tpu.memref_slice %arg3[%dma_start3A_641, %multiple_of3A_628] : memref<32x1000000xf32, #tpu.memory_space<hbm>> -> memref<32x128xf32, #tpu.memory_space<hbm>>
    tpu.enqueue_dma source(%dma_start3A_642 : memref<32x128xf32, #tpu.memory_space<hbm>>) target(%dma_start3A_640 : memref<32x128xf32, #tpu.memory_space<vmem>>) target_semaphore(%arg11 : memref<!tpu.dma_semaphore, #tpu.memory_space<semaphore_mem>>)
    %slice3A_643 = vector.extract_strided_slice %get3A_513 {offsets = [7], sizes = [1], strides = [1]} : vector<16xi32> to vector<1xi32>
    %squeeze3A_644 = vector.extract %slice3A_643[0] : i32 from vector<1xi32>
    %jit3A_645 = arith.constant 128 : i32
    %div3A_646 = arith.divsi %squeeze3A_644, %jit3A_645 : i32
    %sign3A_647 = arith.constant 0 : i32
    %sign3A_648 = arith.cmpi sgt, %squeeze3A_644, %sign3A_647 : i32
    %sign3A_649 = arith.extui %sign3A_648 : i1 to i32
    %sign3A_650 = arith.constant 0 : i32
    %sign3A_651 = arith.cmpi slt, %squeeze3A_644, %sign3A_650 : i32
    %sign3A_652 = arith.extui %sign3A_651 : i1 to i32
    %sign3A_653 = arith.subi %sign3A_649, %sign3A_652 : i32
    %sign3A_654 = arith.constant 0 : i32
    %sign3A_655 = arith.cmpi sgt, %jit3A_645, %sign3A_654 : i32
    %sign3A_656 = arith.extui %sign3A_655 : i1 to i32
    %sign3A_657 = arith.constant 0 : i32
    %sign3A_658 = arith.cmpi slt, %jit3A_645, %sign3A_657 : i32
    %sign3A_659 = arith.extui %sign3A_658 : i1 to i32
    %sign3A_660 = arith.subi %sign3A_656, %sign3A_659 : i32
    %ne3A_661 = arith.cmpi ne, %sign3A_653, %sign3A_660 : i32
    %rem3A_662 = arith.remsi %squeeze3A_644, %jit3A_645 : i32
    %ne3A_663 = arith.constant 0 : i32
    %ne3A_664 = arith.cmpi ne, %rem3A_662, %ne3A_663 : i32
    %and3A_665 = arith.andi %ne3A_661, %ne3A_664 : i1
    %sub3A_666 = arith.constant 1 : i32
    %sub3A_667 = arith.subi %div3A_646, %sub3A_666 : i32
    %select_n3A_668 = arith.select %and3A_665, %sub3A_667, %div3A_646 : i32
    %mul3A_669 = arith.constant 128 : i32
    %mul3A_670 = arith.muli %select_n3A_668, %mul3A_669 : i32
    %multiple_of3A_671 = tpu.assume_multiple %mul3A_670, 128 : i32
    %dma_start3A_672 = arith.constant 3 : i32
    %dma_start3A_673 = arith.constant 3 : i32
    %dma_start3A_674 = arith.constant 0 : i32
    %dma_start3A_675 = arith.constant 0 : i32
    %dma_start3A_676 = tpu.memref_slice %arg6[%dma_start3A_672, %dma_start3A_673, %dma_start3A_674, %dma_start3A_675] : memref<6x4x32x128xf32, #tpu.memory_space<vmem>> -> memref<1x1x32x128xf32, #tpu.memory_space<vmem>>
    %dma_start3A_677 = tpu.memref_squeeze %dma_start3A_676 : memref<1x1x32x128xf32, #tpu.memory_space<vmem>> -> memref<32x128xf32, #tpu.memory_space<vmem>>
    %dma_start3A_678 = arith.constant 0 : i32
    %dma_start3A_679 = tpu.memref_slice %arg3[%dma_start3A_678, %multiple_of3A_671] : memref<32x1000000xf32, #tpu.memory_space<hbm>> -> memref<32x128xf32, #tpu.memory_space<hbm>>
    %dma_start3A_680 = arith.constant 0 : i32
    %dma_start3A_681 = arith.constant 0 : i32
    %dma_start3A_682 = tpu.memref_slice %arg6[%dma_start3A_672, %dma_start3A_673, %dma_start3A_680, %dma_start3A_681] : memref<6x4x32x128xf32, #tpu.memory_space<vmem>> -> memref<1x1x32x128xf32, #tpu.memory_space<vmem>>
    %dma_start3A_683 = tpu.memref_squeeze %dma_start3A_682 : memref<1x1x32x128xf32, #tpu.memory_space<vmem>> -> memref<32x128xf32, #tpu.memory_space<vmem>>
    %dma_start3A_684 = arith.constant 0 : i32
    %dma_start3A_685 = tpu.memref_slice %arg3[%dma_start3A_684, %multiple_of3A_671] : memref<32x1000000xf32, #tpu.memory_space<hbm>> -> memref<32x128xf32, #tpu.memory_space<hbm>>
    tpu.enqueue_dma source(%dma_start3A_685 : memref<32x128xf32, #tpu.memory_space<hbm>>) target(%dma_start3A_683 : memref<32x128xf32, #tpu.memory_space<vmem>>) target_semaphore(%arg11 : memref<!tpu.dma_semaphore, #tpu.memory_space<semaphore_mem>>)
    %get3A_686 = arith.constant 16 : index
    %get3A_687 = tpu.vector_load %arg5[%get3A_686] {strides = array<i32>} : memref<528xi32, #tpu.memory_space<vmem>>, vector<16xi32>,
    %slice3A_688 = vector.extract_strided_slice %get3A_687 {offsets = [0], sizes = [1], strides = [1]} : vector<16xi32> to vector<1xi32>
    %squeeze3A_689 = vector.extract %slice3A_688[0] : i32 from vector<1xi32>
    %jit3A_690 = arith.constant 128 : i32
    %div3A_691 = arith.divsi %squeeze3A_689, %jit3A_690 : i32
    %sign3A_692 = arith.constant 0 : i32
    %sign3A_693 = arith.cmpi sgt, %squeeze3A_689, %sign3A_692 : i32
    %sign3A_694 = arith.extui %sign3A_693 : i1 to i32
    %sign3A_695 = arith.constant 0 : i32
    %sign3A_696 = arith.cmpi slt, %squeeze3A_689, %sign3A_695 : i32
    %sign3A_697 = arith.extui %sign3A_696 : i1 to i32
    %sign3A_698 = arith.subi %sign3A_694, %sign3A_697 : i32
    %sign3A_699 = arith.constant 0 : i32
    %sign3A_700 = arith.cmpi sgt, %jit3A_690, %sign3A_699 : i32
    %sign3A_701 = arith.extui %sign3A_700 : i1 to i32
    %sign3A_702 = arith.constant 0 : i32
    %sign3A_703 = arith.cmpi slt, %jit3A_690, %sign3A_702 : i32
    %sign3A_704 = arith.extui %sign3A_703 : i1 to i32
    %sign3A_705 = arith.subi %sign3A_701, %sign3A_704 : i32
    %ne3A_706 = arith.cmpi ne, %sign3A_698, %sign3A_705 : i32
    %rem3A_707 = arith.remsi %squeeze3A_689, %jit3A_690 : i32
    %ne3A_708 = arith.constant 0 : i32
    %ne3A_709 = arith.cmpi ne, %rem3A_707, %ne3A_708 : i32
    %and3A_710 = arith.andi %ne3A_706, %ne3A_709 : i1
    %sub3A_711 = arith.constant 1 : i32
    %sub3A_712 = arith.subi %div3A_691, %sub3A_711 : i32
    %select_n3A_713 = arith.select %and3A_710, %sub3A_712, %div3A_691 : i32
    %mul3A_714 = arith.constant 128 : i32
    %mul3A_715 = arith.muli %select_n3A_713, %mul3A_714 : i32
    %multiple_of3A_716 = tpu.assume_multiple %mul3A_715, 128 : i32
    %dma_start3A_717 = arith.constant 4 : i32
    %dma_start3A_718 = arith.constant 0 : i32
    %dma_start3A_719 = arith.constant 0 : i32
    %dma_start3A_720 = arith.constant 0 : i32
    %dma_start3A_721 = tpu.memref_slice %arg6[%dma_start3A_717, %dma_start3A_718, %dma_start3A_719, %dma_start3A_720] : memref<6x4x32x128xf32, #tpu.memory_space<vmem>> -> memref<1x1x32x128xf32, #tpu.memory_space<vmem>>
    %dma_start3A_722 = tpu.memref_squeeze %dma_start3A_721 : memref<1x1x32x128xf32, #tpu.memory_space<vmem>> -> memref<32x128xf32, #tpu.memory_space<vmem>>
    %dma_start3A_723 = arith.constant 0 : i32
    %dma_start3A_724 = tpu.memref_slice %arg3[%dma_start3A_723, %multiple_of3A_716] : memref<32x1000000xf32, #tpu.memory_space<hbm>> -> memref<32x128xf32, #tpu.memory_space<hbm>>
    %dma_start3A_725 = arith.constant 0 : i32
    %dma_start3A_726 = arith.constant 0 : i32
    %dma_start3A_727 = tpu.memref_slice %arg6[%dma_start3A_717, %dma_start3A_718, %dma_start3A_725, %dma_start3A_726] : memref<6x4x32x128xf32, #tpu.memory_space<vmem>> -> memref<1x1x32x128xf32, #tpu.memory_space<vmem>>
    %dma_start3A_728 = tpu.memref_squeeze %dma_start3A_727 : memref<1x1x32x128xf32, #tpu.memory_space<vmem>> -> memref<32x128xf32, #tpu.memory_space<vmem>>
    %dma_start3A_729 = arith.constant 0 : i32
    %dma_start3A_730 = tpu.memref_slice %arg3[%dma_start3A_729, %multiple_of3A_716] : memref<32x1000000xf32, #tpu.memory_space<hbm>> -> memref<32x128xf32, #tpu.memory_space<hbm>>
    tpu.enqueue_dma source(%dma_start3A_730 : memref<32x128xf32, #tpu.memory_space<hbm>>) target(%dma_start3A_728 : memref<32x128xf32, #tpu.memory_space<vmem>>) target_semaphore(%arg12 : memref<!tpu.dma_semaphore, #tpu.memory_space<semaphore_mem>>)
    %slice3A_731 = vector.extract_strided_slice %get3A_687 {offsets = [1], sizes = [1], strides = [1]} : vector<16xi32> to vector<1xi32>
    %squeeze3A_732 = vector.extract %slice3A_731[0] : i32 from vector<1xi32>
    %jit3A_733 = arith.constant 128 : i32
    %div3A_734 = arith.divsi %squeeze3A_732, %jit3A_733 : i32
    %sign3A_735 = arith.constant 0 : i32
    %sign3A_736 = arith.cmpi sgt, %squeeze3A_732, %sign3A_735 : i32
    %sign3A_737 = arith.extui %sign3A_736 : i1 to i32
    %sign3A_738 = arith.constant 0 : i32
    %sign3A_739 = arith.cmpi slt, %squeeze3A_732, %sign3A_738 : i32
    %sign3A_740 = arith.extui %sign3A_739 : i1 to i32
    %sign3A_741 = arith.subi %sign3A_737, %sign3A_740 : i32
    %sign3A_742 = arith.constant 0 : i32
    %sign3A_743 = arith.cmpi sgt, %jit3A_733, %sign3A_742 : i32
    %sign3A_744 = arith.extui %sign3A_743 : i1 to i32
    %sign3A_745 = arith.constant 0 : i32
    %sign3A_746 = arith.cmpi slt, %jit3A_733, %sign3A_745 : i32
    %sign3A_747 = arith.extui %sign3A_746 : i1 to i32
    %sign3A_748 = arith.subi %sign3A_744, %sign3A_747 : i32
    %ne3A_749 = arith.cmpi ne, %sign3A_741, %sign3A_748 : i32
    %rem3A_750 = arith.remsi %squeeze3A_732, %jit3A_733 : i32
    %ne3A_751 = arith.constant 0 : i32
    %ne3A_752 = arith.cmpi ne, %rem3A_750, %ne3A_751 : i32
    %and3A_753 = arith.andi %ne3A_749, %ne3A_752 : i1
    %sub3A_754 = arith.constant 1 : i32
    %sub3A_755 = arith.subi %div3A_734, %sub3A_754 : i32
    %select_n3A_756 = arith.select %and3A_753, %sub3A_755, %div3A_734 : i32
    %mul3A_757 = arith.constant 128 : i32
    %mul3A_758 = arith.muli %select_n3A_756, %mul3A_757 : i32
    %multiple_of3A_759 = tpu.assume_multiple %mul3A_758, 128 : i32
    %dma_start3A_760 = arith.constant 4 : i32
    %dma_start3A_761 = arith.constant 1 : i32
    %dma_start3A_762 = arith.constant 0 : i32
    %dma_start3A_763 = arith.constant 0 : i32
    %dma_start3A_764 = tpu.memref_slice %arg6[%dma_start3A_760, %dma_start3A_761, %dma_start3A_762, %dma_start3A_763] : memref<6x4x32x128xf32, #tpu.memory_space<vmem>> -> memref<1x1x32x128xf32, #tpu.memory_space<vmem>>
    %dma_start3A_765 = tpu.memref_squeeze %dma_start3A_764 : memref<1x1x32x128xf32, #tpu.memory_space<vmem>> -> memref<32x128xf32, #tpu.memory_space<vmem>>
    %dma_start3A_766 = arith.constant 0 : i32
    %dma_start3A_767 = tpu.memref_slice %arg3[%dma_start3A_766, %multiple_of3A_759] : memref<32x1000000xf32, #tpu.memory_space<hbm>> -> memref<32x128xf32, #tpu.memory_space<hbm>>
    %dma_start3A_768 = arith.constant 0 : i32
    %dma_start3A_769 = arith.constant 0 : i32
    %dma_start3A_770 = tpu.memref_slice %arg6[%dma_start3A_760, %dma_start3A_761, %dma_start3A_768, %dma_start3A_769] : memref<6x4x32x128xf32, #tpu.memory_space<vmem>> -> memref<1x1x32x128xf32, #tpu.memory_space<vmem>>
    %dma_start3A_771 = tpu.memref_squeeze %dma_start3A_770 : memref<1x1x32x128xf32, #tpu.memory_space<vmem>> -> memref<32x128xf32, #tpu.memory_space<vmem>>
    %dma_start3A_772 = arith.constant 0 : i32
    %dma_start3A_773 = tpu.memref_slice %arg3[%dma_start3A_772, %multiple_of3A_759] : memref<32x1000000xf32, #tpu.memory_space<hbm>> -> memref<32x128xf32, #tpu.memory_space<hbm>>
    tpu.enqueue_dma source(%dma_start3A_773 : memref<32x128xf32, #tpu.memory_space<hbm>>) target(%dma_start3A_771 : memref<32x128xf32, #tpu.memory_space<vmem>>) target_semaphore(%arg12 : memref<!tpu.dma_semaphore, #tpu.memory_space<semaphore_mem>>)
    %slice3A_774 = vector.extract_strided_slice %get3A_687 {offsets = [2], sizes = [1], strides = [1]} : vector<16xi32> to vector<1xi32>
    %squeeze3A_775 = vector.extract %slice3A_774[0] : i32 from vector<1xi32>
    %jit3A_776 = arith.constant 128 : i32
    %div3A_777 = arith.divsi %squeeze3A_775, %jit3A_776 : i32
    %sign3A_778 = arith.constant 0 : i32
    %sign3A_779 = arith.cmpi sgt, %squeeze3A_775, %sign3A_778 : i32
    %sign3A_780 = arith.extui %sign3A_779 : i1 to i32
    %sign3A_781 = arith.constant 0 : i32
    %sign3A_782 = arith.cmpi slt, %squeeze3A_775, %sign3A_781 : i32
    %sign3A_783 = arith.extui %sign3A_782 : i1 to i32
    %sign3A_784 = arith.subi %sign3A_780, %sign3A_783 : i32
    %sign3A_785 = arith.constant 0 : i32
    %sign3A_786 = arith.cmpi sgt, %jit3A_776, %sign3A_785 : i32
    %sign3A_787 = arith.extui %sign3A_786 : i1 to i32
    %sign3A_788 = arith.constant 0 : i32
    %sign3A_789 = arith.cmpi slt, %jit3A_776, %sign3A_788 : i32
    %sign3A_790 = arith.extui %sign3A_789 : i1 to i32
    %sign3A_791 = arith.subi %sign3A_787, %sign3A_790 : i32
    %ne3A_792 = arith.cmpi ne, %sign3A_784, %sign3A_791 : i32
    %rem3A_793 = arith.remsi %squeeze3A_775, %jit3A_776 : i32
    %ne3A_794 = arith.constant 0 : i32
    %ne3A_795 = arith.cmpi ne, %rem3A_793, %ne3A_794 : i32
    %and3A_796 = arith.andi %ne3A_792, %ne3A_795 : i1
    %sub3A_797 = arith.constant 1 : i32
    %sub3A_798 = arith.subi %div3A_777, %sub3A_797 : i32
    %select_n3A_799 = arith.select %and3A_796, %sub3A_798, %div3A_777 : i32
    %mul3A_800 = arith.constant 128 : i32
    %mul3A_801 = arith.muli %select_n3A_799, %mul3A_800 : i32
    %multiple_of3A_802 = tpu.assume_multiple %mul3A_801, 128 : i32
    %dma_start3A_803 = arith.constant 4 : i32
    %dma_start3A_804 = arith.constant 2 : i32
    %dma_start3A_805 = arith.constant 0 : i32
    %dma_start3A_806 = arith.constant 0 : i32
    %dma_start3A_807 = tpu.memref_slice %arg6[%dma_start3A_803, %dma_start3A_804, %dma_start3A_805, %dma_start3A_806] : memref<6x4x32x128xf32, #tpu.memory_space<vmem>> -> memref<1x1x32x128xf32, #tpu.memory_space<vmem>>
    %dma_start3A_808 = tpu.memref_squeeze %dma_start3A_807 : memref<1x1x32x128xf32, #tpu.memory_space<vmem>> -> memref<32x128xf32, #tpu.memory_space<vmem>>
    %dma_start3A_809 = arith.constant 0 : i32
    %dma_start3A_810 = tpu.memref_slice %arg3[%dma_start3A_809, %multiple_of3A_802] : memref<32x1000000xf32, #tpu.memory_space<hbm>> -> memref<32x128xf32, #tpu.memory_space<hbm>>
    %dma_start3A_811 = arith.constant 0 : i32
    %dma_start3A_812 = arith.constant 0 : i32
    %dma_start3A_813 = tpu.memref_slice %arg6[%dma_start3A_803, %dma_start3A_804, %dma_start3A_811, %dma_start3A_812] : memref<6x4x32x128xf32, #tpu.memory_space<vmem>> -> memref<1x1x32x128xf32, #tpu.memory_space<vmem>>
    %dma_start3A_814 = tpu.memref_squeeze %dma_start3A_813 : memref<1x1x32x128xf32, #tpu.memory_space<vmem>> -> memref<32x128xf32, #tpu.memory_space<vmem>>
    %dma_start3A_815 = arith.constant 0 : i32
    %dma_start3A_816 = tpu.memref_slice %arg3[%dma_start3A_815, %multiple_of3A_802] : memref<32x1000000xf32, #tpu.memory_space<hbm>> -> memref<32x128xf32, #tpu.memory_space<hbm>>
    tpu.enqueue_dma source(%dma_start3A_816 : memref<32x128xf32, #tpu.memory_space<hbm>>) target(%dma_start3A_814 : memref<32x128xf32, #tpu.memory_space<vmem>>) target_semaphore(%arg12 : memref<!tpu.dma_semaphore, #tpu.memory_space<semaphore_mem>>)
    %slice3A_817 = vector.extract_strided_slice %get3A_687 {offsets = [3], sizes = [1], strides = [1]} : vector<16xi32> to vector<1xi32>
    %squeeze3A_818 = vector.extract %slice3A_817[0] : i32 from vector<1xi32>
    %jit3A_819 = arith.constant 128 : i32
    %div3A_820 = arith.divsi %squeeze3A_818, %jit3A_819 : i32
    %sign3A_821 = arith.constant 0 : i32
    %sign3A_822 = arith.cmpi sgt, %squeeze3A_818, %sign3A_821 : i32
    %sign3A_823 = arith.extui %sign3A_822 : i1 to i32
    %sign3A_824 = arith.constant 0 : i32
    %sign3A_825 = arith.cmpi slt, %squeeze3A_818, %sign3A_824 : i32
    %sign3A_826 = arith.extui %sign3A_825 : i1 to i32
    %sign3A_827 = arith.subi %sign3A_823, %sign3A_826 : i32
    %sign3A_828 = arith.constant 0 : i32
    %sign3A_829 = arith.cmpi sgt, %jit3A_819, %sign3A_828 : i32
    %sign3A_830 = arith.extui %sign3A_829 : i1 to i32
    %sign3A_831 = arith.constant 0 : i32
    %sign3A_832 = arith.cmpi slt, %jit3A_819, %sign3A_831 : i32
    %sign3A_833 = arith.extui %sign3A_832 : i1 to i32
    %sign3A_834 = arith.subi %sign3A_830, %sign3A_833 : i32
    %ne3A_835 = arith.cmpi ne, %sign3A_827, %sign3A_834 : i32
    %rem3A_836 = arith.remsi %squeeze3A_818, %jit3A_819 : i32
    %ne3A_837 = arith.constant 0 : i32
    %ne3A_838 = arith.cmpi ne, %rem3A_836, %ne3A_837 : i32
    %and3A_839 = arith.andi %ne3A_835, %ne3A_838 : i1
    %sub3A_840 = arith.constant 1 : i32
    %sub3A_841 = arith.subi %div3A_820, %sub3A_840 : i32
    %select_n3A_842 = arith.select %and3A_839, %sub3A_841, %div3A_820 : i32
    %mul3A_843 = arith.constant 128 : i32
    %mul3A_844 = arith.muli %select_n3A_842, %mul3A_843 : i32
    %multiple_of3A_845 = tpu.assume_multiple %mul3A_844, 128 : i32
    %dma_start3A_846 = arith.constant 4 : i32
    %dma_start3A_847 = arith.constant 3 : i32
    %dma_start3A_848 = arith.constant 0 : i32
    %dma_start3A_849 = arith.constant 0 : i32
    %dma_start3A_850 = tpu.memref_slice %arg6[%dma_start3A_846, %dma_start3A_847, %dma_start3A_848, %dma_start3A_849] : memref<6x4x32x128xf32, #tpu.memory_space<vmem>> -> memref<1x1x32x128xf32, #tpu.memory_space<vmem>>
    %dma_start3A_851 = tpu.memref_squeeze %dma_start3A_850 : memref<1x1x32x128xf32, #tpu.memory_space<vmem>> -> memref<32x128xf32, #tpu.memory_space<vmem>>
    %dma_start3A_852 = arith.constant 0 : i32
    %dma_start3A_853 = tpu.memref_slice %arg3[%dma_start3A_852, %multiple_of3A_845] : memref<32x1000000xf32, #tpu.memory_space<hbm>> -> memref<32x128xf32, #tpu.memory_space<hbm>>
    %dma_start3A_854 = arith.constant 0 : i32
    %dma_start3A_855 = arith.constant 0 : i32
    %dma_start3A_856 = tpu.memref_slice %arg6[%dma_start3A_846, %dma_start3A_847, %dma_start3A_854, %dma_start3A_855] : memref<6x4x32x128xf32, #tpu.memory_space<vmem>> -> memref<1x1x32x128xf32, #tpu.memory_space<vmem>>
    %dma_start3A_857 = tpu.memref_squeeze %dma_start3A_856 : memref<1x1x32x128xf32, #tpu.memory_space<vmem>> -> memref<32x128xf32, #tpu.memory_space<vmem>>
    %dma_start3A_858 = arith.constant 0 : i32
    %dma_start3A_859 = tpu.memref_slice %arg3[%dma_start3A_858, %multiple_of3A_845] : memref<32x1000000xf32, #tpu.memory_space<hbm>> -> memref<32x128xf32, #tpu.memory_space<hbm>>
    tpu.enqueue_dma source(%dma_start3A_859 : memref<32x128xf32, #tpu.memory_space<hbm>>) target(%dma_start3A_857 : memref<32x128xf32, #tpu.memory_space<vmem>>) target_semaphore(%arg12 : memref<!tpu.dma_semaphore, #tpu.memory_space<semaphore_mem>>)
    %get3A_860 = arith.constant 16 : index
    %get3A_861 = tpu.vector_load %arg5[%get3A_860] {strides = array<i32>} : memref<528xi32, #tpu.memory_space<vmem>>, vector<16xi32>,
    %slice3A_862 = vector.extract_strided_slice %get3A_861 {offsets = [4], sizes = [1], strides = [1]} : vector<16xi32> to vector<1xi32>
    %squeeze3A_863 = vector.extract %slice3A_862[0] : i32 from vector<1xi32>
    %jit3A_864 = arith.constant 128 : i32
    %div3A_865 = arith.divsi %squeeze3A_863, %jit3A_864 : i32
    %sign3A_866 = arith.constant 0 : i32
    %sign3A_867 = arith.cmpi sgt, %squeeze3A_863, %sign3A_866 : i32
    %sign3A_868 = arith.extui %sign3A_867 : i1 to i32
    %sign3A_869 = arith.constant 0 : i32
    %sign3A_870 = arith.cmpi slt, %squeeze3A_863, %sign3A_869 : i32
    %sign3A_871 = arith.extui %sign3A_870 : i1 to i32
    %sign3A_872 = arith.subi %sign3A_868, %sign3A_871 : i32
    %sign3A_873 = arith.constant 0 : i32
    %sign3A_874 = arith.cmpi sgt, %jit3A_864, %sign3A_873 : i32
    %sign3A_875 = arith.extui %sign3A_874 : i1 to i32
    %sign3A_876 = arith.constant 0 : i32
    %sign3A_877 = arith.cmpi slt, %jit3A_864, %sign3A_876 : i32
    %sign3A_878 = arith.extui %sign3A_877 : i1 to i32
    %sign3A_879 = arith.subi %sign3A_875, %sign3A_878 : i32
    %ne3A_880 = arith.cmpi ne, %sign3A_872, %sign3A_879 : i32
    %rem3A_881 = arith.remsi %squeeze3A_863, %jit3A_864 : i32
    %ne3A_882 = arith.constant 0 : i32
    %ne3A_883 = arith.cmpi ne, %rem3A_881, %ne3A_882 : i32
    %and3A_884 = arith.andi %ne3A_880, %ne3A_883 : i1
    %sub3A_885 = arith.constant 1 : i32
    %sub3A_886 = arith.subi %div3A_865, %sub3A_885 : i32
    %select_n3A_887 = arith.select %and3A_884, %sub3A_886, %div3A_865 : i32
    %mul3A_888 = arith.constant 128 : i32
    %mul3A_889 = arith.muli %select_n3A_887, %mul3A_888 : i32
    %multiple_of3A_890 = tpu.assume_multiple %mul3A_889, 128 : i32
    %dma_start3A_891 = arith.constant 5 : i32
    %dma_start3A_892 = arith.constant 0 : i32
    %dma_start3A_893 = arith.constant 0 : i32
    %dma_start3A_894 = arith.constant 0 : i32
    %dma_start3A_895 = tpu.memref_slice %arg6[%dma_start3A_891, %dma_start3A_892, %dma_start3A_893, %dma_start3A_894] : memref<6x4x32x128xf32, #tpu.memory_space<vmem>> -> memref<1x1x32x128xf32, #tpu.memory_space<vmem>>
    %dma_start3A_896 = tpu.memref_squeeze %dma_start3A_895 : memref<1x1x32x128xf32, #tpu.memory_space<vmem>> -> memref<32x128xf32, #tpu.memory_space<vmem>>
    %dma_start3A_897 = arith.constant 0 : i32
    %dma_start3A_898 = tpu.memref_slice %arg3[%dma_start3A_897, %multiple_of3A_890] : memref<32x1000000xf32, #tpu.memory_space<hbm>> -> memref<32x128xf32, #tpu.memory_space<hbm>>
    %dma_start3A_899 = arith.constant 0 : i32
    %dma_start3A_900 = arith.constant 0 : i32
    %dma_start3A_901 = tpu.memref_slice %arg6[%dma_start3A_891, %dma_start3A_892, %dma_start3A_899, %dma_start3A_900] : memref<6x4x32x128xf32, #tpu.memory_space<vmem>> -> memref<1x1x32x128xf32, #tpu.memory_space<vmem>>
    %dma_start3A_902 = tpu.memref_squeeze %dma_start3A_901 : memref<1x1x32x128xf32, #tpu.memory_space<vmem>> -> memref<32x128xf32, #tpu.memory_space<vmem>>
    %dma_start3A_903 = arith.constant 0 : i32
    %dma_start3A_904 = tpu.memref_slice %arg3[%dma_start3A_903, %multiple_of3A_890] : memref<32x1000000xf32, #tpu.memory_space<hbm>> -> memref<32x128xf32, #tpu.memory_space<hbm>>
    tpu.enqueue_dma source(%dma_start3A_904 : memref<32x128xf32, #tpu.memory_space<hbm>>) target(%dma_start3A_902 : memref<32x128xf32, #tpu.memory_space<vmem>>) target_semaphore(%arg13 : memref<!tpu.dma_semaphore, #tpu.memory_space<semaphore_mem>>)
    %slice3A_905 = vector.extract_strided_slice %get3A_861 {offsets = [5], sizes = [1], strides = [1]} : vector<16xi32> to vector<1xi32>
    %squeeze3A_906 = vector.extract %slice3A_905[0] : i32 from vector<1xi32>
    %jit3A_907 = arith.constant 128 : i32
    %div3A_908 = arith.divsi %squeeze3A_906, %jit3A_907 : i32
    %sign3A_909 = arith.constant 0 : i32
    %sign3A_910 = arith.cmpi sgt, %squeeze3A_906, %sign3A_909 : i32
    %sign3A_911 = arith.extui %sign3A_910 : i1 to i32
    %sign3A_912 = arith.constant 0 : i32
    %sign3A_913 = arith.cmpi slt, %squeeze3A_906, %sign3A_912 : i32
    %sign3A_914 = arith.extui %sign3A_913 : i1 to i32
    %sign3A_915 = arith.subi %sign3A_911, %sign3A_914 : i32
    %sign3A_916 = arith.constant 0 : i32
    %sign3A_917 = arith.cmpi sgt, %jit3A_907, %sign3A_916 : i32
    %sign3A_918 = arith.extui %sign3A_917 : i1 to i32
    %sign3A_919 = arith.constant 0 : i32
    %sign3A_920 = arith.cmpi slt, %jit3A_907, %sign3A_919 : i32
    %sign3A_921 = arith.extui %sign3A_920 : i1 to i32
    %sign3A_922 = arith.subi %sign3A_918, %sign3A_921 : i32
    %ne3A_923 = arith.cmpi ne, %sign3A_915, %sign3A_922 : i32
    %rem3A_924 = arith.remsi %squeeze3A_906, %jit3A_907 : i32
    %ne3A_925 = arith.constant 0 : i32
    %ne3A_926 = arith.cmpi ne, %rem3A_924, %ne3A_925 : i32
    %and3A_927 = arith.andi %ne3A_923, %ne3A_926 : i1
    %sub3A_928 = arith.constant 1 : i32
    %sub3A_929 = arith.subi %div3A_908, %sub3A_928 : i32
    %select_n3A_930 = arith.select %and3A_927, %sub3A_929, %div3A_908 : i32
    %mul3A_931 = arith.constant 128 : i32
    %mul3A_932 = arith.muli %select_n3A_930, %mul3A_931 : i32
    %multiple_of3A_933 = tpu.assume_multiple %mul3A_932, 128 : i32
    %dma_start3A_934 = arith.constant 5 : i32
    %dma_start3A_935 = arith.constant 1 : i32
    %dma_start3A_936 = arith.constant 0 : i32
    %dma_start3A_937 = arith.constant 0 : i32
    %dma_start3A_938 = tpu.memref_slice %arg6[%dma_start3A_934, %dma_start3A_935, %dma_start3A_936, %dma_start3A_937] : memref<6x4x32x128xf32, #tpu.memory_space<vmem>> -> memref<1x1x32x128xf32, #tpu.memory_space<vmem>>
    %dma_start3A_939 = tpu.memref_squeeze %dma_start3A_938 : memref<1x1x32x128xf32, #tpu.memory_space<vmem>> -> memref<32x128xf32, #tpu.memory_space<vmem>>
    %dma_start3A_940 = arith.constant 0 : i32
    %dma_start3A_941 = tpu.memref_slice %arg3[%dma_start3A_940, %multiple_of3A_933] : memref<32x1000000xf32, #tpu.memory_space<hbm>> -> memref<32x128xf32, #tpu.memory_space<hbm>>
    %dma_start3A_942 = arith.constant 0 : i32
    %dma_start3A_943 = arith.constant 0 : i32
    %dma_start3A_944 = tpu.memref_slice %arg6[%dma_start3A_934, %dma_start3A_935, %dma_start3A_942, %dma_start3A_943] : memref<6x4x32x128xf32, #tpu.memory_space<vmem>> -> memref<1x1x32x128xf32, #tpu.memory_space<vmem>>
    %dma_start3A_945 = tpu.memref_squeeze %dma_start3A_944 : memref<1x1x32x128xf32, #tpu.memory_space<vmem>> -> memref<32x128xf32, #tpu.memory_space<vmem>>
    %dma_start3A_946 = arith.constant 0 : i32
    %dma_start3A_947 = tpu.memref_slice %arg3[%dma_start3A_946, %multiple_of3A_933] : memref<32x1000000xf32, #tpu.memory_space<hbm>> -> memref<32x128xf32, #tpu.memory_space<hbm>>
    tpu.enqueue_dma source(%dma_start3A_947 : memref<32x128xf32, #tpu.memory_space<hbm>>) target(%dma_start3A_945 : memref<32x128xf32, #tpu.memory_space<vmem>>) target_semaphore(%arg13 : memref<!tpu.dma_semaphore, #tpu.memory_space<semaphore_mem>>)
    %slice3A_948 = vector.extract_strided_slice %get3A_861 {offsets = [6], sizes = [1], strides = [1]} : vector<16xi32> to vector<1xi32>
    %squeeze3A_949 = vector.extract %slice3A_948[0] : i32 from vector<1xi32>
    %jit3A_950 = arith.constant 128 : i32
    %div3A_951 = arith.divsi %squeeze3A_949, %jit3A_950 : i32
    %sign3A_952 = arith.constant 0 : i32
    %sign3A_953 = arith.cmpi sgt, %squeeze3A_949, %sign3A_952 : i32
    %sign3A_954 = arith.extui %sign3A_953 : i1 to i32
    %sign3A_955 = arith.constant 0 : i32
    %sign3A_956 = arith.cmpi slt, %squeeze3A_949, %sign3A_955 : i32
    %sign3A_957 = arith.extui %sign3A_956 : i1 to i32
    %sign3A_958 = arith.subi %sign3A_954, %sign3A_957 : i32
    %sign3A_959 = arith.constant 0 : i32
    %sign3A_960 = arith.cmpi sgt, %jit3A_950, %sign3A_959 : i32
    %sign3A_961 = arith.extui %sign3A_960 : i1 to i32
    %sign3A_962 = arith.constant 0 : i32
    %sign3A_963 = arith.cmpi slt, %jit3A_950, %sign3A_962 : i32
    %sign3A_964 = arith.extui %sign3A_963 : i1 to i32
    %sign3A_965 = arith.subi %sign3A_961, %sign3A_964 : i32
    %ne3A_966 = arith.cmpi ne, %sign3A_958, %sign3A_965 : i32
    %rem3A_967 = arith.remsi %squeeze3A_949, %jit3A_950 : i32
    %ne3A_968 = arith.constant 0 : i32
    %ne3A_969 = arith.cmpi ne, %rem3A_967, %ne3A_968 : i32
    %and3A_970 = arith.andi %ne3A_966, %ne3A_969 : i1
    %sub3A_971 = arith.constant 1 : i32
    %sub3A_972 = arith.subi %div3A_951, %sub3A_971 : i32
    %select_n3A_973 = arith.select %and3A_970, %sub3A_972, %div3A_951 : i32
    %mul3A_974 = arith.constant 128 : i32
    %mul3A_975 = arith.muli %select_n3A_973, %mul3A_974 : i32
    %multiple_of3A_976 = tpu.assume_multiple %mul3A_975, 128 : i32
    %dma_start3A_977 = arith.constant 5 : i32
    %dma_start3A_978 = arith.constant 2 : i32
    %dma_start3A_979 = arith.constant 0 : i32
    %dma_start3A_980 = arith.constant 0 : i32
    %dma_start3A_981 = tpu.memref_slice %arg6[%dma_start3A_977, %dma_start3A_978, %dma_start3A_979, %dma_start3A_980] : memref<6x4x32x128xf32, #tpu.memory_space<vmem>> -> memref<1x1x32x128xf32, #tpu.memory_space<vmem>>
    %dma_start3A_982 = tpu.memref_squeeze %dma_start3A_981 : memref<1x1x32x128xf32, #tpu.memory_space<vmem>> -> memref<32x128xf32, #tpu.memory_space<vmem>>
    %dma_start3A_983 = arith.constant 0 : i32
    %dma_start3A_984 = tpu.memref_slice %arg3[%dma_start3A_983, %multiple_of3A_976] : memref<32x1000000xf32, #tpu.memory_space<hbm>> -> memref<32x128xf32, #tpu.memory_space<hbm>>
    %dma_start3A_985 = arith.constant 0 : i32
    %dma_start3A_986 = arith.constant 0 : i32
    %dma_start3A_987 = tpu.memref_slice %arg6[%dma_start3A_977, %dma_start3A_978, %dma_start3A_985, %dma_start3A_986] : memref<6x4x32x128xf32, #tpu.memory_space<vmem>> -> memref<1x1x32x128xf32, #tpu.memory_space<vmem>>
    %dma_start3A_988 = tpu.memref_squeeze %dma_start3A_987 : memref<1x1x32x128xf32, #tpu.memory_space<vmem>> -> memref<32x128xf32, #tpu.memory_space<vmem>>
    %dma_start3A_989 = arith.constant 0 : i32
    %dma_start3A_990 = tpu.memref_slice %arg3[%dma_start3A_989, %multiple_of3A_976] : memref<32x1000000xf32, #tpu.memory_space<hbm>> -> memref<32x128xf32, #tpu.memory_space<hbm>>
    tpu.enqueue_dma source(%dma_start3A_990 : memref<32x128xf32, #tpu.memory_space<hbm>>) target(%dma_start3A_988 : memref<32x128xf32, #tpu.memory_space<vmem>>) target_semaphore(%arg13 : memref<!tpu.dma_semaphore, #tpu.memory_space<semaphore_mem>>)
    %slice3A_991 = vector.extract_strided_slice %get3A_861 {offsets = [7], sizes = [1], strides = [1]} : vector<16xi32> to vector<1xi32>
    %squeeze3A_992 = vector.extract %slice3A_991[0] : i32 from vector<1xi32>
    %jit3A_993 = arith.constant 128 : i32
    %div3A_994 = arith.divsi %squeeze3A_992, %jit3A_993 : i32
    %sign3A_995 = arith.constant 0 : i32
    %sign3A_996 = arith.cmpi sgt, %squeeze3A_992, %sign3A_995 : i32
    %sign3A_997 = arith.extui %sign3A_996 : i1 to i32
    %sign3A_998 = arith.constant 0 : i32
    %sign3A_999 = arith.cmpi slt, %squeeze3A_992, %sign3A_998 : i32
    %sign3A_1000 = arith.extui %sign3A_999 : i1 to i32
    %sign3A_1001 = arith.subi %sign3A_997, %sign3A_1000 : i32
    %sign3A_1002 = arith.constant 0 : i32
    %sign3A_1003 = arith.cmpi sgt, %jit3A_993, %sign3A_1002 : i32
    %sign3A_1004 = arith.extui %sign3A_1003 : i1 to i32
    %sign3A_1005 = arith.constant 0 : i32
    %sign3A_1006 = arith.cmpi slt, %jit3A_993, %sign3A_1005 : i32
    %sign3A_1007 = arith.extui %sign3A_1006 : i1 to i32
    %sign3A_1008 = arith.subi %sign3A_1004, %sign3A_1007 : i32
    %ne3A_1009 = arith.cmpi ne, %sign3A_1001, %sign3A_1008 : i32
    %rem3A_1010 = arith.remsi %squeeze3A_992, %jit3A_993 : i32
    %ne3A_1011 = arith.constant 0 : i32
    %ne3A_1012 = arith.cmpi ne, %rem3A_1010, %ne3A_1011 : i32
    %and3A_1013 = arith.andi %ne3A_1009, %ne3A_1012 : i1
    %sub3A_1014 = arith.constant 1 : i32
    %sub3A_1015 = arith.subi %div3A_994, %sub3A_1014 : i32
    %select_n3A_1016 = arith.select %and3A_1013, %sub3A_1015, %div3A_994 : i32
    %mul3A_1017 = arith.constant 128 : i32
    %mul3A_1018 = arith.muli %select_n3A_1016, %mul3A_1017 : i32
    %multiple_of3A_1019 = tpu.assume_multiple %mul3A_1018, 128 : i32
    %dma_start3A_1020 = arith.constant 5 : i32
    %dma_start3A_1021 = arith.constant 3 : i32
    %dma_start3A_1022 = arith.constant 0 : i32
    %dma_start3A_1023 = arith.constant 0 : i32
    %dma_start3A_1024 = tpu.memref_slice %arg6[%dma_start3A_1020, %dma_start3A_1021, %dma_start3A_1022, %dma_start3A_1023] : memref<6x4x32x128xf32, #tpu.memory_space<vmem>> -> memref<1x1x32x128xf32, #tpu.memory_space<vmem>>
    %dma_start3A_1025 = tpu.memref_squeeze %dma_start3A_1024 : memref<1x1x32x128xf32, #tpu.memory_space<vmem>> -> memref<32x128xf32, #tpu.memory_space<vmem>>
    %dma_start3A_1026 = arith.constant 0 : i32
    %dma_start3A_1027 = tpu.memref_slice %arg3[%dma_start3A_1026, %multiple_of3A_1019] : memref<32x1000000xf32, #tpu.memory_space<hbm>> -> memref<32x128xf32, #tpu.memory_space<hbm>>
    %dma_start3A_1028 = arith.constant 0 : i32
    %dma_start3A_1029 = arith.constant 0 : i32
    %dma_start3A_1030 = tpu.memref_slice %arg6[%dma_start3A_1020, %dma_start3A_1021, %dma_start3A_1028, %dma_start3A_1029] : memref<6x4x32x128xf32, #tpu.memory_space<vmem>> -> memref<1x1x32x128xf32, #tpu.memory_space<vmem>>
    %dma_start3A_1031 = tpu.memref_squeeze %dma_start3A_1030 : memref<1x1x32x128xf32, #tpu.memory_space<vmem>> -> memref<32x128xf32, #tpu.memory_space<vmem>>
    %dma_start3A_1032 = arith.constant 0 : i32
    %dma_start3A_1033 = tpu.memref_slice %arg3[%dma_start3A_1032, %multiple_of3A_1019] : memref<32x1000000xf32, #tpu.memory_space<hbm>> -> memref<32x128xf32, #tpu.memory_space<hbm>>
    tpu.enqueue_dma source(%dma_start3A_1033 : memref<32x128xf32, #tpu.memory_space<hbm>>) target(%dma_start3A_1031 : memref<32x128xf32, #tpu.memory_space<vmem>>) target_semaphore(%arg13 : memref<!tpu.dma_semaphore, #tpu.memory_space<semaphore_mem>>)
    %scan3A = arith.constant 0 : i32
    %scan3A_1034 = arith.constant 0 : i32
    %scan3A_1035 = arith.constant 21 : i32
    %scan3A_1036 = arith.addi %scan3A_1034, %scan3A_1035 : i32
    %scan3A_1037 = arith.constant 1 : i32
    %scan3A_1038 = scf.for %scan3A_1495 = %scan3A_1034 to %scan3A_1036 step %scan3A_1037 iter_args(%scan3A_1496 = %scan3A) -> (i32)  : i32 {
      %mul3A_1497 = arith.constant 6 : i32
      %mul3A_1498 = arith.muli %scan3A_1495, %mul3A_1497 : i32
      %add3A_1499 = arith.constant 0 : i32
      %add3A_1500 = arith.addi %mul3A_1498, %add3A_1499 : i32
      %dma_wait3A_1501 = arith.constant 0 : i32
      %dma_wait3A_1502 = arith.constant 0 : i32
      %dma_wait3A_1503 = arith.constant 0 : i32
      %dma_wait3A_1504 = arith.constant 0 : i32
      %dma_wait3A_1505 = tpu.memref_slice %arg6[%dma_wait3A_1501, %dma_wait3A_1502, %dma_wait3A_1503, %dma_wait3A_1504] : memref<6x4x32x128xf32, #tpu.memory_space<vmem>> -> memref<1x1x32x128xf32, #tpu.memory_space<vmem>>
      %dma_wait3A_1506 = tpu.memref_squeeze %dma_wait3A_1505 : memref<1x1x32x128xf32, #tpu.memory_space<vmem>> -> memref<32x128xf32, #tpu.memory_space<vmem>>
      %dma_wait3A_1507 = arith.constant 0 : i32
      %dma_wait3A_1508 = arith.constant 0 : i32
      %dma_wait3A_1509 = tpu.memref_slice %arg3[%dma_wait3A_1507, %dma_wait3A_1508] : memref<32x1000000xf32, #tpu.memory_space<hbm>> -> memref<32x128xf32, #tpu.memory_space<hbm>>
      %dma_wait3A_1510 = arith.constant 0 : i32
      %dma_wait3A_1511 = arith.constant 0 : i32
      %dma_wait3A_1512 = tpu.memref_slice %arg6[%dma_wait3A_1501, %dma_wait3A_1502, %dma_wait3A_1510, %dma_wait3A_1511] : memref<6x4x32x128xf32, #tpu.memory_space<vmem>> -> memref<1x1x32x128xf32, #tpu.memory_space<vmem>>
      %dma_wait3A_1513 = tpu.memref_squeeze %dma_wait3A_1512 : memref<1x1x32x128xf32, #tpu.memory_space<vmem>> -> memref<32x128xf32, #tpu.memory_space<vmem>>
      %dma_wait3A_1514 = arith.constant 0 : i32
      %dma_wait3A_1515 = arith.constant 0 : i32
      %dma_wait3A_1516 = tpu.memref_slice %arg3[%dma_wait3A_1514, %dma_wait3A_1515] : memref<32x1000000xf32, #tpu.memory_space<hbm>> -> memref<32x128xf32, #tpu.memory_space<hbm>>
      tpu.wait_dma2 semaphore(%arg8 : memref<!tpu.dma_semaphore, #tpu.memory_space<semaphore_mem>>) src(%dma_wait3A_1516 : memref<32x128xf32, #tpu.memory_space<hbm>>) dst(%dma_wait3A_1513 : memref<32x128xf32, #tpu.memory_space<vmem>>)
      %dma_wait3A_1517 = arith.constant 0 : i32
      %dma_wait3A_1518 = arith.constant 1 : i32
      %dma_wait3A_1519 = arith.constant 0 : i32
      %dma_wait3A_1520 = arith.constant 0 : i32
      %dma_wait3A_1521 = tpu.memref_slice %arg6[%dma_wait3A_1517, %dma_wait3A_1518, %dma_wait3A_1519, %dma_wait3A_1520] : memref<6x4x32x128xf32, #tpu.memory_space<vmem>> -> memref<1x1x32x128xf32, #tpu.memory_space<vmem>>
      %dma_wait3A_1522 = tpu.memref_squeeze %dma_wait3A_1521 : memref<1x1x32x128xf32, #tpu.memory_space<vmem>> -> memref<32x128xf32, #tpu.memory_space<vmem>>
      %dma_wait3A_1523 = arith.constant 0 : i32
      %dma_wait3A_1524 = arith.constant 0 : i32
      %dma_wait3A_1525 = tpu.memref_slice %arg3[%dma_wait3A_1523, %dma_wait3A_1524] : memref<32x1000000xf32, #tpu.memory_space<hbm>> -> memref<32x128xf32, #tpu.memory_space<hbm>>
      %dma_wait3A_1526 = arith.constant 0 : i32
      %dma_wait3A_1527 = arith.constant 0 : i32
      %dma_wait3A_1528 = tpu.memref_slice %arg6[%dma_wait3A_1517, %dma_wait3A_1518, %dma_wait3A_1526, %dma_wait3A_1527] : memref<6x4x32x128xf32, #tpu.memory_space<vmem>> -> memref<1x1x32x128xf32, #tpu.memory_space<vmem>>
      %dma_wait3A_1529 = tpu.memref_squeeze %dma_wait3A_1528 : memref<1x1x32x128xf32, #tpu.memory_space<vmem>> -> memref<32x128xf32, #tpu.memory_space<vmem>>
      %dma_wait3A_1530 = arith.constant 0 : i32
      %dma_wait3A_1531 = arith.constant 0 : i32
      %dma_wait3A_1532 = tpu.memref_slice %arg3[%dma_wait3A_1530, %dma_wait3A_1531] : memref<32x1000000xf32, #tpu.memory_space<hbm>> -> memref<32x128xf32, #tpu.memory_space<hbm>>
      tpu.wait_dma2 semaphore(%arg8 : memref<!tpu.dma_semaphore, #tpu.memory_space<semaphore_mem>>) src(%dma_wait3A_1532 : memref<32x128xf32, #tpu.memory_space<hbm>>) dst(%dma_wait3A_1529 : memref<32x128xf32, #tpu.memory_space<vmem>>)
      %dma_wait3A_1533 = arith.constant 0 : i32
      %dma_wait3A_1534 = arith.constant 2 : i32
      %dma_wait3A_1535 = arith.constant 0 : i32
      %dma_wait3A_1536 = arith.constant 0 : i32
      %dma_wait3A_1537 = tpu.memref_slice %arg6[%dma_wait3A_1533, %dma_wait3A_1534, %dma_wait3A_1535, %dma_wait3A_1536] : memref<6x4x32x128xf32, #tpu.memory_space<vmem>> -> memref<1x1x32x128xf32, #tpu.memory_space<vmem>>
      %dma_wait3A_1538 = tpu.memref_squeeze %dma_wait3A_1537 : memref<1x1x32x128xf32, #tpu.memory_space<vmem>> -> memref<32x128xf32, #tpu.memory_space<vmem>>
      %dma_wait3A_1539 = arith.constant 0 : i32
      %dma_wait3A_1540 = arith.constant 0 : i32
      %dma_wait3A_1541 = tpu.memref_slice %arg3[%dma_wait3A_1539, %dma_wait3A_1540] : memref<32x1000000xf32, #tpu.memory_space<hbm>> -> memref<32x128xf32, #tpu.memory_space<hbm>>
      %dma_wait3A_1542 = arith.constant 0 : i32
      %dma_wait3A_1543 = arith.constant 0 : i32
      %dma_wait3A_1544 = tpu.memref_slice %arg6[%dma_wait3A_1533, %dma_wait3A_1534, %dma_wait3A_1542, %dma_wait3A_1543] : memref<6x4x32x128xf32, #tpu.memory_space<vmem>> -> memref<1x1x32x128xf32, #tpu.memory_space<vmem>>
      %dma_wait3A_1545 = tpu.memref_squeeze %dma_wait3A_1544 : memref<1x1x32x128xf32, #tpu.memory_space<vmem>> -> memref<32x128xf32, #tpu.memory_space<vmem>>
      %dma_wait3A_1546 = arith.constant 0 : i32
      %dma_wait3A_1547 = arith.constant 0 : i32
      %dma_wait3A_1548 = tpu.memref_slice %arg3[%dma_wait3A_1546, %dma_wait3A_1547] : memref<32x1000000xf32, #tpu.memory_space<hbm>> -> memref<32x128xf32, #tpu.memory_space<hbm>>
      tpu.wait_dma2 semaphore(%arg8 : memref<!tpu.dma_semaphore, #tpu.memory_space<semaphore_mem>>) src(%dma_wait3A_1548 : memref<32x128xf32, #tpu.memory_space<hbm>>) dst(%dma_wait3A_1545 : memref<32x128xf32, #tpu.memory_space<vmem>>)
      %dma_wait3A_1549 = arith.constant 0 : i32
      %dma_wait3A_1550 = arith.constant 3 : i32
      %dma_wait3A_1551 = arith.constant 0 : i32
      %dma_wait3A_1552 = arith.constant 0 : i32
      %dma_wait3A_1553 = tpu.memref_slice %arg6[%dma_wait3A_1549, %dma_wait3A_1550, %dma_wait3A_1551, %dma_wait3A_1552] : memref<6x4x32x128xf32, #tpu.memory_space<vmem>> -> memref<1x1x32x128xf32, #tpu.memory_space<vmem>>
      %dma_wait3A_1554 = tpu.memref_squeeze %dma_wait3A_1553 : memref<1x1x32x128xf32, #tpu.memory_space<vmem>> -> memref<32x128xf32, #tpu.memory_space<vmem>>
      %dma_wait3A_1555 = arith.constant 0 : i32
      %dma_wait3A_1556 = arith.constant 0 : i32
      %dma_wait3A_1557 = tpu.memref_slice %arg3[%dma_wait3A_1555, %dma_wait3A_1556] : memref<32x1000000xf32, #tpu.memory_space<hbm>> -> memref<32x128xf32, #tpu.memory_space<hbm>>
      %dma_wait3A_1558 = arith.constant 0 : i32
      %dma_wait3A_1559 = arith.constant 0 : i32
      %dma_wait3A_1560 = tpu.memref_slice %arg6[%dma_wait3A_1549, %dma_wait3A_1550, %dma_wait3A_1558, %dma_wait3A_1559] : memref<6x4x32x128xf32, #tpu.memory_space<vmem>> -> memref<1x1x32x128xf32, #tpu.memory_space<vmem>>
      %dma_wait3A_1561 = tpu.memref_squeeze %dma_wait3A_1560 : memref<1x1x32x128xf32, #tpu.memory_space<vmem>> -> memref<32x128xf32, #tpu.memory_space<vmem>>
      %dma_wait3A_1562 = arith.constant 0 : i32
      %dma_wait3A_1563 = arith.constant 0 : i32
      %dma_wait3A_1564 = tpu.memref_slice %arg3[%dma_wait3A_1562, %dma_wait3A_1563] : memref<32x1000000xf32, #tpu.memory_space<hbm>> -> memref<32x128xf32, #tpu.memory_space<hbm>>
      tpu.wait_dma2 semaphore(%arg8 : memref<!tpu.dma_semaphore, #tpu.memory_space<semaphore_mem>>) src(%dma_wait3A_1564 : memref<32x128xf32, #tpu.memory_space<hbm>>) dst(%dma_wait3A_1561 : memref<32x128xf32, #tpu.memory_space<vmem>>)
      %jit3A_1565 = arith.constant 2 : i32
      %div3A_1566 = arith.divsi %add3A_1500, %jit3A_1565 : i32
      %sign3A_1567 = arith.constant 0 : i32
      %sign3A_1568 = arith.cmpi sgt, %add3A_1500, %sign3A_1567 : i32
      %sign3A_1569 = arith.extui %sign3A_1568 : i1 to i32
      %sign3A_1570 = arith.constant 0 : i32
      %sign3A_1571 = arith.cmpi slt, %add3A_1500, %sign3A_1570 : i32
      %sign3A_1572 = arith.extui %sign3A_1571 : i1 to i32
      %sign3A_1573 = arith.subi %sign3A_1569, %sign3A_1572 : i32
      %sign3A_1574 = arith.constant 0 : i32
      %sign3A_1575 = arith.cmpi sgt, %jit3A_1565, %sign3A_1574 : i32
      %sign3A_1576 = arith.extui %sign3A_1575 : i1 to i32
      %sign3A_1577 = arith.constant 0 : i32
      %sign3A_1578 = arith.cmpi slt, %jit3A_1565, %sign3A_1577 : i32
      %sign3A_1579 = arith.extui %sign3A_1578 : i1 to i32
      %sign3A_1580 = arith.subi %sign3A_1576, %sign3A_1579 : i32
      %ne3A_1581 = arith.cmpi ne, %sign3A_1573, %sign3A_1580 : i32
      %rem3A_1582 = arith.remsi %add3A_1500, %jit3A_1565 : i32
      %ne3A_1583 = arith.constant 0 : i32
      %ne3A_1584 = arith.cmpi ne, %rem3A_1582, %ne3A_1583 : i32
      %and3A_1585 = arith.andi %ne3A_1581, %ne3A_1584 : i1
      %sub3A_1586 = arith.constant 1 : i32
      %sub3A_1587 = arith.subi %div3A_1566, %sub3A_1586 : i32
      %select_n3A_1588 = arith.select %and3A_1585, %sub3A_1587, %div3A_1566 : i32
      %mul3A_1589 = arith.constant 8 : i32
      %mul3A_1590 = arith.muli %select_n3A_1588, %mul3A_1589 : i32
      %get3A_1591 = arith.index_cast %mul3A_1590 : i32 to index
      %get3A_1592 = tpu.vector_load %arg5[%get3A_1591] {strides = array<i32>} : memref<528xi32, #tpu.memory_space<vmem>>, vector<16xi32>,
      %slice3A_1593 = vector.extract_strided_slice %get3A_1592 {offsets = [0], sizes = [1], strides = [1]} : vector<16xi32> to vector<1xi32>
      %squeeze3A_1594 = vector.extract %slice3A_1593[0] : i32 from vector<1xi32>
      %jit3A_1595 = arith.constant 128 : i32
      %eq3A_1596 = arith.constant 0 : i32
      %eq3A_1597 = arith.cmpi eq, %jit3A_1595, %eq3A_1596 : i32
      %jit3A_1598 = arith.constant 1 : i32
      %select_n3A_1599 = arith.select %eq3A_1597, %jit3A_1598, %jit3A_1595 : i32
      %rem3A_1600 = arith.remsi %squeeze3A_1594, %select_n3A_1599 : i32
      %ne3A_1601 = arith.constant 0 : i32
      %ne3A_1602 = arith.cmpi ne, %rem3A_1600, %ne3A_1601 : i32
      %lt3A_1603 = arith.constant 0 : i32
      %lt3A_1604 = arith.cmpi slt, %rem3A_1600, %lt3A_1603 : i32
      %lt3A_1605 = arith.constant 0 : i32
      %lt3A_1606 = arith.cmpi slt, %select_n3A_1599, %lt3A_1605 : i32
      %ne3A_1607 = arith.xori %lt3A_1604, %lt3A_1606 : i1
      %and3A_1608 = arith.andi %ne3A_1607, %ne3A_1602 : i1
      %add3A_1609 = arith.addi %rem3A_1600, %select_n3A_1599 : i32
      %select_n3A_1610 = arith.select %and3A_1608, %add3A_1609, %rem3A_1600 : i32
      %broadcast_in_dim3A_1611 = vector.broadcast %select_n3A_1610 : i32 to vector<16xi32>
      %mul3A_1612 = arith.constant 4 : i32
      %mul3A_1613 = arith.muli %add3A_1500, %mul3A_1612 : i32
      %add3A_1614 = arith.constant 0 : i32
      %add3A_1615 = arith.addi %mul3A_1613, %add3A_1614 : i32
      %broadcast_in_dim3A_1616 = vector.broadcast %add3A_1615 : i32 to vector<16xi32>
      %add3A_1617 = arith.constant 0 : i32
      %add3A_1618 = vector.broadcast %add3A_1617 : i32 to vector<16xi32>
      %add3A_1619 = arith.addi %iota3A, %add3A_1618 : vector<16xi32>
      %gather3A_1620 = arith.constant 0 : i32
      %gather3A_1621 = arith.constant 0 : i32
      %gather3A_1622 = arith.constant 0 : i32
      %gather3A_1623 = arith.constant 0 : i32
      %gather3A_1624 = tpu.memref_slice %arg6[%gather3A_1620, %gather3A_1621, %gather3A_1622, %gather3A_1623] : memref<6x4x32x128xf32, #tpu.memory_space<vmem>> -> memref<1x1x32x128xf32, #tpu.memory_space<vmem>>
      %gather3A_1625 = tpu.memref_squeeze %gather3A_1624 : memref<1x1x32x128xf32, #tpu.memory_space<vmem>> -> memref<32x128xf32, #tpu.memory_space<vmem>>
      %gather3A_1626 = tpu.vector_load_idx %gather3A_1625[%add3A_1619, %broadcast_in_dim3A_1611] : memref<32x128xf32, #tpu.memory_space<vmem>>[vector<16xi32>, vector<16xi32>], vector<16xf32>,
      tpu.vector_store_idx %arg7[%add3A_1619, %broadcast_in_dim3A_1616], %gather3A_1626 : memref<32x512xf32, #tpu.memory_space<vmem>>[vector<16xi32>, vector<16xi32>], vector<16xf32>,
      %add3A_1627 = arith.constant 16 : i32
      %add3A_1628 = vector.broadcast %add3A_1627 : i32 to vector<16xi32>
      %add3A_1629 = arith.addi %iota3A, %add3A_1628 : vector<16xi32>
      %gather3A_1630 = arith.constant 0 : i32
      %gather3A_1631 = arith.constant 0 : i32
      %gather3A_1632 = arith.constant 0 : i32
      %gather3A_1633 = arith.constant 0 : i32
      %gather3A_1634 = tpu.memref_slice %arg6[%gather3A_1630, %gather3A_1631, %gather3A_1632, %gather3A_1633] : memref<6x4x32x128xf32, #tpu.memory_space<vmem>> -> memref<1x1x32x128xf32, #tpu.memory_space<vmem>>
      %gather3A_1635 = tpu.memref_squeeze %gather3A_1634 : memref<1x1x32x128xf32, #tpu.memory_space<vmem>> -> memref<32x128xf32, #tpu.memory_space<vmem>>
      %gather3A_1636 = tpu.vector_load_idx %gather3A_1635[%add3A_1629, %broadcast_in_dim3A_1611] : memref<32x128xf32, #tpu.memory_space<vmem>>[vector<16xi32>, vector<16xi32>], vector<16xf32>,
      tpu.vector_store_idx %arg7[%add3A_1629, %broadcast_in_dim3A_1616], %gather3A_1636 : memref<32x512xf32, #tpu.memory_space<vmem>>[vector<16xi32>, vector<16xi32>], vector<16xf32>,
      %slice3A_1637 = vector.extract_strided_slice %get3A_1592 {offsets = [1], sizes = [1], strides = [1]} : vector<16xi32> to vector<1xi32>
      %squeeze3A_1638 = vector.extract %slice3A_1637[0] : i32 from vector<1xi32>
      %jit3A_1639 = arith.constant 128 : i32
      %eq3A_1640 = arith.constant 0 : i32
      %eq3A_1641 = arith.cmpi eq, %jit3A_1639, %eq3A_1640 : i32
      %jit3A_1642 = arith.constant 1 : i32
      %select_n3A_1643 = arith.select %eq3A_1641, %jit3A_1642, %jit3A_1639 : i32
      %rem3A_1644 = arith.remsi %squeeze3A_1638, %select_n3A_1643 : i32
      %ne3A_1645 = arith.constant 0 : i32
      %ne3A_1646 = arith.cmpi ne, %rem3A_1644, %ne3A_1645 : i32
      %lt3A_1647 = arith.constant 0 : i32
      %lt3A_1648 = arith.cmpi slt, %rem3A_1644, %lt3A_1647 : i32
      %lt3A_1649 = arith.constant 0 : i32
      %lt3A_1650 = arith.cmpi slt, %select_n3A_1643, %lt3A_1649 : i32
      %ne3A_1651 = arith.xori %lt3A_1648, %lt3A_1650 : i1
      %and3A_1652 = arith.andi %ne3A_1651, %ne3A_1646 : i1
      %add3A_1653 = arith.addi %rem3A_1644, %select_n3A_1643 : i32
      %select_n3A_1654 = arith.select %and3A_1652, %add3A_1653, %rem3A_1644 : i32
      %broadcast_in_dim3A_1655 = vector.broadcast %select_n3A_1654 : i32 to vector<16xi32>
      %mul3A_1656 = arith.constant 4 : i32
      %mul3A_1657 = arith.muli %add3A_1500, %mul3A_1656 : i32
      %add3A_1658 = arith.constant 1 : i32
      %add3A_1659 = arith.addi %mul3A_1657, %add3A_1658 : i32
      %broadcast_in_dim3A_1660 = vector.broadcast %add3A_1659 : i32 to vector<16xi32>
      %add3A_1661 = arith.constant 0 : i32
      %add3A_1662 = vector.broadcast %add3A_1661 : i32 to vector<16xi32>
      %add3A_1663 = arith.addi %iota3A, %add3A_1662 : vector<16xi32>
      %gather3A_1664 = arith.constant 0 : i32
      %gather3A_1665 = arith.constant 1 : i32
      %gather3A_1666 = arith.constant 0 : i32
      %gather3A_1667 = arith.constant 0 : i32
      %gather3A_1668 = tpu.memref_slice %arg6[%gather3A_1664, %gather3A_1665, %gather3A_1666, %gather3A_1667] : memref<6x4x32x128xf32, #tpu.memory_space<vmem>> -> memref<1x1x32x128xf32, #tpu.memory_space<vmem>>
      %gather3A_1669 = tpu.memref_squeeze %gather3A_1668 : memref<1x1x32x128xf32, #tpu.memory_space<vmem>> -> memref<32x128xf32, #tpu.memory_space<vmem>>
      %gather3A_1670 = tpu.vector_load_idx %gather3A_1669[%add3A_1663, %broadcast_in_dim3A_1655] : memref<32x128xf32, #tpu.memory_space<vmem>>[vector<16xi32>, vector<16xi32>], vector<16xf32>,
      tpu.vector_store_idx %arg7[%add3A_1663, %broadcast_in_dim3A_1660], %gather3A_1670 : memref<32x512xf32, #tpu.memory_space<vmem>>[vector<16xi32>, vector<16xi32>], vector<16xf32>,
      %add3A_1671 = arith.constant 16 : i32
      %add3A_1672 = vector.broadcast %add3A_1671 : i32 to vector<16xi32>
      %add3A_1673 = arith.addi %iota3A, %add3A_1672 : vector<16xi32>
      %gather3A_1674 = arith.constant 0 : i32
      %gather3A_1675 = arith.constant 1 : i32
      %gather3A_1676 = arith.constant 0 : i32
      %gather3A_1677 = arith.constant 0 : i32
      %gather3A_1678 = tpu.memref_slice %arg6[%gather3A_1674, %gather3A_1675, %gather3A_1676, %gather3A_1677] : memref<6x4x32x128xf32, #tpu.memory_space<vmem>> -> memref<1x1x32x128xf32, #tpu.memory_space<vmem>>
      %gather3A_1679 = tpu.memref_squeeze %gather3A_1678 : memref<1x1x32x128xf32, #tpu.memory_space<vmem>> -> memref<32x128xf32, #tpu.memory_space<vmem>>
      %gather3A_1680 = tpu.vector_load_idx %gather3A_1679[%add3A_1673, %broadcast_in_dim3A_1655] : memref<32x128xf32, #tpu.memory_space<vmem>>[vector<16xi32>, vector<16xi32>], vector<16xf32>,
      tpu.vector_store_idx %arg7[%add3A_1673, %broadcast_in_dim3A_1660], %gather3A_1680 : memref<32x512xf32, #tpu.memory_space<vmem>>[vector<16xi32>, vector<16xi32>], vector<16xf32>,
      %slice3A_1681 = vector.extract_strided_slice %get3A_1592 {offsets = [2], sizes = [1], strides = [1]} : vector<16xi32> to vector<1xi32>
      %squeeze3A_1682 = vector.extract %slice3A_1681[0] : i32 from vector<1xi32>
      %jit3A_1683 = arith.constant 128 : i32
      %eq3A_1684 = arith.constant 0 : i32
      %eq3A_1685 = arith.cmpi eq, %jit3A_1683, %eq3A_1684 : i32
      %jit3A_1686 = arith.constant 1 : i32
      %select_n3A_1687 = arith.select %eq3A_1685, %jit3A_1686, %jit3A_1683 : i32
      %rem3A_1688 = arith.remsi %squeeze3A_1682, %select_n3A_1687 : i32
      %ne3A_1689 = arith.constant 0 : i32
      %ne3A_1690 = arith.cmpi ne, %rem3A_1688, %ne3A_1689 : i32
      %lt3A_1691 = arith.constant 0 : i32
      %lt3A_1692 = arith.cmpi slt, %rem3A_1688, %lt3A_1691 : i32
      %lt3A_1693 = arith.constant 0 : i32
      %lt3A_1694 = arith.cmpi slt, %select_n3A_1687, %lt3A_1693 : i32
      %ne3A_1695 = arith.xori %lt3A_1692, %lt3A_1694 : i1
      %and3A_1696 = arith.andi %ne3A_1695, %ne3A_1690 : i1
      %add3A_1697 = arith.addi %rem3A_1688, %select_n3A_1687 : i32
      %select_n3A_1698 = arith.select %and3A_1696, %add3A_1697, %rem3A_1688 : i32
      %broadcast_in_dim3A_1699 = vector.broadcast %select_n3A_1698 : i32 to vector<16xi32>
      %mul3A_1700 = arith.constant 4 : i32
      %mul3A_1701 = arith.muli %add3A_1500, %mul3A_1700 : i32
      %add3A_1702 = arith.constant 2 : i32
      %add3A_1703 = arith.addi %mul3A_1701, %add3A_1702 : i32
      %broadcast_in_dim3A_1704 = vector.broadcast %add3A_1703 : i32 to vector<16xi32>
      %add3A_1705 = arith.constant 0 : i32
      %add3A_1706 = vector.broadcast %add3A_1705 : i32 to vector<16xi32>
      %add3A_1707 = arith.addi %iota3A, %add3A_1706 : vector<16xi32>
      %gather3A_1708 = arith.constant 0 : i32
      %gather3A_1709 = arith.constant 2 : i32
      %gather3A_1710 = arith.constant 0 : i32
      %gather3A_1711 = arith.constant 0 : i32
      %gather3A_1712 = tpu.memref_slice %arg6[%gather3A_1708, %gather3A_1709, %gather3A_1710, %gather3A_1711] : memref<6x4x32x128xf32, #tpu.memory_space<vmem>> -> memref<1x1x32x128xf32, #tpu.memory_space<vmem>>
      %gather3A_1713 = tpu.memref_squeeze %gather3A_1712 : memref<1x1x32x128xf32, #tpu.memory_space<vmem>> -> memref<32x128xf32, #tpu.memory_space<vmem>>
      %gather3A_1714 = tpu.vector_load_idx %gather3A_1713[%add3A_1707, %broadcast_in_dim3A_1699] : memref<32x128xf32, #tpu.memory_space<vmem>>[vector<16xi32>, vector<16xi32>], vector<16xf32>,
      tpu.vector_store_idx %arg7[%add3A_1707, %broadcast_in_dim3A_1704], %gather3A_1714 : memref<32x512xf32, #tpu.memory_space<vmem>>[vector<16xi32>, vector<16xi32>], vector<16xf32>,
      %add3A_1715 = arith.constant 16 : i32
      %add3A_1716 = vector.broadcast %add3A_1715 : i32 to vector<16xi32>
      %add3A_1717 = arith.addi %iota3A, %add3A_1716 : vector<16xi32>
      %gather3A_1718 = arith.constant 0 : i32
      %gather3A_1719 = arith.constant 2 : i32
      %gather3A_1720 = arith.constant 0 : i32
      %gather3A_1721 = arith.constant 0 : i32
      %gather3A_1722 = tpu.memref_slice %arg6[%gather3A_1718, %gather3A_1719, %gather3A_1720, %gather3A_1721] : memref<6x4x32x128xf32, #tpu.memory_space<vmem>> -> memref<1x1x32x128xf32, #tpu.memory_space<vmem>>
      %gather3A_1723 = tpu.memref_squeeze %gather3A_1722 : memref<1x1x32x128xf32, #tpu.memory_space<vmem>> -> memref<32x128xf32, #tpu.memory_space<vmem>>
      %gather3A_1724 = tpu.vector_load_idx %gather3A_1723[%add3A_1717, %broadcast_in_dim3A_1699] : memref<32x128xf32, #tpu.memory_space<vmem>>[vector<16xi32>, vector<16xi32>], vector<16xf32>,
      tpu.vector_store_idx %arg7[%add3A_1717, %broadcast_in_dim3A_1704], %gather3A_1724 : memref<32x512xf32, #tpu.memory_space<vmem>>[vector<16xi32>, vector<16xi32>], vector<16xf32>,
      %slice3A_1725 = vector.extract_strided_slice %get3A_1592 {offsets = [3], sizes = [1], strides = [1]} : vector<16xi32> to vector<1xi32>
      %squeeze3A_1726 = vector.extract %slice3A_1725[0] : i32 from vector<1xi32>
      %jit3A_1727 = arith.constant 128 : i32
      %eq3A_1728 = arith.constant 0 : i32
      %eq3A_1729 = arith.cmpi eq, %jit3A_1727, %eq3A_1728 : i32
      %jit3A_1730 = arith.constant 1 : i32
      %select_n3A_1731 = arith.select %eq3A_1729, %jit3A_1730, %jit3A_1727 : i32
      %rem3A_1732 = arith.remsi %squeeze3A_1726, %select_n3A_1731 : i32
      %ne3A_1733 = arith.constant 0 : i32
      %ne3A_1734 = arith.cmpi ne, %rem3A_1732, %ne3A_1733 : i32
      %lt3A_1735 = arith.constant 0 : i32
      %lt3A_1736 = arith.cmpi slt, %rem3A_1732, %lt3A_1735 : i32
      %lt3A_1737 = arith.constant 0 : i32
      %lt3A_1738 = arith.cmpi slt, %select_n3A_1731, %lt3A_1737 : i32
      %ne3A_1739 = arith.xori %lt3A_1736, %lt3A_1738 : i1
      %and3A_1740 = arith.andi %ne3A_1739, %ne3A_1734 : i1
      %add3A_1741 = arith.addi %rem3A_1732, %select_n3A_1731 : i32
      %select_n3A_1742 = arith.select %and3A_1740, %add3A_1741, %rem3A_1732 : i32
      %broadcast_in_dim3A_1743 = vector.broadcast %select_n3A_1742 : i32 to vector<16xi32>
      %mul3A_1744 = arith.constant 4 : i32
      %mul3A_1745 = arith.muli %add3A_1500, %mul3A_1744 : i32
      %add3A_1746 = arith.constant 3 : i32
      %add3A_1747 = arith.addi %mul3A_1745, %add3A_1746 : i32
      %broadcast_in_dim3A_1748 = vector.broadcast %add3A_1747 : i32 to vector<16xi32>
      %add3A_1749 = arith.constant 0 : i32
      %add3A_1750 = vector.broadcast %add3A_1749 : i32 to vector<16xi32>
      %add3A_1751 = arith.addi %iota3A, %add3A_1750 : vector<16xi32>
      %gather3A_1752 = arith.constant 0 : i32
      %gather3A_1753 = arith.constant 3 : i32
      %gather3A_1754 = arith.constant 0 : i32
      %gather3A_1755 = arith.constant 0 : i32
      %gather3A_1756 = tpu.memref_slice %arg6[%gather3A_1752, %gather3A_1753, %gather3A_1754, %gather3A_1755] : memref<6x4x32x128xf32, #tpu.memory_space<vmem>> -> memref<1x1x32x128xf32, #tpu.memory_space<vmem>>
      %gather3A_1757 = tpu.memref_squeeze %gather3A_1756 : memref<1x1x32x128xf32, #tpu.memory_space<vmem>> -> memref<32x128xf32, #tpu.memory_space<vmem>>
      %gather3A_1758 = tpu.vector_load_idx %gather3A_1757[%add3A_1751, %broadcast_in_dim3A_1743] : memref<32x128xf32, #tpu.memory_space<vmem>>[vector<16xi32>, vector<16xi32>], vector<16xf32>,
      tpu.vector_store_idx %arg7[%add3A_1751, %broadcast_in_dim3A_1748], %gather3A_1758 : memref<32x512xf32, #tpu.memory_space<vmem>>[vector<16xi32>, vector<16xi32>], vector<16xf32>,
      %add3A_1759 = arith.constant 16 : i32
      %add3A_1760 = vector.broadcast %add3A_1759 : i32 to vector<16xi32>
      %add3A_1761 = arith.addi %iota3A, %add3A_1760 : vector<16xi32>
      %gather3A_1762 = arith.constant 0 : i32
      %gather3A_1763 = arith.constant 3 : i32
      %gather3A_1764 = arith.constant 0 : i32
      %gather3A_1765 = arith.constant 0 : i32
      %gather3A_1766 = tpu.memref_slice %arg6[%gather3A_1762, %gather3A_1763, %gather3A_1764, %gather3A_1765] : memref<6x4x32x128xf32, #tpu.memory_space<vmem>> -> memref<1x1x32x128xf32, #tpu.memory_space<vmem>>
      %gather3A_1767 = tpu.memref_squeeze %gather3A_1766 : memref<1x1x32x128xf32, #tpu.memory_space<vmem>> -> memref<32x128xf32, #tpu.memory_space<vmem>>
      %gather3A_1768 = tpu.vector_load_idx %gather3A_1767[%add3A_1761, %broadcast_in_dim3A_1743] : memref<32x128xf32, #tpu.memory_space<vmem>>[vector<16xi32>, vector<16xi32>], vector<16xf32>,
      tpu.vector_store_idx %arg7[%add3A_1761, %broadcast_in_dim3A_1748], %gather3A_1768 : memref<32x512xf32, #tpu.memory_space<vmem>>[vector<16xi32>, vector<16xi32>], vector<16xf32>,
      %add3A_1769 = arith.constant 6 : i32
      %add3A_1770 = arith.addi %add3A_1500, %add3A_1769 : i32
      %lt3A_1771 = arith.constant 128 : i32
      %lt3A_1772 = arith.cmpi slt, %add3A_1770, %lt3A_1771 : i32
      %convert_element_type3A = arith.extui %lt3A_1772 : i1 to i32
      %cond3A = arith.constant 0 : i32
      %cond3A_1773 = arith.cmpi ne, %convert_element_type3A, %cond3A : i32
      scf.if %cond3A_1773 {
        %jit3A_3170 = arith.constant 2 : i32
        %div3A_3171 = arith.divsi %add3A_1770, %jit3A_3170 : i32
        %sign3A_3172 = arith.constant 0 : i32
        %sign3A_3173 = arith.cmpi sgt, %add3A_1770, %sign3A_3172 : i32
        %sign3A_3174 = arith.extui %sign3A_3173 : i1 to i32
        %sign3A_3175 = arith.constant 0 : i32
        %sign3A_3176 = arith.cmpi slt, %add3A_1770, %sign3A_3175 : i32
        %sign3A_3177 = arith.extui %sign3A_3176 : i1 to i32
        %sign3A_3178 = arith.subi %sign3A_3174, %sign3A_3177 : i32
        %sign3A_3179 = arith.constant 0 : i32
        %sign3A_3180 = arith.cmpi sgt, %jit3A_3170, %sign3A_3179 : i32
        %sign3A_3181 = arith.extui %sign3A_3180 : i1 to i32
        %sign3A_3182 = arith.constant 0 : i32
        %sign3A_3183 = arith.cmpi slt, %jit3A_3170, %sign3A_3182 : i32
        %sign3A_3184 = arith.extui %sign3A_3183 : i1 to i32
        %sign3A_3185 = arith.subi %sign3A_3181, %sign3A_3184 : i32
        %ne3A_3186 = arith.cmpi ne, %sign3A_3178, %sign3A_3185 : i32
        %rem3A_3187 = arith.remsi %add3A_1770, %jit3A_3170 : i32
        %ne3A_3188 = arith.constant 0 : i32
        %ne3A_3189 = arith.cmpi ne, %rem3A_3187, %ne3A_3188 : i32
        %and3A_3190 = arith.andi %ne3A_3186, %ne3A_3189 : i1
        %sub3A_3191 = arith.constant 1 : i32
        %sub3A_3192 = arith.subi %div3A_3171, %sub3A_3191 : i32
        %select_n3A_3193 = arith.select %and3A_3190, %sub3A_3192, %div3A_3171 : i32
        %mul3A_3194 = arith.constant 8 : i32
        %mul3A_3195 = arith.muli %select_n3A_3193, %mul3A_3194 : i32
        %get3A_3196 = arith.index_cast %mul3A_3195 : i32 to index
        %get3A_3197 = tpu.vector_load %arg5[%get3A_3196] {strides = array<i32>} : memref<528xi32, #tpu.memory_space<vmem>>, vector<16xi32>,
        %slice3A_3198 = vector.extract_strided_slice %get3A_3197 {offsets = [0], sizes = [1], strides = [1]} : vector<16xi32> to vector<1xi32>
        %squeeze3A_3199 = vector.extract %slice3A_3198[0] : i32 from vector<1xi32>
        %jit3A_3200 = arith.constant 128 : i32
        %div3A_3201 = arith.divsi %squeeze3A_3199, %jit3A_3200 : i32
        %sign3A_3202 = arith.constant 0 : i32
        %sign3A_3203 = arith.cmpi sgt, %squeeze3A_3199, %sign3A_3202 : i32
        %sign3A_3204 = arith.extui %sign3A_3203 : i1 to i32
        %sign3A_3205 = arith.constant 0 : i32
        %sign3A_3206 = arith.cmpi slt, %squeeze3A_3199, %sign3A_3205 : i32
        %sign3A_3207 = arith.extui %sign3A_3206 : i1 to i32
        %sign3A_3208 = arith.subi %sign3A_3204, %sign3A_3207 : i32
        %sign3A_3209 = arith.constant 0 : i32
        %sign3A_3210 = arith.cmpi sgt, %jit3A_3200, %sign3A_3209 : i32
        %sign3A_3211 = arith.extui %sign3A_3210 : i1 to i32
        %sign3A_3212 = arith.constant 0 : i32
        %sign3A_3213 = arith.cmpi slt, %jit3A_3200, %sign3A_3212 : i32
        %sign3A_3214 = arith.extui %sign3A_3213 : i1 to i32
        %sign3A_3215 = arith.subi %sign3A_3211, %sign3A_3214 : i32
        %ne3A_3216 = arith.cmpi ne, %sign3A_3208, %sign3A_3215 : i32
        %rem3A_3217 = arith.remsi %squeeze3A_3199, %jit3A_3200 : i32
        %ne3A_3218 = arith.constant 0 : i32
        %ne3A_3219 = arith.cmpi ne, %rem3A_3217, %ne3A_3218 : i32
        %and3A_3220 = arith.andi %ne3A_3216, %ne3A_3219 : i1
        %sub3A_3221 = arith.constant 1 : i32
        %sub3A_3222 = arith.subi %div3A_3201, %sub3A_3221 : i32
        %select_n3A_3223 = arith.select %and3A_3220, %sub3A_3222, %div3A_3201 : i32
        %mul3A_3224 = arith.constant 128 : i32
        %mul3A_3225 = arith.muli %select_n3A_3223, %mul3A_3224 : i32
        %multiple_of3A_3226 = tpu.assume_multiple %mul3A_3225, 128 : i32
        %dma_start3A_3227 = arith.constant 0 : i32
        %dma_start3A_3228 = arith.constant 0 : i32
        %dma_start3A_3229 = arith.constant 0 : i32
        %dma_start3A_3230 = arith.constant 0 : i32
        %dma_start3A_3231 = tpu.memref_slice %arg6[%dma_start3A_3227, %dma_start3A_3228, %dma_start3A_3229, %dma_start3A_3230] : memref<6x4x32x128xf32, #tpu.memory_space<vmem>> -> memref<1x1x32x128xf32, #tpu.memory_space<vmem>>
        %dma_start3A_3232 = tpu.memref_squeeze %dma_start3A_3231 : memref<1x1x32x128xf32, #tpu.memory_space<vmem>> -> memref<32x128xf32, #tpu.memory_space<vmem>>
        %dma_start3A_3233 = arith.constant 0 : i32
        %dma_start3A_3234 = tpu.memref_slice %arg3[%dma_start3A_3233, %multiple_of3A_3226] : memref<32x1000000xf32, #tpu.memory_space<hbm>> -> memref<32x128xf32, #tpu.memory_space<hbm>>
        %dma_start3A_3235 = arith.constant 0 : i32
        %dma_start3A_3236 = arith.constant 0 : i32
        %dma_start3A_3237 = tpu.memref_slice %arg6[%dma_start3A_3227, %dma_start3A_3228, %dma_start3A_3235, %dma_start3A_3236] : memref<6x4x32x128xf32, #tpu.memory_space<vmem>> -> memref<1x1x32x128xf32, #tpu.memory_space<vmem>>
        %dma_start3A_3238 = tpu.memref_squeeze %dma_start3A_3237 : memref<1x1x32x128xf32, #tpu.memory_space<vmem>> -> memref<32x128xf32, #tpu.memory_space<vmem>>
        %dma_start3A_3239 = arith.constant 0 : i32
        %dma_start3A_3240 = tpu.memref_slice %arg3[%dma_start3A_3239, %multiple_of3A_3226] : memref<32x1000000xf32, #tpu.memory_space<hbm>> -> memref<32x128xf32, #tpu.memory_space<hbm>>
        tpu.enqueue_dma source(%dma_start3A_3240 : memref<32x128xf32, #tpu.memory_space<hbm>>) target(%dma_start3A_3238 : memref<32x128xf32, #tpu.memory_space<vmem>>) target_semaphore(%arg8 : memref<!tpu.dma_semaphore, #tpu.memory_space<semaphore_mem>>)
        %slice3A_3241 = vector.extract_strided_slice %get3A_3197 {offsets = [1], sizes = [1], strides = [1]} : vector<16xi32> to vector<1xi32>
        %squeeze3A_3242 = vector.extract %slice3A_3241[0] : i32 from vector<1xi32>
        %jit3A_3243 = arith.constant 128 : i32
        %div3A_3244 = arith.divsi %squeeze3A_3242, %jit3A_3243 : i32
        %sign3A_3245 = arith.constant 0 : i32
        %sign3A_3246 = arith.cmpi sgt, %squeeze3A_3242, %sign3A_3245 : i32
        %sign3A_3247 = arith.extui %sign3A_3246 : i1 to i32
        %sign3A_3248 = arith.constant 0 : i32
        %sign3A_3249 = arith.cmpi slt, %squeeze3A_3242, %sign3A_3248 : i32
        %sign3A_3250 = arith.extui %sign3A_3249 : i1 to i32
        %sign3A_3251 = arith.subi %sign3A_3247, %sign3A_3250 : i32
        %sign3A_3252 = arith.constant 0 : i32
        %sign3A_3253 = arith.cmpi sgt, %jit3A_3243, %sign3A_3252 : i32
        %sign3A_3254 = arith.extui %sign3A_3253 : i1 to i32
        %sign3A_3255 = arith.constant 0 : i32
        %sign3A_3256 = arith.cmpi slt, %jit3A_3243, %sign3A_3255 : i32
        %sign3A_3257 = arith.extui %sign3A_3256 : i1 to i32
        %sign3A_3258 = arith.subi %sign3A_3254, %sign3A_3257 : i32
        %ne3A_3259 = arith.cmpi ne, %sign3A_3251, %sign3A_3258 : i32
        %rem3A_3260 = arith.remsi %squeeze3A_3242, %jit3A_3243 : i32
        %ne3A_3261 = arith.constant 0 : i32
        %ne3A_3262 = arith.cmpi ne, %rem3A_3260, %ne3A_3261 : i32
        %and3A_3263 = arith.andi %ne3A_3259, %ne3A_3262 : i1
        %sub3A_3264 = arith.constant 1 : i32
        %sub3A_3265 = arith.subi %div3A_3244, %sub3A_3264 : i32
        %select_n3A_3266 = arith.select %and3A_3263, %sub3A_3265, %div3A_3244 : i32
        %mul3A_3267 = arith.constant 128 : i32
        %mul3A_3268 = arith.muli %select_n3A_3266, %mul3A_3267 : i32
        %multiple_of3A_3269 = tpu.assume_multiple %mul3A_3268, 128 : i32
        %dma_start3A_3270 = arith.constant 0 : i32
        %dma_start3A_3271 = arith.constant 1 : i32
        %dma_start3A_3272 = arith.constant 0 : i32
        %dma_start3A_3273 = arith.constant 0 : i32
        %dma_start3A_3274 = tpu.memref_slice %arg6[%dma_start3A_3270, %dma_start3A_3271, %dma_start3A_3272, %dma_start3A_3273] : memref<6x4x32x128xf32, #tpu.memory_space<vmem>> -> memref<1x1x32x128xf32, #tpu.memory_space<vmem>>
        %dma_start3A_3275 = tpu.memref_squeeze %dma_start3A_3274 : memref<1x1x32x128xf32, #tpu.memory_space<vmem>> -> memref<32x128xf32, #tpu.memory_space<vmem>>
        %dma_start3A_3276 = arith.constant 0 : i32
        %dma_start3A_3277 = tpu.memref_slice %arg3[%dma_start3A_3276, %multiple_of3A_3269] : memref<32x1000000xf32, #tpu.memory_space<hbm>> -> memref<32x128xf32, #tpu.memory_space<hbm>>
        %dma_start3A_3278 = arith.constant 0 : i32
        %dma_start3A_3279 = arith.constant 0 : i32
        %dma_start3A_3280 = tpu.memref_slice %arg6[%dma_start3A_3270, %dma_start3A_3271, %dma_start3A_3278, %dma_start3A_3279] : memref<6x4x32x128xf32, #tpu.memory_space<vmem>> -> memref<1x1x32x128xf32, #tpu.memory_space<vmem>>
        %dma_start3A_3281 = tpu.memref_squeeze %dma_start3A_3280 : memref<1x1x32x128xf32, #tpu.memory_space<vmem>> -> memref<32x128xf32, #tpu.memory_space<vmem>>
        %dma_start3A_3282 = arith.constant 0 : i32
        %dma_start3A_3283 = tpu.memref_slice %arg3[%dma_start3A_3282, %multiple_of3A_3269] : memref<32x1000000xf32, #tpu.memory_space<hbm>> -> memref<32x128xf32, #tpu.memory_space<hbm>>
        tpu.enqueue_dma source(%dma_start3A_3283 : memref<32x128xf32, #tpu.memory_space<hbm>>) target(%dma_start3A_3281 : memref<32x128xf32, #tpu.memory_space<vmem>>) target_semaphore(%arg8 : memref<!tpu.dma_semaphore, #tpu.memory_space<semaphore_mem>>)
        %slice3A_3284 = vector.extract_strided_slice %get3A_3197 {offsets = [2], sizes = [1], strides = [1]} : vector<16xi32> to vector<1xi32>
        %squeeze3A_3285 = vector.extract %slice3A_3284[0] : i32 from vector<1xi32>
        %jit3A_3286 = arith.constant 128 : i32
        %div3A_3287 = arith.divsi %squeeze3A_3285, %jit3A_3286 : i32
        %sign3A_3288 = arith.constant 0 : i32
        %sign3A_3289 = arith.cmpi sgt, %squeeze3A_3285, %sign3A_3288 : i32
        %sign3A_3290 = arith.extui %sign3A_3289 : i1 to i32
        %sign3A_3291 = arith.constant 0 : i32
        %sign3A_3292 = arith.cmpi slt, %squeeze3A_3285, %sign3A_3291 : i32
        %sign3A_3293 = arith.extui %sign3A_3292 : i1 to i32
        %sign3A_3294 = arith.subi %sign3A_3290, %sign3A_3293 : i32
        %sign3A_3295 = arith.constant 0 : i32
        %sign3A_3296 = arith.cmpi sgt, %jit3A_3286, %sign3A_3295 : i32
        %sign3A_3297 = arith.extui %sign3A_3296 : i1 to i32
        %sign3A_3298 = arith.constant 0 : i32
        %sign3A_3299 = arith.cmpi slt, %jit3A_3286, %sign3A_3298 : i32
        %sign3A_3300 = arith.extui %sign3A_3299 : i1 to i32
        %sign3A_3301 = arith.subi %sign3A_3297, %sign3A_3300 : i32
        %ne3A_3302 = arith.cmpi ne, %sign3A_3294, %sign3A_3301 : i32
        %rem3A_3303 = arith.remsi %squeeze3A_3285, %jit3A_3286 : i32
        %ne3A_3304 = arith.constant 0 : i32
        %ne3A_3305 = arith.cmpi ne, %rem3A_3303, %ne3A_3304 : i32
        %and3A_3306 = arith.andi %ne3A_3302, %ne3A_3305 : i1
        %sub3A_3307 = arith.constant 1 : i32
        %sub3A_3308 = arith.subi %div3A_3287, %sub3A_3307 : i32
        %select_n3A_3309 = arith.select %and3A_3306, %sub3A_3308, %div3A_3287 : i32
        %mul3A_3310 = arith.constant 128 : i32
        %mul3A_3311 = arith.muli %select_n3A_3309, %mul3A_3310 : i32
        %multiple_of3A_3312 = tpu.assume_multiple %mul3A_3311, 128 : i32
        %dma_start3A_3313 = arith.constant 0 : i32
        %dma_start3A_3314 = arith.constant 2 : i32
        %dma_start3A_3315 = arith.constant 0 : i32
        %dma_start3A_3316 = arith.constant 0 : i32
        %dma_start3A_3317 = tpu.memref_slice %arg6[%dma_start3A_3313, %dma_start3A_3314, %dma_start3A_3315, %dma_start3A_3316] : memref<6x4x32x128xf32, #tpu.memory_space<vmem>> -> memref<1x1x32x128xf32, #tpu.memory_space<vmem>>
        %dma_start3A_3318 = tpu.memref_squeeze %dma_start3A_3317 : memref<1x1x32x128xf32, #tpu.memory_space<vmem>> -> memref<32x128xf32, #tpu.memory_space<vmem>>
        %dma_start3A_3319 = arith.constant 0 : i32
        %dma_start3A_3320 = tpu.memref_slice %arg3[%dma_start3A_3319, %multiple_of3A_3312] : memref<32x1000000xf32, #tpu.memory_space<hbm>> -> memref<32x128xf32, #tpu.memory_space<hbm>>
        %dma_start3A_3321 = arith.constant 0 : i32
        %dma_start3A_3322 = arith.constant 0 : i32
        %dma_start3A_3323 = tpu.memref_slice %arg6[%dma_start3A_3313, %dma_start3A_3314, %dma_start3A_3321, %dma_start3A_3322] : memref<6x4x32x128xf32, #tpu.memory_space<vmem>> -> memref<1x1x32x128xf32, #tpu.memory_space<vmem>>
        %dma_start3A_3324 = tpu.memref_squeeze %dma_start3A_3323 : memref<1x1x32x128xf32, #tpu.memory_space<vmem>> -> memref<32x128xf32, #tpu.memory_space<vmem>>
        %dma_start3A_3325 = arith.constant 0 : i32
        %dma_start3A_3326 = tpu.memref_slice %arg3[%dma_start3A_3325, %multiple_of3A_3312] : memref<32x1000000xf32, #tpu.memory_space<hbm>> -> memref<32x128xf32, #tpu.memory_space<hbm>>
        tpu.enqueue_dma source(%dma_start3A_3326 : memref<32x128xf32, #tpu.memory_space<hbm>>) target(%dma_start3A_3324 : memref<32x128xf32, #tpu.memory_space<vmem>>) target_semaphore(%arg8 : memref<!tpu.dma_semaphore, #tpu.memory_space<semaphore_mem>>)
        %slice3A_3327 = vector.extract_strided_slice %get3A_3197 {offsets = [3], sizes = [1], strides = [1]} : vector<16xi32> to vector<1xi32>
        %squeeze3A_3328 = vector.extract %slice3A_3327[0] : i32 from vector<1xi32>
        %jit3A_3329 = arith.constant 128 : i32
        %div3A_3330 = arith.divsi %squeeze3A_3328, %jit3A_3329 : i32
        %sign3A_3331 = arith.constant 0 : i32
        %sign3A_3332 = arith.cmpi sgt, %squeeze3A_3328, %sign3A_3331 : i32
        %sign3A_3333 = arith.extui %sign3A_3332 : i1 to i32
        %sign3A_3334 = arith.constant 0 : i32
        %sign3A_3335 = arith.cmpi slt, %squeeze3A_3328, %sign3A_3334 : i32
        %sign3A_3336 = arith.extui %sign3A_3335 : i1 to i32
        %sign3A_3337 = arith.subi %sign3A_3333, %sign3A_3336 : i32
        %sign3A_3338 = arith.constant 0 : i32
        %sign3A_3339 = arith.cmpi sgt, %jit3A_3329, %sign3A_3338 : i32
        %sign3A_3340 = arith.extui %sign3A_3339 : i1 to i32
        %sign3A_3341 = arith.constant 0 : i32
        %sign3A_3342 = arith.cmpi slt, %jit3A_3329, %sign3A_3341 : i32
        %sign3A_3343 = arith.extui %sign3A_3342 : i1 to i32
        %sign3A_3344 = arith.subi %sign3A_3340, %sign3A_3343 : i32
        %ne3A_3345 = arith.cmpi ne, %sign3A_3337, %sign3A_3344 : i32
        %rem3A_3346 = arith.remsi %squeeze3A_3328, %jit3A_3329 : i32
        %ne3A_3347 = arith.constant 0 : i32
        %ne3A_3348 = arith.cmpi ne, %rem3A_3346, %ne3A_3347 : i32
        %and3A_3349 = arith.andi %ne3A_3345, %ne3A_3348 : i1
        %sub3A_3350 = arith.constant 1 : i32
        %sub3A_3351 = arith.subi %div3A_3330, %sub3A_3350 : i32
        %select_n3A_3352 = arith.select %and3A_3349, %sub3A_3351, %div3A_3330 : i32
        %mul3A_3353 = arith.constant 128 : i32
        %mul3A_3354 = arith.muli %select_n3A_3352, %mul3A_3353 : i32
        %multiple_of3A_3355 = tpu.assume_multiple %mul3A_3354, 128 : i32
        %dma_start3A_3356 = arith.constant 0 : i32
        %dma_start3A_3357 = arith.constant 3 : i32
        %dma_start3A_3358 = arith.constant 0 : i32
        %dma_start3A_3359 = arith.constant 0 : i32
        %dma_start3A_3360 = tpu.memref_slice %arg6[%dma_start3A_3356, %dma_start3A_3357, %dma_start3A_3358, %dma_start3A_3359] : memref<6x4x32x128xf32, #tpu.memory_space<vmem>> -> memref<1x1x32x128xf32, #tpu.memory_space<vmem>>
        %dma_start3A_3361 = tpu.memref_squeeze %dma_start3A_3360 : memref<1x1x32x128xf32, #tpu.memory_space<vmem>> -> memref<32x128xf32, #tpu.memory_space<vmem>>
        %dma_start3A_3362 = arith.constant 0 : i32
        %dma_start3A_3363 = tpu.memref_slice %arg3[%dma_start3A_3362, %multiple_of3A_3355] : memref<32x1000000xf32, #tpu.memory_space<hbm>> -> memref<32x128xf32, #tpu.memory_space<hbm>>
        %dma_start3A_3364 = arith.constant 0 : i32
        %dma_start3A_3365 = arith.constant 0 : i32
        %dma_start3A_3366 = tpu.memref_slice %arg6[%dma_start3A_3356, %dma_start3A_3357, %dma_start3A_3364, %dma_start3A_3365] : memref<6x4x32x128xf32, #tpu.memory_space<vmem>> -> memref<1x1x32x128xf32, #tpu.memory_space<vmem>>
        %dma_start3A_3367 = tpu.memref_squeeze %dma_start3A_3366 : memref<1x1x32x128xf32, #tpu.memory_space<vmem>> -> memref<32x128xf32, #tpu.memory_space<vmem>>
        %dma_start3A_3368 = arith.constant 0 : i32
        %dma_start3A_3369 = tpu.memref_slice %arg3[%dma_start3A_3368, %multiple_of3A_3355] : memref<32x1000000xf32, #tpu.memory_space<hbm>> -> memref<32x128xf32, #tpu.memory_space<hbm>>
        tpu.enqueue_dma source(%dma_start3A_3369 : memref<32x128xf32, #tpu.memory_space<hbm>>) target(%dma_start3A_3367 : memref<32x128xf32, #tpu.memory_space<vmem>>) target_semaphore(%arg8 : memref<!tpu.dma_semaphore, #tpu.memory_space<semaphore_mem>>)
      } else {
      }
      %mul3A_1774 = arith.constant 6 : i32
      %mul3A_1775 = arith.muli %scan3A_1495, %mul3A_1774 : i32
      %add3A_1776 = arith.constant 1 : i32
      %add3A_1777 = arith.addi %mul3A_1775, %add3A_1776 : i32
      %dma_wait3A_1778 = arith.constant 1 : i32
      %dma_wait3A_1779 = arith.constant 0 : i32
      %dma_wait3A_1780 = arith.constant 0 : i32
      %dma_wait3A_1781 = arith.constant 0 : i32
      %dma_wait3A_1782 = tpu.memref_slice %arg6[%dma_wait3A_1778, %dma_wait3A_1779, %dma_wait3A_1780, %dma_wait3A_1781] : memref<6x4x32x128xf32, #tpu.memory_space<vmem>> -> memref<1x1x32x128xf32, #tpu.memory_space<vmem>>
      %dma_wait3A_1783 = tpu.memref_squeeze %dma_wait3A_1782 : memref<1x1x32x128xf32, #tpu.memory_space<vmem>> -> memref<32x128xf32, #tpu.memory_space<vmem>>
      %dma_wait3A_1784 = arith.constant 0 : i32
      %dma_wait3A_1785 = arith.constant 0 : i32
      %dma_wait3A_1786 = tpu.memref_slice %arg3[%dma_wait3A_1784, %dma_wait3A_1785] : memref<32x1000000xf32, #tpu.memory_space<hbm>> -> memref<32x128xf32, #tpu.memory_space<hbm>>
      %dma_wait3A_1787 = arith.constant 0 : i32
      %dma_wait3A_1788 = arith.constant 0 : i32
      %dma_wait3A_1789 = tpu.memref_slice %arg6[%dma_wait3A_1778, %dma_wait3A_1779, %dma_wait3A_1787, %dma_wait3A_1788] : memref<6x4x32x128xf32, #tpu.memory_space<vmem>> -> memref<1x1x32x128xf32, #tpu.memory_space<vmem>>
      %dma_wait3A_1790 = tpu.memref_squeeze %dma_wait3A_1789 : memref<1x1x32x128xf32, #tpu.memory_space<vmem>> -> memref<32x128xf32, #tpu.memory_space<vmem>>
      %dma_wait3A_1791 = arith.constant 0 : i32
      %dma_wait3A_1792 = arith.constant 0 : i32
      %dma_wait3A_1793 = tpu.memref_slice %arg3[%dma_wait3A_1791, %dma_wait3A_1792] : memref<32x1000000xf32, #tpu.memory_space<hbm>> -> memref<32x128xf32, #tpu.memory_space<hbm>>
      tpu.wait_dma2 semaphore(%arg9 : memref<!tpu.dma_semaphore, #tpu.memory_space<semaphore_mem>>) src(%dma_wait3A_1793 : memref<32x128xf32, #tpu.memory_space<hbm>>) dst(%dma_wait3A_1790 : memref<32x128xf32, #tpu.memory_space<vmem>>)
      %dma_wait3A_1794 = arith.constant 1 : i32
      %dma_wait3A_1795 = arith.constant 1 : i32
      %dma_wait3A_1796 = arith.constant 0 : i32
      %dma_wait3A_1797 = arith.constant 0 : i32
      %dma_wait3A_1798 = tpu.memref_slice %arg6[%dma_wait3A_1794, %dma_wait3A_1795, %dma_wait3A_1796, %dma_wait3A_1797] : memref<6x4x32x128xf32, #tpu.memory_space<vmem>> -> memref<1x1x32x128xf32, #tpu.memory_space<vmem>>
      %dma_wait3A_1799 = tpu.memref_squeeze %dma_wait3A_1798 : memref<1x1x32x128xf32, #tpu.memory_space<vmem>> -> memref<32x128xf32, #tpu.memory_space<vmem>>
      %dma_wait3A_1800 = arith.constant 0 : i32
      %dma_wait3A_1801 = arith.constant 0 : i32
      %dma_wait3A_1802 = tpu.memref_slice %arg3[%dma_wait3A_1800, %dma_wait3A_1801] : memref<32x1000000xf32, #tpu.memory_space<hbm>> -> memref<32x128xf32, #tpu.memory_space<hbm>>
      %dma_wait3A_1803 = arith.constant 0 : i32
      %dma_wait3A_1804 = arith.constant 0 : i32
      %dma_wait3A_1805 = tpu.memref_slice %arg6[%dma_wait3A_1794, %dma_wait3A_1795, %dma_wait3A_1803, %dma_wait3A_1804] : memref<6x4x32x128xf32, #tpu.memory_space<vmem>> -> memref<1x1x32x128xf32, #tpu.memory_space<vmem>>
      %dma_wait3A_1806 = tpu.memref_squeeze %dma_wait3A_1805 : memref<1x1x32x128xf32, #tpu.memory_space<vmem>> -> memref<32x128xf32, #tpu.memory_space<vmem>>
      %dma_wait3A_1807 = arith.constant 0 : i32
      %dma_wait3A_1808 = arith.constant 0 : i32
      %dma_wait3A_1809 = tpu.memref_slice %arg3[%dma_wait3A_1807, %dma_wait3A_1808] : memref<32x1000000xf32, #tpu.memory_space<hbm>> -> memref<32x128xf32, #tpu.memory_space<hbm>>
      tpu.wait_dma2 semaphore(%arg9 : memref<!tpu.dma_semaphore, #tpu.memory_space<semaphore_mem>>) src(%dma_wait3A_1809 : memref<32x128xf32, #tpu.memory_space<hbm>>) dst(%dma_wait3A_1806 : memref<32x128xf32, #tpu.memory_space<vmem>>)
      %dma_wait3A_1810 = arith.constant 1 : i32
      %dma_wait3A_1811 = arith.constant 2 : i32
      %dma_wait3A_1812 = arith.constant 0 : i32
      %dma_wait3A_1813 = arith.constant 0 : i32
      %dma_wait3A_1814 = tpu.memref_slice %arg6[%dma_wait3A_1810, %dma_wait3A_1811, %dma_wait3A_1812, %dma_wait3A_1813] : memref<6x4x32x128xf32, #tpu.memory_space<vmem>> -> memref<1x1x32x128xf32, #tpu.memory_space<vmem>>
      %dma_wait3A_1815 = tpu.memref_squeeze %dma_wait3A_1814 : memref<1x1x32x128xf32, #tpu.memory_space<vmem>> -> memref<32x128xf32, #tpu.memory_space<vmem>>
      %dma_wait3A_1816 = arith.constant 0 : i32
      %dma_wait3A_1817 = arith.constant 0 : i32
      %dma_wait3A_1818 = tpu.memref_slice %arg3[%dma_wait3A_1816, %dma_wait3A_1817] : memref<32x1000000xf32, #tpu.memory_space<hbm>> -> memref<32x128xf32, #tpu.memory_space<hbm>>
      %dma_wait3A_1819 = arith.constant 0 : i32
      %dma_wait3A_1820 = arith.constant 0 : i32
      %dma_wait3A_1821 = tpu.memref_slice %arg6[%dma_wait3A_1810, %dma_wait3A_1811, %dma_wait3A_1819, %dma_wait3A_1820] : memref<6x4x32x128xf32, #tpu.memory_space<vmem>> -> memref<1x1x32x128xf32, #tpu.memory_space<vmem>>
      %dma_wait3A_1822 = tpu.memref_squeeze %dma_wait3A_1821 : memref<1x1x32x128xf32, #tpu.memory_space<vmem>> -> memref<32x128xf32, #tpu.memory_space<vmem>>
      %dma_wait3A_1823 = arith.constant 0 : i32
      %dma_wait3A_1824 = arith.constant 0 : i32
      %dma_wait3A_1825 = tpu.memref_slice %arg3[%dma_wait3A_1823, %dma_wait3A_1824] : memref<32x1000000xf32, #tpu.memory_space<hbm>> -> memref<32x128xf32, #tpu.memory_space<hbm>>
      tpu.wait_dma2 semaphore(%arg9 : memref<!tpu.dma_semaphore, #tpu.memory_space<semaphore_mem>>) src(%dma_wait3A_1825 : memref<32x128xf32, #tpu.memory_space<hbm>>) dst(%dma_wait3A_1822 : memref<32x128xf32, #tpu.memory_space<vmem>>)
      %dma_wait3A_1826 = arith.constant 1 : i32
      %dma_wait3A_1827 = arith.constant 3 : i32
      %dma_wait3A_1828 = arith.constant 0 : i32
      %dma_wait3A_1829 = arith.constant 0 : i32
      %dma_wait3A_1830 = tpu.memref_slice %arg6[%dma_wait3A_1826, %dma_wait3A_1827, %dma_wait3A_1828, %dma_wait3A_1829] : memref<6x4x32x128xf32, #tpu.memory_space<vmem>> -> memref<1x1x32x128xf32, #tpu.memory_space<vmem>>
      %dma_wait3A_1831 = tpu.memref_squeeze %dma_wait3A_1830 : memref<1x1x32x128xf32, #tpu.memory_space<vmem>> -> memref<32x128xf32, #tpu.memory_space<vmem>>
      %dma_wait3A_1832 = arith.constant 0 : i32
      %dma_wait3A_1833 = arith.constant 0 : i32
      %dma_wait3A_1834 = tpu.memref_slice %arg3[%dma_wait3A_1832, %dma_wait3A_1833] : memref<32x1000000xf32, #tpu.memory_space<hbm>> -> memref<32x128xf32, #tpu.memory_space<hbm>>
      %dma_wait3A_1835 = arith.constant 0 : i32
      %dma_wait3A_1836 = arith.constant 0 : i32
      %dma_wait3A_1837 = tpu.memref_slice %arg6[%dma_wait3A_1826, %dma_wait3A_1827, %dma_wait3A_1835, %dma_wait3A_1836] : memref<6x4x32x128xf32, #tpu.memory_space<vmem>> -> memref<1x1x32x128xf32, #tpu.memory_space<vmem>>
      %dma_wait3A_1838 = tpu.memref_squeeze %dma_wait3A_1837 : memref<1x1x32x128xf32, #tpu.memory_space<vmem>> -> memref<32x128xf32, #tpu.memory_space<vmem>>
      %dma_wait3A_1839 = arith.constant 0 : i32
      %dma_wait3A_1840 = arith.constant 0 : i32
      %dma_wait3A_1841 = tpu.memref_slice %arg3[%dma_wait3A_1839, %dma_wait3A_1840] : memref<32x1000000xf32, #tpu.memory_space<hbm>> -> memref<32x128xf32, #tpu.memory_space<hbm>>
      tpu.wait_dma2 semaphore(%arg9 : memref<!tpu.dma_semaphore, #tpu.memory_space<semaphore_mem>>) src(%dma_wait3A_1841 : memref<32x128xf32, #tpu.memory_space<hbm>>) dst(%dma_wait3A_1838 : memref<32x128xf32, #tpu.memory_space<vmem>>)
      %jit3A_1842 = arith.constant 2 : i32
      %div3A_1843 = arith.divsi %add3A_1777, %jit3A_1842 : i32
      %sign3A_1844 = arith.constant 0 : i32
      %sign3A_1845 = arith.cmpi sgt, %add3A_1777, %sign3A_1844 : i32
      %sign3A_1846 = arith.extui %sign3A_1845 : i1 to i32
      %sign3A_1847 = arith.constant 0 : i32
      %sign3A_1848 = arith.cmpi slt, %add3A_1777, %sign3A_1847 : i32
      %sign3A_1849 = arith.extui %sign3A_1848 : i1 to i32
      %sign3A_1850 = arith.subi %sign3A_1846, %sign3A_1849 : i32
      %sign3A_1851 = arith.constant 0 : i32
      %sign3A_1852 = arith.cmpi sgt, %jit3A_1842, %sign3A_1851 : i32
      %sign3A_1853 = arith.extui %sign3A_1852 : i1 to i32
      %sign3A_1854 = arith.constant 0 : i32
      %sign3A_1855 = arith.cmpi slt, %jit3A_1842, %sign3A_1854 : i32
      %sign3A_1856 = arith.extui %sign3A_1855 : i1 to i32
      %sign3A_1857 = arith.subi %sign3A_1853, %sign3A_1856 : i32
      %ne3A_1858 = arith.cmpi ne, %sign3A_1850, %sign3A_1857 : i32
      %rem3A_1859 = arith.remsi %add3A_1777, %jit3A_1842 : i32
      %ne3A_1860 = arith.constant 0 : i32
      %ne3A_1861 = arith.cmpi ne, %rem3A_1859, %ne3A_1860 : i32
      %and3A_1862 = arith.andi %ne3A_1858, %ne3A_1861 : i1
      %sub3A_1863 = arith.constant 1 : i32
      %sub3A_1864 = arith.subi %div3A_1843, %sub3A_1863 : i32
      %select_n3A_1865 = arith.select %and3A_1862, %sub3A_1864, %div3A_1843 : i32
      %mul3A_1866 = arith.constant 8 : i32
      %mul3A_1867 = arith.muli %select_n3A_1865, %mul3A_1866 : i32
      %get3A_1868 = arith.index_cast %mul3A_1867 : i32 to index
      %get3A_1869 = tpu.vector_load %arg5[%get3A_1868] {strides = array<i32>} : memref<528xi32, #tpu.memory_space<vmem>>, vector<16xi32>,
      %slice3A_1870 = vector.extract_strided_slice %get3A_1869 {offsets = [4], sizes = [1], strides = [1]} : vector<16xi32> to vector<1xi32>
      %squeeze3A_1871 = vector.extract %slice3A_1870[0] : i32 from vector<1xi32>
      %jit3A_1872 = arith.constant 128 : i32
      %eq3A_1873 = arith.constant 0 : i32
      %eq3A_1874 = arith.cmpi eq, %jit3A_1872, %eq3A_1873 : i32
      %jit3A_1875 = arith.constant 1 : i32
      %select_n3A_1876 = arith.select %eq3A_1874, %jit3A_1875, %jit3A_1872 : i32
      %rem3A_1877 = arith.remsi %squeeze3A_1871, %select_n3A_1876 : i32
      %ne3A_1878 = arith.constant 0 : i32
      %ne3A_1879 = arith.cmpi ne, %rem3A_1877, %ne3A_1878 : i32
      %lt3A_1880 = arith.constant 0 : i32
      %lt3A_1881 = arith.cmpi slt, %rem3A_1877, %lt3A_1880 : i32
      %lt3A_1882 = arith.constant 0 : i32
      %lt3A_1883 = arith.cmpi slt, %select_n3A_1876, %lt3A_1882 : i32
      %ne3A_1884 = arith.xori %lt3A_1881, %lt3A_1883 : i1
      %and3A_1885 = arith.andi %ne3A_1884, %ne3A_1879 : i1
      %add3A_1886 = arith.addi %rem3A_1877, %select_n3A_1876 : i32
      %select_n3A_1887 = arith.select %and3A_1885, %add3A_1886, %rem3A_1877 : i32
      %broadcast_in_dim3A_1888 = vector.broadcast %select_n3A_1887 : i32 to vector<16xi32>
      %mul3A_1889 = arith.constant 4 : i32
      %mul3A_1890 = arith.muli %add3A_1777, %mul3A_1889 : i32
      %add3A_1891 = arith.constant 0 : i32
      %add3A_1892 = arith.addi %mul3A_1890, %add3A_1891 : i32
      %broadcast_in_dim3A_1893 = vector.broadcast %add3A_1892 : i32 to vector<16xi32>
      %add3A_1894 = arith.constant 0 : i32
      %add3A_1895 = vector.broadcast %add3A_1894 : i32 to vector<16xi32>
      %add3A_1896 = arith.addi %iota3A, %add3A_1895 : vector<16xi32>
      %gather3A_1897 = arith.constant 1 : i32
      %gather3A_1898 = arith.constant 0 : i32
      %gather3A_1899 = arith.constant 0 : i32
      %gather3A_1900 = arith.constant 0 : i32
      %gather3A_1901 = tpu.memref_slice %arg6[%gather3A_1897, %gather3A_1898, %gather3A_1899, %gather3A_1900] : memref<6x4x32x128xf32, #tpu.memory_space<vmem>> -> memref<1x1x32x128xf32, #tpu.memory_space<vmem>>
      %gather3A_1902 = tpu.memref_squeeze %gather3A_1901 : memref<1x1x32x128xf32, #tpu.memory_space<vmem>> -> memref<32x128xf32, #tpu.memory_space<vmem>>
      %gather3A_1903 = tpu.vector_load_idx %gather3A_1902[%add3A_1896, %broadcast_in_dim3A_1888] : memref<32x128xf32, #tpu.memory_space<vmem>>[vector<16xi32>, vector<16xi32>], vector<16xf32>,
      tpu.vector_store_idx %arg7[%add3A_1896, %broadcast_in_dim3A_1893], %gather3A_1903 : memref<32x512xf32, #tpu.memory_space<vmem>>[vector<16xi32>, vector<16xi32>], vector<16xf32>,
      %add3A_1904 = arith.constant 16 : i32
      %add3A_1905 = vector.broadcast %add3A_1904 : i32 to vector<16xi32>
      %add3A_1906 = arith.addi %iota3A, %add3A_1905 : vector<16xi32>
      %gather3A_1907 = arith.constant 1 : i32
      %gather3A_1908 = arith.constant 0 : i32
      %gather3A_1909 = arith.constant 0 : i32
      %gather3A_1910 = arith.constant 0 : i32
      %gather3A_1911 = tpu.memref_slice %arg6[%gather3A_1907, %gather3A_1908, %gather3A_1909, %gather3A_1910] : memref<6x4x32x128xf32, #tpu.memory_space<vmem>> -> memref<1x1x32x128xf32, #tpu.memory_space<vmem>>
      %gather3A_1912 = tpu.memref_squeeze %gather3A_1911 : memref<1x1x32x128xf32, #tpu.memory_space<vmem>> -> memref<32x128xf32, #tpu.memory_space<vmem>>
      %gather3A_1913 = tpu.vector_load_idx %gather3A_1912[%add3A_1906, %broadcast_in_dim3A_1888] : memref<32x128xf32, #tpu.memory_space<vmem>>[vector<16xi32>, vector<16xi32>], vector<16xf32>,
      tpu.vector_store_idx %arg7[%add3A_1906, %broadcast_in_dim3A_1893], %gather3A_1913 : memref<32x512xf32, #tpu.memory_space<vmem>>[vector<16xi32>, vector<16xi32>], vector<16xf32>,
      %slice3A_1914 = vector.extract_strided_slice %get3A_1869 {offsets = [5], sizes = [1], strides = [1]} : vector<16xi32> to vector<1xi32>
      %squeeze3A_1915 = vector.extract %slice3A_1914[0] : i32 from vector<1xi32>
      %jit3A_1916 = arith.constant 128 : i32
      %eq3A_1917 = arith.constant 0 : i32
      %eq3A_1918 = arith.cmpi eq, %jit3A_1916, %eq3A_1917 : i32
      %jit3A_1919 = arith.constant 1 : i32
      %select_n3A_1920 = arith.select %eq3A_1918, %jit3A_1919, %jit3A_1916 : i32
      %rem3A_1921 = arith.remsi %squeeze3A_1915, %select_n3A_1920 : i32
      %ne3A_1922 = arith.constant 0 : i32
      %ne3A_1923 = arith.cmpi ne, %rem3A_1921, %ne3A_1922 : i32
      %lt3A_1924 = arith.constant 0 : i32
      %lt3A_1925 = arith.cmpi slt, %rem3A_1921, %lt3A_1924 : i32
      %lt3A_1926 = arith.constant 0 : i32
      %lt3A_1927 = arith.cmpi slt, %select_n3A_1920, %lt3A_1926 : i32
      %ne3A_1928 = arith.xori %lt3A_1925, %lt3A_1927 : i1
      %and3A_1929 = arith.andi %ne3A_1928, %ne3A_1923 : i1
      %add3A_1930 = arith.addi %rem3A_1921, %select_n3A_1920 : i32
      %select_n3A_1931 = arith.select %and3A_1929, %add3A_1930, %rem3A_1921 : i32
      %broadcast_in_dim3A_1932 = vector.broadcast %select_n3A_1931 : i32 to vector<16xi32>
      %mul3A_1933 = arith.constant 4 : i32
      %mul3A_1934 = arith.muli %add3A_1777, %mul3A_1933 : i32
      %add3A_1935 = arith.constant 1 : i32
      %add3A_1936 = arith.addi %mul3A_1934, %add3A_1935 : i32
      %broadcast_in_dim3A_1937 = vector.broadcast %add3A_1936 : i32 to vector<16xi32>
      %add3A_1938 = arith.constant 0 : i32
      %add3A_1939 = vector.broadcast %add3A_1938 : i32 to vector<16xi32>
      %add3A_1940 = arith.addi %iota3A, %add3A_1939 : vector<16xi32>
      %gather3A_1941 = arith.constant 1 : i32
      %gather3A_1942 = arith.constant 1 : i32
      %gather3A_1943 = arith.constant 0 : i32
      %gather3A_1944 = arith.constant 0 : i32
      %gather3A_1945 = tpu.memref_slice %arg6[%gather3A_1941, %gather3A_1942, %gather3A_1943, %gather3A_1944] : memref<6x4x32x128xf32, #tpu.memory_space<vmem>> -> memref<1x1x32x128xf32, #tpu.memory_space<vmem>>
      %gather3A_1946 = tpu.memref_squeeze %gather3A_1945 : memref<1x1x32x128xf32, #tpu.memory_space<vmem>> -> memref<32x128xf32, #tpu.memory_space<vmem>>
      %gather3A_1947 = tpu.vector_load_idx %gather3A_1946[%add3A_1940, %broadcast_in_dim3A_1932] : memref<32x128xf32, #tpu.memory_space<vmem>>[vector<16xi32>, vector<16xi32>], vector<16xf32>,
      tpu.vector_store_idx %arg7[%add3A_1940, %broadcast_in_dim3A_1937], %gather3A_1947 : memref<32x512xf32, #tpu.memory_space<vmem>>[vector<16xi32>, vector<16xi32>], vector<16xf32>,
      %add3A_1948 = arith.constant 16 : i32
      %add3A_1949 = vector.broadcast %add3A_1948 : i32 to vector<16xi32>
      %add3A_1950 = arith.addi %iota3A, %add3A_1949 : vector<16xi32>
      %gather3A_1951 = arith.constant 1 : i32
      %gather3A_1952 = arith.constant 1 : i32
      %gather3A_1953 = arith.constant 0 : i32
      %gather3A_1954 = arith.constant 0 : i32
      %gather3A_1955 = tpu.memref_slice %arg6[%gather3A_1951, %gather3A_1952, %gather3A_1953, %gather3A_1954] : memref<6x4x32x128xf32, #tpu.memory_space<vmem>> -> memref<1x1x32x128xf32, #tpu.memory_space<vmem>>
      %gather3A_1956 = tpu.memref_squeeze %gather3A_1955 : memref<1x1x32x128xf32, #tpu.memory_space<vmem>> -> memref<32x128xf32, #tpu.memory_space<vmem>>
      %gather3A_1957 = tpu.vector_load_idx %gather3A_1956[%add3A_1950, %broadcast_in_dim3A_1932] : memref<32x128xf32, #tpu.memory_space<vmem>>[vector<16xi32>, vector<16xi32>], vector<16xf32>,
      tpu.vector_store_idx %arg7[%add3A_1950, %broadcast_in_dim3A_1937], %gather3A_1957 : memref<32x512xf32, #tpu.memory_space<vmem>>[vector<16xi32>, vector<16xi32>], vector<16xf32>,
      %slice3A_1958 = vector.extract_strided_slice %get3A_1869 {offsets = [6], sizes = [1], strides = [1]} : vector<16xi32> to vector<1xi32>
      %squeeze3A_1959 = vector.extract %slice3A_1958[0] : i32 from vector<1xi32>
      %jit3A_1960 = arith.constant 128 : i32
      %eq3A_1961 = arith.constant 0 : i32
      %eq3A_1962 = arith.cmpi eq, %jit3A_1960, %eq3A_1961 : i32
      %jit3A_1963 = arith.constant 1 : i32
      %select_n3A_1964 = arith.select %eq3A_1962, %jit3A_1963, %jit3A_1960 : i32
      %rem3A_1965 = arith.remsi %squeeze3A_1959, %select_n3A_1964 : i32
      %ne3A_1966 = arith.constant 0 : i32
      %ne3A_1967 = arith.cmpi ne, %rem3A_1965, %ne3A_1966 : i32
      %lt3A_1968 = arith.constant 0 : i32
      %lt3A_1969 = arith.cmpi slt, %rem3A_1965, %lt3A_1968 : i32
      %lt3A_1970 = arith.constant 0 : i32
      %lt3A_1971 = arith.cmpi slt, %select_n3A_1964, %lt3A_1970 : i32
      %ne3A_1972 = arith.xori %lt3A_1969, %lt3A_1971 : i1
      %and3A_1973 = arith.andi %ne3A_1972, %ne3A_1967 : i1
      %add3A_1974 = arith.addi %rem3A_1965, %select_n3A_1964 : i32
      %select_n3A_1975 = arith.select %and3A_1973, %add3A_1974, %rem3A_1965 : i32
      %broadcast_in_dim3A_1976 = vector.broadcast %select_n3A_1975 : i32 to vector<16xi32>
      %mul3A_1977 = arith.constant 4 : i32
      %mul3A_1978 = arith.muli %add3A_1777, %mul3A_1977 : i32
      %add3A_1979 = arith.constant 2 : i32
      %add3A_1980 = arith.addi %mul3A_1978, %add3A_1979 : i32
      %broadcast_in_dim3A_1981 = vector.broadcast %add3A_1980 : i32 to vector<16xi32>
      %add3A_1982 = arith.constant 0 : i32
      %add3A_1983 = vector.broadcast %add3A_1982 : i32 to vector<16xi32>
      %add3A_1984 = arith.addi %iota3A, %add3A_1983 : vector<16xi32>
      %gather3A_1985 = arith.constant 1 : i32
      %gather3A_1986 = arith.constant 2 : i32
      %gather3A_1987 = arith.constant 0 : i32
      %gather3A_1988 = arith.constant 0 : i32
      %gather3A_1989 = tpu.memref_slice %arg6[%gather3A_1985, %gather3A_1986, %gather3A_1987, %gather3A_1988] : memref<6x4x32x128xf32, #tpu.memory_space<vmem>> -> memref<1x1x32x128xf32, #tpu.memory_space<vmem>>
      %gather3A_1990 = tpu.memref_squeeze %gather3A_1989 : memref<1x1x32x128xf32, #tpu.memory_space<vmem>> -> memref<32x128xf32, #tpu.memory_space<vmem>>
      %gather3A_1991 = tpu.vector_load_idx %gather3A_1990[%add3A_1984, %broadcast_in_dim3A_1976] : memref<32x128xf32, #tpu.memory_space<vmem>>[vector<16xi32>, vector<16xi32>], vector<16xf32>,
      tpu.vector_store_idx %arg7[%add3A_1984, %broadcast_in_dim3A_1981], %gather3A_1991 : memref<32x512xf32, #tpu.memory_space<vmem>>[vector<16xi32>, vector<16xi32>], vector<16xf32>,
      %add3A_1992 = arith.constant 16 : i32
      %add3A_1993 = vector.broadcast %add3A_1992 : i32 to vector<16xi32>
      %add3A_1994 = arith.addi %iota3A, %add3A_1993 : vector<16xi32>
      %gather3A_1995 = arith.constant 1 : i32
      %gather3A_1996 = arith.constant 2 : i32
      %gather3A_1997 = arith.constant 0 : i32
      %gather3A_1998 = arith.constant 0 : i32
      %gather3A_1999 = tpu.memref_slice %arg6[%gather3A_1995, %gather3A_1996, %gather3A_1997, %gather3A_1998] : memref<6x4x32x128xf32, #tpu.memory_space<vmem>> -> memref<1x1x32x128xf32, #tpu.memory_space<vmem>>
      %gather3A_2000 = tpu.memref_squeeze %gather3A_1999 : memref<1x1x32x128xf32, #tpu.memory_space<vmem>> -> memref<32x128xf32, #tpu.memory_space<vmem>>
      %gather3A_2001 = tpu.vector_load_idx %gather3A_2000[%add3A_1994, %broadcast_in_dim3A_1976] : memref<32x128xf32, #tpu.memory_space<vmem>>[vector<16xi32>, vector<16xi32>], vector<16xf32>,
      tpu.vector_store_idx %arg7[%add3A_1994, %broadcast_in_dim3A_1981], %gather3A_2001 : memref<32x512xf32, #tpu.memory_space<vmem>>[vector<16xi32>, vector<16xi32>], vector<16xf32>,
      %slice3A_2002 = vector.extract_strided_slice %get3A_1869 {offsets = [7], sizes = [1], strides = [1]} : vector<16xi32> to vector<1xi32>
      %squeeze3A_2003 = vector.extract %slice3A_2002[0] : i32 from vector<1xi32>
      %jit3A_2004 = arith.constant 128 : i32
      %eq3A_2005 = arith.constant 0 : i32
      %eq3A_2006 = arith.cmpi eq, %jit3A_2004, %eq3A_2005 : i32
      %jit3A_2007 = arith.constant 1 : i32
      %select_n3A_2008 = arith.select %eq3A_2006, %jit3A_2007, %jit3A_2004 : i32
      %rem3A_2009 = arith.remsi %squeeze3A_2003, %select_n3A_2008 : i32
      %ne3A_2010 = arith.constant 0 : i32
      %ne3A_2011 = arith.cmpi ne, %rem3A_2009, %ne3A_2010 : i32
      %lt3A_2012 = arith.constant 0 : i32
      %lt3A_2013 = arith.cmpi slt, %rem3A_2009, %lt3A_2012 : i32
      %lt3A_2014 = arith.constant 0 : i32
      %lt3A_2015 = arith.cmpi slt, %select_n3A_2008, %lt3A_2014 : i32
      %ne3A_2016 = arith.xori %lt3A_2013, %lt3A_2015 : i1
      %and3A_2017 = arith.andi %ne3A_2016, %ne3A_2011 : i1
      %add3A_2018 = arith.addi %rem3A_2009, %select_n3A_2008 : i32
      %select_n3A_2019 = arith.select %and3A_2017, %add3A_2018, %rem3A_2009 : i32
      %broadcast_in_dim3A_2020 = vector.broadcast %select_n3A_2019 : i32 to vector<16xi32>
      %mul3A_2021 = arith.constant 4 : i32
      %mul3A_2022 = arith.muli %add3A_1777, %mul3A_2021 : i32
      %add3A_2023 = arith.constant 3 : i32
      %add3A_2024 = arith.addi %mul3A_2022, %add3A_2023 : i32
      %broadcast_in_dim3A_2025 = vector.broadcast %add3A_2024 : i32 to vector<16xi32>
      %add3A_2026 = arith.constant 0 : i32
      %add3A_2027 = vector.broadcast %add3A_2026 : i32 to vector<16xi32>
      %add3A_2028 = arith.addi %iota3A, %add3A_2027 : vector<16xi32>
      %gather3A_2029 = arith.constant 1 : i32
      %gather3A_2030 = arith.constant 3 : i32
      %gather3A_2031 = arith.constant 0 : i32
      %gather3A_2032 = arith.constant 0 : i32
      %gather3A_2033 = tpu.memref_slice %arg6[%gather3A_2029, %gather3A_2030, %gather3A_2031, %gather3A_2032] : memref<6x4x32x128xf32, #tpu.memory_space<vmem>> -> memref<1x1x32x128xf32, #tpu.memory_space<vmem>>
      %gather3A_2034 = tpu.memref_squeeze %gather3A_2033 : memref<1x1x32x128xf32, #tpu.memory_space<vmem>> -> memref<32x128xf32, #tpu.memory_space<vmem>>
      %gather3A_2035 = tpu.vector_load_idx %gather3A_2034[%add3A_2028, %broadcast_in_dim3A_2020] : memref<32x128xf32, #tpu.memory_space<vmem>>[vector<16xi32>, vector<16xi32>], vector<16xf32>,
      tpu.vector_store_idx %arg7[%add3A_2028, %broadcast_in_dim3A_2025], %gather3A_2035 : memref<32x512xf32, #tpu.memory_space<vmem>>[vector<16xi32>, vector<16xi32>], vector<16xf32>,
      %add3A_2036 = arith.constant 16 : i32
      %add3A_2037 = vector.broadcast %add3A_2036 : i32 to vector<16xi32>
      %add3A_2038 = arith.addi %iota3A, %add3A_2037 : vector<16xi32>
      %gather3A_2039 = arith.constant 1 : i32
      %gather3A_2040 = arith.constant 3 : i32
      %gather3A_2041 = arith.constant 0 : i32
      %gather3A_2042 = arith.constant 0 : i32
      %gather3A_2043 = tpu.memref_slice %arg6[%gather3A_2039, %gather3A_2040, %gather3A_2041, %gather3A_2042] : memref<6x4x32x128xf32, #tpu.memory_space<vmem>> -> memref<1x1x32x128xf32, #tpu.memory_space<vmem>>
      %gather3A_2044 = tpu.memref_squeeze %gather3A_2043 : memref<1x1x32x128xf32, #tpu.memory_space<vmem>> -> memref<32x128xf32, #tpu.memory_space<vmem>>
      %gather3A_2045 = tpu.vector_load_idx %gather3A_2044[%add3A_2038, %broadcast_in_dim3A_2020] : memref<32x128xf32, #tpu.memory_space<vmem>>[vector<16xi32>, vector<16xi32>], vector<16xf32>,
      tpu.vector_store_idx %arg7[%add3A_2038, %broadcast_in_dim3A_2025], %gather3A_2045 : memref<32x512xf32, #tpu.memory_space<vmem>>[vector<16xi32>, vector<16xi32>], vector<16xf32>,
      %add3A_2046 = arith.constant 6 : i32
      %add3A_2047 = arith.addi %add3A_1777, %add3A_2046 : i32
      %lt3A_2048 = arith.constant 128 : i32
      %lt3A_2049 = arith.cmpi slt, %add3A_2047, %lt3A_2048 : i32
      %convert_element_type3A_2050 = arith.extui %lt3A_2049 : i1 to i32
      %cond3A_2051 = arith.constant 0 : i32
      %cond3A_2052 = arith.cmpi ne, %convert_element_type3A_2050, %cond3A_2051 : i32
      scf.if %cond3A_2052 {
        %jit3A_3170 = arith.constant 2 : i32
        %div3A_3171 = arith.divsi %add3A_2047, %jit3A_3170 : i32
        %sign3A_3172 = arith.constant 0 : i32
        %sign3A_3173 = arith.cmpi sgt, %add3A_2047, %sign3A_3172 : i32
        %sign3A_3174 = arith.extui %sign3A_3173 : i1 to i32
        %sign3A_3175 = arith.constant 0 : i32
        %sign3A_3176 = arith.cmpi slt, %add3A_2047, %sign3A_3175 : i32
        %sign3A_3177 = arith.extui %sign3A_3176 : i1 to i32
        %sign3A_3178 = arith.subi %sign3A_3174, %sign3A_3177 : i32
        %sign3A_3179 = arith.constant 0 : i32
        %sign3A_3180 = arith.cmpi sgt, %jit3A_3170, %sign3A_3179 : i32
        %sign3A_3181 = arith.extui %sign3A_3180 : i1 to i32
        %sign3A_3182 = arith.constant 0 : i32
        %sign3A_3183 = arith.cmpi slt, %jit3A_3170, %sign3A_3182 : i32
        %sign3A_3184 = arith.extui %sign3A_3183 : i1 to i32
        %sign3A_3185 = arith.subi %sign3A_3181, %sign3A_3184 : i32
        %ne3A_3186 = arith.cmpi ne, %sign3A_3178, %sign3A_3185 : i32
        %rem3A_3187 = arith.remsi %add3A_2047, %jit3A_3170 : i32
        %ne3A_3188 = arith.constant 0 : i32
        %ne3A_3189 = arith.cmpi ne, %rem3A_3187, %ne3A_3188 : i32
        %and3A_3190 = arith.andi %ne3A_3186, %ne3A_3189 : i1
        %sub3A_3191 = arith.constant 1 : i32
        %sub3A_3192 = arith.subi %div3A_3171, %sub3A_3191 : i32
        %select_n3A_3193 = arith.select %and3A_3190, %sub3A_3192, %div3A_3171 : i32
        %mul3A_3194 = arith.constant 8 : i32
        %mul3A_3195 = arith.muli %select_n3A_3193, %mul3A_3194 : i32
        %get3A_3196 = arith.index_cast %mul3A_3195 : i32 to index
        %get3A_3197 = tpu.vector_load %arg5[%get3A_3196] {strides = array<i32>} : memref<528xi32, #tpu.memory_space<vmem>>, vector<16xi32>,
        %slice3A_3198 = vector.extract_strided_slice %get3A_3197 {offsets = [4], sizes = [1], strides = [1]} : vector<16xi32> to vector<1xi32>
        %squeeze3A_3199 = vector.extract %slice3A_3198[0] : i32 from vector<1xi32>
        %jit3A_3200 = arith.constant 128 : i32
        %div3A_3201 = arith.divsi %squeeze3A_3199, %jit3A_3200 : i32
        %sign3A_3202 = arith.constant 0 : i32
        %sign3A_3203 = arith.cmpi sgt, %squeeze3A_3199, %sign3A_3202 : i32
        %sign3A_3204 = arith.extui %sign3A_3203 : i1 to i32
        %sign3A_3205 = arith.constant 0 : i32
        %sign3A_3206 = arith.cmpi slt, %squeeze3A_3199, %sign3A_3205 : i32
        %sign3A_3207 = arith.extui %sign3A_3206 : i1 to i32
        %sign3A_3208 = arith.subi %sign3A_3204, %sign3A_3207 : i32
        %sign3A_3209 = arith.constant 0 : i32
        %sign3A_3210 = arith.cmpi sgt, %jit3A_3200, %sign3A_3209 : i32
        %sign3A_3211 = arith.extui %sign3A_3210 : i1 to i32
        %sign3A_3212 = arith.constant 0 : i32
        %sign3A_3213 = arith.cmpi slt, %jit3A_3200, %sign3A_3212 : i32
        %sign3A_3214 = arith.extui %sign3A_3213 : i1 to i32
        %sign3A_3215 = arith.subi %sign3A_3211, %sign3A_3214 : i32
        %ne3A_3216 = arith.cmpi ne, %sign3A_3208, %sign3A_3215 : i32
        %rem3A_3217 = arith.remsi %squeeze3A_3199, %jit3A_3200 : i32
        %ne3A_3218 = arith.constant 0 : i32
        %ne3A_3219 = arith.cmpi ne, %rem3A_3217, %ne3A_3218 : i32
        %and3A_3220 = arith.andi %ne3A_3216, %ne3A_3219 : i1
        %sub3A_3221 = arith.constant 1 : i32
        %sub3A_3222 = arith.subi %div3A_3201, %sub3A_3221 : i32
        %select_n3A_3223 = arith.select %and3A_3220, %sub3A_3222, %div3A_3201 : i32
        %mul3A_3224 = arith.constant 128 : i32
        %mul3A_3225 = arith.muli %select_n3A_3223, %mul3A_3224 : i32
        %multiple_of3A_3226 = tpu.assume_multiple %mul3A_3225, 128 : i32
        %dma_start3A_3227 = arith.constant 1 : i32
        %dma_start3A_3228 = arith.constant 0 : i32
        %dma_start3A_3229 = arith.constant 0 : i32
        %dma_start3A_3230 = arith.constant 0 : i32
        %dma_start3A_3231 = tpu.memref_slice %arg6[%dma_start3A_3227, %dma_start3A_3228, %dma_start3A_3229, %dma_start3A_3230] : memref<6x4x32x128xf32, #tpu.memory_space<vmem>> -> memref<1x1x32x128xf32, #tpu.memory_space<vmem>>
        %dma_start3A_3232 = tpu.memref_squeeze %dma_start3A_3231 : memref<1x1x32x128xf32, #tpu.memory_space<vmem>> -> memref<32x128xf32, #tpu.memory_space<vmem>>
        %dma_start3A_3233 = arith.constant 0 : i32
        %dma_start3A_3234 = tpu.memref_slice %arg3[%dma_start3A_3233, %multiple_of3A_3226] : memref<32x1000000xf32, #tpu.memory_space<hbm>> -> memref<32x128xf32, #tpu.memory_space<hbm>>
        %dma_start3A_3235 = arith.constant 0 : i32
        %dma_start3A_3236 = arith.constant 0 : i32
        %dma_start3A_3237 = tpu.memref_slice %arg6[%dma_start3A_3227, %dma_start3A_3228, %dma_start3A_3235, %dma_start3A_3236] : memref<6x4x32x128xf32, #tpu.memory_space<vmem>> -> memref<1x1x32x128xf32, #tpu.memory_space<vmem>>
        %dma_start3A_3238 = tpu.memref_squeeze %dma_start3A_3237 : memref<1x1x32x128xf32, #tpu.memory_space<vmem>> -> memref<32x128xf32, #tpu.memory_space<vmem>>
        %dma_start3A_3239 = arith.constant 0 : i32
        %dma_start3A_3240 = tpu.memref_slice %arg3[%dma_start3A_3239, %multiple_of3A_3226] : memref<32x1000000xf32, #tpu.memory_space<hbm>> -> memref<32x128xf32, #tpu.memory_space<hbm>>
        tpu.enqueue_dma source(%dma_start3A_3240 : memref<32x128xf32, #tpu.memory_space<hbm>>) target(%dma_start3A_3238 : memref<32x128xf32, #tpu.memory_space<vmem>>) target_semaphore(%arg9 : memref<!tpu.dma_semaphore, #tpu.memory_space<semaphore_mem>>)
        %slice3A_3241 = vector.extract_strided_slice %get3A_3197 {offsets = [5], sizes = [1], strides = [1]} : vector<16xi32> to vector<1xi32>
        %squeeze3A_3242 = vector.extract %slice3A_3241[0] : i32 from vector<1xi32>
        %jit3A_3243 = arith.constant 128 : i32
        %div3A_3244 = arith.divsi %squeeze3A_3242, %jit3A_3243 : i32
        %sign3A_3245 = arith.constant 0 : i32
        %sign3A_3246 = arith.cmpi sgt, %squeeze3A_3242, %sign3A_3245 : i32
        %sign3A_3247 = arith.extui %sign3A_3246 : i1 to i32
        %sign3A_3248 = arith.constant 0 : i32
        %sign3A_3249 = arith.cmpi slt, %squeeze3A_3242, %sign3A_3248 : i32
        %sign3A_3250 = arith.extui %sign3A_3249 : i1 to i32
        %sign3A_3251 = arith.subi %sign3A_3247, %sign3A_3250 : i32
        %sign3A_3252 = arith.constant 0 : i32
        %sign3A_3253 = arith.cmpi sgt, %jit3A_3243, %sign3A_3252 : i32
        %sign3A_3254 = arith.extui %sign3A_3253 : i1 to i32
        %sign3A_3255 = arith.constant 0 : i32
        %sign3A_3256 = arith.cmpi slt, %jit3A_3243, %sign3A_3255 : i32
        %sign3A_3257 = arith.extui %sign3A_3256 : i1 to i32
        %sign3A_3258 = arith.subi %sign3A_3254, %sign3A_3257 : i32
        %ne3A_3259 = arith.cmpi ne, %sign3A_3251, %sign3A_3258 : i32
        %rem3A_3260 = arith.remsi %squeeze3A_3242, %jit3A_3243 : i32
        %ne3A_3261 = arith.constant 0 : i32
        %ne3A_3262 = arith.cmpi ne, %rem3A_3260, %ne3A_3261 : i32
        %and3A_3263 = arith.andi %ne3A_3259, %ne3A_3262 : i1
        %sub3A_3264 = arith.constant 1 : i32
        %sub3A_3265 = arith.subi %div3A_3244, %sub3A_3264 : i32
        %select_n3A_3266 = arith.select %and3A_3263, %sub3A_3265, %div3A_3244 : i32
        %mul3A_3267 = arith.constant 128 : i32
        %mul3A_3268 = arith.muli %select_n3A_3266, %mul3A_3267 : i32
        %multiple_of3A_3269 = tpu.assume_multiple %mul3A_3268, 128 : i32
        %dma_start3A_3270 = arith.constant 1 : i32
        %dma_start3A_3271 = arith.constant 1 : i32
        %dma_start3A_3272 = arith.constant 0 : i32
        %dma_start3A_3273 = arith.constant 0 : i32
        %dma_start3A_3274 = tpu.memref_slice %arg6[%dma_start3A_3270, %dma_start3A_3271, %dma_start3A_3272, %dma_start3A_3273] : memref<6x4x32x128xf32, #tpu.memory_space<vmem>> -> memref<1x1x32x128xf32, #tpu.memory_space<vmem>>
        %dma_start3A_3275 = tpu.memref_squeeze %dma_start3A_3274 : memref<1x1x32x128xf32, #tpu.memory_space<vmem>> -> memref<32x128xf32, #tpu.memory_space<vmem>>
        %dma_start3A_3276 = arith.constant 0 : i32
        %dma_start3A_3277 = tpu.memref_slice %arg3[%dma_start3A_3276, %multiple_of3A_3269] : memref<32x1000000xf32, #tpu.memory_space<hbm>> -> memref<32x128xf32, #tpu.memory_space<hbm>>
        %dma_start3A_3278 = arith.constant 0 : i32
        %dma_start3A_3279 = arith.constant 0 : i32
        %dma_start3A_3280 = tpu.memref_slice %arg6[%dma_start3A_3270, %dma_start3A_3271, %dma_start3A_3278, %dma_start3A_3279] : memref<6x4x32x128xf32, #tpu.memory_space<vmem>> -> memref<1x1x32x128xf32, #tpu.memory_space<vmem>>
        %dma_start3A_3281 = tpu.memref_squeeze %dma_start3A_3280 : memref<1x1x32x128xf32, #tpu.memory_space<vmem>> -> memref<32x128xf32, #tpu.memory_space<vmem>>
        %dma_start3A_3282 = arith.constant 0 : i32
        %dma_start3A_3283 = tpu.memref_slice %arg3[%dma_start3A_3282, %multiple_of3A_3269] : memref<32x1000000xf32, #tpu.memory_space<hbm>> -> memref<32x128xf32, #tpu.memory_space<hbm>>
        tpu.enqueue_dma source(%dma_start3A_3283 : memref<32x128xf32, #tpu.memory_space<hbm>>) target(%dma_start3A_3281 : memref<32x128xf32, #tpu.memory_space<vmem>>) target_semaphore(%arg9 : memref<!tpu.dma_semaphore, #tpu.memory_space<semaphore_mem>>)
        %slice3A_3284 = vector.extract_strided_slice %get3A_3197 {offsets = [6], sizes = [1], strides = [1]} : vector<16xi32> to vector<1xi32>
        %squeeze3A_3285 = vector.extract %slice3A_3284[0] : i32 from vector<1xi32>
        %jit3A_3286 = arith.constant 128 : i32
        %div3A_3287 = arith.divsi %squeeze3A_3285, %jit3A_3286 : i32
        %sign3A_3288 = arith.constant 0 : i32
        %sign3A_3289 = arith.cmpi sgt, %squeeze3A_3285, %sign3A_3288 : i32
        %sign3A_3290 = arith.extui %sign3A_3289 : i1 to i32
        %sign3A_3291 = arith.constant 0 : i32
        %sign3A_3292 = arith.cmpi slt, %squeeze3A_3285, %sign3A_3291 : i32
        %sign3A_3293 = arith.extui %sign3A_3292 : i1 to i32
        %sign3A_3294 = arith.subi %sign3A_3290, %sign3A_3293 : i32
        %sign3A_3295 = arith.constant 0 : i32
        %sign3A_3296 = arith.cmpi sgt, %jit3A_3286, %sign3A_3295 : i32
        %sign3A_3297 = arith.extui %sign3A_3296 : i1 to i32
        %sign3A_3298 = arith.constant 0 : i32
        %sign3A_3299 = arith.cmpi slt, %jit3A_3286, %sign3A_3298 : i32
        %sign3A_3300 = arith.extui %sign3A_3299 : i1 to i32
        %sign3A_3301 = arith.subi %sign3A_3297, %sign3A_3300 : i32
        %ne3A_3302 = arith.cmpi ne, %sign3A_3294, %sign3A_3301 : i32
        %rem3A_3303 = arith.remsi %squeeze3A_3285, %jit3A_3286 : i32
        %ne3A_3304 = arith.constant 0 : i32
        %ne3A_3305 = arith.cmpi ne, %rem3A_3303, %ne3A_3304 : i32
        %and3A_3306 = arith.andi %ne3A_3302, %ne3A_3305 : i1
        %sub3A_3307 = arith.constant 1 : i32
        %sub3A_3308 = arith.subi %div3A_3287, %sub3A_3307 : i32
        %select_n3A_3309 = arith.select %and3A_3306, %sub3A_3308, %div3A_3287 : i32
        %mul3A_3310 = arith.constant 128 : i32
        %mul3A_3311 = arith.muli %select_n3A_3309, %mul3A_3310 : i32
        %multiple_of3A_3312 = tpu.assume_multiple %mul3A_3311, 128 : i32
        %dma_start3A_3313 = arith.constant 1 : i32
        %dma_start3A_3314 = arith.constant 2 : i32
        %dma_start3A_3315 = arith.constant 0 : i32
        %dma_start3A_3316 = arith.constant 0 : i32
        %dma_start3A_3317 = tpu.memref_slice %arg6[%dma_start3A_3313, %dma_start3A_3314, %dma_start3A_3315, %dma_start3A_3316] : memref<6x4x32x128xf32, #tpu.memory_space<vmem>> -> memref<1x1x32x128xf32, #tpu.memory_space<vmem>>
        %dma_start3A_3318 = tpu.memref_squeeze %dma_start3A_3317 : memref<1x1x32x128xf32, #tpu.memory_space<vmem>> -> memref<32x128xf32, #tpu.memory_space<vmem>>
        %dma_start3A_3319 = arith.constant 0 : i32
        %dma_start3A_3320 = tpu.memref_slice %arg3[%dma_start3A_3319, %multiple_of3A_3312] : memref<32x1000000xf32, #tpu.memory_space<hbm>> -> memref<32x128xf32, #tpu.memory_space<hbm>>
        %dma_start3A_3321 = arith.constant 0 : i32
        %dma_start3A_3322 = arith.constant 0 : i32
        %dma_start3A_3323 = tpu.memref_slice %arg6[%dma_start3A_3313, %dma_start3A_3314, %dma_start3A_3321, %dma_start3A_3322] : memref<6x4x32x128xf32, #tpu.memory_space<vmem>> -> memref<1x1x32x128xf32, #tpu.memory_space<vmem>>
        %dma_start3A_3324 = tpu.memref_squeeze %dma_start3A_3323 : memref<1x1x32x128xf32, #tpu.memory_space<vmem>> -> memref<32x128xf32, #tpu.memory_space<vmem>>
        %dma_start3A_3325 = arith.constant 0 : i32
        %dma_start3A_3326 = tpu.memref_slice %arg3[%dma_start3A_3325, %multiple_of3A_3312] : memref<32x1000000xf32, #tpu.memory_space<hbm>> -> memref<32x128xf32, #tpu.memory_space<hbm>>
        tpu.enqueue_dma source(%dma_start3A_3326 : memref<32x128xf32, #tpu.memory_space<hbm>>) target(%dma_start3A_3324 : memref<32x128xf32, #tpu.memory_space<vmem>>) target_semaphore(%arg9 : memref<!tpu.dma_semaphore, #tpu.memory_space<semaphore_mem>>)
        %slice3A_3327 = vector.extract_strided_slice %get3A_3197 {offsets = [7], sizes = [1], strides = [1]} : vector<16xi32> to vector<1xi32>
        %squeeze3A_3328 = vector.extract %slice3A_3327[0] : i32 from vector<1xi32>
        %jit3A_3329 = arith.constant 128 : i32
        %div3A_3330 = arith.divsi %squeeze3A_3328, %jit3A_3329 : i32
        %sign3A_3331 = arith.constant 0 : i32
        %sign3A_3332 = arith.cmpi sgt, %squeeze3A_3328, %sign3A_3331 : i32
        %sign3A_3333 = arith.extui %sign3A_3332 : i1 to i32
        %sign3A_3334 = arith.constant 0 : i32
        %sign3A_3335 = arith.cmpi slt, %squeeze3A_3328, %sign3A_3334 : i32
        %sign3A_3336 = arith.extui %sign3A_3335 : i1 to i32
        %sign3A_3337 = arith.subi %sign3A_3333, %sign3A_3336 : i32
        %sign3A_3338 = arith.constant 0 : i32
        %sign3A_3339 = arith.cmpi sgt, %jit3A_3329, %sign3A_3338 : i32
        %sign3A_3340 = arith.extui %sign3A_3339 : i1 to i32
        %sign3A_3341 = arith.constant 0 : i32
        %sign3A_3342 = arith.cmpi slt, %jit3A_3329, %sign3A_3341 : i32
        %sign3A_3343 = arith.extui %sign3A_3342 : i1 to i32
        %sign3A_3344 = arith.subi %sign3A_3340, %sign3A_3343 : i32
        %ne3A_3345 = arith.cmpi ne, %sign3A_3337, %sign3A_3344 : i32
        %rem3A_3346 = arith.remsi %squeeze3A_3328, %jit3A_3329 : i32
        %ne3A_3347 = arith.constant 0 : i32
        %ne3A_3348 = arith.cmpi ne, %rem3A_3346, %ne3A_3347 : i32
        %and3A_3349 = arith.andi %ne3A_3345, %ne3A_3348 : i1
        %sub3A_3350 = arith.constant 1 : i32
        %sub3A_3351 = arith.subi %div3A_3330, %sub3A_3350 : i32
        %select_n3A_3352 = arith.select %and3A_3349, %sub3A_3351, %div3A_3330 : i32
        %mul3A_3353 = arith.constant 128 : i32
        %mul3A_3354 = arith.muli %select_n3A_3352, %mul3A_3353 : i32
        %multiple_of3A_3355 = tpu.assume_multiple %mul3A_3354, 128 : i32
        %dma_start3A_3356 = arith.constant 1 : i32
        %dma_start3A_3357 = arith.constant 3 : i32
        %dma_start3A_3358 = arith.constant 0 : i32
        %dma_start3A_3359 = arith.constant 0 : i32
        %dma_start3A_3360 = tpu.memref_slice %arg6[%dma_start3A_3356, %dma_start3A_3357, %dma_start3A_3358, %dma_start3A_3359] : memref<6x4x32x128xf32, #tpu.memory_space<vmem>> -> memref<1x1x32x128xf32, #tpu.memory_space<vmem>>
        %dma_start3A_3361 = tpu.memref_squeeze %dma_start3A_3360 : memref<1x1x32x128xf32, #tpu.memory_space<vmem>> -> memref<32x128xf32, #tpu.memory_space<vmem>>
        %dma_start3A_3362 = arith.constant 0 : i32
        %dma_start3A_3363 = tpu.memref_slice %arg3[%dma_start3A_3362, %multiple_of3A_3355] : memref<32x1000000xf32, #tpu.memory_space<hbm>> -> memref<32x128xf32, #tpu.memory_space<hbm>>
        %dma_start3A_3364 = arith.constant 0 : i32
        %dma_start3A_3365 = arith.constant 0 : i32
        %dma_start3A_3366 = tpu.memref_slice %arg6[%dma_start3A_3356, %dma_start3A_3357, %dma_start3A_3364, %dma_start3A_3365] : memref<6x4x32x128xf32, #tpu.memory_space<vmem>> -> memref<1x1x32x128xf32, #tpu.memory_space<vmem>>
        %dma_start3A_3367 = tpu.memref_squeeze %dma_start3A_3366 : memref<1x1x32x128xf32, #tpu.memory_space<vmem>> -> memref<32x128xf32, #tpu.memory_space<vmem>>
        %dma_start3A_3368 = arith.constant 0 : i32
        %dma_start3A_3369 = tpu.memref_slice %arg3[%dma_start3A_3368, %multiple_of3A_3355] : memref<32x1000000xf32, #tpu.memory_space<hbm>> -> memref<32x128xf32, #tpu.memory_space<hbm>>
        tpu.enqueue_dma source(%dma_start3A_3369 : memref<32x128xf32, #tpu.memory_space<hbm>>) target(%dma_start3A_3367 : memref<32x128xf32, #tpu.memory_space<vmem>>) target_semaphore(%arg9 : memref<!tpu.dma_semaphore, #tpu.memory_space<semaphore_mem>>)
      } else {
      }
      %mul3A_2053 = arith.constant 6 : i32
      %mul3A_2054 = arith.muli %scan3A_1495, %mul3A_2053 : i32
      %add3A_2055 = arith.constant 2 : i32
      %add3A_2056 = arith.addi %mul3A_2054, %add3A_2055 : i32
      %dma_wait3A_2057 = arith.constant 2 : i32
      %dma_wait3A_2058 = arith.constant 0 : i32
      %dma_wait3A_2059 = arith.constant 0 : i32
      %dma_wait3A_2060 = arith.constant 0 : i32
      %dma_wait3A_2061 = tpu.memref_slice %arg6[%dma_wait3A_2057, %dma_wait3A_2058, %dma_wait3A_2059, %dma_wait3A_2060] : memref<6x4x32x128xf32, #tpu.memory_space<vmem>> -> memref<1x1x32x128xf32, #tpu.memory_space<vmem>>
      %dma_wait3A_2062 = tpu.memref_squeeze %dma_wait3A_2061 : memref<1x1x32x128xf32, #tpu.memory_space<vmem>> -> memref<32x128xf32, #tpu.memory_space<vmem>>
      %dma_wait3A_2063 = arith.constant 0 : i32
      %dma_wait3A_2064 = arith.constant 0 : i32
      %dma_wait3A_2065 = tpu.memref_slice %arg3[%dma_wait3A_2063, %dma_wait3A_2064] : memref<32x1000000xf32, #tpu.memory_space<hbm>> -> memref<32x128xf32, #tpu.memory_space<hbm>>
      %dma_wait3A_2066 = arith.constant 0 : i32
      %dma_wait3A_2067 = arith.constant 0 : i32
      %dma_wait3A_2068 = tpu.memref_slice %arg6[%dma_wait3A_2057, %dma_wait3A_2058, %dma_wait3A_2066, %dma_wait3A_2067] : memref<6x4x32x128xf32, #tpu.memory_space<vmem>> -> memref<1x1x32x128xf32, #tpu.memory_space<vmem>>
      %dma_wait3A_2069 = tpu.memref_squeeze %dma_wait3A_2068 : memref<1x1x32x128xf32, #tpu.memory_space<vmem>> -> memref<32x128xf32, #tpu.memory_space<vmem>>
      %dma_wait3A_2070 = arith.constant 0 : i32
      %dma_wait3A_2071 = arith.constant 0 : i32
      %dma_wait3A_2072 = tpu.memref_slice %arg3[%dma_wait3A_2070, %dma_wait3A_2071] : memref<32x1000000xf32, #tpu.memory_space<hbm>> -> memref<32x128xf32, #tpu.memory_space<hbm>>
      tpu.wait_dma2 semaphore(%arg10 : memref<!tpu.dma_semaphore, #tpu.memory_space<semaphore_mem>>) src(%dma_wait3A_2072 : memref<32x128xf32, #tpu.memory_space<hbm>>) dst(%dma_wait3A_2069 : memref<32x128xf32, #tpu.memory_space<vmem>>)
      %dma_wait3A_2073 = arith.constant 2 : i32
      %dma_wait3A_2074 = arith.constant 1 : i32
      %dma_wait3A_2075 = arith.constant 0 : i32
      %dma_wait3A_2076 = arith.constant 0 : i32
      %dma_wait3A_2077 = tpu.memref_slice %arg6[%dma_wait3A_2073, %dma_wait3A_2074, %dma_wait3A_2075, %dma_wait3A_2076] : memref<6x4x32x128xf32, #tpu.memory_space<vmem>> -> memref<1x1x32x128xf32, #tpu.memory_space<vmem>>
      %dma_wait3A_2078 = tpu.memref_squeeze %dma_wait3A_2077 : memref<1x1x32x128xf32, #tpu.memory_space<vmem>> -> memref<32x128xf32, #tpu.memory_space<vmem>>
      %dma_wait3A_2079 = arith.constant 0 : i32
      %dma_wait3A_2080 = arith.constant 0 : i32
      %dma_wait3A_2081 = tpu.memref_slice %arg3[%dma_wait3A_2079, %dma_wait3A_2080] : memref<32x1000000xf32, #tpu.memory_space<hbm>> -> memref<32x128xf32, #tpu.memory_space<hbm>>
      %dma_wait3A_2082 = arith.constant 0 : i32
      %dma_wait3A_2083 = arith.constant 0 : i32
      %dma_wait3A_2084 = tpu.memref_slice %arg6[%dma_wait3A_2073, %dma_wait3A_2074, %dma_wait3A_2082, %dma_wait3A_2083] : memref<6x4x32x128xf32, #tpu.memory_space<vmem>> -> memref<1x1x32x128xf32, #tpu.memory_space<vmem>>
      %dma_wait3A_2085 = tpu.memref_squeeze %dma_wait3A_2084 : memref<1x1x32x128xf32, #tpu.memory_space<vmem>> -> memref<32x128xf32, #tpu.memory_space<vmem>>
      %dma_wait3A_2086 = arith.constant 0 : i32
      %dma_wait3A_2087 = arith.constant 0 : i32
      %dma_wait3A_2088 = tpu.memref_slice %arg3[%dma_wait3A_2086, %dma_wait3A_2087] : memref<32x1000000xf32, #tpu.memory_space<hbm>> -> memref<32x128xf32, #tpu.memory_space<hbm>>
      tpu.wait_dma2 semaphore(%arg10 : memref<!tpu.dma_semaphore, #tpu.memory_space<semaphore_mem>>) src(%dma_wait3A_2088 : memref<32x128xf32, #tpu.memory_space<hbm>>) dst(%dma_wait3A_2085 : memref<32x128xf32, #tpu.memory_space<vmem>>)
      %dma_wait3A_2089 = arith.constant 2 : i32
      %dma_wait3A_2090 = arith.constant 2 : i32
      %dma_wait3A_2091 = arith.constant 0 : i32
      %dma_wait3A_2092 = arith.constant 0 : i32
      %dma_wait3A_2093 = tpu.memref_slice %arg6[%dma_wait3A_2089, %dma_wait3A_2090, %dma_wait3A_2091, %dma_wait3A_2092] : memref<6x4x32x128xf32, #tpu.memory_space<vmem>> -> memref<1x1x32x128xf32, #tpu.memory_space<vmem>>
      %dma_wait3A_2094 = tpu.memref_squeeze %dma_wait3A_2093 : memref<1x1x32x128xf32, #tpu.memory_space<vmem>> -> memref<32x128xf32, #tpu.memory_space<vmem>>
      %dma_wait3A_2095 = arith.constant 0 : i32
      %dma_wait3A_2096 = arith.constant 0 : i32
      %dma_wait3A_2097 = tpu.memref_slice %arg3[%dma_wait3A_2095, %dma_wait3A_2096] : memref<32x1000000xf32, #tpu.memory_space<hbm>> -> memref<32x128xf32, #tpu.memory_space<hbm>>
      %dma_wait3A_2098 = arith.constant 0 : i32
      %dma_wait3A_2099 = arith.constant 0 : i32
      %dma_wait3A_2100 = tpu.memref_slice %arg6[%dma_wait3A_2089, %dma_wait3A_2090, %dma_wait3A_2098, %dma_wait3A_2099] : memref<6x4x32x128xf32, #tpu.memory_space<vmem>> -> memref<1x1x32x128xf32, #tpu.memory_space<vmem>>
      %dma_wait3A_2101 = tpu.memref_squeeze %dma_wait3A_2100 : memref<1x1x32x128xf32, #tpu.memory_space<vmem>> -> memref<32x128xf32, #tpu.memory_space<vmem>>
      %dma_wait3A_2102 = arith.constant 0 : i32
      %dma_wait3A_2103 = arith.constant 0 : i32
      %dma_wait3A_2104 = tpu.memref_slice %arg3[%dma_wait3A_2102, %dma_wait3A_2103] : memref<32x1000000xf32, #tpu.memory_space<hbm>> -> memref<32x128xf32, #tpu.memory_space<hbm>>
      tpu.wait_dma2 semaphore(%arg10 : memref<!tpu.dma_semaphore, #tpu.memory_space<semaphore_mem>>) src(%dma_wait3A_2104 : memref<32x128xf32, #tpu.memory_space<hbm>>) dst(%dma_wait3A_2101 : memref<32x128xf32, #tpu.memory_space<vmem>>)
      %dma_wait3A_2105 = arith.constant 2 : i32
      %dma_wait3A_2106 = arith.constant 3 : i32
      %dma_wait3A_2107 = arith.constant 0 : i32
      %dma_wait3A_2108 = arith.constant 0 : i32
      %dma_wait3A_2109 = tpu.memref_slice %arg6[%dma_wait3A_2105, %dma_wait3A_2106, %dma_wait3A_2107, %dma_wait3A_2108] : memref<6x4x32x128xf32, #tpu.memory_space<vmem>> -> memref<1x1x32x128xf32, #tpu.memory_space<vmem>>
      %dma_wait3A_2110 = tpu.memref_squeeze %dma_wait3A_2109 : memref<1x1x32x128xf32, #tpu.memory_space<vmem>> -> memref<32x128xf32, #tpu.memory_space<vmem>>
      %dma_wait3A_2111 = arith.constant 0 : i32
      %dma_wait3A_2112 = arith.constant 0 : i32
      %dma_wait3A_2113 = tpu.memref_slice %arg3[%dma_wait3A_2111, %dma_wait3A_2112] : memref<32x1000000xf32, #tpu.memory_space<hbm>> -> memref<32x128xf32, #tpu.memory_space<hbm>>
      %dma_wait3A_2114 = arith.constant 0 : i32
      %dma_wait3A_2115 = arith.constant 0 : i32
      %dma_wait3A_2116 = tpu.memref_slice %arg6[%dma_wait3A_2105, %dma_wait3A_2106, %dma_wait3A_2114, %dma_wait3A_2115] : memref<6x4x32x128xf32, #tpu.memory_space<vmem>> -> memref<1x1x32x128xf32, #tpu.memory_space<vmem>>
      %dma_wait3A_2117 = tpu.memref_squeeze %dma_wait3A_2116 : memref<1x1x32x128xf32, #tpu.memory_space<vmem>> -> memref<32x128xf32, #tpu.memory_space<vmem>>
      %dma_wait3A_2118 = arith.constant 0 : i32
      %dma_wait3A_2119 = arith.constant 0 : i32
      %dma_wait3A_2120 = tpu.memref_slice %arg3[%dma_wait3A_2118, %dma_wait3A_2119] : memref<32x1000000xf32, #tpu.memory_space<hbm>> -> memref<32x128xf32, #tpu.memory_space<hbm>>
      tpu.wait_dma2 semaphore(%arg10 : memref<!tpu.dma_semaphore, #tpu.memory_space<semaphore_mem>>) src(%dma_wait3A_2120 : memref<32x128xf32, #tpu.memory_space<hbm>>) dst(%dma_wait3A_2117 : memref<32x128xf32, #tpu.memory_space<vmem>>)
      %jit3A_2121 = arith.constant 2 : i32
      %div3A_2122 = arith.divsi %add3A_2056, %jit3A_2121 : i32
      %sign3A_2123 = arith.constant 0 : i32
      %sign3A_2124 = arith.cmpi sgt, %add3A_2056, %sign3A_2123 : i32
      %sign3A_2125 = arith.extui %sign3A_2124 : i1 to i32
      %sign3A_2126 = arith.constant 0 : i32
      %sign3A_2127 = arith.cmpi slt, %add3A_2056, %sign3A_2126 : i32
      %sign3A_2128 = arith.extui %sign3A_2127 : i1 to i32
      %sign3A_2129 = arith.subi %sign3A_2125, %sign3A_2128 : i32
      %sign3A_2130 = arith.constant 0 : i32
      %sign3A_2131 = arith.cmpi sgt, %jit3A_2121, %sign3A_2130 : i32
      %sign3A_2132 = arith.extui %sign3A_2131 : i1 to i32
      %sign3A_2133 = arith.constant 0 : i32
      %sign3A_2134 = arith.cmpi slt, %jit3A_2121, %sign3A_2133 : i32
      %sign3A_2135 = arith.extui %sign3A_2134 : i1 to i32
      %sign3A_2136 = arith.subi %sign3A_2132, %sign3A_2135 : i32
      %ne3A_2137 = arith.cmpi ne, %sign3A_2129, %sign3A_2136 : i32
      %rem3A_2138 = arith.remsi %add3A_2056, %jit3A_2121 : i32
      %ne3A_2139 = arith.constant 0 : i32
      %ne3A_2140 = arith.cmpi ne, %rem3A_2138, %ne3A_2139 : i32
      %and3A_2141 = arith.andi %ne3A_2137, %ne3A_2140 : i1
      %sub3A_2142 = arith.constant 1 : i32
      %sub3A_2143 = arith.subi %div3A_2122, %sub3A_2142 : i32
      %select_n3A_2144 = arith.select %and3A_2141, %sub3A_2143, %div3A_2122 : i32
      %mul3A_2145 = arith.constant 8 : i32
      %mul3A_2146 = arith.muli %select_n3A_2144, %mul3A_2145 : i32
      %get3A_2147 = arith.index_cast %mul3A_2146 : i32 to index
      %get3A_2148 = tpu.vector_load %arg5[%get3A_2147] {strides = array<i32>} : memref<528xi32, #tpu.memory_space<vmem>>, vector<16xi32>,
      %slice3A_2149 = vector.extract_strided_slice %get3A_2148 {offsets = [0], sizes = [1], strides = [1]} : vector<16xi32> to vector<1xi32>
      %squeeze3A_2150 = vector.extract %slice3A_2149[0] : i32 from vector<1xi32>
      %jit3A_2151 = arith.constant 128 : i32
      %eq3A_2152 = arith.constant 0 : i32
      %eq3A_2153 = arith.cmpi eq, %jit3A_2151, %eq3A_2152 : i32
      %jit3A_2154 = arith.constant 1 : i32
      %select_n3A_2155 = arith.select %eq3A_2153, %jit3A_2154, %jit3A_2151 : i32
      %rem3A_2156 = arith.remsi %squeeze3A_2150, %select_n3A_2155 : i32
      %ne3A_2157 = arith.constant 0 : i32
      %ne3A_2158 = arith.cmpi ne, %rem3A_2156, %ne3A_2157 : i32
      %lt3A_2159 = arith.constant 0 : i32
      %lt3A_2160 = arith.cmpi slt, %rem3A_2156, %lt3A_2159 : i32
      %lt3A_2161 = arith.constant 0 : i32
      %lt3A_2162 = arith.cmpi slt, %select_n3A_2155, %lt3A_2161 : i32
      %ne3A_2163 = arith.xori %lt3A_2160, %lt3A_2162 : i1
      %and3A_2164 = arith.andi %ne3A_2163, %ne3A_2158 : i1
      %add3A_2165 = arith.addi %rem3A_2156, %select_n3A_2155 : i32
      %select_n3A_2166 = arith.select %and3A_2164, %add3A_2165, %rem3A_2156 : i32
      %broadcast_in_dim3A_2167 = vector.broadcast %select_n3A_2166 : i32 to vector<16xi32>
      %mul3A_2168 = arith.constant 4 : i32
      %mul3A_2169 = arith.muli %add3A_2056, %mul3A_2168 : i32
      %add3A_2170 = arith.constant 0 : i32
      %add3A_2171 = arith.addi %mul3A_2169, %add3A_2170 : i32
      %broadcast_in_dim3A_2172 = vector.broadcast %add3A_2171 : i32 to vector<16xi32>
      %add3A_2173 = arith.constant 0 : i32
      %add3A_2174 = vector.broadcast %add3A_2173 : i32 to vector<16xi32>
      %add3A_2175 = arith.addi %iota3A, %add3A_2174 : vector<16xi32>
      %gather3A_2176 = arith.constant 2 : i32
      %gather3A_2177 = arith.constant 0 : i32
      %gather3A_2178 = arith.constant 0 : i32
      %gather3A_2179 = arith.constant 0 : i32
      %gather3A_2180 = tpu.memref_slice %arg6[%gather3A_2176, %gather3A_2177, %gather3A_2178, %gather3A_2179] : memref<6x4x32x128xf32, #tpu.memory_space<vmem>> -> memref<1x1x32x128xf32, #tpu.memory_space<vmem>>
      %gather3A_2181 = tpu.memref_squeeze %gather3A_2180 : memref<1x1x32x128xf32, #tpu.memory_space<vmem>> -> memref<32x128xf32, #tpu.memory_space<vmem>>
      %gather3A_2182 = tpu.vector_load_idx %gather3A_2181[%add3A_2175, %broadcast_in_dim3A_2167] : memref<32x128xf32, #tpu.memory_space<vmem>>[vector<16xi32>, vector<16xi32>], vector<16xf32>,
      tpu.vector_store_idx %arg7[%add3A_2175, %broadcast_in_dim3A_2172], %gather3A_2182 : memref<32x512xf32, #tpu.memory_space<vmem>>[vector<16xi32>, vector<16xi32>], vector<16xf32>,
      %add3A_2183 = arith.constant 16 : i32
      %add3A_2184 = vector.broadcast %add3A_2183 : i32 to vector<16xi32>
      %add3A_2185 = arith.addi %iota3A, %add3A_2184 : vector<16xi32>
      %gather3A_2186 = arith.constant 2 : i32
      %gather3A_2187 = arith.constant 0 : i32
      %gather3A_2188 = arith.constant 0 : i32
      %gather3A_2189 = arith.constant 0 : i32
      %gather3A_2190 = tpu.memref_slice %arg6[%gather3A_2186, %gather3A_2187, %gather3A_2188, %gather3A_2189] : memref<6x4x32x128xf32, #tpu.memory_space<vmem>> -> memref<1x1x32x128xf32, #tpu.memory_space<vmem>>
      %gather3A_2191 = tpu.memref_squeeze %gather3A_2190 : memref<1x1x32x128xf32, #tpu.memory_space<vmem>> -> memref<32x128xf32, #tpu.memory_space<vmem>>
      %gather3A_2192 = tpu.vector_load_idx %gather3A_2191[%add3A_2185, %broadcast_in_dim3A_2167] : memref<32x128xf32, #tpu.memory_space<vmem>>[vector<16xi32>, vector<16xi32>], vector<16xf32>,
      tpu.vector_store_idx %arg7[%add3A_2185, %broadcast_in_dim3A_2172], %gather3A_2192 : memref<32x512xf32, #tpu.memory_space<vmem>>[vector<16xi32>, vector<16xi32>], vector<16xf32>,
      %slice3A_2193 = vector.extract_strided_slice %get3A_2148 {offsets = [1], sizes = [1], strides = [1]} : vector<16xi32> to vector<1xi32>
      %squeeze3A_2194 = vector.extract %slice3A_2193[0] : i32 from vector<1xi32>
      %jit3A_2195 = arith.constant 128 : i32
      %eq3A_2196 = arith.constant 0 : i32
      %eq3A_2197 = arith.cmpi eq, %jit3A_2195, %eq3A_2196 : i32
      %jit3A_2198 = arith.constant 1 : i32
      %select_n3A_2199 = arith.select %eq3A_2197, %jit3A_2198, %jit3A_2195 : i32
      %rem3A_2200 = arith.remsi %squeeze3A_2194, %select_n3A_2199 : i32
      %ne3A_2201 = arith.constant 0 : i32
      %ne3A_2202 = arith.cmpi ne, %rem3A_2200, %ne3A_2201 : i32
      %lt3A_2203 = arith.constant 0 : i32
      %lt3A_2204 = arith.cmpi slt, %rem3A_2200, %lt3A_2203 : i32
      %lt3A_2205 = arith.constant 0 : i32
      %lt3A_2206 = arith.cmpi slt, %select_n3A_2199, %lt3A_2205 : i32
      %ne3A_2207 = arith.xori %lt3A_2204, %lt3A_2206 : i1
      %and3A_2208 = arith.andi %ne3A_2207, %ne3A_2202 : i1
      %add3A_2209 = arith.addi %rem3A_2200, %select_n3A_2199 : i32
      %select_n3A_2210 = arith.select %and3A_2208, %add3A_2209, %rem3A_2200 : i32
      %broadcast_in_dim3A_2211 = vector.broadcast %select_n3A_2210 : i32 to vector<16xi32>
      %mul3A_2212 = arith.constant 4 : i32
      %mul3A_2213 = arith.muli %add3A_2056, %mul3A_2212 : i32
      %add3A_2214 = arith.constant 1 : i32
      %add3A_2215 = arith.addi %mul3A_2213, %add3A_2214 : i32
      %broadcast_in_dim3A_2216 = vector.broadcast %add3A_2215 : i32 to vector<16xi32>
      %add3A_2217 = arith.constant 0 : i32
      %add3A_2218 = vector.broadcast %add3A_2217 : i32 to vector<16xi32>
      %add3A_2219 = arith.addi %iota3A, %add3A_2218 : vector<16xi32>
      %gather3A_2220 = arith.constant 2 : i32
      %gather3A_2221 = arith.constant 1 : i32
      %gather3A_2222 = arith.constant 0 : i32
      %gather3A_2223 = arith.constant 0 : i32
      %gather3A_2224 = tpu.memref_slice %arg6[%gather3A_2220, %gather3A_2221, %gather3A_2222, %gather3A_2223] : memref<6x4x32x128xf32, #tpu.memory_space<vmem>> -> memref<1x1x32x128xf32, #tpu.memory_space<vmem>>
      %gather3A_2225 = tpu.memref_squeeze %gather3A_2224 : memref<1x1x32x128xf32, #tpu.memory_space<vmem>> -> memref<32x128xf32, #tpu.memory_space<vmem>>
      %gather3A_2226 = tpu.vector_load_idx %gather3A_2225[%add3A_2219, %broadcast_in_dim3A_2211] : memref<32x128xf32, #tpu.memory_space<vmem>>[vector<16xi32>, vector<16xi32>], vector<16xf32>,
      tpu.vector_store_idx %arg7[%add3A_2219, %broadcast_in_dim3A_2216], %gather3A_2226 : memref<32x512xf32, #tpu.memory_space<vmem>>[vector<16xi32>, vector<16xi32>], vector<16xf32>,
      %add3A_2227 = arith.constant 16 : i32
      %add3A_2228 = vector.broadcast %add3A_2227 : i32 to vector<16xi32>
      %add3A_2229 = arith.addi %iota3A, %add3A_2228 : vector<16xi32>
      %gather3A_2230 = arith.constant 2 : i32
      %gather3A_2231 = arith.constant 1 : i32
      %gather3A_2232 = arith.constant 0 : i32
      %gather3A_2233 = arith.constant 0 : i32
      %gather3A_2234 = tpu.memref_slice %arg6[%gather3A_2230, %gather3A_2231, %gather3A_2232, %gather3A_2233] : memref<6x4x32x128xf32, #tpu.memory_space<vmem>> -> memref<1x1x32x128xf32, #tpu.memory_space<vmem>>
      %gather3A_2235 = tpu.memref_squeeze %gather3A_2234 : memref<1x1x32x128xf32, #tpu.memory_space<vmem>> -> memref<32x128xf32, #tpu.memory_space<vmem>>
      %gather3A_2236 = tpu.vector_load_idx %gather3A_2235[%add3A_2229, %broadcast_in_dim3A_2211] : memref<32x128xf32, #tpu.memory_space<vmem>>[vector<16xi32>, vector<16xi32>], vector<16xf32>,
      tpu.vector_store_idx %arg7[%add3A_2229, %broadcast_in_dim3A_2216], %gather3A_2236 : memref<32x512xf32, #tpu.memory_space<vmem>>[vector<16xi32>, vector<16xi32>], vector<16xf32>,
      %slice3A_2237 = vector.extract_strided_slice %get3A_2148 {offsets = [2], sizes = [1], strides = [1]} : vector<16xi32> to vector<1xi32>
      %squeeze3A_2238 = vector.extract %slice3A_2237[0] : i32 from vector<1xi32>
      %jit3A_2239 = arith.constant 128 : i32
      %eq3A_2240 = arith.constant 0 : i32
      %eq3A_2241 = arith.cmpi eq, %jit3A_2239, %eq3A_2240 : i32
      %jit3A_2242 = arith.constant 1 : i32
      %select_n3A_2243 = arith.select %eq3A_2241, %jit3A_2242, %jit3A_2239 : i32
      %rem3A_2244 = arith.remsi %squeeze3A_2238, %select_n3A_2243 : i32
      %ne3A_2245 = arith.constant 0 : i32
      %ne3A_2246 = arith.cmpi ne, %rem3A_2244, %ne3A_2245 : i32
      %lt3A_2247 = arith.constant 0 : i32
      %lt3A_2248 = arith.cmpi slt, %rem3A_2244, %lt3A_2247 : i32
      %lt3A_2249 = arith.constant 0 : i32
      %lt3A_2250 = arith.cmpi slt, %select_n3A_2243, %lt3A_2249 : i32
      %ne3A_2251 = arith.xori %lt3A_2248, %lt3A_2250 : i1
      %and3A_2252 = arith.andi %ne3A_2251, %ne3A_2246 : i1
      %add3A_2253 = arith.addi %rem3A_2244, %select_n3A_2243 : i32
      %select_n3A_2254 = arith.select %and3A_2252, %add3A_2253, %rem3A_2244 : i32
      %broadcast_in_dim3A_2255 = vector.broadcast %select_n3A_2254 : i32 to vector<16xi32>
      %mul3A_2256 = arith.constant 4 : i32
      %mul3A_2257 = arith.muli %add3A_2056, %mul3A_2256 : i32
      %add3A_2258 = arith.constant 2 : i32
      %add3A_2259 = arith.addi %mul3A_2257, %add3A_2258 : i32
      %broadcast_in_dim3A_2260 = vector.broadcast %add3A_2259 : i32 to vector<16xi32>
      %add3A_2261 = arith.constant 0 : i32
      %add3A_2262 = vector.broadcast %add3A_2261 : i32 to vector<16xi32>
      %add3A_2263 = arith.addi %iota3A, %add3A_2262 : vector<16xi32>
      %gather3A_2264 = arith.constant 2 : i32
      %gather3A_2265 = arith.constant 2 : i32
      %gather3A_2266 = arith.constant 0 : i32
      %gather3A_2267 = arith.constant 0 : i32
      %gather3A_2268 = tpu.memref_slice %arg6[%gather3A_2264, %gather3A_2265, %gather3A_2266, %gather3A_2267] : memref<6x4x32x128xf32, #tpu.memory_space<vmem>> -> memref<1x1x32x128xf32, #tpu.memory_space<vmem>>
      %gather3A_2269 = tpu.memref_squeeze %gather3A_2268 : memref<1x1x32x128xf32, #tpu.memory_space<vmem>> -> memref<32x128xf32, #tpu.memory_space<vmem>>
      %gather3A_2270 = tpu.vector_load_idx %gather3A_2269[%add3A_2263, %broadcast_in_dim3A_2255] : memref<32x128xf32, #tpu.memory_space<vmem>>[vector<16xi32>, vector<16xi32>], vector<16xf32>,
      tpu.vector_store_idx %arg7[%add3A_2263, %broadcast_in_dim3A_2260], %gather3A_2270 : memref<32x512xf32, #tpu.memory_space<vmem>>[vector<16xi32>, vector<16xi32>], vector<16xf32>,
      %add3A_2271 = arith.constant 16 : i32
      %add3A_2272 = vector.broadcast %add3A_2271 : i32 to vector<16xi32>
      %add3A_2273 = arith.addi %iota3A, %add3A_2272 : vector<16xi32>
      %gather3A_2274 = arith.constant 2 : i32
      %gather3A_2275 = arith.constant 2 : i32
      %gather3A_2276 = arith.constant 0 : i32
      %gather3A_2277 = arith.constant 0 : i32
      %gather3A_2278 = tpu.memref_slice %arg6[%gather3A_2274, %gather3A_2275, %gather3A_2276, %gather3A_2277] : memref<6x4x32x128xf32, #tpu.memory_space<vmem>> -> memref<1x1x32x128xf32, #tpu.memory_space<vmem>>
      %gather3A_2279 = tpu.memref_squeeze %gather3A_2278 : memref<1x1x32x128xf32, #tpu.memory_space<vmem>> -> memref<32x128xf32, #tpu.memory_space<vmem>>
      %gather3A_2280 = tpu.vector_load_idx %gather3A_2279[%add3A_2273, %broadcast_in_dim3A_2255] : memref<32x128xf32, #tpu.memory_space<vmem>>[vector<16xi32>, vector<16xi32>], vector<16xf32>,
      tpu.vector_store_idx %arg7[%add3A_2273, %broadcast_in_dim3A_2260], %gather3A_2280 : memref<32x512xf32, #tpu.memory_space<vmem>>[vector<16xi32>, vector<16xi32>], vector<16xf32>,
      %slice3A_2281 = vector.extract_strided_slice %get3A_2148 {offsets = [3], sizes = [1], strides = [1]} : vector<16xi32> to vector<1xi32>
      %squeeze3A_2282 = vector.extract %slice3A_2281[0] : i32 from vector<1xi32>
      %jit3A_2283 = arith.constant 128 : i32
      %eq3A_2284 = arith.constant 0 : i32
      %eq3A_2285 = arith.cmpi eq, %jit3A_2283, %eq3A_2284 : i32
      %jit3A_2286 = arith.constant 1 : i32
      %select_n3A_2287 = arith.select %eq3A_2285, %jit3A_2286, %jit3A_2283 : i32
      %rem3A_2288 = arith.remsi %squeeze3A_2282, %select_n3A_2287 : i32
      %ne3A_2289 = arith.constant 0 : i32
      %ne3A_2290 = arith.cmpi ne, %rem3A_2288, %ne3A_2289 : i32
      %lt3A_2291 = arith.constant 0 : i32
      %lt3A_2292 = arith.cmpi slt, %rem3A_2288, %lt3A_2291 : i32
      %lt3A_2293 = arith.constant 0 : i32
      %lt3A_2294 = arith.cmpi slt, %select_n3A_2287, %lt3A_2293 : i32
      %ne3A_2295 = arith.xori %lt3A_2292, %lt3A_2294 : i1
      %and3A_2296 = arith.andi %ne3A_2295, %ne3A_2290 : i1
      %add3A_2297 = arith.addi %rem3A_2288, %select_n3A_2287 : i32
      %select_n3A_2298 = arith.select %and3A_2296, %add3A_2297, %rem3A_2288 : i32
      %broadcast_in_dim3A_2299 = vector.broadcast %select_n3A_2298 : i32 to vector<16xi32>
      %mul3A_2300 = arith.constant 4 : i32
      %mul3A_2301 = arith.muli %add3A_2056, %mul3A_2300 : i32
      %add3A_2302 = arith.constant 3 : i32
      %add3A_2303 = arith.addi %mul3A_2301, %add3A_2302 : i32
      %broadcast_in_dim3A_2304 = vector.broadcast %add3A_2303 : i32 to vector<16xi32>
      %add3A_2305 = arith.constant 0 : i32
      %add3A_2306 = vector.broadcast %add3A_2305 : i32 to vector<16xi32>
      %add3A_2307 = arith.addi %iota3A, %add3A_2306 : vector<16xi32>
      %gather3A_2308 = arith.constant 2 : i32
      %gather3A_2309 = arith.constant 3 : i32
      %gather3A_2310 = arith.constant 0 : i32
      %gather3A_2311 = arith.constant 0 : i32
      %gather3A_2312 = tpu.memref_slice %arg6[%gather3A_2308, %gather3A_2309, %gather3A_2310, %gather3A_2311] : memref<6x4x32x128xf32, #tpu.memory_space<vmem>> -> memref<1x1x32x128xf32, #tpu.memory_space<vmem>>
      %gather3A_2313 = tpu.memref_squeeze %gather3A_2312 : memref<1x1x32x128xf32, #tpu.memory_space<vmem>> -> memref<32x128xf32, #tpu.memory_space<vmem>>
      %gather3A_2314 = tpu.vector_load_idx %gather3A_2313[%add3A_2307, %broadcast_in_dim3A_2299] : memref<32x128xf32, #tpu.memory_space<vmem>>[vector<16xi32>, vector<16xi32>], vector<16xf32>,
      tpu.vector_store_idx %arg7[%add3A_2307, %broadcast_in_dim3A_2304], %gather3A_2314 : memref<32x512xf32, #tpu.memory_space<vmem>>[vector<16xi32>, vector<16xi32>], vector<16xf32>,
      %add3A_2315 = arith.constant 16 : i32
      %add3A_2316 = vector.broadcast %add3A_2315 : i32 to vector<16xi32>
      %add3A_2317 = arith.addi %iota3A, %add3A_2316 : vector<16xi32>
      %gather3A_2318 = arith.constant 2 : i32
      %gather3A_2319 = arith.constant 3 : i32
      %gather3A_2320 = arith.constant 0 : i32
      %gather3A_2321 = arith.constant 0 : i32
      %gather3A_2322 = tpu.memref_slice %arg6[%gather3A_2318, %gather3A_2319, %gather3A_2320, %gather3A_2321] : memref<6x4x32x128xf32, #tpu.memory_space<vmem>> -> memref<1x1x32x128xf32, #tpu.memory_space<vmem>>
      %gather3A_2323 = tpu.memref_squeeze %gather3A_2322 : memref<1x1x32x128xf32, #tpu.memory_space<vmem>> -> memref<32x128xf32, #tpu.memory_space<vmem>>
      %gather3A_2324 = tpu.vector_load_idx %gather3A_2323[%add3A_2317, %broadcast_in_dim3A_2299] : memref<32x128xf32, #tpu.memory_space<vmem>>[vector<16xi32>, vector<16xi32>], vector<16xf32>,
      tpu.vector_store_idx %arg7[%add3A_2317, %broadcast_in_dim3A_2304], %gather3A_2324 : memref<32x512xf32, #tpu.memory_space<vmem>>[vector<16xi32>, vector<16xi32>], vector<16xf32>,
      %add3A_2325 = arith.constant 6 : i32
      %add3A_2326 = arith.addi %add3A_2056, %add3A_2325 : i32
      %lt3A_2327 = arith.constant 128 : i32
      %lt3A_2328 = arith.cmpi slt, %add3A_2326, %lt3A_2327 : i32
      %convert_element_type3A_2329 = arith.extui %lt3A_2328 : i1 to i32
      %cond3A_2330 = arith.constant 0 : i32
      %cond3A_2331 = arith.cmpi ne, %convert_element_type3A_2329, %cond3A_2330 : i32
      scf.if %cond3A_2331 {
        %jit3A_3170 = arith.constant 2 : i32
        %div3A_3171 = arith.divsi %add3A_2326, %jit3A_3170 : i32
        %sign3A_3172 = arith.constant 0 : i32
        %sign3A_3173 = arith.cmpi sgt, %add3A_2326, %sign3A_3172 : i32
        %sign3A_3174 = arith.extui %sign3A_3173 : i1 to i32
        %sign3A_3175 = arith.constant 0 : i32
        %sign3A_3176 = arith.cmpi slt, %add3A_2326, %sign3A_3175 : i32
        %sign3A_3177 = arith.extui %sign3A_3176 : i1 to i32
        %sign3A_3178 = arith.subi %sign3A_3174, %sign3A_3177 : i32
        %sign3A_3179 = arith.constant 0 : i32
        %sign3A_3180 = arith.cmpi sgt, %jit3A_3170, %sign3A_3179 : i32
        %sign3A_3181 = arith.extui %sign3A_3180 : i1 to i32
        %sign3A_3182 = arith.constant 0 : i32
        %sign3A_3183 = arith.cmpi slt, %jit3A_3170, %sign3A_3182 : i32
        %sign3A_3184 = arith.extui %sign3A_3183 : i1 to i32
        %sign3A_3185 = arith.subi %sign3A_3181, %sign3A_3184 : i32
        %ne3A_3186 = arith.cmpi ne, %sign3A_3178, %sign3A_3185 : i32
        %rem3A_3187 = arith.remsi %add3A_2326, %jit3A_3170 : i32
        %ne3A_3188 = arith.constant 0 : i32
        %ne3A_3189 = arith.cmpi ne, %rem3A_3187, %ne3A_3188 : i32
        %and3A_3190 = arith.andi %ne3A_3186, %ne3A_3189 : i1
        %sub3A_3191 = arith.constant 1 : i32
        %sub3A_3192 = arith.subi %div3A_3171, %sub3A_3191 : i32
        %select_n3A_3193 = arith.select %and3A_3190, %sub3A_3192, %div3A_3171 : i32
        %mul3A_3194 = arith.constant 8 : i32
        %mul3A_3195 = arith.muli %select_n3A_3193, %mul3A_3194 : i32
        %get3A_3196 = arith.index_cast %mul3A_3195 : i32 to index
        %get3A_3197 = tpu.vector_load %arg5[%get3A_3196] {strides = array<i32>} : memref<528xi32, #tpu.memory_space<vmem>>, vector<16xi32>,
        %slice3A_3198 = vector.extract_strided_slice %get3A_3197 {offsets = [0], sizes = [1], strides = [1]} : vector<16xi32> to vector<1xi32>
        %squeeze3A_3199 = vector.extract %slice3A_3198[0] : i32 from vector<1xi32>
        %jit3A_3200 = arith.constant 128 : i32
        %div3A_3201 = arith.divsi %squeeze3A_3199, %jit3A_3200 : i32
        %sign3A_3202 = arith.constant 0 : i32
        %sign3A_3203 = arith.cmpi sgt, %squeeze3A_3199, %sign3A_3202 : i32
        %sign3A_3204 = arith.extui %sign3A_3203 : i1 to i32
        %sign3A_3205 = arith.constant 0 : i32
        %sign3A_3206 = arith.cmpi slt, %squeeze3A_3199, %sign3A_3205 : i32
        %sign3A_3207 = arith.extui %sign3A_3206 : i1 to i32
        %sign3A_3208 = arith.subi %sign3A_3204, %sign3A_3207 : i32
        %sign3A_3209 = arith.constant 0 : i32
        %sign3A_3210 = arith.cmpi sgt, %jit3A_3200, %sign3A_3209 : i32
        %sign3A_3211 = arith.extui %sign3A_3210 : i1 to i32
        %sign3A_3212 = arith.constant 0 : i32
        %sign3A_3213 = arith.cmpi slt, %jit3A_3200, %sign3A_3212 : i32
        %sign3A_3214 = arith.extui %sign3A_3213 : i1 to i32
        %sign3A_3215 = arith.subi %sign3A_3211, %sign3A_3214 : i32
        %ne3A_3216 = arith.cmpi ne, %sign3A_3208, %sign3A_3215 : i32
        %rem3A_3217 = arith.remsi %squeeze3A_3199, %jit3A_3200 : i32
        %ne3A_3218 = arith.constant 0 : i32
        %ne3A_3219 = arith.cmpi ne, %rem3A_3217, %ne3A_3218 : i32
        %and3A_3220 = arith.andi %ne3A_3216, %ne3A_3219 : i1
        %sub3A_3221 = arith.constant 1 : i32
        %sub3A_3222 = arith.subi %div3A_3201, %sub3A_3221 : i32
        %select_n3A_3223 = arith.select %and3A_3220, %sub3A_3222, %div3A_3201 : i32
        %mul3A_3224 = arith.constant 128 : i32
        %mul3A_3225 = arith.muli %select_n3A_3223, %mul3A_3224 : i32
        %multiple_of3A_3226 = tpu.assume_multiple %mul3A_3225, 128 : i32
        %dma_start3A_3227 = arith.constant 2 : i32
        %dma_start3A_3228 = arith.constant 0 : i32
        %dma_start3A_3229 = arith.constant 0 : i32
        %dma_start3A_3230 = arith.constant 0 : i32
        %dma_start3A_3231 = tpu.memref_slice %arg6[%dma_start3A_3227, %dma_start3A_3228, %dma_start3A_3229, %dma_start3A_3230] : memref<6x4x32x128xf32, #tpu.memory_space<vmem>> -> memref<1x1x32x128xf32, #tpu.memory_space<vmem>>
        %dma_start3A_3232 = tpu.memref_squeeze %dma_start3A_3231 : memref<1x1x32x128xf32, #tpu.memory_space<vmem>> -> memref<32x128xf32, #tpu.memory_space<vmem>>
        %dma_start3A_3233 = arith.constant 0 : i32
        %dma_start3A_3234 = tpu.memref_slice %arg3[%dma_start3A_3233, %multiple_of3A_3226] : memref<32x1000000xf32, #tpu.memory_space<hbm>> -> memref<32x128xf32, #tpu.memory_space<hbm>>
        %dma_start3A_3235 = arith.constant 0 : i32
        %dma_start3A_3236 = arith.constant 0 : i32
        %dma_start3A_3237 = tpu.memref_slice %arg6[%dma_start3A_3227, %dma_start3A_3228, %dma_start3A_3235, %dma_start3A_3236] : memref<6x4x32x128xf32, #tpu.memory_space<vmem>> -> memref<1x1x32x128xf32, #tpu.memory_space<vmem>>
        %dma_start3A_3238 = tpu.memref_squeeze %dma_start3A_3237 : memref<1x1x32x128xf32, #tpu.memory_space<vmem>> -> memref<32x128xf32, #tpu.memory_space<vmem>>
        %dma_start3A_3239 = arith.constant 0 : i32
        %dma_start3A_3240 = tpu.memref_slice %arg3[%dma_start3A_3239, %multiple_of3A_3226] : memref<32x1000000xf32, #tpu.memory_space<hbm>> -> memref<32x128xf32, #tpu.memory_space<hbm>>
        tpu.enqueue_dma source(%dma_start3A_3240 : memref<32x128xf32, #tpu.memory_space<hbm>>) target(%dma_start3A_3238 : memref<32x128xf32, #tpu.memory_space<vmem>>) target_semaphore(%arg10 : memref<!tpu.dma_semaphore, #tpu.memory_space<semaphore_mem>>)
        %slice3A_3241 = vector.extract_strided_slice %get3A_3197 {offsets = [1], sizes = [1], strides = [1]} : vector<16xi32> to vector<1xi32>
        %squeeze3A_3242 = vector.extract %slice3A_3241[0] : i32 from vector<1xi32>
        %jit3A_3243 = arith.constant 128 : i32
        %div3A_3244 = arith.divsi %squeeze3A_3242, %jit3A_3243 : i32
        %sign3A_3245 = arith.constant 0 : i32
        %sign3A_3246 = arith.cmpi sgt, %squeeze3A_3242, %sign3A_3245 : i32
        %sign3A_3247 = arith.extui %sign3A_3246 : i1 to i32
        %sign3A_3248 = arith.constant 0 : i32
        %sign3A_3249 = arith.cmpi slt, %squeeze3A_3242, %sign3A_3248 : i32
        %sign3A_3250 = arith.extui %sign3A_3249 : i1 to i32
        %sign3A_3251 = arith.subi %sign3A_3247, %sign3A_3250 : i32
        %sign3A_3252 = arith.constant 0 : i32
        %sign3A_3253 = arith.cmpi sgt, %jit3A_3243, %sign3A_3252 : i32
        %sign3A_3254 = arith.extui %sign3A_3253 : i1 to i32
        %sign3A_3255 = arith.constant 0 : i32
        %sign3A_3256 = arith.cmpi slt, %jit3A_3243, %sign3A_3255 : i32
        %sign3A_3257 = arith.extui %sign3A_3256 : i1 to i32
        %sign3A_3258 = arith.subi %sign3A_3254, %sign3A_3257 : i32
        %ne3A_3259 = arith.cmpi ne, %sign3A_3251, %sign3A_3258 : i32
        %rem3A_3260 = arith.remsi %squeeze3A_3242, %jit3A_3243 : i32
        %ne3A_3261 = arith.constant 0 : i32
        %ne3A_3262 = arith.cmpi ne, %rem3A_3260, %ne3A_3261 : i32
        %and3A_3263 = arith.andi %ne3A_3259, %ne3A_3262 : i1
        %sub3A_3264 = arith.constant 1 : i32
        %sub3A_3265 = arith.subi %div3A_3244, %sub3A_3264 : i32
        %select_n3A_3266 = arith.select %and3A_3263, %sub3A_3265, %div3A_3244 : i32
        %mul3A_3267 = arith.constant 128 : i32
        %mul3A_3268 = arith.muli %select_n3A_3266, %mul3A_3267 : i32
        %multiple_of3A_3269 = tpu.assume_multiple %mul3A_3268, 128 : i32
        %dma_start3A_3270 = arith.constant 2 : i32
        %dma_start3A_3271 = arith.constant 1 : i32
        %dma_start3A_3272 = arith.constant 0 : i32
        %dma_start3A_3273 = arith.constant 0 : i32
        %dma_start3A_3274 = tpu.memref_slice %arg6[%dma_start3A_3270, %dma_start3A_3271, %dma_start3A_3272, %dma_start3A_3273] : memref<6x4x32x128xf32, #tpu.memory_space<vmem>> -> memref<1x1x32x128xf32, #tpu.memory_space<vmem>>
        %dma_start3A_3275 = tpu.memref_squeeze %dma_start3A_3274 : memref<1x1x32x128xf32, #tpu.memory_space<vmem>> -> memref<32x128xf32, #tpu.memory_space<vmem>>
        %dma_start3A_3276 = arith.constant 0 : i32
        %dma_start3A_3277 = tpu.memref_slice %arg3[%dma_start3A_3276, %multiple_of3A_3269] : memref<32x1000000xf32, #tpu.memory_space<hbm>> -> memref<32x128xf32, #tpu.memory_space<hbm>>
        %dma_start3A_3278 = arith.constant 0 : i32
        %dma_start3A_3279 = arith.constant 0 : i32
        %dma_start3A_3280 = tpu.memref_slice %arg6[%dma_start3A_3270, %dma_start3A_3271, %dma_start3A_3278, %dma_start3A_3279] : memref<6x4x32x128xf32, #tpu.memory_space<vmem>> -> memref<1x1x32x128xf32, #tpu.memory_space<vmem>>
        %dma_start3A_3281 = tpu.memref_squeeze %dma_start3A_3280 : memref<1x1x32x128xf32, #tpu.memory_space<vmem>> -> memref<32x128xf32, #tpu.memory_space<vmem>>
        %dma_start3A_3282 = arith.constant 0 : i32
        %dma_start3A_3283 = tpu.memref_slice %arg3[%dma_start3A_3282, %multiple_of3A_3269] : memref<32x1000000xf32, #tpu.memory_space<hbm>> -> memref<32x128xf32, #tpu.memory_space<hbm>>
        tpu.enqueue_dma source(%dma_start3A_3283 : memref<32x128xf32, #tpu.memory_space<hbm>>) target(%dma_start3A_3281 : memref<32x128xf32, #tpu.memory_space<vmem>>) target_semaphore(%arg10 : memref<!tpu.dma_semaphore, #tpu.memory_space<semaphore_mem>>)
        %slice3A_3284 = vector.extract_strided_slice %get3A_3197 {offsets = [2], sizes = [1], strides = [1]} : vector<16xi32> to vector<1xi32>
        %squeeze3A_3285 = vector.extract %slice3A_3284[0] : i32 from vector<1xi32>
        %jit3A_3286 = arith.constant 128 : i32
        %div3A_3287 = arith.divsi %squeeze3A_3285, %jit3A_3286 : i32
        %sign3A_3288 = arith.constant 0 : i32
        %sign3A_3289 = arith.cmpi sgt, %squeeze3A_3285, %sign3A_3288 : i32
        %sign3A_3290 = arith.extui %sign3A_3289 : i1 to i32
        %sign3A_3291 = arith.constant 0 : i32
        %sign3A_3292 = arith.cmpi slt, %squeeze3A_3285, %sign3A_3291 : i32
        %sign3A_3293 = arith.extui %sign3A_3292 : i1 to i32
        %sign3A_3294 = arith.subi %sign3A_3290, %sign3A_3293 : i32
        %sign3A_3295 = arith.constant 0 : i32
        %sign3A_3296 = arith.cmpi sgt, %jit3A_3286, %sign3A_3295 : i32
        %sign3A_3297 = arith.extui %sign3A_3296 : i1 to i32
        %sign3A_3298 = arith.constant 0 : i32
        %sign3A_3299 = arith.cmpi slt, %jit3A_3286, %sign3A_3298 : i32
        %sign3A_3300 = arith.extui %sign3A_3299 : i1 to i32
        %sign3A_3301 = arith.subi %sign3A_3297, %sign3A_3300 : i32
        %ne3A_3302 = arith.cmpi ne, %sign3A_3294, %sign3A_3301 : i32
        %rem3A_3303 = arith.remsi %squeeze3A_3285, %jit3A_3286 : i32
        %ne3A_3304 = arith.constant 0 : i32
        %ne3A_3305 = arith.cmpi ne, %rem3A_3303, %ne3A_3304 : i32
        %and3A_3306 = arith.andi %ne3A_3302, %ne3A_3305 : i1
        %sub3A_3307 = arith.constant 1 : i32
        %sub3A_3308 = arith.subi %div3A_3287, %sub3A_3307 : i32
        %select_n3A_3309 = arith.select %and3A_3306, %sub3A_3308, %div3A_3287 : i32
        %mul3A_3310 = arith.constant 128 : i32
        %mul3A_3311 = arith.muli %select_n3A_3309, %mul3A_3310 : i32
        %multiple_of3A_3312 = tpu.assume_multiple %mul3A_3311, 128 : i32
        %dma_start3A_3313 = arith.constant 2 : i32
        %dma_start3A_3314 = arith.constant 2 : i32
        %dma_start3A_3315 = arith.constant 0 : i32
        %dma_start3A_3316 = arith.constant 0 : i32
        %dma_start3A_3317 = tpu.memref_slice %arg6[%dma_start3A_3313, %dma_start3A_3314, %dma_start3A_3315, %dma_start3A_3316] : memref<6x4x32x128xf32, #tpu.memory_space<vmem>> -> memref<1x1x32x128xf32, #tpu.memory_space<vmem>>
        %dma_start3A_3318 = tpu.memref_squeeze %dma_start3A_3317 : memref<1x1x32x128xf32, #tpu.memory_space<vmem>> -> memref<32x128xf32, #tpu.memory_space<vmem>>
        %dma_start3A_3319 = arith.constant 0 : i32
        %dma_start3A_3320 = tpu.memref_slice %arg3[%dma_start3A_3319, %multiple_of3A_3312] : memref<32x1000000xf32, #tpu.memory_space<hbm>> -> memref<32x128xf32, #tpu.memory_space<hbm>>
        %dma_start3A_3321 = arith.constant 0 : i32
        %dma_start3A_3322 = arith.constant 0 : i32
        %dma_start3A_3323 = tpu.memref_slice %arg6[%dma_start3A_3313, %dma_start3A_3314, %dma_start3A_3321, %dma_start3A_3322] : memref<6x4x32x128xf32, #tpu.memory_space<vmem>> -> memref<1x1x32x128xf32, #tpu.memory_space<vmem>>
        %dma_start3A_3324 = tpu.memref_squeeze %dma_start3A_3323 : memref<1x1x32x128xf32, #tpu.memory_space<vmem>> -> memref<32x128xf32, #tpu.memory_space<vmem>>
        %dma_start3A_3325 = arith.constant 0 : i32
        %dma_start3A_3326 = tpu.memref_slice %arg3[%dma_start3A_3325, %multiple_of3A_3312] : memref<32x1000000xf32, #tpu.memory_space<hbm>> -> memref<32x128xf32, #tpu.memory_space<hbm>>
        tpu.enqueue_dma source(%dma_start3A_3326 : memref<32x128xf32, #tpu.memory_space<hbm>>) target(%dma_start3A_3324 : memref<32x128xf32, #tpu.memory_space<vmem>>) target_semaphore(%arg10 : memref<!tpu.dma_semaphore, #tpu.memory_space<semaphore_mem>>)
        %slice3A_3327 = vector.extract_strided_slice %get3A_3197 {offsets = [3], sizes = [1], strides = [1]} : vector<16xi32> to vector<1xi32>
        %squeeze3A_3328 = vector.extract %slice3A_3327[0] : i32 from vector<1xi32>
        %jit3A_3329 = arith.constant 128 : i32
        %div3A_3330 = arith.divsi %squeeze3A_3328, %jit3A_3329 : i32
        %sign3A_3331 = arith.constant 0 : i32
        %sign3A_3332 = arith.cmpi sgt, %squeeze3A_3328, %sign3A_3331 : i32
        %sign3A_3333 = arith.extui %sign3A_3332 : i1 to i32
        %sign3A_3334 = arith.constant 0 : i32
        %sign3A_3335 = arith.cmpi slt, %squeeze3A_3328, %sign3A_3334 : i32
        %sign3A_3336 = arith.extui %sign3A_3335 : i1 to i32
        %sign3A_3337 = arith.subi %sign3A_3333, %sign3A_3336 : i32
        %sign3A_3338 = arith.constant 0 : i32
        %sign3A_3339 = arith.cmpi sgt, %jit3A_3329, %sign3A_3338 : i32
        %sign3A_3340 = arith.extui %sign3A_3339 : i1 to i32
        %sign3A_3341 = arith.constant 0 : i32
        %sign3A_3342 = arith.cmpi slt, %jit3A_3329, %sign3A_3341 : i32
        %sign3A_3343 = arith.extui %sign3A_3342 : i1 to i32
        %sign3A_3344 = arith.subi %sign3A_3340, %sign3A_3343 : i32
        %ne3A_3345 = arith.cmpi ne, %sign3A_3337, %sign3A_3344 : i32
        %rem3A_3346 = arith.remsi %squeeze3A_3328, %jit3A_3329 : i32
        %ne3A_3347 = arith.constant 0 : i32
        %ne3A_3348 = arith.cmpi ne, %rem3A_3346, %ne3A_3347 : i32
        %and3A_3349 = arith.andi %ne3A_3345, %ne3A_3348 : i1
        %sub3A_3350 = arith.constant 1 : i32
        %sub3A_3351 = arith.subi %div3A_3330, %sub3A_3350 : i32
        %select_n3A_3352 = arith.select %and3A_3349, %sub3A_3351, %div3A_3330 : i32
        %mul3A_3353 = arith.constant 128 : i32
        %mul3A_3354 = arith.muli %select_n3A_3352, %mul3A_3353 : i32
        %multiple_of3A_3355 = tpu.assume_multiple %mul3A_3354, 128 : i32
        %dma_start3A_3356 = arith.constant 2 : i32
        %dma_start3A_3357 = arith.constant 3 : i32
        %dma_start3A_3358 = arith.constant 0 : i32
        %dma_start3A_3359 = arith.constant 0 : i32
        %dma_start3A_3360 = tpu.memref_slice %arg6[%dma_start3A_3356, %dma_start3A_3357, %dma_start3A_3358, %dma_start3A_3359] : memref<6x4x32x128xf32, #tpu.memory_space<vmem>> -> memref<1x1x32x128xf32, #tpu.memory_space<vmem>>
        %dma_start3A_3361 = tpu.memref_squeeze %dma_start3A_3360 : memref<1x1x32x128xf32, #tpu.memory_space<vmem>> -> memref<32x128xf32, #tpu.memory_space<vmem>>
        %dma_start3A_3362 = arith.constant 0 : i32
        %dma_start3A_3363 = tpu.memref_slice %arg3[%dma_start3A_3362, %multiple_of3A_3355] : memref<32x1000000xf32, #tpu.memory_space<hbm>> -> memref<32x128xf32, #tpu.memory_space<hbm>>
        %dma_start3A_3364 = arith.constant 0 : i32
        %dma_start3A_3365 = arith.constant 0 : i32
        %dma_start3A_3366 = tpu.memref_slice %arg6[%dma_start3A_3356, %dma_start3A_3357, %dma_start3A_3364, %dma_start3A_3365] : memref<6x4x32x128xf32, #tpu.memory_space<vmem>> -> memref<1x1x32x128xf32, #tpu.memory_space<vmem>>
        %dma_start3A_3367 = tpu.memref_squeeze %dma_start3A_3366 : memref<1x1x32x128xf32, #tpu.memory_space<vmem>> -> memref<32x128xf32, #tpu.memory_space<vmem>>
        %dma_start3A_3368 = arith.constant 0 : i32
        %dma_start3A_3369 = tpu.memref_slice %arg3[%dma_start3A_3368, %multiple_of3A_3355] : memref<32x1000000xf32, #tpu.memory_space<hbm>> -> memref<32x128xf32, #tpu.memory_space<hbm>>
        tpu.enqueue_dma source(%dma_start3A_3369 : memref<32x128xf32, #tpu.memory_space<hbm>>) target(%dma_start3A_3367 : memref<32x128xf32, #tpu.memory_space<vmem>>) target_semaphore(%arg10 : memref<!tpu.dma_semaphore, #tpu.memory_space<semaphore_mem>>)
      } else {
      }
      %mul3A_2332 = arith.constant 6 : i32
      %mul3A_2333 = arith.muli %scan3A_1495, %mul3A_2332 : i32
      %add3A_2334 = arith.constant 3 : i32
      %add3A_2335 = arith.addi %mul3A_2333, %add3A_2334 : i32
      %dma_wait3A_2336 = arith.constant 3 : i32
      %dma_wait3A_2337 = arith.constant 0 : i32
      %dma_wait3A_2338 = arith.constant 0 : i32
      %dma_wait3A_2339 = arith.constant 0 : i32
      %dma_wait3A_2340 = tpu.memref_slice %arg6[%dma_wait3A_2336, %dma_wait3A_2337, %dma_wait3A_2338, %dma_wait3A_2339] : memref<6x4x32x128xf32, #tpu.memory_space<vmem>> -> memref<1x1x32x128xf32, #tpu.memory_space<vmem>>
      %dma_wait3A_2341 = tpu.memref_squeeze %dma_wait3A_2340 : memref<1x1x32x128xf32, #tpu.memory_space<vmem>> -> memref<32x128xf32, #tpu.memory_space<vmem>>
      %dma_wait3A_2342 = arith.constant 0 : i32
      %dma_wait3A_2343 = arith.constant 0 : i32
      %dma_wait3A_2344 = tpu.memref_slice %arg3[%dma_wait3A_2342, %dma_wait3A_2343] : memref<32x1000000xf32, #tpu.memory_space<hbm>> -> memref<32x128xf32, #tpu.memory_space<hbm>>
      %dma_wait3A_2345 = arith.constant 0 : i32
      %dma_wait3A_2346 = arith.constant 0 : i32
      %dma_wait3A_2347 = tpu.memref_slice %arg6[%dma_wait3A_2336, %dma_wait3A_2337, %dma_wait3A_2345, %dma_wait3A_2346] : memref<6x4x32x128xf32, #tpu.memory_space<vmem>> -> memref<1x1x32x128xf32, #tpu.memory_space<vmem>>
      %dma_wait3A_2348 = tpu.memref_squeeze %dma_wait3A_2347 : memref<1x1x32x128xf32, #tpu.memory_space<vmem>> -> memref<32x128xf32, #tpu.memory_space<vmem>>
      %dma_wait3A_2349 = arith.constant 0 : i32
      %dma_wait3A_2350 = arith.constant 0 : i32
      %dma_wait3A_2351 = tpu.memref_slice %arg3[%dma_wait3A_2349, %dma_wait3A_2350] : memref<32x1000000xf32, #tpu.memory_space<hbm>> -> memref<32x128xf32, #tpu.memory_space<hbm>>
      tpu.wait_dma2 semaphore(%arg11 : memref<!tpu.dma_semaphore, #tpu.memory_space<semaphore_mem>>) src(%dma_wait3A_2351 : memref<32x128xf32, #tpu.memory_space<hbm>>) dst(%dma_wait3A_2348 : memref<32x128xf32, #tpu.memory_space<vmem>>)
      %dma_wait3A_2352 = arith.constant 3 : i32
      %dma_wait3A_2353 = arith.constant 1 : i32
      %dma_wait3A_2354 = arith.constant 0 : i32
      %dma_wait3A_2355 = arith.constant 0 : i32
      %dma_wait3A_2356 = tpu.memref_slice %arg6[%dma_wait3A_2352, %dma_wait3A_2353, %dma_wait3A_2354, %dma_wait3A_2355] : memref<6x4x32x128xf32, #tpu.memory_space<vmem>> -> memref<1x1x32x128xf32, #tpu.memory_space<vmem>>
      %dma_wait3A_2357 = tpu.memref_squeeze %dma_wait3A_2356 : memref<1x1x32x128xf32, #tpu.memory_space<vmem>> -> memref<32x128xf32, #tpu.memory_space<vmem>>
      %dma_wait3A_2358 = arith.constant 0 : i32
      %dma_wait3A_2359 = arith.constant 0 : i32
      %dma_wait3A_2360 = tpu.memref_slice %arg3[%dma_wait3A_2358, %dma_wait3A_2359] : memref<32x1000000xf32, #tpu.memory_space<hbm>> -> memref<32x128xf32, #tpu.memory_space<hbm>>
      %dma_wait3A_2361 = arith.constant 0 : i32
      %dma_wait3A_2362 = arith.constant 0 : i32
      %dma_wait3A_2363 = tpu.memref_slice %arg6[%dma_wait3A_2352, %dma_wait3A_2353, %dma_wait3A_2361, %dma_wait3A_2362] : memref<6x4x32x128xf32, #tpu.memory_space<vmem>> -> memref<1x1x32x128xf32, #tpu.memory_space<vmem>>
      %dma_wait3A_2364 = tpu.memref_squeeze %dma_wait3A_2363 : memref<1x1x32x128xf32, #tpu.memory_space<vmem>> -> memref<32x128xf32, #tpu.memory_space<vmem>>
      %dma_wait3A_2365 = arith.constant 0 : i32
      %dma_wait3A_2366 = arith.constant 0 : i32
      %dma_wait3A_2367 = tpu.memref_slice %arg3[%dma_wait3A_2365, %dma_wait3A_2366] : memref<32x1000000xf32, #tpu.memory_space<hbm>> -> memref<32x128xf32, #tpu.memory_space<hbm>>
      tpu.wait_dma2 semaphore(%arg11 : memref<!tpu.dma_semaphore, #tpu.memory_space<semaphore_mem>>) src(%dma_wait3A_2367 : memref<32x128xf32, #tpu.memory_space<hbm>>) dst(%dma_wait3A_2364 : memref<32x128xf32, #tpu.memory_space<vmem>>)
      %dma_wait3A_2368 = arith.constant 3 : i32
      %dma_wait3A_2369 = arith.constant 2 : i32
      %dma_wait3A_2370 = arith.constant 0 : i32
      %dma_wait3A_2371 = arith.constant 0 : i32
      %dma_wait3A_2372 = tpu.memref_slice %arg6[%dma_wait3A_2368, %dma_wait3A_2369, %dma_wait3A_2370, %dma_wait3A_2371] : memref<6x4x32x128xf32, #tpu.memory_space<vmem>> -> memref<1x1x32x128xf32, #tpu.memory_space<vmem>>
      %dma_wait3A_2373 = tpu.memref_squeeze %dma_wait3A_2372 : memref<1x1x32x128xf32, #tpu.memory_space<vmem>> -> memref<32x128xf32, #tpu.memory_space<vmem>>
      %dma_wait3A_2374 = arith.constant 0 : i32
      %dma_wait3A_2375 = arith.constant 0 : i32
      %dma_wait3A_2376 = tpu.memref_slice %arg3[%dma_wait3A_2374, %dma_wait3A_2375] : memref<32x1000000xf32, #tpu.memory_space<hbm>> -> memref<32x128xf32, #tpu.memory_space<hbm>>
      %dma_wait3A_2377 = arith.constant 0 : i32
      %dma_wait3A_2378 = arith.constant 0 : i32
      %dma_wait3A_2379 = tpu.memref_slice %arg6[%dma_wait3A_2368, %dma_wait3A_2369, %dma_wait3A_2377, %dma_wait3A_2378] : memref<6x4x32x128xf32, #tpu.memory_space<vmem>> -> memref<1x1x32x128xf32, #tpu.memory_space<vmem>>
      %dma_wait3A_2380 = tpu.memref_squeeze %dma_wait3A_2379 : memref<1x1x32x128xf32, #tpu.memory_space<vmem>> -> memref<32x128xf32, #tpu.memory_space<vmem>>
      %dma_wait3A_2381 = arith.constant 0 : i32
      %dma_wait3A_2382 = arith.constant 0 : i32
      %dma_wait3A_2383 = tpu.memref_slice %arg3[%dma_wait3A_2381, %dma_wait3A_2382] : memref<32x1000000xf32, #tpu.memory_space<hbm>> -> memref<32x128xf32, #tpu.memory_space<hbm>>
      tpu.wait_dma2 semaphore(%arg11 : memref<!tpu.dma_semaphore, #tpu.memory_space<semaphore_mem>>) src(%dma_wait3A_2383 : memref<32x128xf32, #tpu.memory_space<hbm>>) dst(%dma_wait3A_2380 : memref<32x128xf32, #tpu.memory_space<vmem>>)
      %dma_wait3A_2384 = arith.constant 3 : i32
      %dma_wait3A_2385 = arith.constant 3 : i32
      %dma_wait3A_2386 = arith.constant 0 : i32
      %dma_wait3A_2387 = arith.constant 0 : i32
      %dma_wait3A_2388 = tpu.memref_slice %arg6[%dma_wait3A_2384, %dma_wait3A_2385, %dma_wait3A_2386, %dma_wait3A_2387] : memref<6x4x32x128xf32, #tpu.memory_space<vmem>> -> memref<1x1x32x128xf32, #tpu.memory_space<vmem>>
      %dma_wait3A_2389 = tpu.memref_squeeze %dma_wait3A_2388 : memref<1x1x32x128xf32, #tpu.memory_space<vmem>> -> memref<32x128xf32, #tpu.memory_space<vmem>>
      %dma_wait3A_2390 = arith.constant 0 : i32
      %dma_wait3A_2391 = arith.constant 0 : i32
      %dma_wait3A_2392 = tpu.memref_slice %arg3[%dma_wait3A_2390, %dma_wait3A_2391] : memref<32x1000000xf32, #tpu.memory_space<hbm>> -> memref<32x128xf32, #tpu.memory_space<hbm>>
      %dma_wait3A_2393 = arith.constant 0 : i32
      %dma_wait3A_2394 = arith.constant 0 : i32
      %dma_wait3A_2395 = tpu.memref_slice %arg6[%dma_wait3A_2384, %dma_wait3A_2385, %dma_wait3A_2393, %dma_wait3A_2394] : memref<6x4x32x128xf32, #tpu.memory_space<vmem>> -> memref<1x1x32x128xf32, #tpu.memory_space<vmem>>
      %dma_wait3A_2396 = tpu.memref_squeeze %dma_wait3A_2395 : memref<1x1x32x128xf32, #tpu.memory_space<vmem>> -> memref<32x128xf32, #tpu.memory_space<vmem>>
      %dma_wait3A_2397 = arith.constant 0 : i32
      %dma_wait3A_2398 = arith.constant 0 : i32
      %dma_wait3A_2399 = tpu.memref_slice %arg3[%dma_wait3A_2397, %dma_wait3A_2398] : memref<32x1000000xf32, #tpu.memory_space<hbm>> -> memref<32x128xf32, #tpu.memory_space<hbm>>
      tpu.wait_dma2 semaphore(%arg11 : memref<!tpu.dma_semaphore, #tpu.memory_space<semaphore_mem>>) src(%dma_wait3A_2399 : memref<32x128xf32, #tpu.memory_space<hbm>>) dst(%dma_wait3A_2396 : memref<32x128xf32, #tpu.memory_space<vmem>>)
      %jit3A_2400 = arith.constant 2 : i32
      %div3A_2401 = arith.divsi %add3A_2335, %jit3A_2400 : i32
      %sign3A_2402 = arith.constant 0 : i32
      %sign3A_2403 = arith.cmpi sgt, %add3A_2335, %sign3A_2402 : i32
      %sign3A_2404 = arith.extui %sign3A_2403 : i1 to i32
      %sign3A_2405 = arith.constant 0 : i32
      %sign3A_2406 = arith.cmpi slt, %add3A_2335, %sign3A_2405 : i32
      %sign3A_2407 = arith.extui %sign3A_2406 : i1 to i32
      %sign3A_2408 = arith.subi %sign3A_2404, %sign3A_2407 : i32
      %sign3A_2409 = arith.constant 0 : i32
      %sign3A_2410 = arith.cmpi sgt, %jit3A_2400, %sign3A_2409 : i32
      %sign3A_2411 = arith.extui %sign3A_2410 : i1 to i32
      %sign3A_2412 = arith.constant 0 : i32
      %sign3A_2413 = arith.cmpi slt, %jit3A_2400, %sign3A_2412 : i32
      %sign3A_2414 = arith.extui %sign3A_2413 : i1 to i32
      %sign3A_2415 = arith.subi %sign3A_2411, %sign3A_2414 : i32
      %ne3A_2416 = arith.cmpi ne, %sign3A_2408, %sign3A_2415 : i32
      %rem3A_2417 = arith.remsi %add3A_2335, %jit3A_2400 : i32
      %ne3A_2418 = arith.constant 0 : i32
      %ne3A_2419 = arith.cmpi ne, %rem3A_2417, %ne3A_2418 : i32
      %and3A_2420 = arith.andi %ne3A_2416, %ne3A_2419 : i1
      %sub3A_2421 = arith.constant 1 : i32
      %sub3A_2422 = arith.subi %div3A_2401, %sub3A_2421 : i32
      %select_n3A_2423 = arith.select %and3A_2420, %sub3A_2422, %div3A_2401 : i32
      %mul3A_2424 = arith.constant 8 : i32
      %mul3A_2425 = arith.muli %select_n3A_2423, %mul3A_2424 : i32
      %get3A_2426 = arith.index_cast %mul3A_2425 : i32 to index
      %get3A_2427 = tpu.vector_load %arg5[%get3A_2426] {strides = array<i32>} : memref<528xi32, #tpu.memory_space<vmem>>, vector<16xi32>,
      %slice3A_2428 = vector.extract_strided_slice %get3A_2427 {offsets = [4], sizes = [1], strides = [1]} : vector<16xi32> to vector<1xi32>
      %squeeze3A_2429 = vector.extract %slice3A_2428[0] : i32 from vector<1xi32>
      %jit3A_2430 = arith.constant 128 : i32
      %eq3A_2431 = arith.constant 0 : i32
      %eq3A_2432 = arith.cmpi eq, %jit3A_2430, %eq3A_2431 : i32
      %jit3A_2433 = arith.constant 1 : i32
      %select_n3A_2434 = arith.select %eq3A_2432, %jit3A_2433, %jit3A_2430 : i32
      %rem3A_2435 = arith.remsi %squeeze3A_2429, %select_n3A_2434 : i32
      %ne3A_2436 = arith.constant 0 : i32
      %ne3A_2437 = arith.cmpi ne, %rem3A_2435, %ne3A_2436 : i32
      %lt3A_2438 = arith.constant 0 : i32
      %lt3A_2439 = arith.cmpi slt, %rem3A_2435, %lt3A_2438 : i32
      %lt3A_2440 = arith.constant 0 : i32
      %lt3A_2441 = arith.cmpi slt, %select_n3A_2434, %lt3A_2440 : i32
      %ne3A_2442 = arith.xori %lt3A_2439, %lt3A_2441 : i1
      %and3A_2443 = arith.andi %ne3A_2442, %ne3A_2437 : i1
      %add3A_2444 = arith.addi %rem3A_2435, %select_n3A_2434 : i32
      %select_n3A_2445 = arith.select %and3A_2443, %add3A_2444, %rem3A_2435 : i32
      %broadcast_in_dim3A_2446 = vector.broadcast %select_n3A_2445 : i32 to vector<16xi32>
      %mul3A_2447 = arith.constant 4 : i32
      %mul3A_2448 = arith.muli %add3A_2335, %mul3A_2447 : i32
      %add3A_2449 = arith.constant 0 : i32
      %add3A_2450 = arith.addi %mul3A_2448, %add3A_2449 : i32
      %broadcast_in_dim3A_2451 = vector.broadcast %add3A_2450 : i32 to vector<16xi32>
      %add3A_2452 = arith.constant 0 : i32
      %add3A_2453 = vector.broadcast %add3A_2452 : i32 to vector<16xi32>
      %add3A_2454 = arith.addi %iota3A, %add3A_2453 : vector<16xi32>
      %gather3A_2455 = arith.constant 3 : i32
      %gather3A_2456 = arith.constant 0 : i32
      %gather3A_2457 = arith.constant 0 : i32
      %gather3A_2458 = arith.constant 0 : i32
      %gather3A_2459 = tpu.memref_slice %arg6[%gather3A_2455, %gather3A_2456, %gather3A_2457, %gather3A_2458] : memref<6x4x32x128xf32, #tpu.memory_space<vmem>> -> memref<1x1x32x128xf32, #tpu.memory_space<vmem>>
      %gather3A_2460 = tpu.memref_squeeze %gather3A_2459 : memref<1x1x32x128xf32, #tpu.memory_space<vmem>> -> memref<32x128xf32, #tpu.memory_space<vmem>>
      %gather3A_2461 = tpu.vector_load_idx %gather3A_2460[%add3A_2454, %broadcast_in_dim3A_2446] : memref<32x128xf32, #tpu.memory_space<vmem>>[vector<16xi32>, vector<16xi32>], vector<16xf32>,
      tpu.vector_store_idx %arg7[%add3A_2454, %broadcast_in_dim3A_2451], %gather3A_2461 : memref<32x512xf32, #tpu.memory_space<vmem>>[vector<16xi32>, vector<16xi32>], vector<16xf32>,
      %add3A_2462 = arith.constant 16 : i32
      %add3A_2463 = vector.broadcast %add3A_2462 : i32 to vector<16xi32>
      %add3A_2464 = arith.addi %iota3A, %add3A_2463 : vector<16xi32>
      %gather3A_2465 = arith.constant 3 : i32
      %gather3A_2466 = arith.constant 0 : i32
      %gather3A_2467 = arith.constant 0 : i32
      %gather3A_2468 = arith.constant 0 : i32
      %gather3A_2469 = tpu.memref_slice %arg6[%gather3A_2465, %gather3A_2466, %gather3A_2467, %gather3A_2468] : memref<6x4x32x128xf32, #tpu.memory_space<vmem>> -> memref<1x1x32x128xf32, #tpu.memory_space<vmem>>
      %gather3A_2470 = tpu.memref_squeeze %gather3A_2469 : memref<1x1x32x128xf32, #tpu.memory_space<vmem>> -> memref<32x128xf32, #tpu.memory_space<vmem>>
      %gather3A_2471 = tpu.vector_load_idx %gather3A_2470[%add3A_2464, %broadcast_in_dim3A_2446] : memref<32x128xf32, #tpu.memory_space<vmem>>[vector<16xi32>, vector<16xi32>], vector<16xf32>,
      tpu.vector_store_idx %arg7[%add3A_2464, %broadcast_in_dim3A_2451], %gather3A_2471 : memref<32x512xf32, #tpu.memory_space<vmem>>[vector<16xi32>, vector<16xi32>], vector<16xf32>,
      %slice3A_2472 = vector.extract_strided_slice %get3A_2427 {offsets = [5], sizes = [1], strides = [1]} : vector<16xi32> to vector<1xi32>
      %squeeze3A_2473 = vector.extract %slice3A_2472[0] : i32 from vector<1xi32>
      %jit3A_2474 = arith.constant 128 : i32
      %eq3A_2475 = arith.constant 0 : i32
      %eq3A_2476 = arith.cmpi eq, %jit3A_2474, %eq3A_2475 : i32
      %jit3A_2477 = arith.constant 1 : i32
      %select_n3A_2478 = arith.select %eq3A_2476, %jit3A_2477, %jit3A_2474 : i32
      %rem3A_2479 = arith.remsi %squeeze3A_2473, %select_n3A_2478 : i32
      %ne3A_2480 = arith.constant 0 : i32
      %ne3A_2481 = arith.cmpi ne, %rem3A_2479, %ne3A_2480 : i32
      %lt3A_2482 = arith.constant 0 : i32
      %lt3A_2483 = arith.cmpi slt, %rem3A_2479, %lt3A_2482 : i32
      %lt3A_2484 = arith.constant 0 : i32
      %lt3A_2485 = arith.cmpi slt, %select_n3A_2478, %lt3A_2484 : i32
      %ne3A_2486 = arith.xori %lt3A_2483, %lt3A_2485 : i1
      %and3A_2487 = arith.andi %ne3A_2486, %ne3A_2481 : i1
      %add3A_2488 = arith.addi %rem3A_2479, %select_n3A_2478 : i32
      %select_n3A_2489 = arith.select %and3A_2487, %add3A_2488, %rem3A_2479 : i32
      %broadcast_in_dim3A_2490 = vector.broadcast %select_n3A_2489 : i32 to vector<16xi32>
      %mul3A_2491 = arith.constant 4 : i32
      %mul3A_2492 = arith.muli %add3A_2335, %mul3A_2491 : i32
      %add3A_2493 = arith.constant 1 : i32
      %add3A_2494 = arith.addi %mul3A_2492, %add3A_2493 : i32
      %broadcast_in_dim3A_2495 = vector.broadcast %add3A_2494 : i32 to vector<16xi32>
      %add3A_2496 = arith.constant 0 : i32
      %add3A_2497 = vector.broadcast %add3A_2496 : i32 to vector<16xi32>
      %add3A_2498 = arith.addi %iota3A, %add3A_2497 : vector<16xi32>
      %gather3A_2499 = arith.constant 3 : i32
      %gather3A_2500 = arith.constant 1 : i32
      %gather3A_2501 = arith.constant 0 : i32
      %gather3A_2502 = arith.constant 0 : i32
      %gather3A_2503 = tpu.memref_slice %arg6[%gather3A_2499, %gather3A_2500, %gather3A_2501, %gather3A_2502] : memref<6x4x32x128xf32, #tpu.memory_space<vmem>> -> memref<1x1x32x128xf32, #tpu.memory_space<vmem>>
      %gather3A_2504 = tpu.memref_squeeze %gather3A_2503 : memref<1x1x32x128xf32, #tpu.memory_space<vmem>> -> memref<32x128xf32, #tpu.memory_space<vmem>>
      %gather3A_2505 = tpu.vector_load_idx %gather3A_2504[%add3A_2498, %broadcast_in_dim3A_2490] : memref<32x128xf32, #tpu.memory_space<vmem>>[vector<16xi32>, vector<16xi32>], vector<16xf32>,
      tpu.vector_store_idx %arg7[%add3A_2498, %broadcast_in_dim3A_2495], %gather3A_2505 : memref<32x512xf32, #tpu.memory_space<vmem>>[vector<16xi32>, vector<16xi32>], vector<16xf32>,
      %add3A_2506 = arith.constant 16 : i32
      %add3A_2507 = vector.broadcast %add3A_2506 : i32 to vector<16xi32>
      %add3A_2508 = arith.addi %iota3A, %add3A_2507 : vector<16xi32>
      %gather3A_2509 = arith.constant 3 : i32
      %gather3A_2510 = arith.constant 1 : i32
      %gather3A_2511 = arith.constant 0 : i32
      %gather3A_2512 = arith.constant 0 : i32
      %gather3A_2513 = tpu.memref_slice %arg6[%gather3A_2509, %gather3A_2510, %gather3A_2511, %gather3A_2512] : memref<6x4x32x128xf32, #tpu.memory_space<vmem>> -> memref<1x1x32x128xf32, #tpu.memory_space<vmem>>
      %gather3A_2514 = tpu.memref_squeeze %gather3A_2513 : memref<1x1x32x128xf32, #tpu.memory_space<vmem>> -> memref<32x128xf32, #tpu.memory_space<vmem>>
      %gather3A_2515 = tpu.vector_load_idx %gather3A_2514[%add3A_2508, %broadcast_in_dim3A_2490] : memref<32x128xf32, #tpu.memory_space<vmem>>[vector<16xi32>, vector<16xi32>], vector<16xf32>,
      tpu.vector_store_idx %arg7[%add3A_2508, %broadcast_in_dim3A_2495], %gather3A_2515 : memref<32x512xf32, #tpu.memory_space<vmem>>[vector<16xi32>, vector<16xi32>], vector<16xf32>,
      %slice3A_2516 = vector.extract_strided_slice %get3A_2427 {offsets = [6], sizes = [1], strides = [1]} : vector<16xi32> to vector<1xi32>
      %squeeze3A_2517 = vector.extract %slice3A_2516[0] : i32 from vector<1xi32>
      %jit3A_2518 = arith.constant 128 : i32
      %eq3A_2519 = arith.constant 0 : i32
      %eq3A_2520 = arith.cmpi eq, %jit3A_2518, %eq3A_2519 : i32
      %jit3A_2521 = arith.constant 1 : i32
      %select_n3A_2522 = arith.select %eq3A_2520, %jit3A_2521, %jit3A_2518 : i32
      %rem3A_2523 = arith.remsi %squeeze3A_2517, %select_n3A_2522 : i32
      %ne3A_2524 = arith.constant 0 : i32
      %ne3A_2525 = arith.cmpi ne, %rem3A_2523, %ne3A_2524 : i32
      %lt3A_2526 = arith.constant 0 : i32
      %lt3A_2527 = arith.cmpi slt, %rem3A_2523, %lt3A_2526 : i32
      %lt3A_2528 = arith.constant 0 : i32
      %lt3A_2529 = arith.cmpi slt, %select_n3A_2522, %lt3A_2528 : i32
      %ne3A_2530 = arith.xori %lt3A_2527, %lt3A_2529 : i1
      %and3A_2531 = arith.andi %ne3A_2530, %ne3A_2525 : i1
      %add3A_2532 = arith.addi %rem3A_2523, %select_n3A_2522 : i32
      %select_n3A_2533 = arith.select %and3A_2531, %add3A_2532, %rem3A_2523 : i32
      %broadcast_in_dim3A_2534 = vector.broadcast %select_n3A_2533 : i32 to vector<16xi32>
      %mul3A_2535 = arith.constant 4 : i32
      %mul3A_2536 = arith.muli %add3A_2335, %mul3A_2535 : i32
      %add3A_2537 = arith.constant 2 : i32
      %add3A_2538 = arith.addi %mul3A_2536, %add3A_2537 : i32
      %broadcast_in_dim3A_2539 = vector.broadcast %add3A_2538 : i32 to vector<16xi32>
      %add3A_2540 = arith.constant 0 : i32
      %add3A_2541 = vector.broadcast %add3A_2540 : i32 to vector<16xi32>
      %add3A_2542 = arith.addi %iota3A, %add3A_2541 : vector<16xi32>
      %gather3A_2543 = arith.constant 3 : i32
      %gather3A_2544 = arith.constant 2 : i32
      %gather3A_2545 = arith.constant 0 : i32
      %gather3A_2546 = arith.constant 0 : i32
      %gather3A_2547 = tpu.memref_slice %arg6[%gather3A_2543, %gather3A_2544, %gather3A_2545, %gather3A_2546] : memref<6x4x32x128xf32, #tpu.memory_space<vmem>> -> memref<1x1x32x128xf32, #tpu.memory_space<vmem>>
      %gather3A_2548 = tpu.memref_squeeze %gather3A_2547 : memref<1x1x32x128xf32, #tpu.memory_space<vmem>> -> memref<32x128xf32, #tpu.memory_space<vmem>>
      %gather3A_2549 = tpu.vector_load_idx %gather3A_2548[%add3A_2542, %broadcast_in_dim3A_2534] : memref<32x128xf32, #tpu.memory_space<vmem>>[vector<16xi32>, vector<16xi32>], vector<16xf32>,
      tpu.vector_store_idx %arg7[%add3A_2542, %broadcast_in_dim3A_2539], %gather3A_2549 : memref<32x512xf32, #tpu.memory_space<vmem>>[vector<16xi32>, vector<16xi32>], vector<16xf32>,
      %add3A_2550 = arith.constant 16 : i32
      %add3A_2551 = vector.broadcast %add3A_2550 : i32 to vector<16xi32>
      %add3A_2552 = arith.addi %iota3A, %add3A_2551 : vector<16xi32>
      %gather3A_2553 = arith.constant 3 : i32
      %gather3A_2554 = arith.constant 2 : i32
      %gather3A_2555 = arith.constant 0 : i32
      %gather3A_2556 = arith.constant 0 : i32
      %gather3A_2557 = tpu.memref_slice %arg6[%gather3A_2553, %gather3A_2554, %gather3A_2555, %gather3A_2556] : memref<6x4x32x128xf32, #tpu.memory_space<vmem>> -> memref<1x1x32x128xf32, #tpu.memory_space<vmem>>
      %gather3A_2558 = tpu.memref_squeeze %gather3A_2557 : memref<1x1x32x128xf32, #tpu.memory_space<vmem>> -> memref<32x128xf32, #tpu.memory_space<vmem>>
      %gather3A_2559 = tpu.vector_load_idx %gather3A_2558[%add3A_2552, %broadcast_in_dim3A_2534] : memref<32x128xf32, #tpu.memory_space<vmem>>[vector<16xi32>, vector<16xi32>], vector<16xf32>,
      tpu.vector_store_idx %arg7[%add3A_2552, %broadcast_in_dim3A_2539], %gather3A_2559 : memref<32x512xf32, #tpu.memory_space<vmem>>[vector<16xi32>, vector<16xi32>], vector<16xf32>,
      %slice3A_2560 = vector.extract_strided_slice %get3A_2427 {offsets = [7], sizes = [1], strides = [1]} : vector<16xi32> to vector<1xi32>
      %squeeze3A_2561 = vector.extract %slice3A_2560[0] : i32 from vector<1xi32>
      %jit3A_2562 = arith.constant 128 : i32
      %eq3A_2563 = arith.constant 0 : i32
      %eq3A_2564 = arith.cmpi eq, %jit3A_2562, %eq3A_2563 : i32
      %jit3A_2565 = arith.constant 1 : i32
      %select_n3A_2566 = arith.select %eq3A_2564, %jit3A_2565, %jit3A_2562 : i32
      %rem3A_2567 = arith.remsi %squeeze3A_2561, %select_n3A_2566 : i32
      %ne3A_2568 = arith.constant 0 : i32
      %ne3A_2569 = arith.cmpi ne, %rem3A_2567, %ne3A_2568 : i32
      %lt3A_2570 = arith.constant 0 : i32
      %lt3A_2571 = arith.cmpi slt, %rem3A_2567, %lt3A_2570 : i32
      %lt3A_2572 = arith.constant 0 : i32
      %lt3A_2573 = arith.cmpi slt, %select_n3A_2566, %lt3A_2572 : i32
      %ne3A_2574 = arith.xori %lt3A_2571, %lt3A_2573 : i1
      %and3A_2575 = arith.andi %ne3A_2574, %ne3A_2569 : i1
      %add3A_2576 = arith.addi %rem3A_2567, %select_n3A_2566 : i32
      %select_n3A_2577 = arith.select %and3A_2575, %add3A_2576, %rem3A_2567 : i32
      %broadcast_in_dim3A_2578 = vector.broadcast %select_n3A_2577 : i32 to vector<16xi32>
      %mul3A_2579 = arith.constant 4 : i32
      %mul3A_2580 = arith.muli %add3A_2335, %mul3A_2579 : i32
      %add3A_2581 = arith.constant 3 : i32
      %add3A_2582 = arith.addi %mul3A_2580, %add3A_2581 : i32
      %broadcast_in_dim3A_2583 = vector.broadcast %add3A_2582 : i32 to vector<16xi32>
      %add3A_2584 = arith.constant 0 : i32
      %add3A_2585 = vector.broadcast %add3A_2584 : i32 to vector<16xi32>
      %add3A_2586 = arith.addi %iota3A, %add3A_2585 : vector<16xi32>
      %gather3A_2587 = arith.constant 3 : i32
      %gather3A_2588 = arith.constant 3 : i32
      %gather3A_2589 = arith.constant 0 : i32
      %gather3A_2590 = arith.constant 0 : i32
      %gather3A_2591 = tpu.memref_slice %arg6[%gather3A_2587, %gather3A_2588, %gather3A_2589, %gather3A_2590] : memref<6x4x32x128xf32, #tpu.memory_space<vmem>> -> memref<1x1x32x128xf32, #tpu.memory_space<vmem>>
      %gather3A_2592 = tpu.memref_squeeze %gather3A_2591 : memref<1x1x32x128xf32, #tpu.memory_space<vmem>> -> memref<32x128xf32, #tpu.memory_space<vmem>>
      %gather3A_2593 = tpu.vector_load_idx %gather3A_2592[%add3A_2586, %broadcast_in_dim3A_2578] : memref<32x128xf32, #tpu.memory_space<vmem>>[vector<16xi32>, vector<16xi32>], vector<16xf32>,
      tpu.vector_store_idx %arg7[%add3A_2586, %broadcast_in_dim3A_2583], %gather3A_2593 : memref<32x512xf32, #tpu.memory_space<vmem>>[vector<16xi32>, vector<16xi32>], vector<16xf32>,
      %add3A_2594 = arith.constant 16 : i32
      %add3A_2595 = vector.broadcast %add3A_2594 : i32 to vector<16xi32>
      %add3A_2596 = arith.addi %iota3A, %add3A_2595 : vector<16xi32>
      %gather3A_2597 = arith.constant 3 : i32
      %gather3A_2598 = arith.constant 3 : i32
      %gather3A_2599 = arith.constant 0 : i32
      %gather3A_2600 = arith.constant 0 : i32
      %gather3A_2601 = tpu.memref_slice %arg6[%gather3A_2597, %gather3A_2598, %gather3A_2599, %gather3A_2600] : memref<6x4x32x128xf32, #tpu.memory_space<vmem>> -> memref<1x1x32x128xf32, #tpu.memory_space<vmem>>
      %gather3A_2602 = tpu.memref_squeeze %gather3A_2601 : memref<1x1x32x128xf32, #tpu.memory_space<vmem>> -> memref<32x128xf32, #tpu.memory_space<vmem>>
      %gather3A_2603 = tpu.vector_load_idx %gather3A_2602[%add3A_2596, %broadcast_in_dim3A_2578] : memref<32x128xf32, #tpu.memory_space<vmem>>[vector<16xi32>, vector<16xi32>], vector<16xf32>,
      tpu.vector_store_idx %arg7[%add3A_2596, %broadcast_in_dim3A_2583], %gather3A_2603 : memref<32x512xf32, #tpu.memory_space<vmem>>[vector<16xi32>, vector<16xi32>], vector<16xf32>,
      %add3A_2604 = arith.constant 6 : i32
      %add3A_2605 = arith.addi %add3A_2335, %add3A_2604 : i32
      %lt3A_2606 = arith.constant 128 : i32
      %lt3A_2607 = arith.cmpi slt, %add3A_2605, %lt3A_2606 : i32
      %convert_element_type3A_2608 = arith.extui %lt3A_2607 : i1 to i32
      %cond3A_2609 = arith.constant 0 : i32
      %cond3A_2610 = arith.cmpi ne, %convert_element_type3A_2608, %cond3A_2609 : i32
      scf.if %cond3A_2610 {
        %jit3A_3170 = arith.constant 2 : i32
        %div3A_3171 = arith.divsi %add3A_2605, %jit3A_3170 : i32
        %sign3A_3172 = arith.constant 0 : i32
        %sign3A_3173 = arith.cmpi sgt, %add3A_2605, %sign3A_3172 : i32
        %sign3A_3174 = arith.extui %sign3A_3173 : i1 to i32
        %sign3A_3175 = arith.constant 0 : i32
        %sign3A_3176 = arith.cmpi slt, %add3A_2605, %sign3A_3175 : i32
        %sign3A_3177 = arith.extui %sign3A_3176 : i1 to i32
        %sign3A_3178 = arith.subi %sign3A_3174, %sign3A_3177 : i32
        %sign3A_3179 = arith.constant 0 : i32
        %sign3A_3180 = arith.cmpi sgt, %jit3A_3170, %sign3A_3179 : i32
        %sign3A_3181 = arith.extui %sign3A_3180 : i1 to i32
        %sign3A_3182 = arith.constant 0 : i32
        %sign3A_3183 = arith.cmpi slt, %jit3A_3170, %sign3A_3182 : i32
        %sign3A_3184 = arith.extui %sign3A_3183 : i1 to i32
        %sign3A_3185 = arith.subi %sign3A_3181, %sign3A_3184 : i32
        %ne3A_3186 = arith.cmpi ne, %sign3A_3178, %sign3A_3185 : i32
        %rem3A_3187 = arith.remsi %add3A_2605, %jit3A_3170 : i32
        %ne3A_3188 = arith.constant 0 : i32
        %ne3A_3189 = arith.cmpi ne, %rem3A_3187, %ne3A_3188 : i32
        %and3A_3190 = arith.andi %ne3A_3186, %ne3A_3189 : i1
        %sub3A_3191 = arith.constant 1 : i32
        %sub3A_3192 = arith.subi %div3A_3171, %sub3A_3191 : i32
        %select_n3A_3193 = arith.select %and3A_3190, %sub3A_3192, %div3A_3171 : i32
        %mul3A_3194 = arith.constant 8 : i32
        %mul3A_3195 = arith.muli %select_n3A_3193, %mul3A_3194 : i32
        %get3A_3196 = arith.index_cast %mul3A_3195 : i32 to index
        %get3A_3197 = tpu.vector_load %arg5[%get3A_3196] {strides = array<i32>} : memref<528xi32, #tpu.memory_space<vmem>>, vector<16xi32>,
        %slice3A_3198 = vector.extract_strided_slice %get3A_3197 {offsets = [4], sizes = [1], strides = [1]} : vector<16xi32> to vector<1xi32>
        %squeeze3A_3199 = vector.extract %slice3A_3198[0] : i32 from vector<1xi32>
        %jit3A_3200 = arith.constant 128 : i32
        %div3A_3201 = arith.divsi %squeeze3A_3199, %jit3A_3200 : i32
        %sign3A_3202 = arith.constant 0 : i32
        %sign3A_3203 = arith.cmpi sgt, %squeeze3A_3199, %sign3A_3202 : i32
        %sign3A_3204 = arith.extui %sign3A_3203 : i1 to i32
        %sign3A_3205 = arith.constant 0 : i32
        %sign3A_3206 = arith.cmpi slt, %squeeze3A_3199, %sign3A_3205 : i32
        %sign3A_3207 = arith.extui %sign3A_3206 : i1 to i32
        %sign3A_3208 = arith.subi %sign3A_3204, %sign3A_3207 : i32
        %sign3A_3209 = arith.constant 0 : i32
        %sign3A_3210 = arith.cmpi sgt, %jit3A_3200, %sign3A_3209 : i32
        %sign3A_3211 = arith.extui %sign3A_3210 : i1 to i32
        %sign3A_3212 = arith.constant 0 : i32
        %sign3A_3213 = arith.cmpi slt, %jit3A_3200, %sign3A_3212 : i32
        %sign3A_3214 = arith.extui %sign3A_3213 : i1 to i32
        %sign3A_3215 = arith.subi %sign3A_3211, %sign3A_3214 : i32
        %ne3A_3216 = arith.cmpi ne, %sign3A_3208, %sign3A_3215 : i32
        %rem3A_3217 = arith.remsi %squeeze3A_3199, %jit3A_3200 : i32
        %ne3A_3218 = arith.constant 0 : i32
        %ne3A_3219 = arith.cmpi ne, %rem3A_3217, %ne3A_3218 : i32
        %and3A_3220 = arith.andi %ne3A_3216, %ne3A_3219 : i1
        %sub3A_3221 = arith.constant 1 : i32
        %sub3A_3222 = arith.subi %div3A_3201, %sub3A_3221 : i32
        %select_n3A_3223 = arith.select %and3A_3220, %sub3A_3222, %div3A_3201 : i32
        %mul3A_3224 = arith.constant 128 : i32
        %mul3A_3225 = arith.muli %select_n3A_3223, %mul3A_3224 : i32
        %multiple_of3A_3226 = tpu.assume_multiple %mul3A_3225, 128 : i32
        %dma_start3A_3227 = arith.constant 3 : i32
        %dma_start3A_3228 = arith.constant 0 : i32
        %dma_start3A_3229 = arith.constant 0 : i32
        %dma_start3A_3230 = arith.constant 0 : i32
        %dma_start3A_3231 = tpu.memref_slice %arg6[%dma_start3A_3227, %dma_start3A_3228, %dma_start3A_3229, %dma_start3A_3230] : memref<6x4x32x128xf32, #tpu.memory_space<vmem>> -> memref<1x1x32x128xf32, #tpu.memory_space<vmem>>
        %dma_start3A_3232 = tpu.memref_squeeze %dma_start3A_3231 : memref<1x1x32x128xf32, #tpu.memory_space<vmem>> -> memref<32x128xf32, #tpu.memory_space<vmem>>
        %dma_start3A_3233 = arith.constant 0 : i32
        %dma_start3A_3234 = tpu.memref_slice %arg3[%dma_start3A_3233, %multiple_of3A_3226] : memref<32x1000000xf32, #tpu.memory_space<hbm>> -> memref<32x128xf32, #tpu.memory_space<hbm>>
        %dma_start3A_3235 = arith.constant 0 : i32
        %dma_start3A_3236 = arith.constant 0 : i32
        %dma_start3A_3237 = tpu.memref_slice %arg6[%dma_start3A_3227, %dma_start3A_3228, %dma_start3A_3235, %dma_start3A_3236] : memref<6x4x32x128xf32, #tpu.memory_space<vmem>> -> memref<1x1x32x128xf32, #tpu.memory_space<vmem>>
        %dma_start3A_3238 = tpu.memref_squeeze %dma_start3A_3237 : memref<1x1x32x128xf32, #tpu.memory_space<vmem>> -> memref<32x128xf32, #tpu.memory_space<vmem>>
        %dma_start3A_3239 = arith.constant 0 : i32
        %dma_start3A_3240 = tpu.memref_slice %arg3[%dma_start3A_3239, %multiple_of3A_3226] : memref<32x1000000xf32, #tpu.memory_space<hbm>> -> memref<32x128xf32, #tpu.memory_space<hbm>>
        tpu.enqueue_dma source(%dma_start3A_3240 : memref<32x128xf32, #tpu.memory_space<hbm>>) target(%dma_start3A_3238 : memref<32x128xf32, #tpu.memory_space<vmem>>) target_semaphore(%arg11 : memref<!tpu.dma_semaphore, #tpu.memory_space<semaphore_mem>>)
        %slice3A_3241 = vector.extract_strided_slice %get3A_3197 {offsets = [5], sizes = [1], strides = [1]} : vector<16xi32> to vector<1xi32>
        %squeeze3A_3242 = vector.extract %slice3A_3241[0] : i32 from vector<1xi32>
        %jit3A_3243 = arith.constant 128 : i32
        %div3A_3244 = arith.divsi %squeeze3A_3242, %jit3A_3243 : i32
        %sign3A_3245 = arith.constant 0 : i32
        %sign3A_3246 = arith.cmpi sgt, %squeeze3A_3242, %sign3A_3245 : i32
        %sign3A_3247 = arith.extui %sign3A_3246 : i1 to i32
        %sign3A_3248 = arith.constant 0 : i32
        %sign3A_3249 = arith.cmpi slt, %squeeze3A_3242, %sign3A_3248 : i32
        %sign3A_3250 = arith.extui %sign3A_3249 : i1 to i32
        %sign3A_3251 = arith.subi %sign3A_3247, %sign3A_3250 : i32
        %sign3A_3252 = arith.constant 0 : i32
        %sign3A_3253 = arith.cmpi sgt, %jit3A_3243, %sign3A_3252 : i32
        %sign3A_3254 = arith.extui %sign3A_3253 : i1 to i32
        %sign3A_3255 = arith.constant 0 : i32
        %sign3A_3256 = arith.cmpi slt, %jit3A_3243, %sign3A_3255 : i32
        %sign3A_3257 = arith.extui %sign3A_3256 : i1 to i32
        %sign3A_3258 = arith.subi %sign3A_3254, %sign3A_3257 : i32
        %ne3A_3259 = arith.cmpi ne, %sign3A_3251, %sign3A_3258 : i32
        %rem3A_3260 = arith.remsi %squeeze3A_3242, %jit3A_3243 : i32
        %ne3A_3261 = arith.constant 0 : i32
        %ne3A_3262 = arith.cmpi ne, %rem3A_3260, %ne3A_3261 : i32
        %and3A_3263 = arith.andi %ne3A_3259, %ne3A_3262 : i1
        %sub3A_3264 = arith.constant 1 : i32
        %sub3A_3265 = arith.subi %div3A_3244, %sub3A_3264 : i32
        %select_n3A_3266 = arith.select %and3A_3263, %sub3A_3265, %div3A_3244 : i32
        %mul3A_3267 = arith.constant 128 : i32
        %mul3A_3268 = arith.muli %select_n3A_3266, %mul3A_3267 : i32
        %multiple_of3A_3269 = tpu.assume_multiple %mul3A_3268, 128 : i32
        %dma_start3A_3270 = arith.constant 3 : i32
        %dma_start3A_3271 = arith.constant 1 : i32
        %dma_start3A_3272 = arith.constant 0 : i32
        %dma_start3A_3273 = arith.constant 0 : i32
        %dma_start3A_3274 = tpu.memref_slice %arg6[%dma_start3A_3270, %dma_start3A_3271, %dma_start3A_3272, %dma_start3A_3273] : memref<6x4x32x128xf32, #tpu.memory_space<vmem>> -> memref<1x1x32x128xf32, #tpu.memory_space<vmem>>
        %dma_start3A_3275 = tpu.memref_squeeze %dma_start3A_3274 : memref<1x1x32x128xf32, #tpu.memory_space<vmem>> -> memref<32x128xf32, #tpu.memory_space<vmem>>
        %dma_start3A_3276 = arith.constant 0 : i32
        %dma_start3A_3277 = tpu.memref_slice %arg3[%dma_start3A_3276, %multiple_of3A_3269] : memref<32x1000000xf32, #tpu.memory_space<hbm>> -> memref<32x128xf32, #tpu.memory_space<hbm>>
        %dma_start3A_3278 = arith.constant 0 : i32
        %dma_start3A_3279 = arith.constant 0 : i32
        %dma_start3A_3280 = tpu.memref_slice %arg6[%dma_start3A_3270, %dma_start3A_3271, %dma_start3A_3278, %dma_start3A_3279] : memref<6x4x32x128xf32, #tpu.memory_space<vmem>> -> memref<1x1x32x128xf32, #tpu.memory_space<vmem>>
        %dma_start3A_3281 = tpu.memref_squeeze %dma_start3A_3280 : memref<1x1x32x128xf32, #tpu.memory_space<vmem>> -> memref<32x128xf32, #tpu.memory_space<vmem>>
        %dma_start3A_3282 = arith.constant 0 : i32
        %dma_start3A_3283 = tpu.memref_slice %arg3[%dma_start3A_3282, %multiple_of3A_3269] : memref<32x1000000xf32, #tpu.memory_space<hbm>> -> memref<32x128xf32, #tpu.memory_space<hbm>>
        tpu.enqueue_dma source(%dma_start3A_3283 : memref<32x128xf32, #tpu.memory_space<hbm>>) target(%dma_start3A_3281 : memref<32x128xf32, #tpu.memory_space<vmem>>) target_semaphore(%arg11 : memref<!tpu.dma_semaphore, #tpu.memory_space<semaphore_mem>>)
        %slice3A_3284 = vector.extract_strided_slice %get3A_3197 {offsets = [6], sizes = [1], strides = [1]} : vector<16xi32> to vector<1xi32>
        %squeeze3A_3285 = vector.extract %slice3A_3284[0] : i32 from vector<1xi32>
        %jit3A_3286 = arith.constant 128 : i32
        %div3A_3287 = arith.divsi %squeeze3A_3285, %jit3A_3286 : i32
        %sign3A_3288 = arith.constant 0 : i32
        %sign3A_3289 = arith.cmpi sgt, %squeeze3A_3285, %sign3A_3288 : i32
        %sign3A_3290 = arith.extui %sign3A_3289 : i1 to i32
        %sign3A_3291 = arith.constant 0 : i32
        %sign3A_3292 = arith.cmpi slt, %squeeze3A_3285, %sign3A_3291 : i32
        %sign3A_3293 = arith.extui %sign3A_3292 : i1 to i32
        %sign3A_3294 = arith.subi %sign3A_3290, %sign3A_3293 : i32
        %sign3A_3295 = arith.constant 0 : i32
        %sign3A_3296 = arith.cmpi sgt, %jit3A_3286, %sign3A_3295 : i32
        %sign3A_3297 = arith.extui %sign3A_3296 : i1 to i32
        %sign3A_3298 = arith.constant 0 : i32
        %sign3A_3299 = arith.cmpi slt, %jit3A_3286, %sign3A_3298 : i32
        %sign3A_3300 = arith.extui %sign3A_3299 : i1 to i32
        %sign3A_3301 = arith.subi %sign3A_3297, %sign3A_3300 : i32
        %ne3A_3302 = arith.cmpi ne, %sign3A_3294, %sign3A_3301 : i32
        %rem3A_3303 = arith.remsi %squeeze3A_3285, %jit3A_3286 : i32
        %ne3A_3304 = arith.constant 0 : i32
        %ne3A_3305 = arith.cmpi ne, %rem3A_3303, %ne3A_3304 : i32
        %and3A_3306 = arith.andi %ne3A_3302, %ne3A_3305 : i1
        %sub3A_3307 = arith.constant 1 : i32
        %sub3A_3308 = arith.subi %div3A_3287, %sub3A_3307 : i32
        %select_n3A_3309 = arith.select %and3A_3306, %sub3A_3308, %div3A_3287 : i32
        %mul3A_3310 = arith.constant 128 : i32
        %mul3A_3311 = arith.muli %select_n3A_3309, %mul3A_3310 : i32
        %multiple_of3A_3312 = tpu.assume_multiple %mul3A_3311, 128 : i32
        %dma_start3A_3313 = arith.constant 3 : i32
        %dma_start3A_3314 = arith.constant 2 : i32
        %dma_start3A_3315 = arith.constant 0 : i32
        %dma_start3A_3316 = arith.constant 0 : i32
        %dma_start3A_3317 = tpu.memref_slice %arg6[%dma_start3A_3313, %dma_start3A_3314, %dma_start3A_3315, %dma_start3A_3316] : memref<6x4x32x128xf32, #tpu.memory_space<vmem>> -> memref<1x1x32x128xf32, #tpu.memory_space<vmem>>
        %dma_start3A_3318 = tpu.memref_squeeze %dma_start3A_3317 : memref<1x1x32x128xf32, #tpu.memory_space<vmem>> -> memref<32x128xf32, #tpu.memory_space<vmem>>
        %dma_start3A_3319 = arith.constant 0 : i32
        %dma_start3A_3320 = tpu.memref_slice %arg3[%dma_start3A_3319, %multiple_of3A_3312] : memref<32x1000000xf32, #tpu.memory_space<hbm>> -> memref<32x128xf32, #tpu.memory_space<hbm>>
        %dma_start3A_3321 = arith.constant 0 : i32
        %dma_start3A_3322 = arith.constant 0 : i32
        %dma_start3A_3323 = tpu.memref_slice %arg6[%dma_start3A_3313, %dma_start3A_3314, %dma_start3A_3321, %dma_start3A_3322] : memref<6x4x32x128xf32, #tpu.memory_space<vmem>> -> memref<1x1x32x128xf32, #tpu.memory_space<vmem>>
        %dma_start3A_3324 = tpu.memref_squeeze %dma_start3A_3323 : memref<1x1x32x128xf32, #tpu.memory_space<vmem>> -> memref<32x128xf32, #tpu.memory_space<vmem>>
        %dma_start3A_3325 = arith.constant 0 : i32
        %dma_start3A_3326 = tpu.memref_slice %arg3[%dma_start3A_3325, %multiple_of3A_3312] : memref<32x1000000xf32, #tpu.memory_space<hbm>> -> memref<32x128xf32, #tpu.memory_space<hbm>>
        tpu.enqueue_dma source(%dma_start3A_3326 : memref<32x128xf32, #tpu.memory_space<hbm>>) target(%dma_start3A_3324 : memref<32x128xf32, #tpu.memory_space<vmem>>) target_semaphore(%arg11 : memref<!tpu.dma_semaphore, #tpu.memory_space<semaphore_mem>>)
        %slice3A_3327 = vector.extract_strided_slice %get3A_3197 {offsets = [7], sizes = [1], strides = [1]} : vector<16xi32> to vector<1xi32>
        %squeeze3A_3328 = vector.extract %slice3A_3327[0] : i32 from vector<1xi32>
        %jit3A_3329 = arith.constant 128 : i32
        %div3A_3330 = arith.divsi %squeeze3A_3328, %jit3A_3329 : i32
        %sign3A_3331 = arith.constant 0 : i32
        %sign3A_3332 = arith.cmpi sgt, %squeeze3A_3328, %sign3A_3331 : i32
        %sign3A_3333 = arith.extui %sign3A_3332 : i1 to i32
        %sign3A_3334 = arith.constant 0 : i32
        %sign3A_3335 = arith.cmpi slt, %squeeze3A_3328, %sign3A_3334 : i32
        %sign3A_3336 = arith.extui %sign3A_3335 : i1 to i32
        %sign3A_3337 = arith.subi %sign3A_3333, %sign3A_3336 : i32
        %sign3A_3338 = arith.constant 0 : i32
        %sign3A_3339 = arith.cmpi sgt, %jit3A_3329, %sign3A_3338 : i32
        %sign3A_3340 = arith.extui %sign3A_3339 : i1 to i32
        %sign3A_3341 = arith.constant 0 : i32
        %sign3A_3342 = arith.cmpi slt, %jit3A_3329, %sign3A_3341 : i32
        %sign3A_3343 = arith.extui %sign3A_3342 : i1 to i32
        %sign3A_3344 = arith.subi %sign3A_3340, %sign3A_3343 : i32
        %ne3A_3345 = arith.cmpi ne, %sign3A_3337, %sign3A_3344 : i32
        %rem3A_3346 = arith.remsi %squeeze3A_3328, %jit3A_3329 : i32
        %ne3A_3347 = arith.constant 0 : i32
        %ne3A_3348 = arith.cmpi ne, %rem3A_3346, %ne3A_3347 : i32
        %and3A_3349 = arith.andi %ne3A_3345, %ne3A_3348 : i1
        %sub3A_3350 = arith.constant 1 : i32
        %sub3A_3351 = arith.subi %div3A_3330, %sub3A_3350 : i32
        %select_n3A_3352 = arith.select %and3A_3349, %sub3A_3351, %div3A_3330 : i32
        %mul3A_3353 = arith.constant 128 : i32
        %mul3A_3354 = arith.muli %select_n3A_3352, %mul3A_3353 : i32
        %multiple_of3A_3355 = tpu.assume_multiple %mul3A_3354, 128 : i32
        %dma_start3A_3356 = arith.constant 3 : i32
        %dma_start3A_3357 = arith.constant 3 : i32
        %dma_start3A_3358 = arith.constant 0 : i32
        %dma_start3A_3359 = arith.constant 0 : i32
        %dma_start3A_3360 = tpu.memref_slice %arg6[%dma_start3A_3356, %dma_start3A_3357, %dma_start3A_3358, %dma_start3A_3359] : memref<6x4x32x128xf32, #tpu.memory_space<vmem>> -> memref<1x1x32x128xf32, #tpu.memory_space<vmem>>
        %dma_start3A_3361 = tpu.memref_squeeze %dma_start3A_3360 : memref<1x1x32x128xf32, #tpu.memory_space<vmem>> -> memref<32x128xf32, #tpu.memory_space<vmem>>
        %dma_start3A_3362 = arith.constant 0 : i32
        %dma_start3A_3363 = tpu.memref_slice %arg3[%dma_start3A_3362, %multiple_of3A_3355] : memref<32x1000000xf32, #tpu.memory_space<hbm>> -> memref<32x128xf32, #tpu.memory_space<hbm>>
        %dma_start3A_3364 = arith.constant 0 : i32
        %dma_start3A_3365 = arith.constant 0 : i32
        %dma_start3A_3366 = tpu.memref_slice %arg6[%dma_start3A_3356, %dma_start3A_3357, %dma_start3A_3364, %dma_start3A_3365] : memref<6x4x32x128xf32, #tpu.memory_space<vmem>> -> memref<1x1x32x128xf32, #tpu.memory_space<vmem>>
        %dma_start3A_3367 = tpu.memref_squeeze %dma_start3A_3366 : memref<1x1x32x128xf32, #tpu.memory_space<vmem>> -> memref<32x128xf32, #tpu.memory_space<vmem>>
        %dma_start3A_3368 = arith.constant 0 : i32
        %dma_start3A_3369 = tpu.memref_slice %arg3[%dma_start3A_3368, %multiple_of3A_3355] : memref<32x1000000xf32, #tpu.memory_space<hbm>> -> memref<32x128xf32, #tpu.memory_space<hbm>>
        tpu.enqueue_dma source(%dma_start3A_3369 : memref<32x128xf32, #tpu.memory_space<hbm>>) target(%dma_start3A_3367 : memref<32x128xf32, #tpu.memory_space<vmem>>) target_semaphore(%arg11 : memref<!tpu.dma_semaphore, #tpu.memory_space<semaphore_mem>>)
      } else {
      }
      %mul3A_2611 = arith.constant 6 : i32
      %mul3A_2612 = arith.muli %scan3A_1495, %mul3A_2611 : i32
      %add3A_2613 = arith.constant 4 : i32
      %add3A_2614 = arith.addi %mul3A_2612, %add3A_2613 : i32
      %dma_wait3A_2615 = arith.constant 4 : i32
      %dma_wait3A_2616 = arith.constant 0 : i32
      %dma_wait3A_2617 = arith.constant 0 : i32
      %dma_wait3A_2618 = arith.constant 0 : i32
      %dma_wait3A_2619 = tpu.memref_slice %arg6[%dma_wait3A_2615, %dma_wait3A_2616, %dma_wait3A_2617, %dma_wait3A_2618] : memref<6x4x32x128xf32, #tpu.memory_space<vmem>> -> memref<1x1x32x128xf32, #tpu.memory_space<vmem>>
      %dma_wait3A_2620 = tpu.memref_squeeze %dma_wait3A_2619 : memref<1x1x32x128xf32, #tpu.memory_space<vmem>> -> memref<32x128xf32, #tpu.memory_space<vmem>>
      %dma_wait3A_2621 = arith.constant 0 : i32
      %dma_wait3A_2622 = arith.constant 0 : i32
      %dma_wait3A_2623 = tpu.memref_slice %arg3[%dma_wait3A_2621, %dma_wait3A_2622] : memref<32x1000000xf32, #tpu.memory_space<hbm>> -> memref<32x128xf32, #tpu.memory_space<hbm>>
      %dma_wait3A_2624 = arith.constant 0 : i32
      %dma_wait3A_2625 = arith.constant 0 : i32
      %dma_wait3A_2626 = tpu.memref_slice %arg6[%dma_wait3A_2615, %dma_wait3A_2616, %dma_wait3A_2624, %dma_wait3A_2625] : memref<6x4x32x128xf32, #tpu.memory_space<vmem>> -> memref<1x1x32x128xf32, #tpu.memory_space<vmem>>
      %dma_wait3A_2627 = tpu.memref_squeeze %dma_wait3A_2626 : memref<1x1x32x128xf32, #tpu.memory_space<vmem>> -> memref<32x128xf32, #tpu.memory_space<vmem>>
      %dma_wait3A_2628 = arith.constant 0 : i32
      %dma_wait3A_2629 = arith.constant 0 : i32
      %dma_wait3A_2630 = tpu.memref_slice %arg3[%dma_wait3A_2628, %dma_wait3A_2629] : memref<32x1000000xf32, #tpu.memory_space<hbm>> -> memref<32x128xf32, #tpu.memory_space<hbm>>
      tpu.wait_dma2 semaphore(%arg12 : memref<!tpu.dma_semaphore, #tpu.memory_space<semaphore_mem>>) src(%dma_wait3A_2630 : memref<32x128xf32, #tpu.memory_space<hbm>>) dst(%dma_wait3A_2627 : memref<32x128xf32, #tpu.memory_space<vmem>>)
      %dma_wait3A_2631 = arith.constant 4 : i32
      %dma_wait3A_2632 = arith.constant 1 : i32
      %dma_wait3A_2633 = arith.constant 0 : i32
      %dma_wait3A_2634 = arith.constant 0 : i32
      %dma_wait3A_2635 = tpu.memref_slice %arg6[%dma_wait3A_2631, %dma_wait3A_2632, %dma_wait3A_2633, %dma_wait3A_2634] : memref<6x4x32x128xf32, #tpu.memory_space<vmem>> -> memref<1x1x32x128xf32, #tpu.memory_space<vmem>>
      %dma_wait3A_2636 = tpu.memref_squeeze %dma_wait3A_2635 : memref<1x1x32x128xf32, #tpu.memory_space<vmem>> -> memref<32x128xf32, #tpu.memory_space<vmem>>
      %dma_wait3A_2637 = arith.constant 0 : i32
      %dma_wait3A_2638 = arith.constant 0 : i32
      %dma_wait3A_2639 = tpu.memref_slice %arg3[%dma_wait3A_2637, %dma_wait3A_2638] : memref<32x1000000xf32, #tpu.memory_space<hbm>> -> memref<32x128xf32, #tpu.memory_space<hbm>>
      %dma_wait3A_2640 = arith.constant 0 : i32
      %dma_wait3A_2641 = arith.constant 0 : i32
      %dma_wait3A_2642 = tpu.memref_slice %arg6[%dma_wait3A_2631, %dma_wait3A_2632, %dma_wait3A_2640, %dma_wait3A_2641] : memref<6x4x32x128xf32, #tpu.memory_space<vmem>> -> memref<1x1x32x128xf32, #tpu.memory_space<vmem>>
      %dma_wait3A_2643 = tpu.memref_squeeze %dma_wait3A_2642 : memref<1x1x32x128xf32, #tpu.memory_space<vmem>> -> memref<32x128xf32, #tpu.memory_space<vmem>>
      %dma_wait3A_2644 = arith.constant 0 : i32
      %dma_wait3A_2645 = arith.constant 0 : i32
      %dma_wait3A_2646 = tpu.memref_slice %arg3[%dma_wait3A_2644, %dma_wait3A_2645] : memref<32x1000000xf32, #tpu.memory_space<hbm>> -> memref<32x128xf32, #tpu.memory_space<hbm>>
      tpu.wait_dma2 semaphore(%arg12 : memref<!tpu.dma_semaphore, #tpu.memory_space<semaphore_mem>>) src(%dma_wait3A_2646 : memref<32x128xf32, #tpu.memory_space<hbm>>) dst(%dma_wait3A_2643 : memref<32x128xf32, #tpu.memory_space<vmem>>)
      %dma_wait3A_2647 = arith.constant 4 : i32
      %dma_wait3A_2648 = arith.constant 2 : i32
      %dma_wait3A_2649 = arith.constant 0 : i32
      %dma_wait3A_2650 = arith.constant 0 : i32
      %dma_wait3A_2651 = tpu.memref_slice %arg6[%dma_wait3A_2647, %dma_wait3A_2648, %dma_wait3A_2649, %dma_wait3A_2650] : memref<6x4x32x128xf32, #tpu.memory_space<vmem>> -> memref<1x1x32x128xf32, #tpu.memory_space<vmem>>
      %dma_wait3A_2652 = tpu.memref_squeeze %dma_wait3A_2651 : memref<1x1x32x128xf32, #tpu.memory_space<vmem>> -> memref<32x128xf32, #tpu.memory_space<vmem>>
      %dma_wait3A_2653 = arith.constant 0 : i32
      %dma_wait3A_2654 = arith.constant 0 : i32
      %dma_wait3A_2655 = tpu.memref_slice %arg3[%dma_wait3A_2653, %dma_wait3A_2654] : memref<32x1000000xf32, #tpu.memory_space<hbm>> -> memref<32x128xf32, #tpu.memory_space<hbm>>
      %dma_wait3A_2656 = arith.constant 0 : i32
      %dma_wait3A_2657 = arith.constant 0 : i32
      %dma_wait3A_2658 = tpu.memref_slice %arg6[%dma_wait3A_2647, %dma_wait3A_2648, %dma_wait3A_2656, %dma_wait3A_2657] : memref<6x4x32x128xf32, #tpu.memory_space<vmem>> -> memref<1x1x32x128xf32, #tpu.memory_space<vmem>>
      %dma_wait3A_2659 = tpu.memref_squeeze %dma_wait3A_2658 : memref<1x1x32x128xf32, #tpu.memory_space<vmem>> -> memref<32x128xf32, #tpu.memory_space<vmem>>
      %dma_wait3A_2660 = arith.constant 0 : i32
      %dma_wait3A_2661 = arith.constant 0 : i32
      %dma_wait3A_2662 = tpu.memref_slice %arg3[%dma_wait3A_2660, %dma_wait3A_2661] : memref<32x1000000xf32, #tpu.memory_space<hbm>> -> memref<32x128xf32, #tpu.memory_space<hbm>>
      tpu.wait_dma2 semaphore(%arg12 : memref<!tpu.dma_semaphore, #tpu.memory_space<semaphore_mem>>) src(%dma_wait3A_2662 : memref<32x128xf32, #tpu.memory_space<hbm>>) dst(%dma_wait3A_2659 : memref<32x128xf32, #tpu.memory_space<vmem>>)
      %dma_wait3A_2663 = arith.constant 4 : i32
      %dma_wait3A_2664 = arith.constant 3 : i32
      %dma_wait3A_2665 = arith.constant 0 : i32
      %dma_wait3A_2666 = arith.constant 0 : i32
      %dma_wait3A_2667 = tpu.memref_slice %arg6[%dma_wait3A_2663, %dma_wait3A_2664, %dma_wait3A_2665, %dma_wait3A_2666] : memref<6x4x32x128xf32, #tpu.memory_space<vmem>> -> memref<1x1x32x128xf32, #tpu.memory_space<vmem>>
      %dma_wait3A_2668 = tpu.memref_squeeze %dma_wait3A_2667 : memref<1x1x32x128xf32, #tpu.memory_space<vmem>> -> memref<32x128xf32, #tpu.memory_space<vmem>>
      %dma_wait3A_2669 = arith.constant 0 : i32
      %dma_wait3A_2670 = arith.constant 0 : i32
      %dma_wait3A_2671 = tpu.memref_slice %arg3[%dma_wait3A_2669, %dma_wait3A_2670] : memref<32x1000000xf32, #tpu.memory_space<hbm>> -> memref<32x128xf32, #tpu.memory_space<hbm>>
      %dma_wait3A_2672 = arith.constant 0 : i32
      %dma_wait3A_2673 = arith.constant 0 : i32
      %dma_wait3A_2674 = tpu.memref_slice %arg6[%dma_wait3A_2663, %dma_wait3A_2664, %dma_wait3A_2672, %dma_wait3A_2673] : memref<6x4x32x128xf32, #tpu.memory_space<vmem>> -> memref<1x1x32x128xf32, #tpu.memory_space<vmem>>
      %dma_wait3A_2675 = tpu.memref_squeeze %dma_wait3A_2674 : memref<1x1x32x128xf32, #tpu.memory_space<vmem>> -> memref<32x128xf32, #tpu.memory_space<vmem>>
      %dma_wait3A_2676 = arith.constant 0 : i32
      %dma_wait3A_2677 = arith.constant 0 : i32
      %dma_wait3A_2678 = tpu.memref_slice %arg3[%dma_wait3A_2676, %dma_wait3A_2677] : memref<32x1000000xf32, #tpu.memory_space<hbm>> -> memref<32x128xf32, #tpu.memory_space<hbm>>
      tpu.wait_dma2 semaphore(%arg12 : memref<!tpu.dma_semaphore, #tpu.memory_space<semaphore_mem>>) src(%dma_wait3A_2678 : memref<32x128xf32, #tpu.memory_space<hbm>>) dst(%dma_wait3A_2675 : memref<32x128xf32, #tpu.memory_space<vmem>>)
      %jit3A_2679 = arith.constant 2 : i32
      %div3A_2680 = arith.divsi %add3A_2614, %jit3A_2679 : i32
      %sign3A_2681 = arith.constant 0 : i32
      %sign3A_2682 = arith.cmpi sgt, %add3A_2614, %sign3A_2681 : i32
      %sign3A_2683 = arith.extui %sign3A_2682 : i1 to i32
      %sign3A_2684 = arith.constant 0 : i32
      %sign3A_2685 = arith.cmpi slt, %add3A_2614, %sign3A_2684 : i32
      %sign3A_2686 = arith.extui %sign3A_2685 : i1 to i32
      %sign3A_2687 = arith.subi %sign3A_2683, %sign3A_2686 : i32
      %sign3A_2688 = arith.constant 0 : i32
      %sign3A_2689 = arith.cmpi sgt, %jit3A_2679, %sign3A_2688 : i32
      %sign3A_2690 = arith.extui %sign3A_2689 : i1 to i32
      %sign3A_2691 = arith.constant 0 : i32
      %sign3A_2692 = arith.cmpi slt, %jit3A_2679, %sign3A_2691 : i32
      %sign3A_2693 = arith.extui %sign3A_2692 : i1 to i32
      %sign3A_2694 = arith.subi %sign3A_2690, %sign3A_2693 : i32
      %ne3A_2695 = arith.cmpi ne, %sign3A_2687, %sign3A_2694 : i32
      %rem3A_2696 = arith.remsi %add3A_2614, %jit3A_2679 : i32
      %ne3A_2697 = arith.constant 0 : i32
      %ne3A_2698 = arith.cmpi ne, %rem3A_2696, %ne3A_2697 : i32
      %and3A_2699 = arith.andi %ne3A_2695, %ne3A_2698 : i1
      %sub3A_2700 = arith.constant 1 : i32
      %sub3A_2701 = arith.subi %div3A_2680, %sub3A_2700 : i32
      %select_n3A_2702 = arith.select %and3A_2699, %sub3A_2701, %div3A_2680 : i32
      %mul3A_2703 = arith.constant 8 : i32
      %mul3A_2704 = arith.muli %select_n3A_2702, %mul3A_2703 : i32
      %get3A_2705 = arith.index_cast %mul3A_2704 : i32 to index
      %get3A_2706 = tpu.vector_load %arg5[%get3A_2705] {strides = array<i32>} : memref<528xi32, #tpu.memory_space<vmem>>, vector<16xi32>,
      %slice3A_2707 = vector.extract_strided_slice %get3A_2706 {offsets = [0], sizes = [1], strides = [1]} : vector<16xi32> to vector<1xi32>
      %squeeze3A_2708 = vector.extract %slice3A_2707[0] : i32 from vector<1xi32>
      %jit3A_2709 = arith.constant 128 : i32
      %eq3A_2710 = arith.constant 0 : i32
      %eq3A_2711 = arith.cmpi eq, %jit3A_2709, %eq3A_2710 : i32
      %jit3A_2712 = arith.constant 1 : i32
      %select_n3A_2713 = arith.select %eq3A_2711, %jit3A_2712, %jit3A_2709 : i32
      %rem3A_2714 = arith.remsi %squeeze3A_2708, %select_n3A_2713 : i32
      %ne3A_2715 = arith.constant 0 : i32
      %ne3A_2716 = arith.cmpi ne, %rem3A_2714, %ne3A_2715 : i32
      %lt3A_2717 = arith.constant 0 : i32
      %lt3A_2718 = arith.cmpi slt, %rem3A_2714, %lt3A_2717 : i32
      %lt3A_2719 = arith.constant 0 : i32
      %lt3A_2720 = arith.cmpi slt, %select_n3A_2713, %lt3A_2719 : i32
      %ne3A_2721 = arith.xori %lt3A_2718, %lt3A_2720 : i1
      %and3A_2722 = arith.andi %ne3A_2721, %ne3A_2716 : i1
      %add3A_2723 = arith.addi %rem3A_2714, %select_n3A_2713 : i32
      %select_n3A_2724 = arith.select %and3A_2722, %add3A_2723, %rem3A_2714 : i32
      %broadcast_in_dim3A_2725 = vector.broadcast %select_n3A_2724 : i32 to vector<16xi32>
      %mul3A_2726 = arith.constant 4 : i32
      %mul3A_2727 = arith.muli %add3A_2614, %mul3A_2726 : i32
      %add3A_2728 = arith.constant 0 : i32
      %add3A_2729 = arith.addi %mul3A_2727, %add3A_2728 : i32
      %broadcast_in_dim3A_2730 = vector.broadcast %add3A_2729 : i32 to vector<16xi32>
      %add3A_2731 = arith.constant 0 : i32
      %add3A_2732 = vector.broadcast %add3A_2731 : i32 to vector<16xi32>
      %add3A_2733 = arith.addi %iota3A, %add3A_2732 : vector<16xi32>
      %gather3A_2734 = arith.constant 4 : i32
      %gather3A_2735 = arith.constant 0 : i32
      %gather3A_2736 = arith.constant 0 : i32
      %gather3A_2737 = arith.constant 0 : i32
      %gather3A_2738 = tpu.memref_slice %arg6[%gather3A_2734, %gather3A_2735, %gather3A_2736, %gather3A_2737] : memref<6x4x32x128xf32, #tpu.memory_space<vmem>> -> memref<1x1x32x128xf32, #tpu.memory_space<vmem>>
      %gather3A_2739 = tpu.memref_squeeze %gather3A_2738 : memref<1x1x32x128xf32, #tpu.memory_space<vmem>> -> memref<32x128xf32, #tpu.memory_space<vmem>>
      %gather3A_2740 = tpu.vector_load_idx %gather3A_2739[%add3A_2733, %broadcast_in_dim3A_2725] : memref<32x128xf32, #tpu.memory_space<vmem>>[vector<16xi32>, vector<16xi32>], vector<16xf32>,
      tpu.vector_store_idx %arg7[%add3A_2733, %broadcast_in_dim3A_2730], %gather3A_2740 : memref<32x512xf32, #tpu.memory_space<vmem>>[vector<16xi32>, vector<16xi32>], vector<16xf32>,
      %add3A_2741 = arith.constant 16 : i32
      %add3A_2742 = vector.broadcast %add3A_2741 : i32 to vector<16xi32>
      %add3A_2743 = arith.addi %iota3A, %add3A_2742 : vector<16xi32>
      %gather3A_2744 = arith.constant 4 : i32
      %gather3A_2745 = arith.constant 0 : i32
      %gather3A_2746 = arith.constant 0 : i32
      %gather3A_2747 = arith.constant 0 : i32
      %gather3A_2748 = tpu.memref_slice %arg6[%gather3A_2744, %gather3A_2745, %gather3A_2746, %gather3A_2747] : memref<6x4x32x128xf32, #tpu.memory_space<vmem>> -> memref<1x1x32x128xf32, #tpu.memory_space<vmem>>
      %gather3A_2749 = tpu.memref_squeeze %gather3A_2748 : memref<1x1x32x128xf32, #tpu.memory_space<vmem>> -> memref<32x128xf32, #tpu.memory_space<vmem>>
      %gather3A_2750 = tpu.vector_load_idx %gather3A_2749[%add3A_2743, %broadcast_in_dim3A_2725] : memref<32x128xf32, #tpu.memory_space<vmem>>[vector<16xi32>, vector<16xi32>], vector<16xf32>,
      tpu.vector_store_idx %arg7[%add3A_2743, %broadcast_in_dim3A_2730], %gather3A_2750 : memref<32x512xf32, #tpu.memory_space<vmem>>[vector<16xi32>, vector<16xi32>], vector<16xf32>,
      %slice3A_2751 = vector.extract_strided_slice %get3A_2706 {offsets = [1], sizes = [1], strides = [1]} : vector<16xi32> to vector<1xi32>
      %squeeze3A_2752 = vector.extract %slice3A_2751[0] : i32 from vector<1xi32>
      %jit3A_2753 = arith.constant 128 : i32
      %eq3A_2754 = arith.constant 0 : i32
      %eq3A_2755 = arith.cmpi eq, %jit3A_2753, %eq3A_2754 : i32
      %jit3A_2756 = arith.constant 1 : i32
      %select_n3A_2757 = arith.select %eq3A_2755, %jit3A_2756, %jit3A_2753 : i32
      %rem3A_2758 = arith.remsi %squeeze3A_2752, %select_n3A_2757 : i32
      %ne3A_2759 = arith.constant 0 : i32
      %ne3A_2760 = arith.cmpi ne, %rem3A_2758, %ne3A_2759 : i32
      %lt3A_2761 = arith.constant 0 : i32
      %lt3A_2762 = arith.cmpi slt, %rem3A_2758, %lt3A_2761 : i32
      %lt3A_2763 = arith.constant 0 : i32
      %lt3A_2764 = arith.cmpi slt, %select_n3A_2757, %lt3A_2763 : i32
      %ne3A_2765 = arith.xori %lt3A_2762, %lt3A_2764 : i1
      %and3A_2766 = arith.andi %ne3A_2765, %ne3A_2760 : i1
      %add3A_2767 = arith.addi %rem3A_2758, %select_n3A_2757 : i32
      %select_n3A_2768 = arith.select %and3A_2766, %add3A_2767, %rem3A_2758 : i32
      %broadcast_in_dim3A_2769 = vector.broadcast %select_n3A_2768 : i32 to vector<16xi32>
      %mul3A_2770 = arith.constant 4 : i32
      %mul3A_2771 = arith.muli %add3A_2614, %mul3A_2770 : i32
      %add3A_2772 = arith.constant 1 : i32
      %add3A_2773 = arith.addi %mul3A_2771, %add3A_2772 : i32
      %broadcast_in_dim3A_2774 = vector.broadcast %add3A_2773 : i32 to vector<16xi32>
      %add3A_2775 = arith.constant 0 : i32
      %add3A_2776 = vector.broadcast %add3A_2775 : i32 to vector<16xi32>
      %add3A_2777 = arith.addi %iota3A, %add3A_2776 : vector<16xi32>
      %gather3A_2778 = arith.constant 4 : i32
      %gather3A_2779 = arith.constant 1 : i32
      %gather3A_2780 = arith.constant 0 : i32
      %gather3A_2781 = arith.constant 0 : i32
      %gather3A_2782 = tpu.memref_slice %arg6[%gather3A_2778, %gather3A_2779, %gather3A_2780, %gather3A_2781] : memref<6x4x32x128xf32, #tpu.memory_space<vmem>> -> memref<1x1x32x128xf32, #tpu.memory_space<vmem>>
      %gather3A_2783 = tpu.memref_squeeze %gather3A_2782 : memref<1x1x32x128xf32, #tpu.memory_space<vmem>> -> memref<32x128xf32, #tpu.memory_space<vmem>>
      %gather3A_2784 = tpu.vector_load_idx %gather3A_2783[%add3A_2777, %broadcast_in_dim3A_2769] : memref<32x128xf32, #tpu.memory_space<vmem>>[vector<16xi32>, vector<16xi32>], vector<16xf32>,
      tpu.vector_store_idx %arg7[%add3A_2777, %broadcast_in_dim3A_2774], %gather3A_2784 : memref<32x512xf32, #tpu.memory_space<vmem>>[vector<16xi32>, vector<16xi32>], vector<16xf32>,
      %add3A_2785 = arith.constant 16 : i32
      %add3A_2786 = vector.broadcast %add3A_2785 : i32 to vector<16xi32>
      %add3A_2787 = arith.addi %iota3A, %add3A_2786 : vector<16xi32>
      %gather3A_2788 = arith.constant 4 : i32
      %gather3A_2789 = arith.constant 1 : i32
      %gather3A_2790 = arith.constant 0 : i32
      %gather3A_2791 = arith.constant 0 : i32
      %gather3A_2792 = tpu.memref_slice %arg6[%gather3A_2788, %gather3A_2789, %gather3A_2790, %gather3A_2791] : memref<6x4x32x128xf32, #tpu.memory_space<vmem>> -> memref<1x1x32x128xf32, #tpu.memory_space<vmem>>
      %gather3A_2793 = tpu.memref_squeeze %gather3A_2792 : memref<1x1x32x128xf32, #tpu.memory_space<vmem>> -> memref<32x128xf32, #tpu.memory_space<vmem>>
      %gather3A_2794 = tpu.vector_load_idx %gather3A_2793[%add3A_2787, %broadcast_in_dim3A_2769] : memref<32x128xf32, #tpu.memory_space<vmem>>[vector<16xi32>, vector<16xi32>], vector<16xf32>,
      tpu.vector_store_idx %arg7[%add3A_2787, %broadcast_in_dim3A_2774], %gather3A_2794 : memref<32x512xf32, #tpu.memory_space<vmem>>[vector<16xi32>, vector<16xi32>], vector<16xf32>,
      %slice3A_2795 = vector.extract_strided_slice %get3A_2706 {offsets = [2], sizes = [1], strides = [1]} : vector<16xi32> to vector<1xi32>
      %squeeze3A_2796 = vector.extract %slice3A_2795[0] : i32 from vector<1xi32>
      %jit3A_2797 = arith.constant 128 : i32
      %eq3A_2798 = arith.constant 0 : i32
      %eq3A_2799 = arith.cmpi eq, %jit3A_2797, %eq3A_2798 : i32
      %jit3A_2800 = arith.constant 1 : i32
      %select_n3A_2801 = arith.select %eq3A_2799, %jit3A_2800, %jit3A_2797 : i32
      %rem3A_2802 = arith.remsi %squeeze3A_2796, %select_n3A_2801 : i32
      %ne3A_2803 = arith.constant 0 : i32
      %ne3A_2804 = arith.cmpi ne, %rem3A_2802, %ne3A_2803 : i32
      %lt3A_2805 = arith.constant 0 : i32
      %lt3A_2806 = arith.cmpi slt, %rem3A_2802, %lt3A_2805 : i32
      %lt3A_2807 = arith.constant 0 : i32
      %lt3A_2808 = arith.cmpi slt, %select_n3A_2801, %lt3A_2807 : i32
      %ne3A_2809 = arith.xori %lt3A_2806, %lt3A_2808 : i1
      %and3A_2810 = arith.andi %ne3A_2809, %ne3A_2804 : i1
      %add3A_2811 = arith.addi %rem3A_2802, %select_n3A_2801 : i32
      %select_n3A_2812 = arith.select %and3A_2810, %add3A_2811, %rem3A_2802 : i32
      %broadcast_in_dim3A_2813 = vector.broadcast %select_n3A_2812 : i32 to vector<16xi32>
      %mul3A_2814 = arith.constant 4 : i32
      %mul3A_2815 = arith.muli %add3A_2614, %mul3A_2814 : i32
      %add3A_2816 = arith.constant 2 : i32
      %add3A_2817 = arith.addi %mul3A_2815, %add3A_2816 : i32
      %broadcast_in_dim3A_2818 = vector.broadcast %add3A_2817 : i32 to vector<16xi32>
      %add3A_2819 = arith.constant 0 : i32
      %add3A_2820 = vector.broadcast %add3A_2819 : i32 to vector<16xi32>
      %add3A_2821 = arith.addi %iota3A, %add3A_2820 : vector<16xi32>
      %gather3A_2822 = arith.constant 4 : i32
      %gather3A_2823 = arith.constant 2 : i32
      %gather3A_2824 = arith.constant 0 : i32
      %gather3A_2825 = arith.constant 0 : i32
      %gather3A_2826 = tpu.memref_slice %arg6[%gather3A_2822, %gather3A_2823, %gather3A_2824, %gather3A_2825] : memref<6x4x32x128xf32, #tpu.memory_space<vmem>> -> memref<1x1x32x128xf32, #tpu.memory_space<vmem>>
      %gather3A_2827 = tpu.memref_squeeze %gather3A_2826 : memref<1x1x32x128xf32, #tpu.memory_space<vmem>> -> memref<32x128xf32, #tpu.memory_space<vmem>>
      %gather3A_2828 = tpu.vector_load_idx %gather3A_2827[%add3A_2821, %broadcast_in_dim3A_2813] : memref<32x128xf32, #tpu.memory_space<vmem>>[vector<16xi32>, vector<16xi32>], vector<16xf32>,
      tpu.vector_store_idx %arg7[%add3A_2821, %broadcast_in_dim3A_2818], %gather3A_2828 : memref<32x512xf32, #tpu.memory_space<vmem>>[vector<16xi32>, vector<16xi32>], vector<16xf32>,
      %add3A_2829 = arith.constant 16 : i32
      %add3A_2830 = vector.broadcast %add3A_2829 : i32 to vector<16xi32>
      %add3A_2831 = arith.addi %iota3A, %add3A_2830 : vector<16xi32>
      %gather3A_2832 = arith.constant 4 : i32
      %gather3A_2833 = arith.constant 2 : i32
      %gather3A_2834 = arith.constant 0 : i32
      %gather3A_2835 = arith.constant 0 : i32
      %gather3A_2836 = tpu.memref_slice %arg6[%gather3A_2832, %gather3A_2833, %gather3A_2834, %gather3A_2835] : memref<6x4x32x128xf32, #tpu.memory_space<vmem>> -> memref<1x1x32x128xf32, #tpu.memory_space<vmem>>
      %gather3A_2837 = tpu.memref_squeeze %gather3A_2836 : memref<1x1x32x128xf32, #tpu.memory_space<vmem>> -> memref<32x128xf32, #tpu.memory_space<vmem>>
      %gather3A_2838 = tpu.vector_load_idx %gather3A_2837[%add3A_2831, %broadcast_in_dim3A_2813] : memref<32x128xf32, #tpu.memory_space<vmem>>[vector<16xi32>, vector<16xi32>], vector<16xf32>,
      tpu.vector_store_idx %arg7[%add3A_2831, %broadcast_in_dim3A_2818], %gather3A_2838 : memref<32x512xf32, #tpu.memory_space<vmem>>[vector<16xi32>, vector<16xi32>], vector<16xf32>,
      %slice3A_2839 = vector.extract_strided_slice %get3A_2706 {offsets = [3], sizes = [1], strides = [1]} : vector<16xi32> to vector<1xi32>
      %squeeze3A_2840 = vector.extract %slice3A_2839[0] : i32 from vector<1xi32>
      %jit3A_2841 = arith.constant 128 : i32
      %eq3A_2842 = arith.constant 0 : i32
      %eq3A_2843 = arith.cmpi eq, %jit3A_2841, %eq3A_2842 : i32
      %jit3A_2844 = arith.constant 1 : i32
      %select_n3A_2845 = arith.select %eq3A_2843, %jit3A_2844, %jit3A_2841 : i32
      %rem3A_2846 = arith.remsi %squeeze3A_2840, %select_n3A_2845 : i32
      %ne3A_2847 = arith.constant 0 : i32
      %ne3A_2848 = arith.cmpi ne, %rem3A_2846, %ne3A_2847 : i32
      %lt3A_2849 = arith.constant 0 : i32
      %lt3A_2850 = arith.cmpi slt, %rem3A_2846, %lt3A_2849 : i32
      %lt3A_2851 = arith.constant 0 : i32
      %lt3A_2852 = arith.cmpi slt, %select_n3A_2845, %lt3A_2851 : i32
      %ne3A_2853 = arith.xori %lt3A_2850, %lt3A_2852 : i1
      %and3A_2854 = arith.andi %ne3A_2853, %ne3A_2848 : i1
      %add3A_2855 = arith.addi %rem3A_2846, %select_n3A_2845 : i32
      %select_n3A_2856 = arith.select %and3A_2854, %add3A_2855, %rem3A_2846 : i32
      %broadcast_in_dim3A_2857 = vector.broadcast %select_n3A_2856 : i32 to vector<16xi32>
      %mul3A_2858 = arith.constant 4 : i32
      %mul3A_2859 = arith.muli %add3A_2614, %mul3A_2858 : i32
      %add3A_2860 = arith.constant 3 : i32
      %add3A_2861 = arith.addi %mul3A_2859, %add3A_2860 : i32
      %broadcast_in_dim3A_2862 = vector.broadcast %add3A_2861 : i32 to vector<16xi32>
      %add3A_2863 = arith.constant 0 : i32
      %add3A_2864 = vector.broadcast %add3A_2863 : i32 to vector<16xi32>
      %add3A_2865 = arith.addi %iota3A, %add3A_2864 : vector<16xi32>
      %gather3A_2866 = arith.constant 4 : i32
      %gather3A_2867 = arith.constant 3 : i32
      %gather3A_2868 = arith.constant 0 : i32
      %gather3A_2869 = arith.constant 0 : i32
      %gather3A_2870 = tpu.memref_slice %arg6[%gather3A_2866, %gather3A_2867, %gather3A_2868, %gather3A_2869] : memref<6x4x32x128xf32, #tpu.memory_space<vmem>> -> memref<1x1x32x128xf32, #tpu.memory_space<vmem>>
      %gather3A_2871 = tpu.memref_squeeze %gather3A_2870 : memref<1x1x32x128xf32, #tpu.memory_space<vmem>> -> memref<32x128xf32, #tpu.memory_space<vmem>>
      %gather3A_2872 = tpu.vector_load_idx %gather3A_2871[%add3A_2865, %broadcast_in_dim3A_2857] : memref<32x128xf32, #tpu.memory_space<vmem>>[vector<16xi32>, vector<16xi32>], vector<16xf32>,
      tpu.vector_store_idx %arg7[%add3A_2865, %broadcast_in_dim3A_2862], %gather3A_2872 : memref<32x512xf32, #tpu.memory_space<vmem>>[vector<16xi32>, vector<16xi32>], vector<16xf32>,
      %add3A_2873 = arith.constant 16 : i32
      %add3A_2874 = vector.broadcast %add3A_2873 : i32 to vector<16xi32>
      %add3A_2875 = arith.addi %iota3A, %add3A_2874 : vector<16xi32>
      %gather3A_2876 = arith.constant 4 : i32
      %gather3A_2877 = arith.constant 3 : i32
      %gather3A_2878 = arith.constant 0 : i32
      %gather3A_2879 = arith.constant 0 : i32
      %gather3A_2880 = tpu.memref_slice %arg6[%gather3A_2876, %gather3A_2877, %gather3A_2878, %gather3A_2879] : memref<6x4x32x128xf32, #tpu.memory_space<vmem>> -> memref<1x1x32x128xf32, #tpu.memory_space<vmem>>
      %gather3A_2881 = tpu.memref_squeeze %gather3A_2880 : memref<1x1x32x128xf32, #tpu.memory_space<vmem>> -> memref<32x128xf32, #tpu.memory_space<vmem>>
      %gather3A_2882 = tpu.vector_load_idx %gather3A_2881[%add3A_2875, %broadcast_in_dim3A_2857] : memref<32x128xf32, #tpu.memory_space<vmem>>[vector<16xi32>, vector<16xi32>], vector<16xf32>,
      tpu.vector_store_idx %arg7[%add3A_2875, %broadcast_in_dim3A_2862], %gather3A_2882 : memref<32x512xf32, #tpu.memory_space<vmem>>[vector<16xi32>, vector<16xi32>], vector<16xf32>,
      %add3A_2883 = arith.constant 6 : i32
      %add3A_2884 = arith.addi %add3A_2614, %add3A_2883 : i32
      %lt3A_2885 = arith.constant 128 : i32
      %lt3A_2886 = arith.cmpi slt, %add3A_2884, %lt3A_2885 : i32
      %convert_element_type3A_2887 = arith.extui %lt3A_2886 : i1 to i32
      %cond3A_2888 = arith.constant 0 : i32
      %cond3A_2889 = arith.cmpi ne, %convert_element_type3A_2887, %cond3A_2888 : i32
      scf.if %cond3A_2889 {
        %jit3A_3170 = arith.constant 2 : i32
        %div3A_3171 = arith.divsi %add3A_2884, %jit3A_3170 : i32
        %sign3A_3172 = arith.constant 0 : i32
        %sign3A_3173 = arith.cmpi sgt, %add3A_2884, %sign3A_3172 : i32
        %sign3A_3174 = arith.extui %sign3A_3173 : i1 to i32
        %sign3A_3175 = arith.constant 0 : i32
        %sign3A_3176 = arith.cmpi slt, %add3A_2884, %sign3A_3175 : i32
        %sign3A_3177 = arith.extui %sign3A_3176 : i1 to i32
        %sign3A_3178 = arith.subi %sign3A_3174, %sign3A_3177 : i32
        %sign3A_3179 = arith.constant 0 : i32
        %sign3A_3180 = arith.cmpi sgt, %jit3A_3170, %sign3A_3179 : i32
        %sign3A_3181 = arith.extui %sign3A_3180 : i1 to i32
        %sign3A_3182 = arith.constant 0 : i32
        %sign3A_3183 = arith.cmpi slt, %jit3A_3170, %sign3A_3182 : i32
        %sign3A_3184 = arith.extui %sign3A_3183 : i1 to i32
        %sign3A_3185 = arith.subi %sign3A_3181, %sign3A_3184 : i32
        %ne3A_3186 = arith.cmpi ne, %sign3A_3178, %sign3A_3185 : i32
        %rem3A_3187 = arith.remsi %add3A_2884, %jit3A_3170 : i32
        %ne3A_3188 = arith.constant 0 : i32
        %ne3A_3189 = arith.cmpi ne, %rem3A_3187, %ne3A_3188 : i32
        %and3A_3190 = arith.andi %ne3A_3186, %ne3A_3189 : i1
        %sub3A_3191 = arith.constant 1 : i32
        %sub3A_3192 = arith.subi %div3A_3171, %sub3A_3191 : i32
        %select_n3A_3193 = arith.select %and3A_3190, %sub3A_3192, %div3A_3171 : i32
        %mul3A_3194 = arith.constant 8 : i32
        %mul3A_3195 = arith.muli %select_n3A_3193, %mul3A_3194 : i32
        %get3A_3196 = arith.index_cast %mul3A_3195 : i32 to index
        %get3A_3197 = tpu.vector_load %arg5[%get3A_3196] {strides = array<i32>} : memref<528xi32, #tpu.memory_space<vmem>>, vector<16xi32>,
        %slice3A_3198 = vector.extract_strided_slice %get3A_3197 {offsets = [0], sizes = [1], strides = [1]} : vector<16xi32> to vector<1xi32>
        %squeeze3A_3199 = vector.extract %slice3A_3198[0] : i32 from vector<1xi32>
        %jit3A_3200 = arith.constant 128 : i32
        %div3A_3201 = arith.divsi %squeeze3A_3199, %jit3A_3200 : i32
        %sign3A_3202 = arith.constant 0 : i32
        %sign3A_3203 = arith.cmpi sgt, %squeeze3A_3199, %sign3A_3202 : i32
        %sign3A_3204 = arith.extui %sign3A_3203 : i1 to i32
        %sign3A_3205 = arith.constant 0 : i32
        %sign3A_3206 = arith.cmpi slt, %squeeze3A_3199, %sign3A_3205 : i32
        %sign3A_3207 = arith.extui %sign3A_3206 : i1 to i32
        %sign3A_3208 = arith.subi %sign3A_3204, %sign3A_3207 : i32
        %sign3A_3209 = arith.constant 0 : i32
        %sign3A_3210 = arith.cmpi sgt, %jit3A_3200, %sign3A_3209 : i32
        %sign3A_3211 = arith.extui %sign3A_3210 : i1 to i32
        %sign3A_3212 = arith.constant 0 : i32
        %sign3A_3213 = arith.cmpi slt, %jit3A_3200, %sign3A_3212 : i32
        %sign3A_3214 = arith.extui %sign3A_3213 : i1 to i32
        %sign3A_3215 = arith.subi %sign3A_3211, %sign3A_3214 : i32
        %ne3A_3216 = arith.cmpi ne, %sign3A_3208, %sign3A_3215 : i32
        %rem3A_3217 = arith.remsi %squeeze3A_3199, %jit3A_3200 : i32
        %ne3A_3218 = arith.constant 0 : i32
        %ne3A_3219 = arith.cmpi ne, %rem3A_3217, %ne3A_3218 : i32
        %and3A_3220 = arith.andi %ne3A_3216, %ne3A_3219 : i1
        %sub3A_3221 = arith.constant 1 : i32
        %sub3A_3222 = arith.subi %div3A_3201, %sub3A_3221 : i32
        %select_n3A_3223 = arith.select %and3A_3220, %sub3A_3222, %div3A_3201 : i32
        %mul3A_3224 = arith.constant 128 : i32
        %mul3A_3225 = arith.muli %select_n3A_3223, %mul3A_3224 : i32
        %multiple_of3A_3226 = tpu.assume_multiple %mul3A_3225, 128 : i32
        %dma_start3A_3227 = arith.constant 4 : i32
        %dma_start3A_3228 = arith.constant 0 : i32
        %dma_start3A_3229 = arith.constant 0 : i32
        %dma_start3A_3230 = arith.constant 0 : i32
        %dma_start3A_3231 = tpu.memref_slice %arg6[%dma_start3A_3227, %dma_start3A_3228, %dma_start3A_3229, %dma_start3A_3230] : memref<6x4x32x128xf32, #tpu.memory_space<vmem>> -> memref<1x1x32x128xf32, #tpu.memory_space<vmem>>
        %dma_start3A_3232 = tpu.memref_squeeze %dma_start3A_3231 : memref<1x1x32x128xf32, #tpu.memory_space<vmem>> -> memref<32x128xf32, #tpu.memory_space<vmem>>
        %dma_start3A_3233 = arith.constant 0 : i32
        %dma_start3A_3234 = tpu.memref_slice %arg3[%dma_start3A_3233, %multiple_of3A_3226] : memref<32x1000000xf32, #tpu.memory_space<hbm>> -> memref<32x128xf32, #tpu.memory_space<hbm>>
        %dma_start3A_3235 = arith.constant 0 : i32
        %dma_start3A_3236 = arith.constant 0 : i32
        %dma_start3A_3237 = tpu.memref_slice %arg6[%dma_start3A_3227, %dma_start3A_3228, %dma_start3A_3235, %dma_start3A_3236] : memref<6x4x32x128xf32, #tpu.memory_space<vmem>> -> memref<1x1x32x128xf32, #tpu.memory_space<vmem>>
        %dma_start3A_3238 = tpu.memref_squeeze %dma_start3A_3237 : memref<1x1x32x128xf32, #tpu.memory_space<vmem>> -> memref<32x128xf32, #tpu.memory_space<vmem>>
        %dma_start3A_3239 = arith.constant 0 : i32
        %dma_start3A_3240 = tpu.memref_slice %arg3[%dma_start3A_3239, %multiple_of3A_3226] : memref<32x1000000xf32, #tpu.memory_space<hbm>> -> memref<32x128xf32, #tpu.memory_space<hbm>>
        tpu.enqueue_dma source(%dma_start3A_3240 : memref<32x128xf32, #tpu.memory_space<hbm>>) target(%dma_start3A_3238 : memref<32x128xf32, #tpu.memory_space<vmem>>) target_semaphore(%arg12 : memref<!tpu.dma_semaphore, #tpu.memory_space<semaphore_mem>>)
        %slice3A_3241 = vector.extract_strided_slice %get3A_3197 {offsets = [1], sizes = [1], strides = [1]} : vector<16xi32> to vector<1xi32>
        %squeeze3A_3242 = vector.extract %slice3A_3241[0] : i32 from vector<1xi32>
        %jit3A_3243 = arith.constant 128 : i32
        %div3A_3244 = arith.divsi %squeeze3A_3242, %jit3A_3243 : i32
        %sign3A_3245 = arith.constant 0 : i32
        %sign3A_3246 = arith.cmpi sgt, %squeeze3A_3242, %sign3A_3245 : i32
        %sign3A_3247 = arith.extui %sign3A_3246 : i1 to i32
        %sign3A_3248 = arith.constant 0 : i32
        %sign3A_3249 = arith.cmpi slt, %squeeze3A_3242, %sign3A_3248 : i32
        %sign3A_3250 = arith.extui %sign3A_3249 : i1 to i32
        %sign3A_3251 = arith.subi %sign3A_3247, %sign3A_3250 : i32
        %sign3A_3252 = arith.constant 0 : i32
        %sign3A_3253 = arith.cmpi sgt, %jit3A_3243, %sign3A_3252 : i32
        %sign3A_3254 = arith.extui %sign3A_3253 : i1 to i32
        %sign3A_3255 = arith.constant 0 : i32
        %sign3A_3256 = arith.cmpi slt, %jit3A_3243, %sign3A_3255 : i32
        %sign3A_3257 = arith.extui %sign3A_3256 : i1 to i32
        %sign3A_3258 = arith.subi %sign3A_3254, %sign3A_3257 : i32
        %ne3A_3259 = arith.cmpi ne, %sign3A_3251, %sign3A_3258 : i32
        %rem3A_3260 = arith.remsi %squeeze3A_3242, %jit3A_3243 : i32
        %ne3A_3261 = arith.constant 0 : i32
        %ne3A_3262 = arith.cmpi ne, %rem3A_3260, %ne3A_3261 : i32
        %and3A_3263 = arith.andi %ne3A_3259, %ne3A_3262 : i1
        %sub3A_3264 = arith.constant 1 : i32
        %sub3A_3265 = arith.subi %div3A_3244, %sub3A_3264 : i32
        %select_n3A_3266 = arith.select %and3A_3263, %sub3A_3265, %div3A_3244 : i32
        %mul3A_3267 = arith.constant 128 : i32
        %mul3A_3268 = arith.muli %select_n3A_3266, %mul3A_3267 : i32
        %multiple_of3A_3269 = tpu.assume_multiple %mul3A_3268, 128 : i32
        %dma_start3A_3270 = arith.constant 4 : i32
        %dma_start3A_3271 = arith.constant 1 : i32
        %dma_start3A_3272 = arith.constant 0 : i32
        %dma_start3A_3273 = arith.constant 0 : i32
        %dma_start3A_3274 = tpu.memref_slice %arg6[%dma_start3A_3270, %dma_start3A_3271, %dma_start3A_3272, %dma_start3A_3273] : memref<6x4x32x128xf32, #tpu.memory_space<vmem>> -> memref<1x1x32x128xf32, #tpu.memory_space<vmem>>
        %dma_start3A_3275 = tpu.memref_squeeze %dma_start3A_3274 : memref<1x1x32x128xf32, #tpu.memory_space<vmem>> -> memref<32x128xf32, #tpu.memory_space<vmem>>
        %dma_start3A_3276 = arith.constant 0 : i32
        %dma_start3A_3277 = tpu.memref_slice %arg3[%dma_start3A_3276, %multiple_of3A_3269] : memref<32x1000000xf32, #tpu.memory_space<hbm>> -> memref<32x128xf32, #tpu.memory_space<hbm>>
        %dma_start3A_3278 = arith.constant 0 : i32
        %dma_start3A_3279 = arith.constant 0 : i32
        %dma_start3A_3280 = tpu.memref_slice %arg6[%dma_start3A_3270, %dma_start3A_3271, %dma_start3A_3278, %dma_start3A_3279] : memref<6x4x32x128xf32, #tpu.memory_space<vmem>> -> memref<1x1x32x128xf32, #tpu.memory_space<vmem>>
        %dma_start3A_3281 = tpu.memref_squeeze %dma_start3A_3280 : memref<1x1x32x128xf32, #tpu.memory_space<vmem>> -> memref<32x128xf32, #tpu.memory_space<vmem>>
        %dma_start3A_3282 = arith.constant 0 : i32
        %dma_start3A_3283 = tpu.memref_slice %arg3[%dma_start3A_3282, %multiple_of3A_3269] : memref<32x1000000xf32, #tpu.memory_space<hbm>> -> memref<32x128xf32, #tpu.memory_space<hbm>>
        tpu.enqueue_dma source(%dma_start3A_3283 : memref<32x128xf32, #tpu.memory_space<hbm>>) target(%dma_start3A_3281 : memref<32x128xf32, #tpu.memory_space<vmem>>) target_semaphore(%arg12 : memref<!tpu.dma_semaphore, #tpu.memory_space<semaphore_mem>>)
        %slice3A_3284 = vector.extract_strided_slice %get3A_3197 {offsets = [2], sizes = [1], strides = [1]} : vector<16xi32> to vector<1xi32>
        %squeeze3A_3285 = vector.extract %slice3A_3284[0] : i32 from vector<1xi32>
        %jit3A_3286 = arith.constant 128 : i32
        %div3A_3287 = arith.divsi %squeeze3A_3285, %jit3A_3286 : i32
        %sign3A_3288 = arith.constant 0 : i32
        %sign3A_3289 = arith.cmpi sgt, %squeeze3A_3285, %sign3A_3288 : i32
        %sign3A_3290 = arith.extui %sign3A_3289 : i1 to i32
        %sign3A_3291 = arith.constant 0 : i32
        %sign3A_3292 = arith.cmpi slt, %squeeze3A_3285, %sign3A_3291 : i32
        %sign3A_3293 = arith.extui %sign3A_3292 : i1 to i32
        %sign3A_3294 = arith.subi %sign3A_3290, %sign3A_3293 : i32
        %sign3A_3295 = arith.constant 0 : i32
        %sign3A_3296 = arith.cmpi sgt, %jit3A_3286, %sign3A_3295 : i32
        %sign3A_3297 = arith.extui %sign3A_3296 : i1 to i32
        %sign3A_3298 = arith.constant 0 : i32
        %sign3A_3299 = arith.cmpi slt, %jit3A_3286, %sign3A_3298 : i32
        %sign3A_3300 = arith.extui %sign3A_3299 : i1 to i32
        %sign3A_3301 = arith.subi %sign3A_3297, %sign3A_3300 : i32
        %ne3A_3302 = arith.cmpi ne, %sign3A_3294, %sign3A_3301 : i32
        %rem3A_3303 = arith.remsi %squeeze3A_3285, %jit3A_3286 : i32
        %ne3A_3304 = arith.constant 0 : i32
        %ne3A_3305 = arith.cmpi ne, %rem3A_3303, %ne3A_3304 : i32
        %and3A_3306 = arith.andi %ne3A_3302, %ne3A_3305 : i1
        %sub3A_3307 = arith.constant 1 : i32
        %sub3A_3308 = arith.subi %div3A_3287, %sub3A_3307 : i32
        %select_n3A_3309 = arith.select %and3A_3306, %sub3A_3308, %div3A_3287 : i32
        %mul3A_3310 = arith.constant 128 : i32
        %mul3A_3311 = arith.muli %select_n3A_3309, %mul3A_3310 : i32
        %multiple_of3A_3312 = tpu.assume_multiple %mul3A_3311, 128 : i32
        %dma_start3A_3313 = arith.constant 4 : i32
        %dma_start3A_3314 = arith.constant 2 : i32
        %dma_start3A_3315 = arith.constant 0 : i32
        %dma_start3A_3316 = arith.constant 0 : i32
        %dma_start3A_3317 = tpu.memref_slice %arg6[%dma_start3A_3313, %dma_start3A_3314, %dma_start3A_3315, %dma_start3A_3316] : memref<6x4x32x128xf32, #tpu.memory_space<vmem>> -> memref<1x1x32x128xf32, #tpu.memory_space<vmem>>
        %dma_start3A_3318 = tpu.memref_squeeze %dma_start3A_3317 : memref<1x1x32x128xf32, #tpu.memory_space<vmem>> -> memref<32x128xf32, #tpu.memory_space<vmem>>
        %dma_start3A_3319 = arith.constant 0 : i32
        %dma_start3A_3320 = tpu.memref_slice %arg3[%dma_start3A_3319, %multiple_of3A_3312] : memref<32x1000000xf32, #tpu.memory_space<hbm>> -> memref<32x128xf32, #tpu.memory_space<hbm>>
        %dma_start3A_3321 = arith.constant 0 : i32
        %dma_start3A_3322 = arith.constant 0 : i32
        %dma_start3A_3323 = tpu.memref_slice %arg6[%dma_start3A_3313, %dma_start3A_3314, %dma_start3A_3321, %dma_start3A_3322] : memref<6x4x32x128xf32, #tpu.memory_space<vmem>> -> memref<1x1x32x128xf32, #tpu.memory_space<vmem>>
        %dma_start3A_3324 = tpu.memref_squeeze %dma_start3A_3323 : memref<1x1x32x128xf32, #tpu.memory_space<vmem>> -> memref<32x128xf32, #tpu.memory_space<vmem>>
        %dma_start3A_3325 = arith.constant 0 : i32
        %dma_start3A_3326 = tpu.memref_slice %arg3[%dma_start3A_3325, %multiple_of3A_3312] : memref<32x1000000xf32, #tpu.memory_space<hbm>> -> memref<32x128xf32, #tpu.memory_space<hbm>>
        tpu.enqueue_dma source(%dma_start3A_3326 : memref<32x128xf32, #tpu.memory_space<hbm>>) target(%dma_start3A_3324 : memref<32x128xf32, #tpu.memory_space<vmem>>) target_semaphore(%arg12 : memref<!tpu.dma_semaphore, #tpu.memory_space<semaphore_mem>>)
        %slice3A_3327 = vector.extract_strided_slice %get3A_3197 {offsets = [3], sizes = [1], strides = [1]} : vector<16xi32> to vector<1xi32>
        %squeeze3A_3328 = vector.extract %slice3A_3327[0] : i32 from vector<1xi32>
        %jit3A_3329 = arith.constant 128 : i32
        %div3A_3330 = arith.divsi %squeeze3A_3328, %jit3A_3329 : i32
        %sign3A_3331 = arith.constant 0 : i32
        %sign3A_3332 = arith.cmpi sgt, %squeeze3A_3328, %sign3A_3331 : i32
        %sign3A_3333 = arith.extui %sign3A_3332 : i1 to i32
        %sign3A_3334 = arith.constant 0 : i32
        %sign3A_3335 = arith.cmpi slt, %squeeze3A_3328, %sign3A_3334 : i32
        %sign3A_3336 = arith.extui %sign3A_3335 : i1 to i32
        %sign3A_3337 = arith.subi %sign3A_3333, %sign3A_3336 : i32
        %sign3A_3338 = arith.constant 0 : i32
        %sign3A_3339 = arith.cmpi sgt, %jit3A_3329, %sign3A_3338 : i32
        %sign3A_3340 = arith.extui %sign3A_3339 : i1 to i32
        %sign3A_3341 = arith.constant 0 : i32
        %sign3A_3342 = arith.cmpi slt, %jit3A_3329, %sign3A_3341 : i32
        %sign3A_3343 = arith.extui %sign3A_3342 : i1 to i32
        %sign3A_3344 = arith.subi %sign3A_3340, %sign3A_3343 : i32
        %ne3A_3345 = arith.cmpi ne, %sign3A_3337, %sign3A_3344 : i32
        %rem3A_3346 = arith.remsi %squeeze3A_3328, %jit3A_3329 : i32
        %ne3A_3347 = arith.constant 0 : i32
        %ne3A_3348 = arith.cmpi ne, %rem3A_3346, %ne3A_3347 : i32
        %and3A_3349 = arith.andi %ne3A_3345, %ne3A_3348 : i1
        %sub3A_3350 = arith.constant 1 : i32
        %sub3A_3351 = arith.subi %div3A_3330, %sub3A_3350 : i32
        %select_n3A_3352 = arith.select %and3A_3349, %sub3A_3351, %div3A_3330 : i32
        %mul3A_3353 = arith.constant 128 : i32
        %mul3A_3354 = arith.muli %select_n3A_3352, %mul3A_3353 : i32
        %multiple_of3A_3355 = tpu.assume_multiple %mul3A_3354, 128 : i32
        %dma_start3A_3356 = arith.constant 4 : i32
        %dma_start3A_3357 = arith.constant 3 : i32
        %dma_start3A_3358 = arith.constant 0 : i32
        %dma_start3A_3359 = arith.constant 0 : i32
        %dma_start3A_3360 = tpu.memref_slice %arg6[%dma_start3A_3356, %dma_start3A_3357, %dma_start3A_3358, %dma_start3A_3359] : memref<6x4x32x128xf32, #tpu.memory_space<vmem>> -> memref<1x1x32x128xf32, #tpu.memory_space<vmem>>
        %dma_start3A_3361 = tpu.memref_squeeze %dma_start3A_3360 : memref<1x1x32x128xf32, #tpu.memory_space<vmem>> -> memref<32x128xf32, #tpu.memory_space<vmem>>
        %dma_start3A_3362 = arith.constant 0 : i32
        %dma_start3A_3363 = tpu.memref_slice %arg3[%dma_start3A_3362, %multiple_of3A_3355] : memref<32x1000000xf32, #tpu.memory_space<hbm>> -> memref<32x128xf32, #tpu.memory_space<hbm>>
        %dma_start3A_3364 = arith.constant 0 : i32
        %dma_start3A_3365 = arith.constant 0 : i32
        %dma_start3A_3366 = tpu.memref_slice %arg6[%dma_start3A_3356, %dma_start3A_3357, %dma_start3A_3364, %dma_start3A_3365] : memref<6x4x32x128xf32, #tpu.memory_space<vmem>> -> memref<1x1x32x128xf32, #tpu.memory_space<vmem>>
        %dma_start3A_3367 = tpu.memref_squeeze %dma_start3A_3366 : memref<1x1x32x128xf32, #tpu.memory_space<vmem>> -> memref<32x128xf32, #tpu.memory_space<vmem>>
        %dma_start3A_3368 = arith.constant 0 : i32
        %dma_start3A_3369 = tpu.memref_slice %arg3[%dma_start3A_3368, %multiple_of3A_3355] : memref<32x1000000xf32, #tpu.memory_space<hbm>> -> memref<32x128xf32, #tpu.memory_space<hbm>>
        tpu.enqueue_dma source(%dma_start3A_3369 : memref<32x128xf32, #tpu.memory_space<hbm>>) target(%dma_start3A_3367 : memref<32x128xf32, #tpu.memory_space<vmem>>) target_semaphore(%arg12 : memref<!tpu.dma_semaphore, #tpu.memory_space<semaphore_mem>>)
      } else {
      }
      %mul3A_2890 = arith.constant 6 : i32
      %mul3A_2891 = arith.muli %scan3A_1495, %mul3A_2890 : i32
      %add3A_2892 = arith.constant 5 : i32
      %add3A_2893 = arith.addi %mul3A_2891, %add3A_2892 : i32
      %dma_wait3A_2894 = arith.constant 5 : i32
      %dma_wait3A_2895 = arith.constant 0 : i32
      %dma_wait3A_2896 = arith.constant 0 : i32
      %dma_wait3A_2897 = arith.constant 0 : i32
      %dma_wait3A_2898 = tpu.memref_slice %arg6[%dma_wait3A_2894, %dma_wait3A_2895, %dma_wait3A_2896, %dma_wait3A_2897] : memref<6x4x32x128xf32, #tpu.memory_space<vmem>> -> memref<1x1x32x128xf32, #tpu.memory_space<vmem>>
      %dma_wait3A_2899 = tpu.memref_squeeze %dma_wait3A_2898 : memref<1x1x32x128xf32, #tpu.memory_space<vmem>> -> memref<32x128xf32, #tpu.memory_space<vmem>>
      %dma_wait3A_2900 = arith.constant 0 : i32
      %dma_wait3A_2901 = arith.constant 0 : i32
      %dma_wait3A_2902 = tpu.memref_slice %arg3[%dma_wait3A_2900, %dma_wait3A_2901] : memref<32x1000000xf32, #tpu.memory_space<hbm>> -> memref<32x128xf32, #tpu.memory_space<hbm>>
      %dma_wait3A_2903 = arith.constant 0 : i32
      %dma_wait3A_2904 = arith.constant 0 : i32
      %dma_wait3A_2905 = tpu.memref_slice %arg6[%dma_wait3A_2894, %dma_wait3A_2895, %dma_wait3A_2903, %dma_wait3A_2904] : memref<6x4x32x128xf32, #tpu.memory_space<vmem>> -> memref<1x1x32x128xf32, #tpu.memory_space<vmem>>
      %dma_wait3A_2906 = tpu.memref_squeeze %dma_wait3A_2905 : memref<1x1x32x128xf32, #tpu.memory_space<vmem>> -> memref<32x128xf32, #tpu.memory_space<vmem>>
      %dma_wait3A_2907 = arith.constant 0 : i32
      %dma_wait3A_2908 = arith.constant 0 : i32
      %dma_wait3A_2909 = tpu.memref_slice %arg3[%dma_wait3A_2907, %dma_wait3A_2908] : memref<32x1000000xf32, #tpu.memory_space<hbm>> -> memref<32x128xf32, #tpu.memory_space<hbm>>
      tpu.wait_dma2 semaphore(%arg13 : memref<!tpu.dma_semaphore, #tpu.memory_space<semaphore_mem>>) src(%dma_wait3A_2909 : memref<32x128xf32, #tpu.memory_space<hbm>>) dst(%dma_wait3A_2906 : memref<32x128xf32, #tpu.memory_space<vmem>>)
      %dma_wait3A_2910 = arith.constant 5 : i32
      %dma_wait3A_2911 = arith.constant 1 : i32
      %dma_wait3A_2912 = arith.constant 0 : i32
      %dma_wait3A_2913 = arith.constant 0 : i32
      %dma_wait3A_2914 = tpu.memref_slice %arg6[%dma_wait3A_2910, %dma_wait3A_2911, %dma_wait3A_2912, %dma_wait3A_2913] : memref<6x4x32x128xf32, #tpu.memory_space<vmem>> -> memref<1x1x32x128xf32, #tpu.memory_space<vmem>>
      %dma_wait3A_2915 = tpu.memref_squeeze %dma_wait3A_2914 : memref<1x1x32x128xf32, #tpu.memory_space<vmem>> -> memref<32x128xf32, #tpu.memory_space<vmem>>
      %dma_wait3A_2916 = arith.constant 0 : i32
      %dma_wait3A_2917 = arith.constant 0 : i32
      %dma_wait3A_2918 = tpu.memref_slice %arg3[%dma_wait3A_2916, %dma_wait3A_2917] : memref<32x1000000xf32, #tpu.memory_space<hbm>> -> memref<32x128xf32, #tpu.memory_space<hbm>>
      %dma_wait3A_2919 = arith.constant 0 : i32
      %dma_wait3A_2920 = arith.constant 0 : i32
      %dma_wait3A_2921 = tpu.memref_slice %arg6[%dma_wait3A_2910, %dma_wait3A_2911, %dma_wait3A_2919, %dma_wait3A_2920] : memref<6x4x32x128xf32, #tpu.memory_space<vmem>> -> memref<1x1x32x128xf32, #tpu.memory_space<vmem>>
      %dma_wait3A_2922 = tpu.memref_squeeze %dma_wait3A_2921 : memref<1x1x32x128xf32, #tpu.memory_space<vmem>> -> memref<32x128xf32, #tpu.memory_space<vmem>>
      %dma_wait3A_2923 = arith.constant 0 : i32
      %dma_wait3A_2924 = arith.constant 0 : i32
      %dma_wait3A_2925 = tpu.memref_slice %arg3[%dma_wait3A_2923, %dma_wait3A_2924] : memref<32x1000000xf32, #tpu.memory_space<hbm>> -> memref<32x128xf32, #tpu.memory_space<hbm>>
      tpu.wait_dma2 semaphore(%arg13 : memref<!tpu.dma_semaphore, #tpu.memory_space<semaphore_mem>>) src(%dma_wait3A_2925 : memref<32x128xf32, #tpu.memory_space<hbm>>) dst(%dma_wait3A_2922 : memref<32x128xf32, #tpu.memory_space<vmem>>)
      %dma_wait3A_2926 = arith.constant 5 : i32
      %dma_wait3A_2927 = arith.constant 2 : i32
      %dma_wait3A_2928 = arith.constant 0 : i32
      %dma_wait3A_2929 = arith.constant 0 : i32
      %dma_wait3A_2930 = tpu.memref_slice %arg6[%dma_wait3A_2926, %dma_wait3A_2927, %dma_wait3A_2928, %dma_wait3A_2929] : memref<6x4x32x128xf32, #tpu.memory_space<vmem>> -> memref<1x1x32x128xf32, #tpu.memory_space<vmem>>
      %dma_wait3A_2931 = tpu.memref_squeeze %dma_wait3A_2930 : memref<1x1x32x128xf32, #tpu.memory_space<vmem>> -> memref<32x128xf32, #tpu.memory_space<vmem>>
      %dma_wait3A_2932 = arith.constant 0 : i32
      %dma_wait3A_2933 = arith.constant 0 : i32
      %dma_wait3A_2934 = tpu.memref_slice %arg3[%dma_wait3A_2932, %dma_wait3A_2933] : memref<32x1000000xf32, #tpu.memory_space<hbm>> -> memref<32x128xf32, #tpu.memory_space<hbm>>
      %dma_wait3A_2935 = arith.constant 0 : i32
      %dma_wait3A_2936 = arith.constant 0 : i32
      %dma_wait3A_2937 = tpu.memref_slice %arg6[%dma_wait3A_2926, %dma_wait3A_2927, %dma_wait3A_2935, %dma_wait3A_2936] : memref<6x4x32x128xf32, #tpu.memory_space<vmem>> -> memref<1x1x32x128xf32, #tpu.memory_space<vmem>>
      %dma_wait3A_2938 = tpu.memref_squeeze %dma_wait3A_2937 : memref<1x1x32x128xf32, #tpu.memory_space<vmem>> -> memref<32x128xf32, #tpu.memory_space<vmem>>
      %dma_wait3A_2939 = arith.constant 0 : i32
      %dma_wait3A_2940 = arith.constant 0 : i32
      %dma_wait3A_2941 = tpu.memref_slice %arg3[%dma_wait3A_2939, %dma_wait3A_2940] : memref<32x1000000xf32, #tpu.memory_space<hbm>> -> memref<32x128xf32, #tpu.memory_space<hbm>>
      tpu.wait_dma2 semaphore(%arg13 : memref<!tpu.dma_semaphore, #tpu.memory_space<semaphore_mem>>) src(%dma_wait3A_2941 : memref<32x128xf32, #tpu.memory_space<hbm>>) dst(%dma_wait3A_2938 : memref<32x128xf32, #tpu.memory_space<vmem>>)
      %dma_wait3A_2942 = arith.constant 5 : i32
      %dma_wait3A_2943 = arith.constant 3 : i32
      %dma_wait3A_2944 = arith.constant 0 : i32
      %dma_wait3A_2945 = arith.constant 0 : i32
      %dma_wait3A_2946 = tpu.memref_slice %arg6[%dma_wait3A_2942, %dma_wait3A_2943, %dma_wait3A_2944, %dma_wait3A_2945] : memref<6x4x32x128xf32, #tpu.memory_space<vmem>> -> memref<1x1x32x128xf32, #tpu.memory_space<vmem>>
      %dma_wait3A_2947 = tpu.memref_squeeze %dma_wait3A_2946 : memref<1x1x32x128xf32, #tpu.memory_space<vmem>> -> memref<32x128xf32, #tpu.memory_space<vmem>>
      %dma_wait3A_2948 = arith.constant 0 : i32
      %dma_wait3A_2949 = arith.constant 0 : i32
      %dma_wait3A_2950 = tpu.memref_slice %arg3[%dma_wait3A_2948, %dma_wait3A_2949] : memref<32x1000000xf32, #tpu.memory_space<hbm>> -> memref<32x128xf32, #tpu.memory_space<hbm>>
      %dma_wait3A_2951 = arith.constant 0 : i32
      %dma_wait3A_2952 = arith.constant 0 : i32
      %dma_wait3A_2953 = tpu.memref_slice %arg6[%dma_wait3A_2942, %dma_wait3A_2943, %dma_wait3A_2951, %dma_wait3A_2952] : memref<6x4x32x128xf32, #tpu.memory_space<vmem>> -> memref<1x1x32x128xf32, #tpu.memory_space<vmem>>
      %dma_wait3A_2954 = tpu.memref_squeeze %dma_wait3A_2953 : memref<1x1x32x128xf32, #tpu.memory_space<vmem>> -> memref<32x128xf32, #tpu.memory_space<vmem>>
      %dma_wait3A_2955 = arith.constant 0 : i32
      %dma_wait3A_2956 = arith.constant 0 : i32
      %dma_wait3A_2957 = tpu.memref_slice %arg3[%dma_wait3A_2955, %dma_wait3A_2956] : memref<32x1000000xf32, #tpu.memory_space<hbm>> -> memref<32x128xf32, #tpu.memory_space<hbm>>
      tpu.wait_dma2 semaphore(%arg13 : memref<!tpu.dma_semaphore, #tpu.memory_space<semaphore_mem>>) src(%dma_wait3A_2957 : memref<32x128xf32, #tpu.memory_space<hbm>>) dst(%dma_wait3A_2954 : memref<32x128xf32, #tpu.memory_space<vmem>>)
      %jit3A_2958 = arith.constant 2 : i32
      %div3A_2959 = arith.divsi %add3A_2893, %jit3A_2958 : i32
      %sign3A_2960 = arith.constant 0 : i32
      %sign3A_2961 = arith.cmpi sgt, %add3A_2893, %sign3A_2960 : i32
      %sign3A_2962 = arith.extui %sign3A_2961 : i1 to i32
      %sign3A_2963 = arith.constant 0 : i32
      %sign3A_2964 = arith.cmpi slt, %add3A_2893, %sign3A_2963 : i32
      %sign3A_2965 = arith.extui %sign3A_2964 : i1 to i32
      %sign3A_2966 = arith.subi %sign3A_2962, %sign3A_2965 : i32
      %sign3A_2967 = arith.constant 0 : i32
      %sign3A_2968 = arith.cmpi sgt, %jit3A_2958, %sign3A_2967 : i32
      %sign3A_2969 = arith.extui %sign3A_2968 : i1 to i32
      %sign3A_2970 = arith.constant 0 : i32
      %sign3A_2971 = arith.cmpi slt, %jit3A_2958, %sign3A_2970 : i32
      %sign3A_2972 = arith.extui %sign3A_2971 : i1 to i32
      %sign3A_2973 = arith.subi %sign3A_2969, %sign3A_2972 : i32
      %ne3A_2974 = arith.cmpi ne, %sign3A_2966, %sign3A_2973 : i32
      %rem3A_2975 = arith.remsi %add3A_2893, %jit3A_2958 : i32
      %ne3A_2976 = arith.constant 0 : i32
      %ne3A_2977 = arith.cmpi ne, %rem3A_2975, %ne3A_2976 : i32
      %and3A_2978 = arith.andi %ne3A_2974, %ne3A_2977 : i1
      %sub3A_2979 = arith.constant 1 : i32
      %sub3A_2980 = arith.subi %div3A_2959, %sub3A_2979 : i32
      %select_n3A_2981 = arith.select %and3A_2978, %sub3A_2980, %div3A_2959 : i32
      %mul3A_2982 = arith.constant 8 : i32
      %mul3A_2983 = arith.muli %select_n3A_2981, %mul3A_2982 : i32
      %get3A_2984 = arith.index_cast %mul3A_2983 : i32 to index
      %get3A_2985 = tpu.vector_load %arg5[%get3A_2984] {strides = array<i32>} : memref<528xi32, #tpu.memory_space<vmem>>, vector<16xi32>,
      %slice3A_2986 = vector.extract_strided_slice %get3A_2985 {offsets = [4], sizes = [1], strides = [1]} : vector<16xi32> to vector<1xi32>
      %squeeze3A_2987 = vector.extract %slice3A_2986[0] : i32 from vector<1xi32>
      %jit3A_2988 = arith.constant 128 : i32
      %eq3A_2989 = arith.constant 0 : i32
      %eq3A_2990 = arith.cmpi eq, %jit3A_2988, %eq3A_2989 : i32
      %jit3A_2991 = arith.constant 1 : i32
      %select_n3A_2992 = arith.select %eq3A_2990, %jit3A_2991, %jit3A_2988 : i32
      %rem3A_2993 = arith.remsi %squeeze3A_2987, %select_n3A_2992 : i32
      %ne3A_2994 = arith.constant 0 : i32
      %ne3A_2995 = arith.cmpi ne, %rem3A_2993, %ne3A_2994 : i32
      %lt3A_2996 = arith.constant 0 : i32
      %lt3A_2997 = arith.cmpi slt, %rem3A_2993, %lt3A_2996 : i32
      %lt3A_2998 = arith.constant 0 : i32
      %lt3A_2999 = arith.cmpi slt, %select_n3A_2992, %lt3A_2998 : i32
      %ne3A_3000 = arith.xori %lt3A_2997, %lt3A_2999 : i1
      %and3A_3001 = arith.andi %ne3A_3000, %ne3A_2995 : i1
      %add3A_3002 = arith.addi %rem3A_2993, %select_n3A_2992 : i32
      %select_n3A_3003 = arith.select %and3A_3001, %add3A_3002, %rem3A_2993 : i32
      %broadcast_in_dim3A_3004 = vector.broadcast %select_n3A_3003 : i32 to vector<16xi32>
      %mul3A_3005 = arith.constant 4 : i32
      %mul3A_3006 = arith.muli %add3A_2893, %mul3A_3005 : i32
      %add3A_3007 = arith.constant 0 : i32
      %add3A_3008 = arith.addi %mul3A_3006, %add3A_3007 : i32
      %broadcast_in_dim3A_3009 = vector.broadcast %add3A_3008 : i32 to vector<16xi32>
      %add3A_3010 = arith.constant 0 : i32
      %add3A_3011 = vector.broadcast %add3A_3010 : i32 to vector<16xi32>
      %add3A_3012 = arith.addi %iota3A, %add3A_3011 : vector<16xi32>
      %gather3A_3013 = arith.constant 5 : i32
      %gather3A_3014 = arith.constant 0 : i32
      %gather3A_3015 = arith.constant 0 : i32
      %gather3A_3016 = arith.constant 0 : i32
      %gather3A_3017 = tpu.memref_slice %arg6[%gather3A_3013, %gather3A_3014, %gather3A_3015, %gather3A_3016] : memref<6x4x32x128xf32, #tpu.memory_space<vmem>> -> memref<1x1x32x128xf32, #tpu.memory_space<vmem>>
      %gather3A_3018 = tpu.memref_squeeze %gather3A_3017 : memref<1x1x32x128xf32, #tpu.memory_space<vmem>> -> memref<32x128xf32, #tpu.memory_space<vmem>>
      %gather3A_3019 = tpu.vector_load_idx %gather3A_3018[%add3A_3012, %broadcast_in_dim3A_3004] : memref<32x128xf32, #tpu.memory_space<vmem>>[vector<16xi32>, vector<16xi32>], vector<16xf32>,
      tpu.vector_store_idx %arg7[%add3A_3012, %broadcast_in_dim3A_3009], %gather3A_3019 : memref<32x512xf32, #tpu.memory_space<vmem>>[vector<16xi32>, vector<16xi32>], vector<16xf32>,
      %add3A_3020 = arith.constant 16 : i32
      %add3A_3021 = vector.broadcast %add3A_3020 : i32 to vector<16xi32>
      %add3A_3022 = arith.addi %iota3A, %add3A_3021 : vector<16xi32>
      %gather3A_3023 = arith.constant 5 : i32
      %gather3A_3024 = arith.constant 0 : i32
      %gather3A_3025 = arith.constant 0 : i32
      %gather3A_3026 = arith.constant 0 : i32
      %gather3A_3027 = tpu.memref_slice %arg6[%gather3A_3023, %gather3A_3024, %gather3A_3025, %gather3A_3026] : memref<6x4x32x128xf32, #tpu.memory_space<vmem>> -> memref<1x1x32x128xf32, #tpu.memory_space<vmem>>
      %gather3A_3028 = tpu.memref_squeeze %gather3A_3027 : memref<1x1x32x128xf32, #tpu.memory_space<vmem>> -> memref<32x128xf32, #tpu.memory_space<vmem>>
      %gather3A_3029 = tpu.vector_load_idx %gather3A_3028[%add3A_3022, %broadcast_in_dim3A_3004] : memref<32x128xf32, #tpu.memory_space<vmem>>[vector<16xi32>, vector<16xi32>], vector<16xf32>,
      tpu.vector_store_idx %arg7[%add3A_3022, %broadcast_in_dim3A_3009], %gather3A_3029 : memref<32x512xf32, #tpu.memory_space<vmem>>[vector<16xi32>, vector<16xi32>], vector<16xf32>,
      %slice3A_3030 = vector.extract_strided_slice %get3A_2985 {offsets = [5], sizes = [1], strides = [1]} : vector<16xi32> to vector<1xi32>
      %squeeze3A_3031 = vector.extract %slice3A_3030[0] : i32 from vector<1xi32>
      %jit3A_3032 = arith.constant 128 : i32
      %eq3A_3033 = arith.constant 0 : i32
      %eq3A_3034 = arith.cmpi eq, %jit3A_3032, %eq3A_3033 : i32
      %jit3A_3035 = arith.constant 1 : i32
      %select_n3A_3036 = arith.select %eq3A_3034, %jit3A_3035, %jit3A_3032 : i32
      %rem3A_3037 = arith.remsi %squeeze3A_3031, %select_n3A_3036 : i32
      %ne3A_3038 = arith.constant 0 : i32
      %ne3A_3039 = arith.cmpi ne, %rem3A_3037, %ne3A_3038 : i32
      %lt3A_3040 = arith.constant 0 : i32
      %lt3A_3041 = arith.cmpi slt, %rem3A_3037, %lt3A_3040 : i32
      %lt3A_3042 = arith.constant 0 : i32
      %lt3A_3043 = arith.cmpi slt, %select_n3A_3036, %lt3A_3042 : i32
      %ne3A_3044 = arith.xori %lt3A_3041, %lt3A_3043 : i1
      %and3A_3045 = arith.andi %ne3A_3044, %ne3A_3039 : i1
      %add3A_3046 = arith.addi %rem3A_3037, %select_n3A_3036 : i32
      %select_n3A_3047 = arith.select %and3A_3045, %add3A_3046, %rem3A_3037 : i32
      %broadcast_in_dim3A_3048 = vector.broadcast %select_n3A_3047 : i32 to vector<16xi32>
      %mul3A_3049 = arith.constant 4 : i32
      %mul3A_3050 = arith.muli %add3A_2893, %mul3A_3049 : i32
      %add3A_3051 = arith.constant 1 : i32
      %add3A_3052 = arith.addi %mul3A_3050, %add3A_3051 : i32
      %broadcast_in_dim3A_3053 = vector.broadcast %add3A_3052 : i32 to vector<16xi32>
      %add3A_3054 = arith.constant 0 : i32
      %add3A_3055 = vector.broadcast %add3A_3054 : i32 to vector<16xi32>
      %add3A_3056 = arith.addi %iota3A, %add3A_3055 : vector<16xi32>
      %gather3A_3057 = arith.constant 5 : i32
      %gather3A_3058 = arith.constant 1 : i32
      %gather3A_3059 = arith.constant 0 : i32
      %gather3A_3060 = arith.constant 0 : i32
      %gather3A_3061 = tpu.memref_slice %arg6[%gather3A_3057, %gather3A_3058, %gather3A_3059, %gather3A_3060] : memref<6x4x32x128xf32, #tpu.memory_space<vmem>> -> memref<1x1x32x128xf32, #tpu.memory_space<vmem>>
      %gather3A_3062 = tpu.memref_squeeze %gather3A_3061 : memref<1x1x32x128xf32, #tpu.memory_space<vmem>> -> memref<32x128xf32, #tpu.memory_space<vmem>>
      %gather3A_3063 = tpu.vector_load_idx %gather3A_3062[%add3A_3056, %broadcast_in_dim3A_3048] : memref<32x128xf32, #tpu.memory_space<vmem>>[vector<16xi32>, vector<16xi32>], vector<16xf32>,
      tpu.vector_store_idx %arg7[%add3A_3056, %broadcast_in_dim3A_3053], %gather3A_3063 : memref<32x512xf32, #tpu.memory_space<vmem>>[vector<16xi32>, vector<16xi32>], vector<16xf32>,
      %add3A_3064 = arith.constant 16 : i32
      %add3A_3065 = vector.broadcast %add3A_3064 : i32 to vector<16xi32>
      %add3A_3066 = arith.addi %iota3A, %add3A_3065 : vector<16xi32>
      %gather3A_3067 = arith.constant 5 : i32
      %gather3A_3068 = arith.constant 1 : i32
      %gather3A_3069 = arith.constant 0 : i32
      %gather3A_3070 = arith.constant 0 : i32
      %gather3A_3071 = tpu.memref_slice %arg6[%gather3A_3067, %gather3A_3068, %gather3A_3069, %gather3A_3070] : memref<6x4x32x128xf32, #tpu.memory_space<vmem>> -> memref<1x1x32x128xf32, #tpu.memory_space<vmem>>
      %gather3A_3072 = tpu.memref_squeeze %gather3A_3071 : memref<1x1x32x128xf32, #tpu.memory_space<vmem>> -> memref<32x128xf32, #tpu.memory_space<vmem>>
      %gather3A_3073 = tpu.vector_load_idx %gather3A_3072[%add3A_3066, %broadcast_in_dim3A_3048] : memref<32x128xf32, #tpu.memory_space<vmem>>[vector<16xi32>, vector<16xi32>], vector<16xf32>,
      tpu.vector_store_idx %arg7[%add3A_3066, %broadcast_in_dim3A_3053], %gather3A_3073 : memref<32x512xf32, #tpu.memory_space<vmem>>[vector<16xi32>, vector<16xi32>], vector<16xf32>,
      %slice3A_3074 = vector.extract_strided_slice %get3A_2985 {offsets = [6], sizes = [1], strides = [1]} : vector<16xi32> to vector<1xi32>
      %squeeze3A_3075 = vector.extract %slice3A_3074[0] : i32 from vector<1xi32>
      %jit3A_3076 = arith.constant 128 : i32
      %eq3A_3077 = arith.constant 0 : i32
      %eq3A_3078 = arith.cmpi eq, %jit3A_3076, %eq3A_3077 : i32
      %jit3A_3079 = arith.constant 1 : i32
      %select_n3A_3080 = arith.select %eq3A_3078, %jit3A_3079, %jit3A_3076 : i32
      %rem3A_3081 = arith.remsi %squeeze3A_3075, %select_n3A_3080 : i32
      %ne3A_3082 = arith.constant 0 : i32
      %ne3A_3083 = arith.cmpi ne, %rem3A_3081, %ne3A_3082 : i32
      %lt3A_3084 = arith.constant 0 : i32
      %lt3A_3085 = arith.cmpi slt, %rem3A_3081, %lt3A_3084 : i32
      %lt3A_3086 = arith.constant 0 : i32
      %lt3A_3087 = arith.cmpi slt, %select_n3A_3080, %lt3A_3086 : i32
      %ne3A_3088 = arith.xori %lt3A_3085, %lt3A_3087 : i1
      %and3A_3089 = arith.andi %ne3A_3088, %ne3A_3083 : i1
      %add3A_3090 = arith.addi %rem3A_3081, %select_n3A_3080 : i32
      %select_n3A_3091 = arith.select %and3A_3089, %add3A_3090, %rem3A_3081 : i32
      %broadcast_in_dim3A_3092 = vector.broadcast %select_n3A_3091 : i32 to vector<16xi32>
      %mul3A_3093 = arith.constant 4 : i32
      %mul3A_3094 = arith.muli %add3A_2893, %mul3A_3093 : i32
      %add3A_3095 = arith.constant 2 : i32
      %add3A_3096 = arith.addi %mul3A_3094, %add3A_3095 : i32
      %broadcast_in_dim3A_3097 = vector.broadcast %add3A_3096 : i32 to vector<16xi32>
      %add3A_3098 = arith.constant 0 : i32
      %add3A_3099 = vector.broadcast %add3A_3098 : i32 to vector<16xi32>
      %add3A_3100 = arith.addi %iota3A, %add3A_3099 : vector<16xi32>
      %gather3A_3101 = arith.constant 5 : i32
      %gather3A_3102 = arith.constant 2 : i32
      %gather3A_3103 = arith.constant 0 : i32
      %gather3A_3104 = arith.constant 0 : i32
      %gather3A_3105 = tpu.memref_slice %arg6[%gather3A_3101, %gather3A_3102, %gather3A_3103, %gather3A_3104] : memref<6x4x32x128xf32, #tpu.memory_space<vmem>> -> memref<1x1x32x128xf32, #tpu.memory_space<vmem>>
      %gather3A_3106 = tpu.memref_squeeze %gather3A_3105 : memref<1x1x32x128xf32, #tpu.memory_space<vmem>> -> memref<32x128xf32, #tpu.memory_space<vmem>>
      %gather3A_3107 = tpu.vector_load_idx %gather3A_3106[%add3A_3100, %broadcast_in_dim3A_3092] : memref<32x128xf32, #tpu.memory_space<vmem>>[vector<16xi32>, vector<16xi32>], vector<16xf32>,
      tpu.vector_store_idx %arg7[%add3A_3100, %broadcast_in_dim3A_3097], %gather3A_3107 : memref<32x512xf32, #tpu.memory_space<vmem>>[vector<16xi32>, vector<16xi32>], vector<16xf32>,
      %add3A_3108 = arith.constant 16 : i32
      %add3A_3109 = vector.broadcast %add3A_3108 : i32 to vector<16xi32>
      %add3A_3110 = arith.addi %iota3A, %add3A_3109 : vector<16xi32>
      %gather3A_3111 = arith.constant 5 : i32
      %gather3A_3112 = arith.constant 2 : i32
      %gather3A_3113 = arith.constant 0 : i32
      %gather3A_3114 = arith.constant 0 : i32
      %gather3A_3115 = tpu.memref_slice %arg6[%gather3A_3111, %gather3A_3112, %gather3A_3113, %gather3A_3114] : memref<6x4x32x128xf32, #tpu.memory_space<vmem>> -> memref<1x1x32x128xf32, #tpu.memory_space<vmem>>
      %gather3A_3116 = tpu.memref_squeeze %gather3A_3115 : memref<1x1x32x128xf32, #tpu.memory_space<vmem>> -> memref<32x128xf32, #tpu.memory_space<vmem>>
      %gather3A_3117 = tpu.vector_load_idx %gather3A_3116[%add3A_3110, %broadcast_in_dim3A_3092] : memref<32x128xf32, #tpu.memory_space<vmem>>[vector<16xi32>, vector<16xi32>], vector<16xf32>,
      tpu.vector_store_idx %arg7[%add3A_3110, %broadcast_in_dim3A_3097], %gather3A_3117 : memref<32x512xf32, #tpu.memory_space<vmem>>[vector<16xi32>, vector<16xi32>], vector<16xf32>,
      %slice3A_3118 = vector.extract_strided_slice %get3A_2985 {offsets = [7], sizes = [1], strides = [1]} : vector<16xi32> to vector<1xi32>
      %squeeze3A_3119 = vector.extract %slice3A_3118[0] : i32 from vector<1xi32>
      %jit3A_3120 = arith.constant 128 : i32
      %eq3A_3121 = arith.constant 0 : i32
      %eq3A_3122 = arith.cmpi eq, %jit3A_3120, %eq3A_3121 : i32
      %jit3A_3123 = arith.constant 1 : i32
      %select_n3A_3124 = arith.select %eq3A_3122, %jit3A_3123, %jit3A_3120 : i32
      %rem3A_3125 = arith.remsi %squeeze3A_3119, %select_n3A_3124 : i32
      %ne3A_3126 = arith.constant 0 : i32
      %ne3A_3127 = arith.cmpi ne, %rem3A_3125, %ne3A_3126 : i32
      %lt3A_3128 = arith.constant 0 : i32
      %lt3A_3129 = arith.cmpi slt, %rem3A_3125, %lt3A_3128 : i32
      %lt3A_3130 = arith.constant 0 : i32
      %lt3A_3131 = arith.cmpi slt, %select_n3A_3124, %lt3A_3130 : i32
      %ne3A_3132 = arith.xori %lt3A_3129, %lt3A_3131 : i1
      %and3A_3133 = arith.andi %ne3A_3132, %ne3A_3127 : i1
      %add3A_3134 = arith.addi %rem3A_3125, %select_n3A_3124 : i32
      %select_n3A_3135 = arith.select %and3A_3133, %add3A_3134, %rem3A_3125 : i32
      %broadcast_in_dim3A_3136 = vector.broadcast %select_n3A_3135 : i32 to vector<16xi32>
      %mul3A_3137 = arith.constant 4 : i32
      %mul3A_3138 = arith.muli %add3A_2893, %mul3A_3137 : i32
      %add3A_3139 = arith.constant 3 : i32
      %add3A_3140 = arith.addi %mul3A_3138, %add3A_3139 : i32
      %broadcast_in_dim3A_3141 = vector.broadcast %add3A_3140 : i32 to vector<16xi32>
      %add3A_3142 = arith.constant 0 : i32
      %add3A_3143 = vector.broadcast %add3A_3142 : i32 to vector<16xi32>
      %add3A_3144 = arith.addi %iota3A, %add3A_3143 : vector<16xi32>
      %gather3A_3145 = arith.constant 5 : i32
      %gather3A_3146 = arith.constant 3 : i32
      %gather3A_3147 = arith.constant 0 : i32
      %gather3A_3148 = arith.constant 0 : i32
      %gather3A_3149 = tpu.memref_slice %arg6[%gather3A_3145, %gather3A_3146, %gather3A_3147, %gather3A_3148] : memref<6x4x32x128xf32, #tpu.memory_space<vmem>> -> memref<1x1x32x128xf32, #tpu.memory_space<vmem>>
      %gather3A_3150 = tpu.memref_squeeze %gather3A_3149 : memref<1x1x32x128xf32, #tpu.memory_space<vmem>> -> memref<32x128xf32, #tpu.memory_space<vmem>>
      %gather3A_3151 = tpu.vector_load_idx %gather3A_3150[%add3A_3144, %broadcast_in_dim3A_3136] : memref<32x128xf32, #tpu.memory_space<vmem>>[vector<16xi32>, vector<16xi32>], vector<16xf32>,
      tpu.vector_store_idx %arg7[%add3A_3144, %broadcast_in_dim3A_3141], %gather3A_3151 : memref<32x512xf32, #tpu.memory_space<vmem>>[vector<16xi32>, vector<16xi32>], vector<16xf32>,
      %add3A_3152 = arith.constant 16 : i32
      %add3A_3153 = vector.broadcast %add3A_3152 : i32 to vector<16xi32>
      %add3A_3154 = arith.addi %iota3A, %add3A_3153 : vector<16xi32>
      %gather3A_3155 = arith.constant 5 : i32
      %gather3A_3156 = arith.constant 3 : i32
      %gather3A_3157 = arith.constant 0 : i32
      %gather3A_3158 = arith.constant 0 : i32
      %gather3A_3159 = tpu.memref_slice %arg6[%gather3A_3155, %gather3A_3156, %gather3A_3157, %gather3A_3158] : memref<6x4x32x128xf32, #tpu.memory_space<vmem>> -> memref<1x1x32x128xf32, #tpu.memory_space<vmem>>
      %gather3A_3160 = tpu.memref_squeeze %gather3A_3159 : memref<1x1x32x128xf32, #tpu.memory_space<vmem>> -> memref<32x128xf32, #tpu.memory_space<vmem>>
      %gather3A_3161 = tpu.vector_load_idx %gather3A_3160[%add3A_3154, %broadcast_in_dim3A_3136] : memref<32x128xf32, #tpu.memory_space<vmem>>[vector<16xi32>, vector<16xi32>], vector<16xf32>,
      tpu.vector_store_idx %arg7[%add3A_3154, %broadcast_in_dim3A_3141], %gather3A_3161 : memref<32x512xf32, #tpu.memory_space<vmem>>[vector<16xi32>, vector<16xi32>], vector<16xf32>,
      %add3A_3162 = arith.constant 6 : i32
      %add3A_3163 = arith.addi %add3A_2893, %add3A_3162 : i32
      %lt3A_3164 = arith.constant 128 : i32
      %lt3A_3165 = arith.cmpi slt, %add3A_3163, %lt3A_3164 : i32
      %convert_element_type3A_3166 = arith.extui %lt3A_3165 : i1 to i32
      %cond3A_3167 = arith.constant 0 : i32
      %cond3A_3168 = arith.cmpi ne, %convert_element_type3A_3166, %cond3A_3167 : i32
      scf.if %cond3A_3168 {
        %jit3A_3170 = arith.constant 2 : i32
        %div3A_3171 = arith.divsi %add3A_3163, %jit3A_3170 : i32
        %sign3A_3172 = arith.constant 0 : i32
        %sign3A_3173 = arith.cmpi sgt, %add3A_3163, %sign3A_3172 : i32
        %sign3A_3174 = arith.extui %sign3A_3173 : i1 to i32
        %sign3A_3175 = arith.constant 0 : i32
        %sign3A_3176 = arith.cmpi slt, %add3A_3163, %sign3A_3175 : i32
        %sign3A_3177 = arith.extui %sign3A_3176 : i1 to i32
        %sign3A_3178 = arith.subi %sign3A_3174, %sign3A_3177 : i32
        %sign3A_3179 = arith.constant 0 : i32
        %sign3A_3180 = arith.cmpi sgt, %jit3A_3170, %sign3A_3179 : i32
        %sign3A_3181 = arith.extui %sign3A_3180 : i1 to i32
        %sign3A_3182 = arith.constant 0 : i32
        %sign3A_3183 = arith.cmpi slt, %jit3A_3170, %sign3A_3182 : i32
        %sign3A_3184 = arith.extui %sign3A_3183 : i1 to i32
        %sign3A_3185 = arith.subi %sign3A_3181, %sign3A_3184 : i32
        %ne3A_3186 = arith.cmpi ne, %sign3A_3178, %sign3A_3185 : i32
        %rem3A_3187 = arith.remsi %add3A_3163, %jit3A_3170 : i32
        %ne3A_3188 = arith.constant 0 : i32
        %ne3A_3189 = arith.cmpi ne, %rem3A_3187, %ne3A_3188 : i32
        %and3A_3190 = arith.andi %ne3A_3186, %ne3A_3189 : i1
        %sub3A_3191 = arith.constant 1 : i32
        %sub3A_3192 = arith.subi %div3A_3171, %sub3A_3191 : i32
        %select_n3A_3193 = arith.select %and3A_3190, %sub3A_3192, %div3A_3171 : i32
        %mul3A_3194 = arith.constant 8 : i32
        %mul3A_3195 = arith.muli %select_n3A_3193, %mul3A_3194 : i32
        %get3A_3196 = arith.index_cast %mul3A_3195 : i32 to index
        %get3A_3197 = tpu.vector_load %arg5[%get3A_3196] {strides = array<i32>} : memref<528xi32, #tpu.memory_space<vmem>>, vector<16xi32>,
        %slice3A_3198 = vector.extract_strided_slice %get3A_3197 {offsets = [4], sizes = [1], strides = [1]} : vector<16xi32> to vector<1xi32>
        %squeeze3A_3199 = vector.extract %slice3A_3198[0] : i32 from vector<1xi32>
        %jit3A_3200 = arith.constant 128 : i32
        %div3A_3201 = arith.divsi %squeeze3A_3199, %jit3A_3200 : i32
        %sign3A_3202 = arith.constant 0 : i32
        %sign3A_3203 = arith.cmpi sgt, %squeeze3A_3199, %sign3A_3202 : i32
        %sign3A_3204 = arith.extui %sign3A_3203 : i1 to i32
        %sign3A_3205 = arith.constant 0 : i32
        %sign3A_3206 = arith.cmpi slt, %squeeze3A_3199, %sign3A_3205 : i32
        %sign3A_3207 = arith.extui %sign3A_3206 : i1 to i32
        %sign3A_3208 = arith.subi %sign3A_3204, %sign3A_3207 : i32
        %sign3A_3209 = arith.constant 0 : i32
        %sign3A_3210 = arith.cmpi sgt, %jit3A_3200, %sign3A_3209 : i32
        %sign3A_3211 = arith.extui %sign3A_3210 : i1 to i32
        %sign3A_3212 = arith.constant 0 : i32
        %sign3A_3213 = arith.cmpi slt, %jit3A_3200, %sign3A_3212 : i32
        %sign3A_3214 = arith.extui %sign3A_3213 : i1 to i32
        %sign3A_3215 = arith.subi %sign3A_3211, %sign3A_3214 : i32
        %ne3A_3216 = arith.cmpi ne, %sign3A_3208, %sign3A_3215 : i32
        %rem3A_3217 = arith.remsi %squeeze3A_3199, %jit3A_3200 : i32
        %ne3A_3218 = arith.constant 0 : i32
        %ne3A_3219 = arith.cmpi ne, %rem3A_3217, %ne3A_3218 : i32
        %and3A_3220 = arith.andi %ne3A_3216, %ne3A_3219 : i1
        %sub3A_3221 = arith.constant 1 : i32
        %sub3A_3222 = arith.subi %div3A_3201, %sub3A_3221 : i32
        %select_n3A_3223 = arith.select %and3A_3220, %sub3A_3222, %div3A_3201 : i32
        %mul3A_3224 = arith.constant 128 : i32
        %mul3A_3225 = arith.muli %select_n3A_3223, %mul3A_3224 : i32
        %multiple_of3A_3226 = tpu.assume_multiple %mul3A_3225, 128 : i32
        %dma_start3A_3227 = arith.constant 5 : i32
        %dma_start3A_3228 = arith.constant 0 : i32
        %dma_start3A_3229 = arith.constant 0 : i32
        %dma_start3A_3230 = arith.constant 0 : i32
        %dma_start3A_3231 = tpu.memref_slice %arg6[%dma_start3A_3227, %dma_start3A_3228, %dma_start3A_3229, %dma_start3A_3230] : memref<6x4x32x128xf32, #tpu.memory_space<vmem>> -> memref<1x1x32x128xf32, #tpu.memory_space<vmem>>
        %dma_start3A_3232 = tpu.memref_squeeze %dma_start3A_3231 : memref<1x1x32x128xf32, #tpu.memory_space<vmem>> -> memref<32x128xf32, #tpu.memory_space<vmem>>
        %dma_start3A_3233 = arith.constant 0 : i32
        %dma_start3A_3234 = tpu.memref_slice %arg3[%dma_start3A_3233, %multiple_of3A_3226] : memref<32x1000000xf32, #tpu.memory_space<hbm>> -> memref<32x128xf32, #tpu.memory_space<hbm>>
        %dma_start3A_3235 = arith.constant 0 : i32
        %dma_start3A_3236 = arith.constant 0 : i32
        %dma_start3A_3237 = tpu.memref_slice %arg6[%dma_start3A_3227, %dma_start3A_3228, %dma_start3A_3235, %dma_start3A_3236] : memref<6x4x32x128xf32, #tpu.memory_space<vmem>> -> memref<1x1x32x128xf32, #tpu.memory_space<vmem>>
        %dma_start3A_3238 = tpu.memref_squeeze %dma_start3A_3237 : memref<1x1x32x128xf32, #tpu.memory_space<vmem>> -> memref<32x128xf32, #tpu.memory_space<vmem>>
        %dma_start3A_3239 = arith.constant 0 : i32
        %dma_start3A_3240 = tpu.memref_slice %arg3[%dma_start3A_3239, %multiple_of3A_3226] : memref<32x1000000xf32, #tpu.memory_space<hbm>> -> memref<32x128xf32, #tpu.memory_space<hbm>>
        tpu.enqueue_dma source(%dma_start3A_3240 : memref<32x128xf32, #tpu.memory_space<hbm>>) target(%dma_start3A_3238 : memref<32x128xf32, #tpu.memory_space<vmem>>) target_semaphore(%arg13 : memref<!tpu.dma_semaphore, #tpu.memory_space<semaphore_mem>>)
        %slice3A_3241 = vector.extract_strided_slice %get3A_3197 {offsets = [5], sizes = [1], strides = [1]} : vector<16xi32> to vector<1xi32>
        %squeeze3A_3242 = vector.extract %slice3A_3241[0] : i32 from vector<1xi32>
        %jit3A_3243 = arith.constant 128 : i32
        %div3A_3244 = arith.divsi %squeeze3A_3242, %jit3A_3243 : i32
        %sign3A_3245 = arith.constant 0 : i32
        %sign3A_3246 = arith.cmpi sgt, %squeeze3A_3242, %sign3A_3245 : i32
        %sign3A_3247 = arith.extui %sign3A_3246 : i1 to i32
        %sign3A_3248 = arith.constant 0 : i32
        %sign3A_3249 = arith.cmpi slt, %squeeze3A_3242, %sign3A_3248 : i32
        %sign3A_3250 = arith.extui %sign3A_3249 : i1 to i32
        %sign3A_3251 = arith.subi %sign3A_3247, %sign3A_3250 : i32
        %sign3A_3252 = arith.constant 0 : i32
        %sign3A_3253 = arith.cmpi sgt, %jit3A_3243, %sign3A_3252 : i32
        %sign3A_3254 = arith.extui %sign3A_3253 : i1 to i32
        %sign3A_3255 = arith.constant 0 : i32
        %sign3A_3256 = arith.cmpi slt, %jit3A_3243, %sign3A_3255 : i32
        %sign3A_3257 = arith.extui %sign3A_3256 : i1 to i32
        %sign3A_3258 = arith.subi %sign3A_3254, %sign3A_3257 : i32
        %ne3A_3259 = arith.cmpi ne, %sign3A_3251, %sign3A_3258 : i32
        %rem3A_3260 = arith.remsi %squeeze3A_3242, %jit3A_3243 : i32
        %ne3A_3261 = arith.constant 0 : i32
        %ne3A_3262 = arith.cmpi ne, %rem3A_3260, %ne3A_3261 : i32
        %and3A_3263 = arith.andi %ne3A_3259, %ne3A_3262 : i1
        %sub3A_3264 = arith.constant 1 : i32
        %sub3A_3265 = arith.subi %div3A_3244, %sub3A_3264 : i32
        %select_n3A_3266 = arith.select %and3A_3263, %sub3A_3265, %div3A_3244 : i32
        %mul3A_3267 = arith.constant 128 : i32
        %mul3A_3268 = arith.muli %select_n3A_3266, %mul3A_3267 : i32
        %multiple_of3A_3269 = tpu.assume_multiple %mul3A_3268, 128 : i32
        %dma_start3A_3270 = arith.constant 5 : i32
        %dma_start3A_3271 = arith.constant 1 : i32
        %dma_start3A_3272 = arith.constant 0 : i32
        %dma_start3A_3273 = arith.constant 0 : i32
        %dma_start3A_3274 = tpu.memref_slice %arg6[%dma_start3A_3270, %dma_start3A_3271, %dma_start3A_3272, %dma_start3A_3273] : memref<6x4x32x128xf32, #tpu.memory_space<vmem>> -> memref<1x1x32x128xf32, #tpu.memory_space<vmem>>
        %dma_start3A_3275 = tpu.memref_squeeze %dma_start3A_3274 : memref<1x1x32x128xf32, #tpu.memory_space<vmem>> -> memref<32x128xf32, #tpu.memory_space<vmem>>
        %dma_start3A_3276 = arith.constant 0 : i32
        %dma_start3A_3277 = tpu.memref_slice %arg3[%dma_start3A_3276, %multiple_of3A_3269] : memref<32x1000000xf32, #tpu.memory_space<hbm>> -> memref<32x128xf32, #tpu.memory_space<hbm>>
        %dma_start3A_3278 = arith.constant 0 : i32
        %dma_start3A_3279 = arith.constant 0 : i32
        %dma_start3A_3280 = tpu.memref_slice %arg6[%dma_start3A_3270, %dma_start3A_3271, %dma_start3A_3278, %dma_start3A_3279] : memref<6x4x32x128xf32, #tpu.memory_space<vmem>> -> memref<1x1x32x128xf32, #tpu.memory_space<vmem>>
        %dma_start3A_3281 = tpu.memref_squeeze %dma_start3A_3280 : memref<1x1x32x128xf32, #tpu.memory_space<vmem>> -> memref<32x128xf32, #tpu.memory_space<vmem>>
        %dma_start3A_3282 = arith.constant 0 : i32
        %dma_start3A_3283 = tpu.memref_slice %arg3[%dma_start3A_3282, %multiple_of3A_3269] : memref<32x1000000xf32, #tpu.memory_space<hbm>> -> memref<32x128xf32, #tpu.memory_space<hbm>>
        tpu.enqueue_dma source(%dma_start3A_3283 : memref<32x128xf32, #tpu.memory_space<hbm>>) target(%dma_start3A_3281 : memref<32x128xf32, #tpu.memory_space<vmem>>) target_semaphore(%arg13 : memref<!tpu.dma_semaphore, #tpu.memory_space<semaphore_mem>>)
        %slice3A_3284 = vector.extract_strided_slice %get3A_3197 {offsets = [6], sizes = [1], strides = [1]} : vector<16xi32> to vector<1xi32>
        %squeeze3A_3285 = vector.extract %slice3A_3284[0] : i32 from vector<1xi32>
        %jit3A_3286 = arith.constant 128 : i32
        %div3A_3287 = arith.divsi %squeeze3A_3285, %jit3A_3286 : i32
        %sign3A_3288 = arith.constant 0 : i32
        %sign3A_3289 = arith.cmpi sgt, %squeeze3A_3285, %sign3A_3288 : i32
        %sign3A_3290 = arith.extui %sign3A_3289 : i1 to i32
        %sign3A_3291 = arith.constant 0 : i32
        %sign3A_3292 = arith.cmpi slt, %squeeze3A_3285, %sign3A_3291 : i32
        %sign3A_3293 = arith.extui %sign3A_3292 : i1 to i32
        %sign3A_3294 = arith.subi %sign3A_3290, %sign3A_3293 : i32
        %sign3A_3295 = arith.constant 0 : i32
        %sign3A_3296 = arith.cmpi sgt, %jit3A_3286, %sign3A_3295 : i32
        %sign3A_3297 = arith.extui %sign3A_3296 : i1 to i32
        %sign3A_3298 = arith.constant 0 : i32
        %sign3A_3299 = arith.cmpi slt, %jit3A_3286, %sign3A_3298 : i32
        %sign3A_3300 = arith.extui %sign3A_3299 : i1 to i32
        %sign3A_3301 = arith.subi %sign3A_3297, %sign3A_3300 : i32
        %ne3A_3302 = arith.cmpi ne, %sign3A_3294, %sign3A_3301 : i32
        %rem3A_3303 = arith.remsi %squeeze3A_3285, %jit3A_3286 : i32
        %ne3A_3304 = arith.constant 0 : i32
        %ne3A_3305 = arith.cmpi ne, %rem3A_3303, %ne3A_3304 : i32
        %and3A_3306 = arith.andi %ne3A_3302, %ne3A_3305 : i1
        %sub3A_3307 = arith.constant 1 : i32
        %sub3A_3308 = arith.subi %div3A_3287, %sub3A_3307 : i32
        %select_n3A_3309 = arith.select %and3A_3306, %sub3A_3308, %div3A_3287 : i32
        %mul3A_3310 = arith.constant 128 : i32
        %mul3A_3311 = arith.muli %select_n3A_3309, %mul3A_3310 : i32
        %multiple_of3A_3312 = tpu.assume_multiple %mul3A_3311, 128 : i32
        %dma_start3A_3313 = arith.constant 5 : i32
        %dma_start3A_3314 = arith.constant 2 : i32
        %dma_start3A_3315 = arith.constant 0 : i32
        %dma_start3A_3316 = arith.constant 0 : i32
        %dma_start3A_3317 = tpu.memref_slice %arg6[%dma_start3A_3313, %dma_start3A_3314, %dma_start3A_3315, %dma_start3A_3316] : memref<6x4x32x128xf32, #tpu.memory_space<vmem>> -> memref<1x1x32x128xf32, #tpu.memory_space<vmem>>
        %dma_start3A_3318 = tpu.memref_squeeze %dma_start3A_3317 : memref<1x1x32x128xf32, #tpu.memory_space<vmem>> -> memref<32x128xf32, #tpu.memory_space<vmem>>
        %dma_start3A_3319 = arith.constant 0 : i32
        %dma_start3A_3320 = tpu.memref_slice %arg3[%dma_start3A_3319, %multiple_of3A_3312] : memref<32x1000000xf32, #tpu.memory_space<hbm>> -> memref<32x128xf32, #tpu.memory_space<hbm>>
        %dma_start3A_3321 = arith.constant 0 : i32
        %dma_start3A_3322 = arith.constant 0 : i32
        %dma_start3A_3323 = tpu.memref_slice %arg6[%dma_start3A_3313, %dma_start3A_3314, %dma_start3A_3321, %dma_start3A_3322] : memref<6x4x32x128xf32, #tpu.memory_space<vmem>> -> memref<1x1x32x128xf32, #tpu.memory_space<vmem>>
        %dma_start3A_3324 = tpu.memref_squeeze %dma_start3A_3323 : memref<1x1x32x128xf32, #tpu.memory_space<vmem>> -> memref<32x128xf32, #tpu.memory_space<vmem>>
        %dma_start3A_3325 = arith.constant 0 : i32
        %dma_start3A_3326 = tpu.memref_slice %arg3[%dma_start3A_3325, %multiple_of3A_3312] : memref<32x1000000xf32, #tpu.memory_space<hbm>> -> memref<32x128xf32, #tpu.memory_space<hbm>>
        tpu.enqueue_dma source(%dma_start3A_3326 : memref<32x128xf32, #tpu.memory_space<hbm>>) target(%dma_start3A_3324 : memref<32x128xf32, #tpu.memory_space<vmem>>) target_semaphore(%arg13 : memref<!tpu.dma_semaphore, #tpu.memory_space<semaphore_mem>>)
        %slice3A_3327 = vector.extract_strided_slice %get3A_3197 {offsets = [7], sizes = [1], strides = [1]} : vector<16xi32> to vector<1xi32>
        %squeeze3A_3328 = vector.extract %slice3A_3327[0] : i32 from vector<1xi32>
        %jit3A_3329 = arith.constant 128 : i32
        %div3A_3330 = arith.divsi %squeeze3A_3328, %jit3A_3329 : i32
        %sign3A_3331 = arith.constant 0 : i32
        %sign3A_3332 = arith.cmpi sgt, %squeeze3A_3328, %sign3A_3331 : i32
        %sign3A_3333 = arith.extui %sign3A_3332 : i1 to i32
        %sign3A_3334 = arith.constant 0 : i32
        %sign3A_3335 = arith.cmpi slt, %squeeze3A_3328, %sign3A_3334 : i32
        %sign3A_3336 = arith.extui %sign3A_3335 : i1 to i32
        %sign3A_3337 = arith.subi %sign3A_3333, %sign3A_3336 : i32
        %sign3A_3338 = arith.constant 0 : i32
        %sign3A_3339 = arith.cmpi sgt, %jit3A_3329, %sign3A_3338 : i32
        %sign3A_3340 = arith.extui %sign3A_3339 : i1 to i32
        %sign3A_3341 = arith.constant 0 : i32
        %sign3A_3342 = arith.cmpi slt, %jit3A_3329, %sign3A_3341 : i32
        %sign3A_3343 = arith.extui %sign3A_3342 : i1 to i32
        %sign3A_3344 = arith.subi %sign3A_3340, %sign3A_3343 : i32
        %ne3A_3345 = arith.cmpi ne, %sign3A_3337, %sign3A_3344 : i32
        %rem3A_3346 = arith.remsi %squeeze3A_3328, %jit3A_3329 : i32
        %ne3A_3347 = arith.constant 0 : i32
        %ne3A_3348 = arith.cmpi ne, %rem3A_3346, %ne3A_3347 : i32
        %and3A_3349 = arith.andi %ne3A_3345, %ne3A_3348 : i1
        %sub3A_3350 = arith.constant 1 : i32
        %sub3A_3351 = arith.subi %div3A_3330, %sub3A_3350 : i32
        %select_n3A_3352 = arith.select %and3A_3349, %sub3A_3351, %div3A_3330 : i32
        %mul3A_3353 = arith.constant 128 : i32
        %mul3A_3354 = arith.muli %select_n3A_3352, %mul3A_3353 : i32
        %multiple_of3A_3355 = tpu.assume_multiple %mul3A_3354, 128 : i32
        %dma_start3A_3356 = arith.constant 5 : i32
        %dma_start3A_3357 = arith.constant 3 : i32
        %dma_start3A_3358 = arith.constant 0 : i32
        %dma_start3A_3359 = arith.constant 0 : i32
        %dma_start3A_3360 = tpu.memref_slice %arg6[%dma_start3A_3356, %dma_start3A_3357, %dma_start3A_3358, %dma_start3A_3359] : memref<6x4x32x128xf32, #tpu.memory_space<vmem>> -> memref<1x1x32x128xf32, #tpu.memory_space<vmem>>
        %dma_start3A_3361 = tpu.memref_squeeze %dma_start3A_3360 : memref<1x1x32x128xf32, #tpu.memory_space<vmem>> -> memref<32x128xf32, #tpu.memory_space<vmem>>
        %dma_start3A_3362 = arith.constant 0 : i32
        %dma_start3A_3363 = tpu.memref_slice %arg3[%dma_start3A_3362, %multiple_of3A_3355] : memref<32x1000000xf32, #tpu.memory_space<hbm>> -> memref<32x128xf32, #tpu.memory_space<hbm>>
        %dma_start3A_3364 = arith.constant 0 : i32
        %dma_start3A_3365 = arith.constant 0 : i32
        %dma_start3A_3366 = tpu.memref_slice %arg6[%dma_start3A_3356, %dma_start3A_3357, %dma_start3A_3364, %dma_start3A_3365] : memref<6x4x32x128xf32, #tpu.memory_space<vmem>> -> memref<1x1x32x128xf32, #tpu.memory_space<vmem>>
        %dma_start3A_3367 = tpu.memref_squeeze %dma_start3A_3366 : memref<1x1x32x128xf32, #tpu.memory_space<vmem>> -> memref<32x128xf32, #tpu.memory_space<vmem>>
        %dma_start3A_3368 = arith.constant 0 : i32
        %dma_start3A_3369 = tpu.memref_slice %arg3[%dma_start3A_3368, %multiple_of3A_3355] : memref<32x1000000xf32, #tpu.memory_space<hbm>> -> memref<32x128xf32, #tpu.memory_space<hbm>>
        tpu.enqueue_dma source(%dma_start3A_3369 : memref<32x128xf32, #tpu.memory_space<hbm>>) target(%dma_start3A_3367 : memref<32x128xf32, #tpu.memory_space<vmem>>) target_semaphore(%arg13 : memref<!tpu.dma_semaphore, #tpu.memory_space<semaphore_mem>>)
      } else {
      }
      %scan3A_3169 = arith.constant 0 : i32
      scf.yield %scan3A_3169 : i32
    }
    %scan3A_1039 = arith.constant 21 : i32
    %dma_wait3A = arith.constant 0 : i32
    %dma_wait3A_1040 = arith.constant 0 : i32
    %dma_wait3A_1041 = arith.constant 0 : i32
    %dma_wait3A_1042 = arith.constant 0 : i32
    %dma_wait3A_1043 = tpu.memref_slice %arg6[%dma_wait3A, %dma_wait3A_1040, %dma_wait3A_1041, %dma_wait3A_1042] : memref<6x4x32x128xf32, #tpu.memory_space<vmem>> -> memref<1x1x32x128xf32, #tpu.memory_space<vmem>>
    %dma_wait3A_1044 = tpu.memref_squeeze %dma_wait3A_1043 : memref<1x1x32x128xf32, #tpu.memory_space<vmem>> -> memref<32x128xf32, #tpu.memory_space<vmem>>
    %dma_wait3A_1045 = arith.constant 0 : i32
    %dma_wait3A_1046 = arith.constant 0 : i32
    %dma_wait3A_1047 = tpu.memref_slice %arg3[%dma_wait3A_1045, %dma_wait3A_1046] : memref<32x1000000xf32, #tpu.memory_space<hbm>> -> memref<32x128xf32, #tpu.memory_space<hbm>>
    %dma_wait3A_1048 = arith.constant 0 : i32
    %dma_wait3A_1049 = arith.constant 0 : i32
    %dma_wait3A_1050 = tpu.memref_slice %arg6[%dma_wait3A, %dma_wait3A_1040, %dma_wait3A_1048, %dma_wait3A_1049] : memref<6x4x32x128xf32, #tpu.memory_space<vmem>> -> memref<1x1x32x128xf32, #tpu.memory_space<vmem>>
    %dma_wait3A_1051 = tpu.memref_squeeze %dma_wait3A_1050 : memref<1x1x32x128xf32, #tpu.memory_space<vmem>> -> memref<32x128xf32, #tpu.memory_space<vmem>>
    %dma_wait3A_1052 = arith.constant 0 : i32
    %dma_wait3A_1053 = arith.constant 0 : i32
    %dma_wait3A_1054 = tpu.memref_slice %arg3[%dma_wait3A_1052, %dma_wait3A_1053] : memref<32x1000000xf32, #tpu.memory_space<hbm>> -> memref<32x128xf32, #tpu.memory_space<hbm>>
    tpu.wait_dma2 semaphore(%arg8 : memref<!tpu.dma_semaphore, #tpu.memory_space<semaphore_mem>>) src(%dma_wait3A_1054 : memref<32x128xf32, #tpu.memory_space<hbm>>) dst(%dma_wait3A_1051 : memref<32x128xf32, #tpu.memory_space<vmem>>)
    %dma_wait3A_1055 = arith.constant 0 : i32
    %dma_wait3A_1056 = arith.constant 1 : i32
    %dma_wait3A_1057 = arith.constant 0 : i32
    %dma_wait3A_1058 = arith.constant 0 : i32
    %dma_wait3A_1059 = tpu.memref_slice %arg6[%dma_wait3A_1055, %dma_wait3A_1056, %dma_wait3A_1057, %dma_wait3A_1058] : memref<6x4x32x128xf32, #tpu.memory_space<vmem>> -> memref<1x1x32x128xf32, #tpu.memory_space<vmem>>
    %dma_wait3A_1060 = tpu.memref_squeeze %dma_wait3A_1059 : memref<1x1x32x128xf32, #tpu.memory_space<vmem>> -> memref<32x128xf32, #tpu.memory_space<vmem>>
    %dma_wait3A_1061 = arith.constant 0 : i32
    %dma_wait3A_1062 = arith.constant 0 : i32
    %dma_wait3A_1063 = tpu.memref_slice %arg3[%dma_wait3A_1061, %dma_wait3A_1062] : memref<32x1000000xf32, #tpu.memory_space<hbm>> -> memref<32x128xf32, #tpu.memory_space<hbm>>
    %dma_wait3A_1064 = arith.constant 0 : i32
    %dma_wait3A_1065 = arith.constant 0 : i32
    %dma_wait3A_1066 = tpu.memref_slice %arg6[%dma_wait3A_1055, %dma_wait3A_1056, %dma_wait3A_1064, %dma_wait3A_1065] : memref<6x4x32x128xf32, #tpu.memory_space<vmem>> -> memref<1x1x32x128xf32, #tpu.memory_space<vmem>>
    %dma_wait3A_1067 = tpu.memref_squeeze %dma_wait3A_1066 : memref<1x1x32x128xf32, #tpu.memory_space<vmem>> -> memref<32x128xf32, #tpu.memory_space<vmem>>
    %dma_wait3A_1068 = arith.constant 0 : i32
    %dma_wait3A_1069 = arith.constant 0 : i32
    %dma_wait3A_1070 = tpu.memref_slice %arg3[%dma_wait3A_1068, %dma_wait3A_1069] : memref<32x1000000xf32, #tpu.memory_space<hbm>> -> memref<32x128xf32, #tpu.memory_space<hbm>>
    tpu.wait_dma2 semaphore(%arg8 : memref<!tpu.dma_semaphore, #tpu.memory_space<semaphore_mem>>) src(%dma_wait3A_1070 : memref<32x128xf32, #tpu.memory_space<hbm>>) dst(%dma_wait3A_1067 : memref<32x128xf32, #tpu.memory_space<vmem>>)
    %dma_wait3A_1071 = arith.constant 0 : i32
    %dma_wait3A_1072 = arith.constant 2 : i32
    %dma_wait3A_1073 = arith.constant 0 : i32
    %dma_wait3A_1074 = arith.constant 0 : i32
    %dma_wait3A_1075 = tpu.memref_slice %arg6[%dma_wait3A_1071, %dma_wait3A_1072, %dma_wait3A_1073, %dma_wait3A_1074] : memref<6x4x32x128xf32, #tpu.memory_space<vmem>> -> memref<1x1x32x128xf32, #tpu.memory_space<vmem>>
    %dma_wait3A_1076 = tpu.memref_squeeze %dma_wait3A_1075 : memref<1x1x32x128xf32, #tpu.memory_space<vmem>> -> memref<32x128xf32, #tpu.memory_space<vmem>>
    %dma_wait3A_1077 = arith.constant 0 : i32
    %dma_wait3A_1078 = arith.constant 0 : i32
    %dma_wait3A_1079 = tpu.memref_slice %arg3[%dma_wait3A_1077, %dma_wait3A_1078] : memref<32x1000000xf32, #tpu.memory_space<hbm>> -> memref<32x128xf32, #tpu.memory_space<hbm>>
    %dma_wait3A_1080 = arith.constant 0 : i32
    %dma_wait3A_1081 = arith.constant 0 : i32
    %dma_wait3A_1082 = tpu.memref_slice %arg6[%dma_wait3A_1071, %dma_wait3A_1072, %dma_wait3A_1080, %dma_wait3A_1081] : memref<6x4x32x128xf32, #tpu.memory_space<vmem>> -> memref<1x1x32x128xf32, #tpu.memory_space<vmem>>
    %dma_wait3A_1083 = tpu.memref_squeeze %dma_wait3A_1082 : memref<1x1x32x128xf32, #tpu.memory_space<vmem>> -> memref<32x128xf32, #tpu.memory_space<vmem>>
    %dma_wait3A_1084 = arith.constant 0 : i32
    %dma_wait3A_1085 = arith.constant 0 : i32
    %dma_wait3A_1086 = tpu.memref_slice %arg3[%dma_wait3A_1084, %dma_wait3A_1085] : memref<32x1000000xf32, #tpu.memory_space<hbm>> -> memref<32x128xf32, #tpu.memory_space<hbm>>
    tpu.wait_dma2 semaphore(%arg8 : memref<!tpu.dma_semaphore, #tpu.memory_space<semaphore_mem>>) src(%dma_wait3A_1086 : memref<32x128xf32, #tpu.memory_space<hbm>>) dst(%dma_wait3A_1083 : memref<32x128xf32, #tpu.memory_space<vmem>>)
    %dma_wait3A_1087 = arith.constant 0 : i32
    %dma_wait3A_1088 = arith.constant 3 : i32
    %dma_wait3A_1089 = arith.constant 0 : i32
    %dma_wait3A_1090 = arith.constant 0 : i32
    %dma_wait3A_1091 = tpu.memref_slice %arg6[%dma_wait3A_1087, %dma_wait3A_1088, %dma_wait3A_1089, %dma_wait3A_1090] : memref<6x4x32x128xf32, #tpu.memory_space<vmem>> -> memref<1x1x32x128xf32, #tpu.memory_space<vmem>>
    %dma_wait3A_1092 = tpu.memref_squeeze %dma_wait3A_1091 : memref<1x1x32x128xf32, #tpu.memory_space<vmem>> -> memref<32x128xf32, #tpu.memory_space<vmem>>
    %dma_wait3A_1093 = arith.constant 0 : i32
    %dma_wait3A_1094 = arith.constant 0 : i32
    %dma_wait3A_1095 = tpu.memref_slice %arg3[%dma_wait3A_1093, %dma_wait3A_1094] : memref<32x1000000xf32, #tpu.memory_space<hbm>> -> memref<32x128xf32, #tpu.memory_space<hbm>>
    %dma_wait3A_1096 = arith.constant 0 : i32
    %dma_wait3A_1097 = arith.constant 0 : i32
    %dma_wait3A_1098 = tpu.memref_slice %arg6[%dma_wait3A_1087, %dma_wait3A_1088, %dma_wait3A_1096, %dma_wait3A_1097] : memref<6x4x32x128xf32, #tpu.memory_space<vmem>> -> memref<1x1x32x128xf32, #tpu.memory_space<vmem>>
    %dma_wait3A_1099 = tpu.memref_squeeze %dma_wait3A_1098 : memref<1x1x32x128xf32, #tpu.memory_space<vmem>> -> memref<32x128xf32, #tpu.memory_space<vmem>>
    %dma_wait3A_1100 = arith.constant 0 : i32
    %dma_wait3A_1101 = arith.constant 0 : i32
    %dma_wait3A_1102 = tpu.memref_slice %arg3[%dma_wait3A_1100, %dma_wait3A_1101] : memref<32x1000000xf32, #tpu.memory_space<hbm>> -> memref<32x128xf32, #tpu.memory_space<hbm>>
    tpu.wait_dma2 semaphore(%arg8 : memref<!tpu.dma_semaphore, #tpu.memory_space<semaphore_mem>>) src(%dma_wait3A_1102 : memref<32x128xf32, #tpu.memory_space<hbm>>) dst(%dma_wait3A_1099 : memref<32x128xf32, #tpu.memory_space<vmem>>)
    %get3A_1103 = arith.constant 504 : index
    %get3A_1104 = tpu.vector_load %arg5[%get3A_1103] {strides = array<i32>} : memref<528xi32, #tpu.memory_space<vmem>>, vector<16xi32>,
    %slice3A_1105 = vector.extract_strided_slice %get3A_1104 {offsets = [0], sizes = [1], strides = [1]} : vector<16xi32> to vector<1xi32>
    %squeeze3A_1106 = vector.extract %slice3A_1105[0] : i32 from vector<1xi32>
    %jit3A_1107 = arith.constant 128 : i32
    %eq3A = arith.constant 0 : i32
    %eq3A_1108 = arith.cmpi eq, %jit3A_1107, %eq3A : i32
    %jit3A_1109 = arith.constant 1 : i32
    %select_n3A_1110 = arith.select %eq3A_1108, %jit3A_1109, %jit3A_1107 : i32
    %rem3A_1111 = arith.remsi %squeeze3A_1106, %select_n3A_1110 : i32
    %ne3A_1112 = arith.constant 0 : i32
    %ne3A_1113 = arith.cmpi ne, %rem3A_1111, %ne3A_1112 : i32
    %lt3A = arith.constant 0 : i32
    %lt3A_1114 = arith.cmpi slt, %rem3A_1111, %lt3A : i32
    %lt3A_1115 = arith.constant 0 : i32
    %lt3A_1116 = arith.cmpi slt, %select_n3A_1110, %lt3A_1115 : i32
    %ne3A_1117 = arith.xori %lt3A_1114, %lt3A_1116 : i1
    %and3A_1118 = arith.andi %ne3A_1117, %ne3A_1113 : i1
    %add3A_1119 = arith.addi %rem3A_1111, %select_n3A_1110 : i32
    %select_n3A_1120 = arith.select %and3A_1118, %add3A_1119, %rem3A_1111 : i32
    %broadcast_in_dim3A = vector.broadcast %select_n3A_1120 : i32 to vector<16xi32>
    %broadcast_in_dim3A_1121 = arith.constant 504 : i32
    %broadcast_in_dim3A_1122 = vector.broadcast %broadcast_in_dim3A_1121 : i32 to vector<16xi32>
    %add3A_1123 = arith.constant 0 : i32
    %add3A_1124 = vector.broadcast %add3A_1123 : i32 to vector<16xi32>
    %add3A_1125 = arith.addi %iota3A, %add3A_1124 : vector<16xi32>
    %gather3A = arith.constant 0 : i32
    %gather3A_1126 = arith.constant 0 : i32
    %gather3A_1127 = arith.constant 0 : i32
    %gather3A_1128 = arith.constant 0 : i32
    %gather3A_1129 = tpu.memref_slice %arg6[%gather3A, %gather3A_1126, %gather3A_1127, %gather3A_1128] : memref<6x4x32x128xf32, #tpu.memory_space<vmem>> -> memref<1x1x32x128xf32, #tpu.memory_space<vmem>>
    %gather3A_1130 = tpu.memref_squeeze %gather3A_1129 : memref<1x1x32x128xf32, #tpu.memory_space<vmem>> -> memref<32x128xf32, #tpu.memory_space<vmem>>
    %gather3A_1131 = tpu.vector_load_idx %gather3A_1130[%add3A_1125, %broadcast_in_dim3A] : memref<32x128xf32, #tpu.memory_space<vmem>>[vector<16xi32>, vector<16xi32>], vector<16xf32>,
    tpu.vector_store_idx %arg7[%add3A_1125, %broadcast_in_dim3A_1122], %gather3A_1131 : memref<32x512xf32, #tpu.memory_space<vmem>>[vector<16xi32>, vector<16xi32>], vector<16xf32>,
    %add3A_1132 = arith.constant 16 : i32
    %add3A_1133 = vector.broadcast %add3A_1132 : i32 to vector<16xi32>
    %add3A_1134 = arith.addi %iota3A, %add3A_1133 : vector<16xi32>
    %gather3A_1135 = arith.constant 0 : i32
    %gather3A_1136 = arith.constant 0 : i32
    %gather3A_1137 = arith.constant 0 : i32
    %gather3A_1138 = arith.constant 0 : i32
    %gather3A_1139 = tpu.memref_slice %arg6[%gather3A_1135, %gather3A_1136, %gather3A_1137, %gather3A_1138] : memref<6x4x32x128xf32, #tpu.memory_space<vmem>> -> memref<1x1x32x128xf32, #tpu.memory_space<vmem>>
    %gather3A_1140 = tpu.memref_squeeze %gather3A_1139 : memref<1x1x32x128xf32, #tpu.memory_space<vmem>> -> memref<32x128xf32, #tpu.memory_space<vmem>>
    %gather3A_1141 = tpu.vector_load_idx %gather3A_1140[%add3A_1134, %broadcast_in_dim3A] : memref<32x128xf32, #tpu.memory_space<vmem>>[vector<16xi32>, vector<16xi32>], vector<16xf32>,
    tpu.vector_store_idx %arg7[%add3A_1134, %broadcast_in_dim3A_1122], %gather3A_1141 : memref<32x512xf32, #tpu.memory_space<vmem>>[vector<16xi32>, vector<16xi32>], vector<16xf32>,
    %slice3A_1142 = vector.extract_strided_slice %get3A_1104 {offsets = [1], sizes = [1], strides = [1]} : vector<16xi32> to vector<1xi32>
    %squeeze3A_1143 = vector.extract %slice3A_1142[0] : i32 from vector<1xi32>
    %jit3A_1144 = arith.constant 128 : i32
    %eq3A_1145 = arith.constant 0 : i32
    %eq3A_1146 = arith.cmpi eq, %jit3A_1144, %eq3A_1145 : i32
    %jit3A_1147 = arith.constant 1 : i32
    %select_n3A_1148 = arith.select %eq3A_1146, %jit3A_1147, %jit3A_1144 : i32
    %rem3A_1149 = arith.remsi %squeeze3A_1143, %select_n3A_1148 : i32
    %ne3A_1150 = arith.constant 0 : i32
    %ne3A_1151 = arith.cmpi ne, %rem3A_1149, %ne3A_1150 : i32
    %lt3A_1152 = arith.constant 0 : i32
    %lt3A_1153 = arith.cmpi slt, %rem3A_1149, %lt3A_1152 : i32
    %lt3A_1154 = arith.constant 0 : i32
    %lt3A_1155 = arith.cmpi slt, %select_n3A_1148, %lt3A_1154 : i32
    %ne3A_1156 = arith.xori %lt3A_1153, %lt3A_1155 : i1
    %and3A_1157 = arith.andi %ne3A_1156, %ne3A_1151 : i1
    %add3A_1158 = arith.addi %rem3A_1149, %select_n3A_1148 : i32
    %select_n3A_1159 = arith.select %and3A_1157, %add3A_1158, %rem3A_1149 : i32
    %broadcast_in_dim3A_1160 = vector.broadcast %select_n3A_1159 : i32 to vector<16xi32>
    %broadcast_in_dim3A_1161 = arith.constant 505 : i32
    %broadcast_in_dim3A_1162 = vector.broadcast %broadcast_in_dim3A_1161 : i32 to vector<16xi32>
    %add3A_1163 = arith.constant 0 : i32
    %add3A_1164 = vector.broadcast %add3A_1163 : i32 to vector<16xi32>
    %add3A_1165 = arith.addi %iota3A, %add3A_1164 : vector<16xi32>
    %gather3A_1166 = arith.constant 0 : i32
    %gather3A_1167 = arith.constant 1 : i32
    %gather3A_1168 = arith.constant 0 : i32
    %gather3A_1169 = arith.constant 0 : i32
    %gather3A_1170 = tpu.memref_slice %arg6[%gather3A_1166, %gather3A_1167, %gather3A_1168, %gather3A_1169] : memref<6x4x32x128xf32, #tpu.memory_space<vmem>> -> memref<1x1x32x128xf32, #tpu.memory_space<vmem>>
    %gather3A_1171 = tpu.memref_squeeze %gather3A_1170 : memref<1x1x32x128xf32, #tpu.memory_space<vmem>> -> memref<32x128xf32, #tpu.memory_space<vmem>>
    %gather3A_1172 = tpu.vector_load_idx %gather3A_1171[%add3A_1165, %broadcast_in_dim3A_1160] : memref<32x128xf32, #tpu.memory_space<vmem>>[vector<16xi32>, vector<16xi32>], vector<16xf32>,
    tpu.vector_store_idx %arg7[%add3A_1165, %broadcast_in_dim3A_1162], %gather3A_1172 : memref<32x512xf32, #tpu.memory_space<vmem>>[vector<16xi32>, vector<16xi32>], vector<16xf32>,
    %add3A_1173 = arith.constant 16 : i32
    %add3A_1174 = vector.broadcast %add3A_1173 : i32 to vector<16xi32>
    %add3A_1175 = arith.addi %iota3A, %add3A_1174 : vector<16xi32>
    %gather3A_1176 = arith.constant 0 : i32
    %gather3A_1177 = arith.constant 1 : i32
    %gather3A_1178 = arith.constant 0 : i32
    %gather3A_1179 = arith.constant 0 : i32
    %gather3A_1180 = tpu.memref_slice %arg6[%gather3A_1176, %gather3A_1177, %gather3A_1178, %gather3A_1179] : memref<6x4x32x128xf32, #tpu.memory_space<vmem>> -> memref<1x1x32x128xf32, #tpu.memory_space<vmem>>
    %gather3A_1181 = tpu.memref_squeeze %gather3A_1180 : memref<1x1x32x128xf32, #tpu.memory_space<vmem>> -> memref<32x128xf32, #tpu.memory_space<vmem>>
    %gather3A_1182 = tpu.vector_load_idx %gather3A_1181[%add3A_1175, %broadcast_in_dim3A_1160] : memref<32x128xf32, #tpu.memory_space<vmem>>[vector<16xi32>, vector<16xi32>], vector<16xf32>,
    tpu.vector_store_idx %arg7[%add3A_1175, %broadcast_in_dim3A_1162], %gather3A_1182 : memref<32x512xf32, #tpu.memory_space<vmem>>[vector<16xi32>, vector<16xi32>], vector<16xf32>,
    %slice3A_1183 = vector.extract_strided_slice %get3A_1104 {offsets = [2], sizes = [1], strides = [1]} : vector<16xi32> to vector<1xi32>
    %squeeze3A_1184 = vector.extract %slice3A_1183[0] : i32 from vector<1xi32>
    %jit3A_1185 = arith.constant 128 : i32
    %eq3A_1186 = arith.constant 0 : i32
    %eq3A_1187 = arith.cmpi eq, %jit3A_1185, %eq3A_1186 : i32
    %jit3A_1188 = arith.constant 1 : i32
    %select_n3A_1189 = arith.select %eq3A_1187, %jit3A_1188, %jit3A_1185 : i32
    %rem3A_1190 = arith.remsi %squeeze3A_1184, %select_n3A_1189 : i32
    %ne3A_1191 = arith.constant 0 : i32
    %ne3A_1192 = arith.cmpi ne, %rem3A_1190, %ne3A_1191 : i32
    %lt3A_1193 = arith.constant 0 : i32
    %lt3A_1194 = arith.cmpi slt, %rem3A_1190, %lt3A_1193 : i32
    %lt3A_1195 = arith.constant 0 : i32
    %lt3A_1196 = arith.cmpi slt, %select_n3A_1189, %lt3A_1195 : i32
    %ne3A_1197 = arith.xori %lt3A_1194, %lt3A_1196 : i1
    %and3A_1198 = arith.andi %ne3A_1197, %ne3A_1192 : i1
    %add3A_1199 = arith.addi %rem3A_1190, %select_n3A_1189 : i32
    %select_n3A_1200 = arith.select %and3A_1198, %add3A_1199, %rem3A_1190 : i32
    %broadcast_in_dim3A_1201 = vector.broadcast %select_n3A_1200 : i32 to vector<16xi32>
    %broadcast_in_dim3A_1202 = arith.constant 506 : i32
    %broadcast_in_dim3A_1203 = vector.broadcast %broadcast_in_dim3A_1202 : i32 to vector<16xi32>
    %add3A_1204 = arith.constant 0 : i32
    %add3A_1205 = vector.broadcast %add3A_1204 : i32 to vector<16xi32>
    %add3A_1206 = arith.addi %iota3A, %add3A_1205 : vector<16xi32>
    %gather3A_1207 = arith.constant 0 : i32
    %gather3A_1208 = arith.constant 2 : i32
    %gather3A_1209 = arith.constant 0 : i32
    %gather3A_1210 = arith.constant 0 : i32
    %gather3A_1211 = tpu.memref_slice %arg6[%gather3A_1207, %gather3A_1208, %gather3A_1209, %gather3A_1210] : memref<6x4x32x128xf32, #tpu.memory_space<vmem>> -> memref<1x1x32x128xf32, #tpu.memory_space<vmem>>
    %gather3A_1212 = tpu.memref_squeeze %gather3A_1211 : memref<1x1x32x128xf32, #tpu.memory_space<vmem>> -> memref<32x128xf32, #tpu.memory_space<vmem>>
    %gather3A_1213 = tpu.vector_load_idx %gather3A_1212[%add3A_1206, %broadcast_in_dim3A_1201] : memref<32x128xf32, #tpu.memory_space<vmem>>[vector<16xi32>, vector<16xi32>], vector<16xf32>,
    tpu.vector_store_idx %arg7[%add3A_1206, %broadcast_in_dim3A_1203], %gather3A_1213 : memref<32x512xf32, #tpu.memory_space<vmem>>[vector<16xi32>, vector<16xi32>], vector<16xf32>,
    %add3A_1214 = arith.constant 16 : i32
    %add3A_1215 = vector.broadcast %add3A_1214 : i32 to vector<16xi32>
    %add3A_1216 = arith.addi %iota3A, %add3A_1215 : vector<16xi32>
    %gather3A_1217 = arith.constant 0 : i32
    %gather3A_1218 = arith.constant 2 : i32
    %gather3A_1219 = arith.constant 0 : i32
    %gather3A_1220 = arith.constant 0 : i32
    %gather3A_1221 = tpu.memref_slice %arg6[%gather3A_1217, %gather3A_1218, %gather3A_1219, %gather3A_1220] : memref<6x4x32x128xf32, #tpu.memory_space<vmem>> -> memref<1x1x32x128xf32, #tpu.memory_space<vmem>>
    %gather3A_1222 = tpu.memref_squeeze %gather3A_1221 : memref<1x1x32x128xf32, #tpu.memory_space<vmem>> -> memref<32x128xf32, #tpu.memory_space<vmem>>
    %gather3A_1223 = tpu.vector_load_idx %gather3A_1222[%add3A_1216, %broadcast_in_dim3A_1201] : memref<32x128xf32, #tpu.memory_space<vmem>>[vector<16xi32>, vector<16xi32>], vector<16xf32>,
    tpu.vector_store_idx %arg7[%add3A_1216, %broadcast_in_dim3A_1203], %gather3A_1223 : memref<32x512xf32, #tpu.memory_space<vmem>>[vector<16xi32>, vector<16xi32>], vector<16xf32>,
    %slice3A_1224 = vector.extract_strided_slice %get3A_1104 {offsets = [3], sizes = [1], strides = [1]} : vector<16xi32> to vector<1xi32>
    %squeeze3A_1225 = vector.extract %slice3A_1224[0] : i32 from vector<1xi32>
    %jit3A_1226 = arith.constant 128 : i32
    %eq3A_1227 = arith.constant 0 : i32
    %eq3A_1228 = arith.cmpi eq, %jit3A_1226, %eq3A_1227 : i32
    %jit3A_1229 = arith.constant 1 : i32
    %select_n3A_1230 = arith.select %eq3A_1228, %jit3A_1229, %jit3A_1226 : i32
    %rem3A_1231 = arith.remsi %squeeze3A_1225, %select_n3A_1230 : i32
    %ne3A_1232 = arith.constant 0 : i32
    %ne3A_1233 = arith.cmpi ne, %rem3A_1231, %ne3A_1232 : i32
    %lt3A_1234 = arith.constant 0 : i32
    %lt3A_1235 = arith.cmpi slt, %rem3A_1231, %lt3A_1234 : i32
    %lt3A_1236 = arith.constant 0 : i32
    %lt3A_1237 = arith.cmpi slt, %select_n3A_1230, %lt3A_1236 : i32
    %ne3A_1238 = arith.xori %lt3A_1235, %lt3A_1237 : i1
    %and3A_1239 = arith.andi %ne3A_1238, %ne3A_1233 : i1
    %add3A_1240 = arith.addi %rem3A_1231, %select_n3A_1230 : i32
    %select_n3A_1241 = arith.select %and3A_1239, %add3A_1240, %rem3A_1231 : i32
    %broadcast_in_dim3A_1242 = vector.broadcast %select_n3A_1241 : i32 to vector<16xi32>
    %broadcast_in_dim3A_1243 = arith.constant 507 : i32
    %broadcast_in_dim3A_1244 = vector.broadcast %broadcast_in_dim3A_1243 : i32 to vector<16xi32>
    %add3A_1245 = arith.constant 0 : i32
    %add3A_1246 = vector.broadcast %add3A_1245 : i32 to vector<16xi32>
    %add3A_1247 = arith.addi %iota3A, %add3A_1246 : vector<16xi32>
    %gather3A_1248 = arith.constant 0 : i32
    %gather3A_1249 = arith.constant 3 : i32
    %gather3A_1250 = arith.constant 0 : i32
    %gather3A_1251 = arith.constant 0 : i32
    %gather3A_1252 = tpu.memref_slice %arg6[%gather3A_1248, %gather3A_1249, %gather3A_1250, %gather3A_1251] : memref<6x4x32x128xf32, #tpu.memory_space<vmem>> -> memref<1x1x32x128xf32, #tpu.memory_space<vmem>>
    %gather3A_1253 = tpu.memref_squeeze %gather3A_1252 : memref<1x1x32x128xf32, #tpu.memory_space<vmem>> -> memref<32x128xf32, #tpu.memory_space<vmem>>
    %gather3A_1254 = tpu.vector_load_idx %gather3A_1253[%add3A_1247, %broadcast_in_dim3A_1242] : memref<32x128xf32, #tpu.memory_space<vmem>>[vector<16xi32>, vector<16xi32>], vector<16xf32>,
    tpu.vector_store_idx %arg7[%add3A_1247, %broadcast_in_dim3A_1244], %gather3A_1254 : memref<32x512xf32, #tpu.memory_space<vmem>>[vector<16xi32>, vector<16xi32>], vector<16xf32>,
    %add3A_1255 = arith.constant 16 : i32
    %add3A_1256 = vector.broadcast %add3A_1255 : i32 to vector<16xi32>
    %add3A_1257 = arith.addi %iota3A, %add3A_1256 : vector<16xi32>
    %gather3A_1258 = arith.constant 0 : i32
    %gather3A_1259 = arith.constant 3 : i32
    %gather3A_1260 = arith.constant 0 : i32
    %gather3A_1261 = arith.constant 0 : i32
    %gather3A_1262 = tpu.memref_slice %arg6[%gather3A_1258, %gather3A_1259, %gather3A_1260, %gather3A_1261] : memref<6x4x32x128xf32, #tpu.memory_space<vmem>> -> memref<1x1x32x128xf32, #tpu.memory_space<vmem>>
    %gather3A_1263 = tpu.memref_squeeze %gather3A_1262 : memref<1x1x32x128xf32, #tpu.memory_space<vmem>> -> memref<32x128xf32, #tpu.memory_space<vmem>>
    %gather3A_1264 = tpu.vector_load_idx %gather3A_1263[%add3A_1257, %broadcast_in_dim3A_1242] : memref<32x128xf32, #tpu.memory_space<vmem>>[vector<16xi32>, vector<16xi32>], vector<16xf32>,
    tpu.vector_store_idx %arg7[%add3A_1257, %broadcast_in_dim3A_1244], %gather3A_1264 : memref<32x512xf32, #tpu.memory_space<vmem>>[vector<16xi32>, vector<16xi32>], vector<16xf32>,
    %dma_wait3A_1265 = arith.constant 1 : i32
    %dma_wait3A_1266 = arith.constant 0 : i32
    %dma_wait3A_1267 = arith.constant 0 : i32
    %dma_wait3A_1268 = arith.constant 0 : i32
    %dma_wait3A_1269 = tpu.memref_slice %arg6[%dma_wait3A_1265, %dma_wait3A_1266, %dma_wait3A_1267, %dma_wait3A_1268] : memref<6x4x32x128xf32, #tpu.memory_space<vmem>> -> memref<1x1x32x128xf32, #tpu.memory_space<vmem>>
    %dma_wait3A_1270 = tpu.memref_squeeze %dma_wait3A_1269 : memref<1x1x32x128xf32, #tpu.memory_space<vmem>> -> memref<32x128xf32, #tpu.memory_space<vmem>>
    %dma_wait3A_1271 = arith.constant 0 : i32
    %dma_wait3A_1272 = arith.constant 0 : i32
    %dma_wait3A_1273 = tpu.memref_slice %arg3[%dma_wait3A_1271, %dma_wait3A_1272] : memref<32x1000000xf32, #tpu.memory_space<hbm>> -> memref<32x128xf32, #tpu.memory_space<hbm>>
    %dma_wait3A_1274 = arith.constant 0 : i32
    %dma_wait3A_1275 = arith.constant 0 : i32
    %dma_wait3A_1276 = tpu.memref_slice %arg6[%dma_wait3A_1265, %dma_wait3A_1266, %dma_wait3A_1274, %dma_wait3A_1275] : memref<6x4x32x128xf32, #tpu.memory_space<vmem>> -> memref<1x1x32x128xf32, #tpu.memory_space<vmem>>
    %dma_wait3A_1277 = tpu.memref_squeeze %dma_wait3A_1276 : memref<1x1x32x128xf32, #tpu.memory_space<vmem>> -> memref<32x128xf32, #tpu.memory_space<vmem>>
    %dma_wait3A_1278 = arith.constant 0 : i32
    %dma_wait3A_1279 = arith.constant 0 : i32
    %dma_wait3A_1280 = tpu.memref_slice %arg3[%dma_wait3A_1278, %dma_wait3A_1279] : memref<32x1000000xf32, #tpu.memory_space<hbm>> -> memref<32x128xf32, #tpu.memory_space<hbm>>
    tpu.wait_dma2 semaphore(%arg9 : memref<!tpu.dma_semaphore, #tpu.memory_space<semaphore_mem>>) src(%dma_wait3A_1280 : memref<32x128xf32, #tpu.memory_space<hbm>>) dst(%dma_wait3A_1277 : memref<32x128xf32, #tpu.memory_space<vmem>>)
    %dma_wait3A_1281 = arith.constant 1 : i32
    %dma_wait3A_1282 = arith.constant 1 : i32
    %dma_wait3A_1283 = arith.constant 0 : i32
    %dma_wait3A_1284 = arith.constant 0 : i32
    %dma_wait3A_1285 = tpu.memref_slice %arg6[%dma_wait3A_1281, %dma_wait3A_1282, %dma_wait3A_1283, %dma_wait3A_1284] : memref<6x4x32x128xf32, #tpu.memory_space<vmem>> -> memref<1x1x32x128xf32, #tpu.memory_space<vmem>>
    %dma_wait3A_1286 = tpu.memref_squeeze %dma_wait3A_1285 : memref<1x1x32x128xf32, #tpu.memory_space<vmem>> -> memref<32x128xf32, #tpu.memory_space<vmem>>
    %dma_wait3A_1287 = arith.constant 0 : i32
    %dma_wait3A_1288 = arith.constant 0 : i32
    %dma_wait3A_1289 = tpu.memref_slice %arg3[%dma_wait3A_1287, %dma_wait3A_1288] : memref<32x1000000xf32, #tpu.memory_space<hbm>> -> memref<32x128xf32, #tpu.memory_space<hbm>>
    %dma_wait3A_1290 = arith.constant 0 : i32
    %dma_wait3A_1291 = arith.constant 0 : i32
    %dma_wait3A_1292 = tpu.memref_slice %arg6[%dma_wait3A_1281, %dma_wait3A_1282, %dma_wait3A_1290, %dma_wait3A_1291] : memref<6x4x32x128xf32, #tpu.memory_space<vmem>> -> memref<1x1x32x128xf32, #tpu.memory_space<vmem>>
    %dma_wait3A_1293 = tpu.memref_squeeze %dma_wait3A_1292 : memref<1x1x32x128xf32, #tpu.memory_space<vmem>> -> memref<32x128xf32, #tpu.memory_space<vmem>>
    %dma_wait3A_1294 = arith.constant 0 : i32
    %dma_wait3A_1295 = arith.constant 0 : i32
    %dma_wait3A_1296 = tpu.memref_slice %arg3[%dma_wait3A_1294, %dma_wait3A_1295] : memref<32x1000000xf32, #tpu.memory_space<hbm>> -> memref<32x128xf32, #tpu.memory_space<hbm>>
    tpu.wait_dma2 semaphore(%arg9 : memref<!tpu.dma_semaphore, #tpu.memory_space<semaphore_mem>>) src(%dma_wait3A_1296 : memref<32x128xf32, #tpu.memory_space<hbm>>) dst(%dma_wait3A_1293 : memref<32x128xf32, #tpu.memory_space<vmem>>)
    %dma_wait3A_1297 = arith.constant 1 : i32
    %dma_wait3A_1298 = arith.constant 2 : i32
    %dma_wait3A_1299 = arith.constant 0 : i32
    %dma_wait3A_1300 = arith.constant 0 : i32
    %dma_wait3A_1301 = tpu.memref_slice %arg6[%dma_wait3A_1297, %dma_wait3A_1298, %dma_wait3A_1299, %dma_wait3A_1300] : memref<6x4x32x128xf32, #tpu.memory_space<vmem>> -> memref<1x1x32x128xf32, #tpu.memory_space<vmem>>
    %dma_wait3A_1302 = tpu.memref_squeeze %dma_wait3A_1301 : memref<1x1x32x128xf32, #tpu.memory_space<vmem>> -> memref<32x128xf32, #tpu.memory_space<vmem>>
    %dma_wait3A_1303 = arith.constant 0 : i32
    %dma_wait3A_1304 = arith.constant 0 : i32
    %dma_wait3A_1305 = tpu.memref_slice %arg3[%dma_wait3A_1303, %dma_wait3A_1304] : memref<32x1000000xf32, #tpu.memory_space<hbm>> -> memref<32x128xf32, #tpu.memory_space<hbm>>
    %dma_wait3A_1306 = arith.constant 0 : i32
    %dma_wait3A_1307 = arith.constant 0 : i32
    %dma_wait3A_1308 = tpu.memref_slice %arg6[%dma_wait3A_1297, %dma_wait3A_1298, %dma_wait3A_1306, %dma_wait3A_1307] : memref<6x4x32x128xf32, #tpu.memory_space<vmem>> -> memref<1x1x32x128xf32, #tpu.memory_space<vmem>>
    %dma_wait3A_1309 = tpu.memref_squeeze %dma_wait3A_1308 : memref<1x1x32x128xf32, #tpu.memory_space<vmem>> -> memref<32x128xf32, #tpu.memory_space<vmem>>
    %dma_wait3A_1310 = arith.constant 0 : i32
    %dma_wait3A_1311 = arith.constant 0 : i32
    %dma_wait3A_1312 = tpu.memref_slice %arg3[%dma_wait3A_1310, %dma_wait3A_1311] : memref<32x1000000xf32, #tpu.memory_space<hbm>> -> memref<32x128xf32, #tpu.memory_space<hbm>>
    tpu.wait_dma2 semaphore(%arg9 : memref<!tpu.dma_semaphore, #tpu.memory_space<semaphore_mem>>) src(%dma_wait3A_1312 : memref<32x128xf32, #tpu.memory_space<hbm>>) dst(%dma_wait3A_1309 : memref<32x128xf32, #tpu.memory_space<vmem>>)
    %dma_wait3A_1313 = arith.constant 1 : i32
    %dma_wait3A_1314 = arith.constant 3 : i32
    %dma_wait3A_1315 = arith.constant 0 : i32
    %dma_wait3A_1316 = arith.constant 0 : i32
    %dma_wait3A_1317 = tpu.memref_slice %arg6[%dma_wait3A_1313, %dma_wait3A_1314, %dma_wait3A_1315, %dma_wait3A_1316] : memref<6x4x32x128xf32, #tpu.memory_space<vmem>> -> memref<1x1x32x128xf32, #tpu.memory_space<vmem>>
    %dma_wait3A_1318 = tpu.memref_squeeze %dma_wait3A_1317 : memref<1x1x32x128xf32, #tpu.memory_space<vmem>> -> memref<32x128xf32, #tpu.memory_space<vmem>>
    %dma_wait3A_1319 = arith.constant 0 : i32
    %dma_wait3A_1320 = arith.constant 0 : i32
    %dma_wait3A_1321 = tpu.memref_slice %arg3[%dma_wait3A_1319, %dma_wait3A_1320] : memref<32x1000000xf32, #tpu.memory_space<hbm>> -> memref<32x128xf32, #tpu.memory_space<hbm>>
    %dma_wait3A_1322 = arith.constant 0 : i32
    %dma_wait3A_1323 = arith.constant 0 : i32
    %dma_wait3A_1324 = tpu.memref_slice %arg6[%dma_wait3A_1313, %dma_wait3A_1314, %dma_wait3A_1322, %dma_wait3A_1323] : memref<6x4x32x128xf32, #tpu.memory_space<vmem>> -> memref<1x1x32x128xf32, #tpu.memory_space<vmem>>
    %dma_wait3A_1325 = tpu.memref_squeeze %dma_wait3A_1324 : memref<1x1x32x128xf32, #tpu.memory_space<vmem>> -> memref<32x128xf32, #tpu.memory_space<vmem>>
    %dma_wait3A_1326 = arith.constant 0 : i32
    %dma_wait3A_1327 = arith.constant 0 : i32
    %dma_wait3A_1328 = tpu.memref_slice %arg3[%dma_wait3A_1326, %dma_wait3A_1327] : memref<32x1000000xf32, #tpu.memory_space<hbm>> -> memref<32x128xf32, #tpu.memory_space<hbm>>
    tpu.wait_dma2 semaphore(%arg9 : memref<!tpu.dma_semaphore, #tpu.memory_space<semaphore_mem>>) src(%dma_wait3A_1328 : memref<32x128xf32, #tpu.memory_space<hbm>>) dst(%dma_wait3A_1325 : memref<32x128xf32, #tpu.memory_space<vmem>>)
    %get3A_1329 = arith.constant 504 : index
    %get3A_1330 = tpu.vector_load %arg5[%get3A_1329] {strides = array<i32>} : memref<528xi32, #tpu.memory_space<vmem>>, vector<16xi32>,
    %slice3A_1331 = vector.extract_strided_slice %get3A_1330 {offsets = [4], sizes = [1], strides = [1]} : vector<16xi32> to vector<1xi32>
    %squeeze3A_1332 = vector.extract %slice3A_1331[0] : i32 from vector<1xi32>
    %jit3A_1333 = arith.constant 128 : i32
    %eq3A_1334 = arith.constant 0 : i32
    %eq3A_1335 = arith.cmpi eq, %jit3A_1333, %eq3A_1334 : i32
    %jit3A_1336 = arith.constant 1 : i32
    %select_n3A_1337 = arith.select %eq3A_1335, %jit3A_1336, %jit3A_1333 : i32
    %rem3A_1338 = arith.remsi %squeeze3A_1332, %select_n3A_1337 : i32
    %ne3A_1339 = arith.constant 0 : i32
    %ne3A_1340 = arith.cmpi ne, %rem3A_1338, %ne3A_1339 : i32
    %lt3A_1341 = arith.constant 0 : i32
    %lt3A_1342 = arith.cmpi slt, %rem3A_1338, %lt3A_1341 : i32
    %lt3A_1343 = arith.constant 0 : i32
    %lt3A_1344 = arith.cmpi slt, %select_n3A_1337, %lt3A_1343 : i32
    %ne3A_1345 = arith.xori %lt3A_1342, %lt3A_1344 : i1
    %and3A_1346 = arith.andi %ne3A_1345, %ne3A_1340 : i1
    %add3A_1347 = arith.addi %rem3A_1338, %select_n3A_1337 : i32
    %select_n3A_1348 = arith.select %and3A_1346, %add3A_1347, %rem3A_1338 : i32
    %broadcast_in_dim3A_1349 = vector.broadcast %select_n3A_1348 : i32 to vector<16xi32>
    %broadcast_in_dim3A_1350 = arith.constant 508 : i32
    %broadcast_in_dim3A_1351 = vector.broadcast %broadcast_in_dim3A_1350 : i32 to vector<16xi32>
    %add3A_1352 = arith.constant 0 : i32
    %add3A_1353 = vector.broadcast %add3A_1352 : i32 to vector<16xi32>
    %add3A_1354 = arith.addi %iota3A, %add3A_1353 : vector<16xi32>
    %gather3A_1355 = arith.constant 1 : i32
    %gather3A_1356 = arith.constant 0 : i32
    %gather3A_1357 = arith.constant 0 : i32
    %gather3A_1358 = arith.constant 0 : i32
    %gather3A_1359 = tpu.memref_slice %arg6[%gather3A_1355, %gather3A_1356, %gather3A_1357, %gather3A_1358] : memref<6x4x32x128xf32, #tpu.memory_space<vmem>> -> memref<1x1x32x128xf32, #tpu.memory_space<vmem>>
    %gather3A_1360 = tpu.memref_squeeze %gather3A_1359 : memref<1x1x32x128xf32, #tpu.memory_space<vmem>> -> memref<32x128xf32, #tpu.memory_space<vmem>>
    %gather3A_1361 = tpu.vector_load_idx %gather3A_1360[%add3A_1354, %broadcast_in_dim3A_1349] : memref<32x128xf32, #tpu.memory_space<vmem>>[vector<16xi32>, vector<16xi32>], vector<16xf32>,
    tpu.vector_store_idx %arg7[%add3A_1354, %broadcast_in_dim3A_1351], %gather3A_1361 : memref<32x512xf32, #tpu.memory_space<vmem>>[vector<16xi32>, vector<16xi32>], vector<16xf32>,
    %add3A_1362 = arith.constant 16 : i32
    %add3A_1363 = vector.broadcast %add3A_1362 : i32 to vector<16xi32>
    %add3A_1364 = arith.addi %iota3A, %add3A_1363 : vector<16xi32>
    %gather3A_1365 = arith.constant 1 : i32
    %gather3A_1366 = arith.constant 0 : i32
    %gather3A_1367 = arith.constant 0 : i32
    %gather3A_1368 = arith.constant 0 : i32
    %gather3A_1369 = tpu.memref_slice %arg6[%gather3A_1365, %gather3A_1366, %gather3A_1367, %gather3A_1368] : memref<6x4x32x128xf32, #tpu.memory_space<vmem>> -> memref<1x1x32x128xf32, #tpu.memory_space<vmem>>
    %gather3A_1370 = tpu.memref_squeeze %gather3A_1369 : memref<1x1x32x128xf32, #tpu.memory_space<vmem>> -> memref<32x128xf32, #tpu.memory_space<vmem>>
    %gather3A_1371 = tpu.vector_load_idx %gather3A_1370[%add3A_1364, %broadcast_in_dim3A_1349] : memref<32x128xf32, #tpu.memory_space<vmem>>[vector<16xi32>, vector<16xi32>], vector<16xf32>,
    tpu.vector_store_idx %arg7[%add3A_1364, %broadcast_in_dim3A_1351], %gather3A_1371 : memref<32x512xf32, #tpu.memory_space<vmem>>[vector<16xi32>, vector<16xi32>], vector<16xf32>,
    %slice3A_1372 = vector.extract_strided_slice %get3A_1330 {offsets = [5], sizes = [1], strides = [1]} : vector<16xi32> to vector<1xi32>
    %squeeze3A_1373 = vector.extract %slice3A_1372[0] : i32 from vector<1xi32>
    %jit3A_1374 = arith.constant 128 : i32
    %eq3A_1375 = arith.constant 0 : i32
    %eq3A_1376 = arith.cmpi eq, %jit3A_1374, %eq3A_1375 : i32
    %jit3A_1377 = arith.constant 1 : i32
    %select_n3A_1378 = arith.select %eq3A_1376, %jit3A_1377, %jit3A_1374 : i32
    %rem3A_1379 = arith.remsi %squeeze3A_1373, %select_n3A_1378 : i32
    %ne3A_1380 = arith.constant 0 : i32
    %ne3A_1381 = arith.cmpi ne, %rem3A_1379, %ne3A_1380 : i32
    %lt3A_1382 = arith.constant 0 : i32
    %lt3A_1383 = arith.cmpi slt, %rem3A_1379, %lt3A_1382 : i32
    %lt3A_1384 = arith.constant 0 : i32
    %lt3A_1385 = arith.cmpi slt, %select_n3A_1378, %lt3A_1384 : i32
    %ne3A_1386 = arith.xori %lt3A_1383, %lt3A_1385 : i1
    %and3A_1387 = arith.andi %ne3A_1386, %ne3A_1381 : i1
    %add3A_1388 = arith.addi %rem3A_1379, %select_n3A_1378 : i32
    %select_n3A_1389 = arith.select %and3A_1387, %add3A_1388, %rem3A_1379 : i32
    %broadcast_in_dim3A_1390 = vector.broadcast %select_n3A_1389 : i32 to vector<16xi32>
    %broadcast_in_dim3A_1391 = arith.constant 509 : i32
    %broadcast_in_dim3A_1392 = vector.broadcast %broadcast_in_dim3A_1391 : i32 to vector<16xi32>
    %add3A_1393 = arith.constant 0 : i32
    %add3A_1394 = vector.broadcast %add3A_1393 : i32 to vector<16xi32>
    %add3A_1395 = arith.addi %iota3A, %add3A_1394 : vector<16xi32>
    %gather3A_1396 = arith.constant 1 : i32
    %gather3A_1397 = arith.constant 1 : i32
    %gather3A_1398 = arith.constant 0 : i32
    %gather3A_1399 = arith.constant 0 : i32
    %gather3A_1400 = tpu.memref_slice %arg6[%gather3A_1396, %gather3A_1397, %gather3A_1398, %gather3A_1399] : memref<6x4x32x128xf32, #tpu.memory_space<vmem>> -> memref<1x1x32x128xf32, #tpu.memory_space<vmem>>
    %gather3A_1401 = tpu.memref_squeeze %gather3A_1400 : memref<1x1x32x128xf32, #tpu.memory_space<vmem>> -> memref<32x128xf32, #tpu.memory_space<vmem>>
    %gather3A_1402 = tpu.vector_load_idx %gather3A_1401[%add3A_1395, %broadcast_in_dim3A_1390] : memref<32x128xf32, #tpu.memory_space<vmem>>[vector<16xi32>, vector<16xi32>], vector<16xf32>,
    tpu.vector_store_idx %arg7[%add3A_1395, %broadcast_in_dim3A_1392], %gather3A_1402 : memref<32x512xf32, #tpu.memory_space<vmem>>[vector<16xi32>, vector<16xi32>], vector<16xf32>,
    %add3A_1403 = arith.constant 16 : i32
    %add3A_1404 = vector.broadcast %add3A_1403 : i32 to vector<16xi32>
    %add3A_1405 = arith.addi %iota3A, %add3A_1404 : vector<16xi32>
    %gather3A_1406 = arith.constant 1 : i32
    %gather3A_1407 = arith.constant 1 : i32
    %gather3A_1408 = arith.constant 0 : i32
    %gather3A_1409 = arith.constant 0 : i32
    %gather3A_1410 = tpu.memref_slice %arg6[%gather3A_1406, %gather3A_1407, %gather3A_1408, %gather3A_1409] : memref<6x4x32x128xf32, #tpu.memory_space<vmem>> -> memref<1x1x32x128xf32, #tpu.memory_space<vmem>>
    %gather3A_1411 = tpu.memref_squeeze %gather3A_1410 : memref<1x1x32x128xf32, #tpu.memory_space<vmem>> -> memref<32x128xf32, #tpu.memory_space<vmem>>
    %gather3A_1412 = tpu.vector_load_idx %gather3A_1411[%add3A_1405, %broadcast_in_dim3A_1390] : memref<32x128xf32, #tpu.memory_space<vmem>>[vector<16xi32>, vector<16xi32>], vector<16xf32>,
    tpu.vector_store_idx %arg7[%add3A_1405, %broadcast_in_dim3A_1392], %gather3A_1412 : memref<32x512xf32, #tpu.memory_space<vmem>>[vector<16xi32>, vector<16xi32>], vector<16xf32>,
    %slice3A_1413 = vector.extract_strided_slice %get3A_1330 {offsets = [6], sizes = [1], strides = [1]} : vector<16xi32> to vector<1xi32>
    %squeeze3A_1414 = vector.extract %slice3A_1413[0] : i32 from vector<1xi32>
    %jit3A_1415 = arith.constant 128 : i32
    %eq3A_1416 = arith.constant 0 : i32
    %eq3A_1417 = arith.cmpi eq, %jit3A_1415, %eq3A_1416 : i32
    %jit3A_1418 = arith.constant 1 : i32
    %select_n3A_1419 = arith.select %eq3A_1417, %jit3A_1418, %jit3A_1415 : i32
    %rem3A_1420 = arith.remsi %squeeze3A_1414, %select_n3A_1419 : i32
    %ne3A_1421 = arith.constant 0 : i32
    %ne3A_1422 = arith.cmpi ne, %rem3A_1420, %ne3A_1421 : i32
    %lt3A_1423 = arith.constant 0 : i32
    %lt3A_1424 = arith.cmpi slt, %rem3A_1420, %lt3A_1423 : i32
    %lt3A_1425 = arith.constant 0 : i32
    %lt3A_1426 = arith.cmpi slt, %select_n3A_1419, %lt3A_1425 : i32
    %ne3A_1427 = arith.xori %lt3A_1424, %lt3A_1426 : i1
    %and3A_1428 = arith.andi %ne3A_1427, %ne3A_1422 : i1
    %add3A_1429 = arith.addi %rem3A_1420, %select_n3A_1419 : i32
    %select_n3A_1430 = arith.select %and3A_1428, %add3A_1429, %rem3A_1420 : i32
    %broadcast_in_dim3A_1431 = vector.broadcast %select_n3A_1430 : i32 to vector<16xi32>
    %broadcast_in_dim3A_1432 = arith.constant 510 : i32
    %broadcast_in_dim3A_1433 = vector.broadcast %broadcast_in_dim3A_1432 : i32 to vector<16xi32>
    %add3A_1434 = arith.constant 0 : i32
    %add3A_1435 = vector.broadcast %add3A_1434 : i32 to vector<16xi32>
    %add3A_1436 = arith.addi %iota3A, %add3A_1435 : vector<16xi32>
    %gather3A_1437 = arith.constant 1 : i32
    %gather3A_1438 = arith.constant 2 : i32
    %gather3A_1439 = arith.constant 0 : i32
    %gather3A_1440 = arith.constant 0 : i32
    %gather3A_1441 = tpu.memref_slice %arg6[%gather3A_1437, %gather3A_1438, %gather3A_1439, %gather3A_1440] : memref<6x4x32x128xf32, #tpu.memory_space<vmem>> -> memref<1x1x32x128xf32, #tpu.memory_space<vmem>>
    %gather3A_1442 = tpu.memref_squeeze %gather3A_1441 : memref<1x1x32x128xf32, #tpu.memory_space<vmem>> -> memref<32x128xf32, #tpu.memory_space<vmem>>
    %gather3A_1443 = tpu.vector_load_idx %gather3A_1442[%add3A_1436, %broadcast_in_dim3A_1431] : memref<32x128xf32, #tpu.memory_space<vmem>>[vector<16xi32>, vector<16xi32>], vector<16xf32>,
    tpu.vector_store_idx %arg7[%add3A_1436, %broadcast_in_dim3A_1433], %gather3A_1443 : memref<32x512xf32, #tpu.memory_space<vmem>>[vector<16xi32>, vector<16xi32>], vector<16xf32>,
    %add3A_1444 = arith.constant 16 : i32
    %add3A_1445 = vector.broadcast %add3A_1444 : i32 to vector<16xi32>
    %add3A_1446 = arith.addi %iota3A, %add3A_1445 : vector<16xi32>
    %gather3A_1447 = arith.constant 1 : i32
    %gather3A_1448 = arith.constant 2 : i32
    %gather3A_1449 = arith.constant 0 : i32
    %gather3A_1450 = arith.constant 0 : i32
    %gather3A_1451 = tpu.memref_slice %arg6[%gather3A_1447, %gather3A_1448, %gather3A_1449, %gather3A_1450] : memref<6x4x32x128xf32, #tpu.memory_space<vmem>> -> memref<1x1x32x128xf32, #tpu.memory_space<vmem>>
    %gather3A_1452 = tpu.memref_squeeze %gather3A_1451 : memref<1x1x32x128xf32, #tpu.memory_space<vmem>> -> memref<32x128xf32, #tpu.memory_space<vmem>>
    %gather3A_1453 = tpu.vector_load_idx %gather3A_1452[%add3A_1446, %broadcast_in_dim3A_1431] : memref<32x128xf32, #tpu.memory_space<vmem>>[vector<16xi32>, vector<16xi32>], vector<16xf32>,
    tpu.vector_store_idx %arg7[%add3A_1446, %broadcast_in_dim3A_1433], %gather3A_1453 : memref<32x512xf32, #tpu.memory_space<vmem>>[vector<16xi32>, vector<16xi32>], vector<16xf32>,
    %slice3A_1454 = vector.extract_strided_slice %get3A_1330 {offsets = [7], sizes = [1], strides = [1]} : vector<16xi32> to vector<1xi32>
    %squeeze3A_1455 = vector.extract %slice3A_1454[0] : i32 from vector<1xi32>
    %jit3A_1456 = arith.constant 128 : i32
    %eq3A_1457 = arith.constant 0 : i32
    %eq3A_1458 = arith.cmpi eq, %jit3A_1456, %eq3A_1457 : i32
    %jit3A_1459 = arith.constant 1 : i32
    %select_n3A_1460 = arith.select %eq3A_1458, %jit3A_1459, %jit3A_1456 : i32
    %rem3A_1461 = arith.remsi %squeeze3A_1455, %select_n3A_1460 : i32
    %ne3A_1462 = arith.constant 0 : i32
    %ne3A_1463 = arith.cmpi ne, %rem3A_1461, %ne3A_1462 : i32
    %lt3A_1464 = arith.constant 0 : i32
    %lt3A_1465 = arith.cmpi slt, %rem3A_1461, %lt3A_1464 : i32
    %lt3A_1466 = arith.constant 0 : i32
    %lt3A_1467 = arith.cmpi slt, %select_n3A_1460, %lt3A_1466 : i32
    %ne3A_1468 = arith.xori %lt3A_1465, %lt3A_1467 : i1
    %and3A_1469 = arith.andi %ne3A_1468, %ne3A_1463 : i1
    %add3A_1470 = arith.addi %rem3A_1461, %select_n3A_1460 : i32
    %select_n3A_1471 = arith.select %and3A_1469, %add3A_1470, %rem3A_1461 : i32
    %broadcast_in_dim3A_1472 = vector.broadcast %select_n3A_1471 : i32 to vector<16xi32>
    %broadcast_in_dim3A_1473 = arith.constant 511 : i32
    %broadcast_in_dim3A_1474 = vector.broadcast %broadcast_in_dim3A_1473 : i32 to vector<16xi32>
    %add3A_1475 = arith.constant 0 : i32
    %add3A_1476 = vector.broadcast %add3A_1475 : i32 to vector<16xi32>
    %add3A_1477 = arith.addi %iota3A, %add3A_1476 : vector<16xi32>
    %gather3A_1478 = arith.constant 1 : i32
    %gather3A_1479 = arith.constant 3 : i32
    %gather3A_1480 = arith.constant 0 : i32
    %gather3A_1481 = arith.constant 0 : i32
    %gather3A_1482 = tpu.memref_slice %arg6[%gather3A_1478, %gather3A_1479, %gather3A_1480, %gather3A_1481] : memref<6x4x32x128xf32, #tpu.memory_space<vmem>> -> memref<1x1x32x128xf32, #tpu.memory_space<vmem>>
    %gather3A_1483 = tpu.memref_squeeze %gather3A_1482 : memref<1x1x32x128xf32, #tpu.memory_space<vmem>> -> memref<32x128xf32, #tpu.memory_space<vmem>>
    %gather3A_1484 = tpu.vector_load_idx %gather3A_1483[%add3A_1477, %broadcast_in_dim3A_1472] : memref<32x128xf32, #tpu.memory_space<vmem>>[vector<16xi32>, vector<16xi32>], vector<16xf32>,
    tpu.vector_store_idx %arg7[%add3A_1477, %broadcast_in_dim3A_1474], %gather3A_1484 : memref<32x512xf32, #tpu.memory_space<vmem>>[vector<16xi32>, vector<16xi32>], vector<16xf32>,
    %add3A_1485 = arith.constant 16 : i32
    %add3A_1486 = vector.broadcast %add3A_1485 : i32 to vector<16xi32>
    %add3A_1487 = arith.addi %iota3A, %add3A_1486 : vector<16xi32>
    %gather3A_1488 = arith.constant 1 : i32
    %gather3A_1489 = arith.constant 3 : i32
    %gather3A_1490 = arith.constant 0 : i32
    %gather3A_1491 = arith.constant 0 : i32
    %gather3A_1492 = tpu.memref_slice %arg6[%gather3A_1488, %gather3A_1489, %gather3A_1490, %gather3A_1491] : memref<6x4x32x128xf32, #tpu.memory_space<vmem>> -> memref<1x1x32x128xf32, #tpu.memory_space<vmem>>
    %gather3A_1493 = tpu.memref_squeeze %gather3A_1492 : memref<1x1x32x128xf32, #tpu.memory_space<vmem>> -> memref<32x128xf32, #tpu.memory_space<vmem>>
    %gather3A_1494 = tpu.vector_load_idx %gather3A_1493[%add3A_1487, %broadcast_in_dim3A_1472] : memref<32x128xf32, #tpu.memory_space<vmem>>[vector<16xi32>, vector<16xi32>], vector<16xf32>,
    tpu.vector_store_idx %arg7[%add3A_1487, %broadcast_in_dim3A_1474], %gather3A_1494 : memref<32x512xf32, #tpu.memory_space<vmem>>[vector<16xi32>, vector<16xi32>], vector<16xf32>,
    "tpu.region"() ({
      %run_scoped3A = tpu.sem_alloc : memref<!tpu.dma_semaphore, #tpu.memory_space<semaphore_mem>>
      %dma_start3A_1495 = arith.constant 0 : i32
      %dma_start3A_1496 = tpu.memref_slice %arg4[%dma_start3A_1495, %mul3A_2] : memref<32x16384xf32, #tpu.memory_space<hbm>> -> memref<32x512xf32, #tpu.memory_space<hbm>>
      %dma_start3A_1497 = arith.constant 0 : i32
      %dma_start3A_1498 = tpu.memref_slice %arg4[%dma_start3A_1497, %mul3A_2] : memref<32x16384xf32, #tpu.memory_space<hbm>> -> memref<32x512xf32, #tpu.memory_space<hbm>>
      tpu.enqueue_dma source(%arg7 : memref<32x512xf32, #tpu.memory_space<vmem>>) target(%dma_start3A_1498 : memref<32x512xf32, #tpu.memory_space<hbm>>) target_semaphore(%run_scoped3A : memref<!tpu.dma_semaphore, #tpu.memory_space<semaphore_mem>>)
      %dma_wait3A_1499 = arith.constant 0 : i32
      %dma_wait3A_1500 = tpu.memref_slice %arg4[%dma_wait3A_1499, %mul3A_2] : memref<32x16384xf32, #tpu.memory_space<hbm>> -> memref<32x512xf32, #tpu.memory_space<hbm>>
      %dma_wait3A_1501 = arith.constant 0 : i32
      %dma_wait3A_1502 = tpu.memref_slice %arg4[%dma_wait3A_1501, %mul3A_2] : memref<32x16384xf32, #tpu.memory_space<hbm>> -> memref<32x512xf32, #tpu.memory_space<hbm>>
      tpu.wait_dma2 semaphore(%run_scoped3A : memref<!tpu.dma_semaphore, #tpu.memory_space<semaphore_mem>>) src(%arg7 : memref<32x512xf32, #tpu.memory_space<vmem>>) dst(%dma_wait3A_1502 : memref<32x512xf32, #tpu.memory_space<hbm>>)
      tpu.yield
    }) : () -> ()
    return
  }
}

</mosaic_0001>

<sc_bundles>
// kernel: kernel.3.cloned.1.call-start
scs
__scs_entry_jumppad:
0x0: {  	(pc) =	sbr.rel $0x88, $3  }
0x1: {  	(tag) =	ssettag $0x0;
	lr =	simm.s32 $0x1  }
0x2: {  	[smem:$0x3F9F] =	sst lr;
	_ =	strace $0xD0000000  }
0x3: {  	_ = 	snop  }
0x4: {  	_ = 	snop  }
0x5: {  	_ = 	snop  }
0x6: {  	_ = 	snop  }
0x7: {  	_ = 	snop  }
__scs_overlays_trampoline_lowered:
0x8: {  	[smem:$0x3FAE] =	sst s0  }
0x9: {  	[smem:$0x3FAF] =	sst s1  }
0xa: {  	[smem:$0x3FB0] =	sst s2  }
0xb: {  	[smem:$0x3FB1] =	sst s3  }
0xc: {  	[smem:$0x3FB2] =	sst s4  }
0xd: {  	[smem:$0x3FB3] =	sst s5  }
0xe: {  	[smem:$0x3FB4] =	sst s6  }
0xf: {  	[smem:$0x3FB5] =	sst s7  }
0x10: {  	[smem:$0x3FB6] =	sst s8  }
0x11: {  	[smem:$0x3FB7] =	sst s9;
	s0 =	simm.s32 @!p0 $0x0  }
0x12: {  	s1 =	sld [smem:$0x3F9D];
	s0 =	simm.s32 @p0 $0x1  }
0x13: {  	[smem:$0x3FB8] =	sst s0;
	s0 =	simm.s32 @!p1 $0x0  }
0x14: {  	s2 =	sld [smem:$0x3F9C];
	s0 =	simm.s32 @p1 $0x1  }
0x15: {  	[smem:$0x3FB9] =	sst s0;
	s0 =	simm.s32 @!p2 $0x0  }
0x16: {  	s3 =	sld [smem:$0x3FDB];
	s0 =	simm.s32 @p2 $0x1  }
0x17: {  	s4 =	simm.s32 $0x1BF5;
	[smem:$0x3FBB] =	sst s0  }
0x18: {  	s0 =	sld [smem:$0x3F9E];
	_ =	swait.ge [sflag:s4], $0x0  }
0x19: {  	s7 =	sld [smem:$0x3F9F]  }
0x1a: {  	s8 =	sadd.s32 $0xFFFFE003, lr  }
0x1b: {  	s9 =	sadd.s32 $0xFFFFFEF7, lr;
	s5 =	simm.s32 $0xFFFFFFFF;
	p2 =	slt.u32 s8, $0xFFFFF086  }
0x1c: {  	p1 =	slt.u32 s9, $0xF7A;
	s5 =	simm.s32 @!p2 $0x0  }
0x1d: {  	s5 =	simm.s32 @p1 $0x1;
	p0 =	seq.s32 s7, s2  }
0x1e: {  	s7 =	smul.u32 @!p0 $0xF7A, s2;
	p2 =	seq.s32 @!p0 s5, $0x0  }
0x1f: {  	s9 =	smul.u32 $0xF7A, s1;
	s8 =	simm.s32 @!p0 $0x1BF5;
	p2 =	por !p2, p0  }
0x20: {  	[sflag:s8] =	ssyncset.s32 @!p0 $0xFFFFF086;
	s6 =	sadd.s32 @!p0 s3, s7;
	s7 =	simm.s32 @!p0 $0x108  }
0x21: {  	s3 =	sadd.s32 s3, s9;
	s6 =	sadd.s32 @!p0 $0x88, s6;
	s7 =	simm.s32 @p2 $0x1082  }
0x22: {  	[simem:s7], [sflag:s8] =	dma.local @!p0 [hbm:s6], $0xF7A  }
0x23: {  	s9 =	sor.u32 $0xD0000000, s2;
	s6 =	simm.s32 $0x108;
	_ =	swait.ge @!p0 [sflag:s8], $0x0  }
0x24: {  	s3 =	sadd.s32 $0x88, s3;
	s6 =	simm.s32 @!p1 $0x1082;
	[sflag:s4] =	ssyncset.s32 $0xFFFFF086  }
0x25: {  	[simem:s6], [sflag:s4] =	dma.local [hbm:s3], $0xF7A  }
0x26: {  	[smem:$0x3F9F] =	sst s1;
	(tag) =	ssettag s2;
	_ =	strace s9  }
0x27: {  	s1 =	sld [smem:$0x3FAF]  }
0x28: {  	s2 =	sld [smem:$0x3FB0]  }
0x29: {  	s4 =	sld [smem:$0x3FB2]  }
0x2a: {  	p0 =	seq.s32 s5, $0x0;
	s5 =	sld [smem:$0x3FB3]  }
0x2b: {  	s6 =	sld [smem:$0x3FB4]  }
0x2c: {  	s7 =	sld [smem:$0x3FB5]  }
0x2d: {  	s3 =	simm.s32 $0x108;
	s8 =	sld [smem:$0x3FB6]  }
0x2e: {  	s3 =	simm.s32 @!p0 $0x1082;
	s9 =	sld [smem:$0x3FB7]  }
0x2f: {  	lr =	sadd.s32 s0, s3;
	s0 =	sld [smem:$0x3FAE]  }
0x30: {  	s3 =	sld [smem:$0x3FB1]  }
0x31: {  	[smem:$0x3FBA] =	sst s10  }
0x32: {  	s10 =	sld [smem:$0x3FB8];
	_ =	sdelay $0x3  }
0x33: {  	p0 =	seq.s32 s10, $0x1;
	s10 =	sld [smem:$0x3FBA];
	_ =	sdelay $0x3  }
0x34: {  	[smem:$0x3FBA] =	sst s10  }
0x35: {  	s10 =	sld [smem:$0x3FB9];
	_ =	sdelay $0x3  }
0x36: {  	p1 =	seq.s32 s10, $0x1;
	s10 =	sld [smem:$0x3FBA];
	_ =	sdelay $0x3  }
0x37: {  	[smem:$0x3FBA] =	sst s10  }
0x38: {  	s10 =	sld [smem:$0x3FBB]  }
0x39: {  	_ = 	snop;
	(pc) =	sbr.ind lr, $3  }
0x3a: {  	_ = 	snop  }
0x3b: {  	_ = 	snop  }
0x3c: {  	p2 =	seq.s32 s10, $0x1;
	s10 =	sld [smem:$0x3FBA]  }
0x3d: {  	_ =	shalt  }
0x3e: {  	_ =	shalt  }
0x3f: {  	_ =	shalt  }
0x40: {  	_ =	shalt  }
0x41: {  	_ =	shalt  }
0x42: {  	_ =	shalt  }
0x43: {  	_ =	shalt  }
0x44: {  	_ =	shalt  }
0x45: {  	_ =	shalt  }
0x46: {  	_ =	shalt  }
0x47: {  	_ =	shalt  }
0x48: {  	_ =	shalt  }
0x49: {  	_ =	shalt  }
0x4a: {  	_ =	shalt  }
0x4b: {  	_ =	shalt  }
0x4c: {  	_ =	shalt  }
0x4d: {  	_ =	shalt  }
0x4e: {  	_ =	shalt  }
0x4f: {  	_ =	shalt  }
0x50: {  	_ =	shalt  }
0x51: {  	_ =	shalt  }
0x52: {  	_ =	shalt  }
0x53: {  	_ =	shalt  }
0x54: {  	_ =	shalt  }
0x55: {  	_ =	shalt  }
0x56: {  	_ =	shalt  }
0x57: {  	_ =	shalt  }
0x58: {  	_ =	shalt  }
0x59: {  	_ =	shalt  }
0x5a: {  	_ =	shalt  }
0x5b: {  	_ =	shalt  }
0x5c: {  	_ =	shalt  }
0x5d: {  	_ =	shalt  }
0x5e: {  	_ =	shalt  }
0x5f: {  	_ =	shalt  }
0x60: {  	_ =	shalt  }
0x61: {  	_ =	shalt  }
0x62: {  	_ =	shalt  }
0x63: {  	_ =	shalt  }
0x64: {  	_ =	shalt  }
0x65: {  	_ =	shalt  }
0x66: {  	_ =	shalt  }
0x67: {  	_ =	shalt  }
0x68: {  	_ =	shalt  }
0x69: {  	_ =	shalt  }
0x6a: {  	_ =	shalt  }
0x6b: {  	_ =	shalt  }
0x6c: {  	_ =	shalt  }
0x6d: {  	_ =	shalt  }
0x6e: {  	_ =	shalt  }
0x6f: {  	_ =	shalt  }
0x70: {  	_ =	shalt  }
0x71: {  	_ =	shalt  }
0x72: {  	_ =	shalt  }
0x73: {  	_ =	shalt  }
0x74: {  	_ =	shalt  }
0x75: {  	_ =	shalt  }
0x76: {  	_ =	shalt  }
0x77: {  	_ =	shalt  }
0x78: {  	_ =	shalt  }
0x79: {  	_ =	shalt  }
0x7a: {  	_ =	shalt  }
0x7b: {  	_ =	shalt  }
0x7c: {  	_ =	shalt  }
0x7d: {  	_ =	shalt  }
0x7e: {  	_ =	shalt  }
0x7f: {  	_ =	shalt  }
0x80: {  	_ =	shalt  }
0x81: {  	_ =	shalt  }
0x82: {  	_ =	shalt  }
0x83: {  	_ =	shalt  }
0x84: {  	_ =	shalt  }
0x85: {  	_ =	shalt  }
0x86: {  	_ =	shalt  }
0x87: {  	_ =	shalt  }
.Lfunc_end0:
.L_simem_size_0:
called_computation_lowered:
.L_overlay_start_0:
0x88: {  	s2 =	sld [smem:$0x3FD9]  }
0x89: {  	s3 =	sld [smem:$0x3FFE];
	_ =	sdelay $0x1  }
0x8a: {  	s1 =	srdreg.scid  }
0x8b: {  	s0 =	sand.u32 $0x1, s1  }
0x8c: {  	s18 =	sshll.u32 s0, $0xA;
	s2 =	sadd.s32 s3, s2  }
0x8d: {  	s2 =	sadd.s32 s2, s18  }
0x8e: {  	[smem:$0x3FC6] =	sst s2  }
0x8f: {  	_ = 	snop  }
0x90: {  	s2 =	sld [smem:$0x3FC9]  }
0x91: {  	s19 =	sld [smem:$0x3FC8]  }
0x92: {  	s4 =	sld [smem:$0x3FD0];
	(tm) =	ssettm $0x1  }
0x93: {  	s5 =	sld [smem:$0x3FFB];
	_ =	sdelay $0x3  }
0x94: {  	_ =	strace s5  }
0x95: {  	s5 =	sld [smem:$0x3FFC];
	_ =	sdelay $0x3  }
0x96: {  	_ =	strace s5  }
0x97: {  	s5 =	sld [smem:$0x3FFD];
	_ =	sdelay $0x3  }
0x98: {  	_ =	strace s5  }
0x99: {  	_ =	strace $0x8FFFFFFF  }
0x9a: {  	s20 =	sld [smem:$0x3FDB];
	_ =	sdelay $0x1  }
0x9b: {  	s6 =	simm.s32 $_scs_section_size  }
0x9c: {  	s7 =	simm.s32 $_size__tile_overlayer_lowered;
	s8 =	simm.s32 $_tile_overlayer_lowered  }
0x9d: {  	s23 =	simm.s32 $0x1BFF;
	s22 =	sshll.u32 s8, $0x1;
	s5 =	sadd.s32 s6, s20  }
0x9e: {  	s9 =	simm.s32 $0x0;
	s21 =	sshll.u32 s7, $0x1;
	s7 =	sadd.s32 s22, s5  }
0x9f: {  	[timem:s9], [sflag:s23] =	dma.local [hbm:s7], s21  }
0xa0: {  	_ =	swait.ge [sflag:s23], s21  }
0xa1: {  	s6 =	ssub.s32 $0x0, s21;
	[sflag:s23] =	ssyncset.done $0x0  }
0xa2: {  	[sflag:s23] =	ssyncadd.s32 s6;
	_ =	sdelay $0x1  }
0xa3: {  	s24 =	simm.s32 $0x1B8B  }
0xa4: {  	_ =	swait.ge [sflag:s24], $0x1  }
0xa5: {  	[sflag:s24] =	ssyncset.done $0x0  }
0xa6: {  	s25 =	simm.s32 $0x1B8E;
	[sflag:s24] =	ssyncadd.s32 $0xFFFFFFFF  }
0xa7: {  	s26 =	simm.s32 $execute0_lowered;
	[smem:$0x3FD2] =	sst s25  }
0xa8: {  	s6 =	sshll.u32 s26, $0x1;
	_ =	strace $0x80000046;
	[dreg:$0x1] =	wrdreg $0xFFFFFFFF  }
0xa9: {  	s28 =	simm.s32 $_size_execute0_lowered;
	s5 =	sadd.s32 s5, s6;
	[dreg:$0x0] =	wrdreg $0x0  }
0xaa: {  	s6 =	sshll.u32 s28, $0x1;
	[dreg:$0x2] =	wrdreg s5  }
0xab: {  	[dreg:$0x3] =	wrdreg s6  }
0xac: {  	[dreg:$0x4] =	wrdreg $0xC0  }
0xad: {  	_ =	task [dreg:s9], $0x5FFFF  }
0xae: {  	[dreg:$0x1] =	wrdreg $0xFFFFFFFF  }
0xaf: {  	[dreg:$0x0] =	wrdreg $0x60  }
0xb0: {  	[dreg:$0x2] =	wrdreg s2  }
0xb1: {  	[dreg:$0x3] =	wrdreg s19  }
0xb2: {  	[dreg:$0x4] =	wrdreg s4  }
0xb3: {  	[dreg:$0x5] =	wrdreg $0x9  }
0xb4: {  	_ =	task.clear_ibuf [dreg:s9], $0x6FFFF;
	_ =	strace $0x90000046  }
0xb5: {  	s29 =	simm.s32 $0x9;
	_ =	strace $0x80000048  }
0xb6: {  	_ =	swait.ge [sflag:s29], $0x1  }
0xb7: {  	[sflag:s29] =	ssyncadd.s32 $0xFFFFFFFF  }
0xb8: {  	_ =	strace $0x90000048  }
0xb9: {  	_ =	sfence  }
0xba: {  	s30 =	sld [smem:$0x0];
	_ =	sdelay $0x2  }
0xbb: {  	s31 =	sshll.u32 s1, $0xD;
	s1 =	sshrl.u32 s1, $0x2  }
0xbc: {  	s3 =	sand.u32 $0x4000, s31;
	s1 =	sadd.s32 s1, s30  }
0xbd: {  	s0 =	sor.u32 s3, s0;
	s1 =	sshll.u32 s1, $0x11  }
0xbe: {  	s0 =	sor.u32 s1, s0  }
0xbf: {  	s0 =	sadd.s32 $0x8F2B, s0  }
0xc0: {  	[sflag:s0] =	ssyncadd.remote.s32 $0x1  }
0xc1: {  	_ =	sfence.sel $0xFFFF  }
0xc2: {  	[dreg:$0x0] =	wrdreg $0xFFFFFFFF;
	(pc) =	sbr.abs _section_cstart, $3  }
0xc3: {  	[dreg:$0x1] =	wrdreg $0xFFFFFFFF  }
0xc4: {  	_ =	task.clear_ibuf [dreg:s9], $0x2FFFF;
	_ =	strace $0x9FFFFFFF  }
0xc5: {  	(tm) =	ssettm $0x7FFFFFFF  }
tec
execute0_lowered:
.L_overlay_start_1:
0x0: {  	(tag) =	ssettag $0x1  }
0x1: {  	v0 =	vimm.s32 $0x1380;
	vm14 =	vcmask $0x300;
	vm13 =	vcmask $0x704  }
0x2: {  	vm12 =	vcmask $0xB08;
	vm11 =	vcmask $0xF0C;
	vm10 =	vcmask $0x1310  }
0x3: {  	vm9 =	vcmask $0x1714;
	v1 =	vlaneseq.u32;
	vm8 =	vcmask $0x1B18  }
0x4: {  	vm1 =	vcmask $0x1F1C;
	v3 =	vimm.s32 $0x1FF8;
	vm0 =	vcmask $0x2320  }
0x5: {  	vm2 =	vcmask $0x2724;
	vm3 =	vcmask $0x2B28;
	vm4 =	vcmask $0x2F2C  }
0x6: {  	vm5 =	vcmask $0x3330;
	vm6 =	vcmask $0x3734;
	vm7 =	vcmask $0x3B38  }
0x7: {  	v6 =	vimm.s32 $0x1FF9;
	v7 =	vimm.s32 $0x3FF9;
	v8 =	vimm.s32 $0x1FFA  }
0x8: {  	v9 =	vimm.s32 $0x3FFA;
	v10 =	vimm.s32 $0x1FFB;
	v11 =	vimm.s32 $0x3FFB  }
0x9: {  	v12 =	vimm.s32 $0x1FFC;
	v13 =	vimm.s32 $0x3FFC;
	v14 =	vimm.s32 $0x1FFD  }
0xa: {  	v15 =	vimm.s32 $0x3FFD;
	v16 =	vimm.s32 $0x1FFE;
	v17 =	vimm.s32 $0x3FFE  }
0xb: {  	v18 =	vimm.s32 $0x1FFF;
	v19 =	vimm.s32 $0x3FFF;
	v0 =	vsel vm14, $0x0, v0  }
0xc: {  	v3 =	vsel vm14, $0xC78, v3;
	v6 =	vsel vm14, $0xC79, v6;
	v7 =	vsel vm14, $0x2C79, v7  }
0xd: {  	v8 =	vsel vm14, $0xC7A, v8;
	v9 =	vsel vm14, $0x2C7A, v9;
	v10 =	vsel vm14, $0xC7B, v10  }
0xe: {  	v11 =	vsel vm14, $0x2C7B, v11;
	v12 =	vsel vm14, $0xC7C, v12;
	v13 =	vsel vm14, $0x2C7C, v13  }
0xf: {  	v14 =	vsel vm14, $0xC7D, v14;
	v15 =	vsel vm14, $0x2C7D, v15;
	v16 =	vsel vm14, $0xC7E, v16  }
0x10: {  	v17 =	vsel vm14, $0x2C7E, v17;
	v18 =	vsel vm14, $0xC7F, v18;
	v19 =	vsel vm14, $0x2C7F, v19  }
0x11: {  	v0 =	vsel vm13, $0x80, v0;
	v3 =	vsel vm13, $0xCF8, v3;
	v6 =	vsel vm13, $0xCF9, v6  }
0x12: {  	v7 =	vsel vm13, $0x2CF9, v7;
	v8 =	vsel vm13, $0xCFA, v8;
	v9 =	vsel vm13, $0x2CFA, v9  }
0x13: {  	v10 =	vsel vm13, $0xCFB, v10;
	v11 =	vsel vm13, $0x2CFB, v11;
	v12 =	vsel vm13, $0xCFC, v12  }
0x14: {  	v13 =	vsel vm13, $0x2CFC, v13;
	v14 =	vsel vm13, $0xCFD, v14;
	v15 =	vsel vm13, $0x2CFD, v15  }
0x15: {  	v16 =	vsel vm13, $0xCFE, v16;
	v17 =	vsel vm13, $0x2CFE, v17;
	v18 =	vsel vm13, $0xCFF, v18  }
0x16: {  	v19 =	vsel vm13, $0x2CFF, v19;
	v0 =	vsel vm12, $0x100, v0;
	v3 =	vsel vm12, $0xD78, v3  }
0x17: {  	v6 =	vsel vm12, $0xD79, v6;
	v7 =	vsel vm12, $0x2D79, v7;
	v8 =	vsel vm12, $0xD7A, v8  }
0x18: {  	v9 =	vsel vm12, $0x2D7A, v9;
	v10 =	vsel vm12, $0xD7B, v10;
	v11 =	vsel vm12, $0x2D7B, v11  }
0x19: {  	v12 =	vsel vm12, $0xD7C, v12;
	v13 =	vsel vm12, $0x2D7C, v13;
	v14 =	vsel vm12, $0xD7D, v14  }
0x1a: {  	v15 =	vsel vm12, $0x2D7D, v15;
	v16 =	vsel vm12, $0xD7E, v16;
	v17 =	vsel vm12, $0x2D7E, v17  }
0x1b: {  	v18 =	vsel vm12, $0xD7F, v18;
	v19 =	vsel vm12, $0x2D7F, v19;
	v0 =	vsel vm11, $0x180, v0  }
0x1c: {  	v3 =	vsel vm11, $0xDF8, v3;
	v6 =	vsel vm11, $0xDF9, v6;
	v7 =	vsel vm11, $0x2DF9, v7  }
0x1d: {  	v8 =	vsel vm11, $0xDFA, v8;
	v9 =	vsel vm11, $0x2DFA, v9;
	v10 =	vsel vm11, $0xDFB, v10  }
0x1e: {  	v11 =	vsel vm11, $0x2DFB, v11;
	v12 =	vsel vm11, $0xDFC, v12;
	v13 =	vsel vm11, $0x2DFC, v13  }
0x1f: {  	v14 =	vsel vm11, $0xDFD, v14;
	v15 =	vsel vm11, $0x2DFD, v15;
	v16 =	vsel vm11, $0xDFE, v16  }
0x20: {  	v17 =	vsel vm11, $0x2DFE, v17;
	v18 =	vsel vm11, $0xDFF, v18;
	v19 =	vsel vm11, $0x2DFF, v19  }
0x21: {  	v0 =	vsel vm10, $0x200, v0;
	v3 =	vsel vm10, $0xE78, v3;
	v6 =	vsel vm10, $0xE79, v6  }
0x22: {  	v7 =	vsel vm10, $0x2E79, v7;
	v8 =	vsel vm10, $0xE7A, v8;
	v9 =	vsel vm10, $0x2E7A, v9  }
0x23: {  	v10 =	vsel vm10, $0xE7B, v10;
	v11 =	vsel vm10, $0x2E7B, v11;
	v12 =	vsel vm10, $0xE7C, v12  }
0x24: {  	v13 =	vsel vm10, $0x2E7C, v13;
	v14 =	vsel vm10, $0xE7D, v14;
	v15 =	vsel vm10, $0x2E7D, v15  }
0x25: {  	v16 =	vsel vm10, $0xE7E, v16;
	v17 =	vsel vm10, $0x2E7E, v17;
	v18 =	vsel vm10, $0xE7F, v18  }
0x26: {  	v19 =	vsel vm10, $0x2E7F, v19;
	v2 =	vsel vm9, $0x280, v0;
	v0 =	vmul.u32 $0x80, v1  }
0x27: {  	v3 =	vsel vm9, $0xEF8, v3;
	v6 =	vsel vm9, $0xEF9, v6;
	v7 =	vsel vm9, $0x2EF9, v7  }
0x28: {  	v8 =	vsel vm9, $0xEFA, v8;
	v9 =	vsel vm9, $0x2EFA, v9;
	v10 =	vsel vm9, $0xEFB, v10  }
0x29: {  	v11 =	vsel vm9, $0x2EFB, v11;
	v12 =	vsel vm9, $0xEFC, v12;
	v13 =	vsel vm9, $0x2EFC, v13  }
0x2a: {  	v14 =	vsel vm9, $0xEFD, v14;
	v15 =	vsel vm9, $0x2EFD, v15;
	v16 =	vsel vm9, $0xEFE, v16  }
0x2b: {  	v17 =	vsel vm9, $0x2EFE, v17;
	v18 =	vsel vm9, $0xEFF, v18;
	v19 =	vsel vm9, $0x2EFF, v19  }
0x2c: {  	v1 =	vsel vm8, $0x300, v2;
	v2 =	vimm.s32 $0x3380;
	v3 =	vsel vm8, $0xF78, v3  }
0x2d: {  	v6 =	vsel vm8, $0xF79, v6;
	v7 =	vsel vm8, $0x2F79, v7;
	v8 =	vsel vm8, $0xF7A, v8  }
0x2e: {  	v9 =	vsel vm8, $0x2F7A, v9;
	v10 =	vsel vm8, $0xF7B, v10;
	v11 =	vsel vm8, $0x2F7B, v11  }
0x2f: {  	v12 =	vsel vm8, $0xF7C, v12;
	v13 =	vsel vm8, $0x2F7C, v13;
	v14 =	vsel vm8, $0xF7D, v14  }
0x30: {  	v15 =	vsel vm8, $0x2F7D, v15;
	v16 =	vsel vm8, $0xF7E, v16;
	v17 =	vsel vm8, $0x2F7E, v17  }
0x31: {  	v18 =	vsel vm8, $0xF7F, v18;
	v19 =	vsel vm8, $0x2F7F, v19;
	v1 =	vsel vm1, $0x380, v1  }
0x32: {  	v2 =	vsel vm14, $0x2000, v2;
	v3 =	vsel vm1, $0xFF8, v3;
	v6 =	vsel vm1, $0xFF9, v6  }
0x33: {  	v7 =	vsel vm1, $0x2FF9, v7;
	v8 =	vsel vm1, $0xFFA, v8;
	v9 =	vsel vm1, $0x2FFA, v9  }
0x34: {  	v10 =	vsel vm1, $0xFFB, v10;
	v11 =	vsel vm1, $0x2FFB, v11;
	v12 =	vsel vm1, $0xFFC, v12  }
0x35: {  	v13 =	vsel vm1, $0x2FFC, v13;
	v14 =	vsel vm1, $0xFFD, v14;
	v15 =	vsel vm1, $0x2FFD, v15  }
0x36: {  	v16 =	vsel vm1, $0xFFE, v16;
	v17 =	vsel vm1, $0x2FFE, v17;
	v18 =	vsel vm1, $0xFFF, v18  }
0x37: {  	v19 =	vsel vm1, $0x2FFF, v19;
	v1 =	vsel vm0, $0x1000, v1;
	v2 =	vsel vm13, $0x2080, v2  }
0x38: {  	v3 =	vsel vm0, $0x1C78, v3;
	v6 =	vsel vm0, $0x1C79, v6;
	v7 =	vsel vm0, $0x3C79, v7  }
0x39: {  	v8 =	vsel vm0, $0x1C7A, v8;
	v9 =	vsel vm0, $0x3C7A, v9;
	v10 =	vsel vm0, $0x1C7B, v10  }
0x3a: {  	v11 =	vsel vm0, $0x3C7B, v11;
	v12 =	vsel vm0, $0x1C7C, v12;
	v13 =	vsel vm0, $0x3C7C, v13  }
0x3b: {  	v14 =	vsel vm0, $0x1C7D, v14;
	v15 =	vsel vm0, $0x3C7D, v15;
	v16 =	vsel vm0, $0x1C7E, v16  }
0x3c: {  	v17 =	vsel vm0, $0x3C7E, v17;
	v18 =	vsel vm0, $0x1C7F, v18;
	v19 =	vsel vm0, $0x3C7F, v19  }
0x3d: {  	v2 =	vsel vm12, $0x2100, v2;
	v1 =	vsel vm2, $0x1080, v1;
	v3 =	vsel vm2, $0x1CF8, v3  }
0x3e: {  	v6 =	vsel vm2, $0x1CF9, v6;
	v7 =	vsel vm2, $0x3CF9, v7;
	v8 =	vsel vm2, $0x1CFA, v8  }
0x3f: {  	v9 =	vsel vm2, $0x3CFA, v9;
	v10 =	vsel vm2, $0x1CFB, v10;
	v11 =	vsel vm2, $0x3CFB, v11  }
0x40: {  	v12 =	vsel vm2, $0x1CFC, v12;
	v13 =	vsel vm2, $0x3CFC, v13;
	v14 =	vsel vm2, $0x1CFD, v14  }
0x41: {  	v15 =	vsel vm2, $0x3CFD, v15;
	v16 =	vsel vm2, $0x1CFE, v16;
	v17 =	vsel vm2, $0x3CFE, v17  }
0x42: {  	v18 =	vsel vm2, $0x1CFF, v18;
	v19 =	vsel vm2, $0x3CFF, v19;
	v2 =	vsel vm11, $0x2180, v2  }
0x43: {  	v1 =	vsel vm3, $0x1100, v1;
	v3 =	vsel vm3, $0x1D78, v3;
	v6 =	vsel vm3, $0x1D79, v6  }
0x44: {  	v7 =	vsel vm3, $0x3D79, v7;
	v8 =	vsel vm3, $0x1D7A, v8;
	v9 =	vsel vm3, $0x3D7A, v9  }
0x45: {  	v10 =	vsel vm3, $0x1D7B, v10;
	v11 =	vsel vm3, $0x3D7B, v11;
	v12 =	vsel vm3, $0x1D7C, v12  }
0x46: {  	v13 =	vsel vm3, $0x3D7C, v13;
	v14 =	vsel vm3, $0x1D7D, v14;
	v15 =	vsel vm3, $0x3D7D, v15  }
0x47: {  	v16 =	vsel vm3, $0x1D7E, v16;
	v17 =	vsel vm3, $0x3D7E, v17;
	v18 =	vsel vm3, $0x1D7F, v18  }
0x48: {  	v19 =	vsel vm3, $0x3D7F, v19;
	v2 =	vsel vm10, $0x2200, v2;
	v1 =	vsel vm4, $0x1180, v1  }
0x49: {  	v3 =	vsel vm4, $0x1DF8, v3;
	v6 =	vsel vm4, $0x1DF9, v6;
	v7 =	vsel vm4, $0x3DF9, v7  }
0x4a: {  	v8 =	vsel vm4, $0x1DFA, v8;
	v9 =	vsel vm4, $0x3DFA, v9;
	v10 =	vsel vm4, $0x1DFB, v10  }
0x4b: {  	v11 =	vsel vm4, $0x3DFB, v11;
	v12 =	vsel vm4, $0x1DFC, v12;
	v13 =	vsel vm4, $0x3DFC, v13  }
0x4c: {  	v14 =	vsel vm4, $0x1DFD, v14;
	v15 =	vsel vm4, $0x3DFD, v15;
	v16 =	vsel vm4, $0x1DFE, v16  }
0x4d: {  	v17 =	vsel vm4, $0x3DFE, v17;
	v18 =	vsel vm4, $0x1DFF, v18;
	v19 =	vsel vm4, $0x3DFF, v19  }
0x4e: {  	v2 =	vsel vm9, $0x2280, v2;
	v1 =	vsel vm5, $0x1200, v1;
	v3 =	vsel vm5, $0x1E78, v3  }
0x4f: {  	v6 =	vsel vm5, $0x1E79, v6;
	v7 =	vsel vm5, $0x3E79, v7;
	v2 =	vsel vm8, $0x2300, v2  }
0x50: {  	v8 =	vsel vm5, $0x1E7A, v8;
	v9 =	vsel vm5, $0x3E7A, v9;
	v2 =	vsel vm1, $0x2380, v2  }
0x51: {  	v10 =	vsel vm5, $0x1E7B, v10;
	v11 =	vsel vm5, $0x3E7B, v11;
	v2 =	vsel vm0, $0x3000, v2  }
0x52: {  	v12 =	vsel vm5, $0x1E7C, v12;
	v13 =	vsel vm5, $0x3E7C, v13;
	v2 =	vsel vm2, $0x3080, v2  }
0x53: {  	v14 =	vsel vm5, $0x1E7D, v14;
	v15 =	vsel vm5, $0x3E7D, v15;
	v2 =	vsel vm3, $0x3100, v2  }
0x54: {  	v16 =	vsel vm5, $0x1E7E, v16;
	v17 =	vsel vm5, $0x3E7E, v17;
	v2 =	vsel vm4, $0x3180, v2  }
0x55: {  	s1 =	rddreg [dreg:$0x0];
	v18 =	vsel vm5, $0x1E7F, v18;
	v19 =	vsel vm5, $0x3E7F, v19;
	v2 =	vsel vm5, $0x3200, v2  }
0x56: {  	s0 =	rddreg [dreg:$0x1];
	s2 =	srdreg.scid;
	v1 =	vsel vm6, $0x1280, v1;
	v5 =	vsel vm6, $0x1EF8, v3;
	v4 =	vsel vm6, $0x3280, v2  }
0x57: {  	s3 =	rddreg [dreg:$0x2];
	s4 =	stileid.u32;
	s6 =	simm.s32 $0x0;
	v3 =	vsel vm7, $0x3300, v4;
	v4 =	vsel vm7, $0x1F78, v5;
	v5 =	vimm.s32 $0x3FF8  }
0x58: {  	s8 =	simm.s32 $0x1;
	s9 =	simm.s32 $0x400;
	s10 =	simm.s32 $0x7A1400;
	v6 =	vsel vm6, $0x1EF9, v6;
	v7 =	vsel vm6, $0x3EF9, v7;
	v5 =	vsel vm14, $0x2C78, v5  }
0x59: {  	s14 =	simm.s32 $0x3280;
	s15 =	simm.s32 $0x4280;
	s16 =	simm.s32 $0x5280;
	v8 =	vsel vm6, $0x1EFA, v8;
	v9 =	vsel vm6, $0x3EFA, v9;
	v5 =	vsel vm13, $0x2CF8, v5  }
0x5a: {  	s17 =	simm.s32 $0x6280;
	s18 =	simm.s32 $0x7280;
	s28 =	simm.s32 $0x9280;
	v10 =	vsel vm6, $0x1EFB, v10;
	v11 =	vsel vm6, $0x3EFB, v11;
	v5 =	vsel vm12, $0x2D78, v5  }
0x5b: {  	s29 =	simm.s32 $0xA280;
	s30 =	simm.s32 $0xB280;
	s31 =	simm.s32 $0xC280;
	v12 =	vsel vm6, $0x1EFC, v12;
	v13 =	vsel vm6, $0x3EFC, v13;
	v5 =	vsel vm11, $0x2DF8, v5  }
0x5c: {  	s11 =	simm.s32 $0x11280;
	s12 =	simm.s32 $0x12280;
	s13 =	simm.s32 $0x13280;
	v14 =	vsel vm6, $0x1EFD, v14;
	v15 =	vsel vm6, $0x3EFD, v15;
	v5 =	vsel vm10, $0x2E78, v5  }
0x5d: {  	s7 =	simm.s32 $0x3;
	s19 =	simm.s32 $0x4;
	s20 =	simm.s32 $0x5;
	v16 =	vsel vm6, $0x1EFE, v16;
	v17 =	vsel vm6, $0x3EFE, v17;
	v5 =	vsel vm9, $0x2EF8, v5  }
0x5e: {  	s21 =	simm.s32 $0x6;
	s2 =	sand.u32 $0x1, s2;
	s4 =	sshll.u32 s4, $0xA;
	v18 =	vsel vm6, $0x1EFF, v18;
	v19 =	vsel vm6, $0x3EFF, v19;
	v5 =	vsel vm8, $0x2F78, v5  }
0x5f: {  	[smem:$0x7FF] =	sst s6;
	s6 =	simm.s32 $0x2;
	s5 =	sshll.u32 s2, $0x9;
	v1 =	vsel vm7, $0x1300, v1;
	v6 =	vsel vm7, $0x1F79, v6;
	v5 =	vsel vm1, $0x2FF8, v5  }
0x60: {  	s2 =	ssub.s32 $0x2, s2;
	_ =	strace $0x80000047;
	s4 =	sor.u32 s5, s4;
	v7 =	vsel vm7, $0x3F79, v7;
	v8 =	vsel vm7, $0x1F7A, v8;
	v5 =	vsel vm0, $0x3C78, v5  }
0x61: {  	s23 =	sshrl.u32 s2, $0x1;
	s5 =	simm.s32 $0x18280;
	s24 =	sshrl.u32 s4, $0x3;
	v9 =	vsel vm7, $0x3F7A, v9;
	v10 =	vsel vm7, $0x1F7B, v10;
	v5 =	vsel vm2, $0x3CF8, v5  }
.Ltmp0:
0x62: {  	s2 =	ssub.s32 s2, s23;
	s25 =	sadd.s32 s3, s4;
	v11 =	vsel vm7, $0x3F7B, v11;
	v12 =	vsel vm7, $0x1F7C, v12;
	v5 =	vsel vm3, $0x3D78, v5;
	(pc) =	sbr.rel .LBB2_1-.Ltmp0, $4  }
0x63: {  	s3 =	simm.s32 $0xF280;
	s4 =	simm.s32 $0x10280;
	s23 =	simm.s32 $0x0;
	v13 =	vsel vm7, $0x3F7C, v13;
	v14 =	vsel vm7, $0x1F7D, v14;
	v5 =	vsel vm4, $0x3DF8, v5  }
0x64: {  	s1 =	sadd.s32 s1, s24;
	[dreg:$0x5] =	wrdreg s25;
	s26 =	smax.u32 s2, $0x1;
	v15 =	vsel vm7, $0x3F7D, v15;
	v16 =	vsel vm7, $0x1F7E, v16;
	v5 =	vsel vm5, $0x3E78, v5  }
0x65: {  	s24 =	simm.s32 $0x7;
	s2 =	simm.s32 $0xD280;
	[dreg:$0x4] =	wrdreg s1;
	v17 =	vsel vm7, $0x3F7E, v17;
	v18 =	vsel vm7, $0x1F7F, v18;
	v5 =	vsel vm6, $0x3EF8, v5  }
0x66: {  	[dreg:$0x6] =	wrdreg s26;
	s26 =	simm.s32 $0x8280;
	s1 =	simm.s32 $0xE280;
	v19 =	vsel vm7, $0x3F7F, v19;
	v2 =	vor.u32 $0x800, v0;
	v5 =	vsel vm7, $0x3F78, v5  }
.LBB2_10:
0x67: {  	_ =	swait.ge [sflag:s8], $0x1000  }
0x68: {  	[sflag:s8] =	ssyncset.done $0x0  }
0x69: {  	[sflag:s8] =	ssyncadd.s32 $0xFFFFF000  }
0x6a: {  	_ =	swait.ge [sflag:s8], $0x1000  }
0x6b: {  	[sflag:s8] =	ssyncset.done $0x0  }
0x6c: {  	[sflag:s8] =	ssyncadd.s32 $0xFFFFF000  }
0x6d: {  	_ =	swait.ge [sflag:s8], $0x1000  }
0x6e: {  	[sflag:s8] =	ssyncset.done $0x0  }
0x6f: {  	[sflag:s8] =	ssyncadd.s32 $0xFFFFF000  }
0x70: {  	_ =	swait.ge [sflag:s8], $0x1000  }
0x71: {  	[sflag:s8] =	ssyncset.done $0x0  }
0x72: {  	[sflag:s8] =	ssyncadd.s32 $0xFFFFF000  }
0x73: {  	v20 =	vld [tilespmem:$0x1F8];
	_ =	sdelay $0x4  }
0x74: {  	(v2sf) =	vpush v20, $0x0;
	_ =	sdelay $0xb  }
0x75: {  	(v2sf) =	vpush v20, $0x1;
	_ =	sdelay $0x2  }
0x76: {  	s22 =	spop (v2sf)  }
0x77: {  	s22 =	sand.u32 $0x7F, s22  }
0x78: {  	v21 =	vor.u32 s22, v0;
	_ =	sdelay $0x3  }
0x79: {  	s23 =	simm.s32 $0x280  }
0x7a: {  	v21 =	vld.idx.msk [tilespmem:v21+s23+$0x0], $0xffff  }
0x7b: {  	v22 =	vor.u32 s22, v2  }
0x7c: {  	(v2sf) =	vpush v20, $0x2;
	_ =	sdelay $0x2  }
0x7d: {  	s24 =	spop (v2sf);
	[tilespmem:v4+s5+$0x0] =	vst.idx.msk $0xffff, v21  }
0x7e: {  	s22 =	sand.u32 $0x7F, s24;
	v21 =	vld.idx.msk [tilespmem:v22+s23+$0x0], $0xffff  }
0x7f: {  	v50 =	vor.u32 s22, v0;
	_ =	sdelay $0x3  }
0x80: {  	s25 =	simm.s32 $0x1280;
	[tilespmem:v5+s5+$0x0] =	vst.idx.msk $0xffff, v21  }
0x81: {  	v21 =	vld.idx.msk [tilespmem:v50+s25+$0x0], $0xffff  }
0x82: {  	v51 =	vor.u32 s22, v2  }
0x83: {  	(v2sf) =	vpush v20, $0x3;
	_ =	sdelay $0x2  }
0x84: {  	s14 =	spop (v2sf);
	[tilespmem:v6+s5+$0x0] =	vst.idx.msk $0xffff, v21  }
0x85: {  	s22 =	sand.u32 $0x7F, s14;
	v20 =	vld.idx.msk [tilespmem:v51+s25+$0x0], $0xffff  }
0x86: {  	v52 =	vor.u32 s22, v0;
	_ =	sdelay $0x3  }
0x87: {  	s15 =	simm.s32 $0x2280;
	[tilespmem:v7+s5+$0x0] =	vst.idx.msk $0xffff, v20  }
0x88: {  	v20 =	vld.idx.msk [tilespmem:v52+s15+$0x0], $0xffff  }
0x89: {  	v53 =	vor.u32 s22, v2;
	_ =	sdelay $0x3  }
0x8a: {  	s16 =	spop (v2sf);
	[tilespmem:v8+s5+$0x0] =	vst.idx.msk $0xffff, v20  }
0x8b: {  	s22 =	sand.u32 $0x7F, s16;
	v20 =	vld.idx.msk [tilespmem:v53+s15+$0x0], $0xffff  }
0x8c: {  	v54 =	vor.u32 s22, v0;
	_ =	sdelay $0x3  }
0x8d: {  	s14 =	simm.s32 $0x3280;
	[tilespmem:v9+s5+$0x0] =	vst.idx.msk $0xffff, v20  }
0x8e: {  	v20 =	vld.idx.msk [tilespmem:v54+s14+$0x0], $0xffff  }
0x8f: {  	v55 =	vor.u32 s22, v2;
	_ =	sdelay $0x3  }
0x90: {  	[tilespmem:v10+s5+$0x0] =	vst.idx.msk $0xffff, v20  }
0x91: {  	v20 =	vld.idx.msk [tilespmem:v55+s14+$0x0], $0xffff;
	_ =	sdelay $0x4  }
0x92: {  	[tilespmem:v11+s5+$0x0] =	vst.idx.msk $0xffff, v20  }
0x93: {  	_ =	swait.ge [sflag:s6], $0x1000  }
0x94: {  	[sflag:s6] =	ssyncset.done $0x0  }
0x95: {  	[sflag:s6] =	ssyncadd.s32 $0xFFFFF000  }
0x96: {  	_ =	swait.ge [sflag:s6], $0x1000  }
0x97: {  	[sflag:s6] =	ssyncset.done $0x0  }
0x98: {  	[sflag:s6] =	ssyncadd.s32 $0xFFFFF000  }
0x99: {  	_ =	swait.ge [sflag:s6], $0x1000  }
0x9a: {  	[sflag:s6] =	ssyncset.done $0x0  }
0x9b: {  	[sflag:s6] =	ssyncadd.s32 $0xFFFFF000  }
0x9c: {  	_ =	swait.ge [sflag:s6], $0x1000  }
0x9d: {  	[sflag:s6] =	ssyncset.done $0x0  }
0x9e: {  	[sflag:s6] =	ssyncadd.s32 $0xFFFFF000  }
0x9f: {  	v20 =	vld [tilespmem:$0x1F8];
	_ =	sdelay $0x4  }
0xa0: {  	(v2sf) =	vpush v20, $0x4;
	_ =	sdelay $0xb  }
0xa1: {  	(v2sf) =	vpush v20, $0x5;
	_ =	sdelay $0x2  }
0xa2: {  	s17 =	spop (v2sf)  }
0xa3: {  	s22 =	sand.u32 $0x7F, s17  }
0xa4: {  	v56 =	vor.u32 s22, v0;
	_ =	sdelay $0x3  }
0xa5: {  	s15 =	simm.s32 $0x4280  }
0xa6: {  	v21 =	vld.idx.msk [tilespmem:v56+s15+$0x0], $0xffff  }
0xa7: {  	v57 =	vor.u32 s22, v2  }
0xa8: {  	(v2sf) =	vpush v20, $0x6;
	_ =	sdelay $0x2  }
0xa9: {  	s23 =	spop (v2sf);
	[tilespmem:v12+s5+$0x0] =	vst.idx.msk $0xffff, v21  }
0xaa: {  	s22 =	sand.u32 $0x7F, s23;
	v21 =	vld.idx.msk [tilespmem:v57+s15+$0x0], $0xffff  }
0xab: {  	v58 =	vor.u32 s22, v0;
	_ =	sdelay $0x3  }
0xac: {  	s16 =	simm.s32 $0x5280;
	[tilespmem:v13+s5+$0x0] =	vst.idx.msk $0xffff, v21  }
0xad: {  	v21 =	vld.idx.msk [tilespmem:v58+s16+$0x0], $0xffff  }
0xae: {  	v59 =	vor.u32 s22, v2  }
0xaf: {  	(v2sf) =	vpush v20, $0x7;
	_ =	sdelay $0x2  }
0xb0: {  	s24 =	spop (v2sf);
	[tilespmem:v14+s5+$0x0] =	vst.idx.msk $0xffff, v21  }
0xb1: {  	s22 =	sand.u32 $0x7F, s24;
	v20 =	vld.idx.msk [tilespmem:v59+s16+$0x0], $0xffff  }
0xb2: {  	v60 =	vor.u32 s22, v0;
	_ =	sdelay $0x3  }
0xb3: {  	s17 =	simm.s32 $0x6280;
	[tilespmem:v15+s5+$0x0] =	vst.idx.msk $0xffff, v20  }
0xb4: {  	v20 =	vld.idx.msk [tilespmem:v60+s17+$0x0], $0xffff  }
0xb5: {  	v61 =	vor.u32 s22, v2;
	_ =	sdelay $0x3  }
0xb6: {  	s25 =	spop (v2sf);
	[tilespmem:v16+s5+$0x0] =	vst.idx.msk $0xffff, v20  }
0xb7: {  	s22 =	sand.u32 $0x7F, s25;
	v20 =	vld.idx.msk [tilespmem:v61+s17+$0x0], $0xffff  }
0xb8: {  	v62 =	vor.u32 s22, v0;
	_ =	sdelay $0x3  }
0xb9: {  	[tilespmem:v17+s5+$0x0] =	vst.idx.msk $0xffff, v20  }
0xba: {  	v20 =	vld.idx.msk [tilespmem:v62+s18+$0x0], $0xffff  }
0xbb: {  	v63 =	vor.u32 s22, v2;
	_ =	sdelay $0x3  }
0xbc: {  	[tilespmem:v18+s5+$0x0] =	vst.idx.msk $0xffff, v20  }
0xbd: {  	v20 =	vld.idx.msk [tilespmem:v63+s18+$0x0], $0xffff;
	_ =	sdelay $0x4  }
0xbe: {  	s23 =	rddreg [dreg:$0x5];
	s24 =	simm.s32 $0x20000;
	s25 =	simm.s32 $0x1000;
	[tilespmem:v19+s5+$0x0] =	vst.idx.msk $0xffff, v20  }
0xbf: {  	[hbm4b:s23+s25] =	stream.strided.scatter [tilespmem:s5], [sflag:$0x7], $0x4000, s24, s25, $0x38;
	[tilespmem:$0x1C280] =	vst v63  }
0xc0: {  	s24 =	simm.s32 $0x7  }
0xc1: {  	_ =	swait.ge [sflag:s24], $0x4000  }
0xc2: {  	s22 =	rddreg [dreg:$0x7]  }
0xc3: {  	s25 =	rddreg [dreg:$0x6];
	s23 =	sadd.s32 $0x1, s22  }
0xc4: {  	p0 =	sne.s32 s23, s25  }
.Ltmp1:
0xc5: {  	_ = 	snop;
	(pc) =	sbr.rel @!p0 .LBB2_11-.Ltmp1, $3  }
0xc6: {  	_ =	sdelay $0x1  }
0xc7: {  	[sflag:s24] =	ssyncset.done $0x0  }
0xc8: {  	[sflag:s24] =	ssyncadd.s32 $0xFFFFC000  }
.LBB2_1:
0xc9: {  	[dreg:$0x7] =	wrdreg s23  }
0xca: {  	s22 =	simm.s32 $0x0;
	s23 =	rddreg [dreg:$0x4]  }
0xcb: {  	[tilespmem:s22], [sflag:$0x7] =	stream.linear.gather [hbm4b:s23+s22], $0x200, $0x38;
	[tilespmem:$0x1C280] =	vst v63  }
0xcc: {  	_ =	swait.ge [sflag:s24], $0x200  }
0xcd: {  	[sflag:s24] =	ssyncset.done $0x0  }
0xce: {  	[sflag:s24] =	ssyncadd.s32 $0xFFFFFE00  }
0xcf: {  	v20 =	vld [tilespmem:$0x0];
	_ =	sdelay $0x4  }
0xd0: {  	(v2sf) =	vpush v20, $0x0;
	_ =	sdelay $0xa  }
0xd1: {  	(v2sf) =	vpush v20, $0x1;
	_ =	sdelay $0x3  }
0xd2: {  	s22 =	spop (v2sf)  }
0xd3: {  	s24 =	sand.u32 $0x7F, s22  }
0xd4: {  	p1 =	slt.s32 s22, $0x1;
	p0 =	sne.s32 s24, $0x0;
	s24 =	sshra.s32 s22, $0x1F  }
0xd5: {  	s23 =	sshrl.u32 s24, $0x19;
	p0 =	por !p1, !p0  }
0xd6: {  	s22 =	sadd.s32 s23, s22;
	p0 =	por !p0, !p0;
	s23 =	simm.s32 $0x1  }
0xd7: {  	s22 =	sshrl.u32 s22, $0x7;
	s23 =	simm.s32 @!p0 $0x0  }
0xd8: {  	s22 =	ssub.s32 s22, s23  }
0xd9: {  	(v2sf) =	vpush v20, $0x2;
	s22 =	sshll.u32 s22, $0x7  }
0xda: {  	s22 =	sand.u32 $0x1FFFFF80, s22  }
0xdb: {  	s25 =	simm.s32 $0x280;
	s22 =	sadd.s32 s0, s22  }
0xdc: {  	[tilespmem:s25], [sflag:$0x1] =	stream.strided.gather [hbm4b:s22+s9], $0x1000, s10, s9, $0x38;
	[tilespmem:$0x1C280] =	vst v63  }
0xdd: {  	s22 =	spop (v2sf)  }
0xde: {  	s24 =	sand.u32 $0x7F, s22  }
0xdf: {  	s25 =	sshra.s32 s22, $0x1F;
	p4 =	slt.s32 s22, $0x1;
	p3 =	sne.s32 s24, $0x0  }
0xe0: {  	s23 =	sshrl.u32 s25, $0x19;
	p0 =	por !p4, !p3  }
0xe1: {  	s22 =	sadd.s32 s23, s22;
	s23 =	simm.s32 $0x1;
	p0 =	por !p0, !p0  }
0xe2: {  	s22 =	sshrl.u32 s22, $0x7;
	s23 =	simm.s32 @!p0 $0x0  }
0xe3: {  	s22 =	ssub.s32 s22, s23  }
0xe4: {  	(v2sf) =	vpush v20, $0x3;
	s22 =	sshll.u32 s22, $0x7  }
0xe5: {  	s22 =	sand.u32 $0x1FFFFF80, s22  }
0xe6: {  	s24 =	simm.s32 $0x1280;
	s22 =	sadd.s32 s0, s22  }
0xe7: {  	[tilespmem:s24], [sflag:$0x1] =	stream.strided.gather [hbm4b:s22+s9], $0x1000, s10, s9, $0x38;
	[tilespmem:$0x1C280] =	vst v63  }
0xe8: {  	s22 =	spop (v2sf)  }
0xe9: {  	s25 =	sand.u32 $0x7F, s22  }
0xea: {  	s24 =	sshra.s32 s22, $0x1F;
	p6 =	slt.s32 s22, $0x1;
	p5 =	sne.s32 s25, $0x0  }
0xeb: {  	s23 =	sshrl.u32 s24, $0x19;
	p0 =	por !p6, !p5  }
0xec: {  	s22 =	sadd.s32 s23, s22;
	s23 =	simm.s32 $0x1;
	p0 =	por !p0, !p0  }
0xed: {  	s22 =	sshrl.u32 s22, $0x7;
	s23 =	simm.s32 @!p0 $0x0  }
0xee: {  	s22 =	ssub.s32 s22, s23  }
0xef: {  	s22 =	sshll.u32 s22, $0x7  }
0xf0: {  	s22 =	sand.u32 $0x1FFFFF80, s22  }
0xf1: {  	s25 =	simm.s32 $0x2280;
	s22 =	sadd.s32 s0, s22  }
0xf2: {  	[tilespmem:s25], [sflag:$0x1] =	stream.strided.gather [hbm4b:s22+s9], $0x1000, s10, s9, $0x38;
	[tilespmem:$0x1C280] =	vst v63  }
0xf3: {  	s22 =	spop (v2sf)  }
0xf4: {  	s24 =	sand.u32 $0x7F, s22  }
0xf5: {  	s25 =	sshra.s32 s22, $0x1F;
	p2 =	slt.s32 s22, $0x1;
	p1 =	sne.s32 s24, $0x0  }
0xf6: {  	s23 =	sshrl.u32 s25, $0x19;
	p0 =	por !p2, !p1  }
0xf7: {  	s22 =	sadd.s32 s23, s22;
	s23 =	simm.s32 $0x1;
	p0 =	por !p0, !p0  }
0xf8: {  	s22 =	sshrl.u32 s22, $0x7;
	s23 =	simm.s32 @!p0 $0x0  }
0xf9: {  	s22 =	ssub.s32 s22, s23  }
0xfa: {  	s22 =	sshll.u32 s22, $0x7  }
0xfb: {  	s22 =	sand.u32 $0x1FFFFF80, s22  }
0xfc: {  	s22 =	sadd.s32 s0, s22  }
0xfd: {  	[tilespmem:s14], [sflag:$0x1] =	stream.strided.gather [hbm4b:s22+s9], $0x1000, s10, s9, $0x38;
	[tilespmem:$0x1C280] =	vst v63  }
0xfe: {  	v20 =	vld [tilespmem:$0x0];
	_ =	sdelay $0x4  }
0xff: {  	(v2sf) =	vpush v20, $0x4;
	_ =	sdelay $0xa  }
0x100: {  	(v2sf) =	vpush v20, $0x5;
	_ =	sdelay $0x3  }
0x101: {  	s22 =	spop (v2sf)  }
0x102: {  	s24 =	sand.u32 $0x7F, s22  }
0x103: {  	s25 =	sshra.s32 s22, $0x1F;
	p4 =	slt.s32 s22, $0x1;
	p3 =	sne.s32 s24, $0x0  }
0x104: {  	s23 =	sshrl.u32 s25, $0x19;
	p0 =	por !p4, !p3  }
0x105: {  	s22 =	sadd.s32 s23, s22;
	s23 =	simm.s32 $0x1;
	p0 =	por !p0, !p0  }
0x106: {  	s22 =	sshrl.u32 s22, $0x7;
	s23 =	simm.s32 @!p0 $0x0  }
0x107: {  	s22 =	ssub.s32 s22, s23  }
0x108: {  	(v2sf) =	vpush v20, $0x6;
	s22 =	sshll.u32 s22, $0x7  }
0x109: {  	s22 =	sand.u32 $0x1FFFFF80, s22  }
0x10a: {  	s22 =	sadd.s32 s0, s22  }
0x10b: {  	[tilespmem:s15], [sflag:$0x2] =	stream.strided.gather [hbm4b:s22+s9], $0x1000, s10, s9, $0x38;
	[tilespmem:$0x1C280] =	vst v63  }
0x10c: {  	s22 =	spop (v2sf)  }
0x10d: {  	s24 =	sand.u32 $0x7F, s22  }
0x10e: {  	s25 =	sshra.s32 s22, $0x1F;
	p6 =	slt.s32 s22, $0x1;
	p5 =	sne.s32 s24, $0x0  }
0x10f: {  	s23 =	sshrl.u32 s25, $0x19;
	p0 =	por !p6, !p5  }
0x110: {  	s22 =	sadd.s32 s23, s22;
	s23 =	simm.s32 $0x1;
	p0 =	por !p0, !p0  }
0x111: {  	s22 =	sshrl.u32 s22, $0x7;
	s23 =	simm.s32 @!p0 $0x0  }
0x112: {  	s22 =	ssub.s32 s22, s23  }
0x113: {  	(v2sf) =	vpush v20, $0x7;
	s22 =	sshll.u32 s22, $0x7  }
0x114: {  	s22 =	sand.u32 $0x1FFFFF80, s22  }
0x115: {  	s22 =	sadd.s32 s0, s22  }
0x116: {  	[tilespmem:s16], [sflag:$0x2] =	stream.strided.gather [hbm4b:s22+s9], $0x1000, s10, s9, $0x38;
	[tilespmem:$0x1C280] =	vst v63  }
0x117: {  	s22 =	spop (v2sf)  }
0x118: {  	s24 =	sand.u32 $0x7F, s22  }
0x119: {  	s25 =	sshra.s32 s22, $0x1F;
	p2 =	slt.s32 s22, $0x1;
	p1 =	sne.s32 s24, $0x0  }
0x11a: {  	s23 =	sshrl.u32 s25, $0x19;
	p0 =	por !p2, !p1  }
0x11b: {  	s22 =	sadd.s32 s23, s22;
	s23 =	simm.s32 $0x1;
	p0 =	por !p0, !p0  }
0x11c: {  	s22 =	sshrl.u32 s22, $0x7;
	s23 =	simm.s32 @!p0 $0x0  }
0x11d: {  	s22 =	ssub.s32 s22, s23  }
0x11e: {  	s22 =	sshll.u32 s22, $0x7  }
0x11f: {  	s22 =	sand.u32 $0x1FFFFF80, s22  }
0x120: {  	s22 =	sadd.s32 s0, s22  }
0x121: {  	[tilespmem:s17], [sflag:$0x2] =	stream.strided.gather [hbm4b:s22+s9], $0x1000, s10, s9, $0x38;
	[tilespmem:$0x1C280] =	vst v63  }
0x122: {  	s22 =	spop (v2sf)  }
0x123: {  	s24 =	sand.u32 $0x7F, s22  }
0x124: {  	s25 =	sshra.s32 s22, $0x1F;
	p4 =	slt.s32 s22, $0x1;
	p3 =	sne.s32 s24, $0x0  }
0x125: {  	s23 =	sshrl.u32 s25, $0x19;
	p0 =	por !p4, !p3  }
0x126: {  	s22 =	sadd.s32 s23, s22;
	s23 =	simm.s32 $0x1;
	p0 =	por !p0, !p0  }
0x127: {  	s22 =	sshrl.u32 s22, $0x7;
	s23 =	simm.s32 @!p0 $0x0  }
0x128: {  	s22 =	ssub.s32 s22, s23  }
0x129: {  	s22 =	sshll.u32 s22, $0x7  }
0x12a: {  	s22 =	sand.u32 $0x1FFFFF80, s22  }
0x12b: {  	s22 =	sadd.s32 s0, s22  }
0x12c: {  	[tilespmem:s18], [sflag:$0x2] =	stream.strided.gather [hbm4b:s22+s9], $0x1000, s10, s9, $0x38;
	[tilespmem:$0x1C280] =	vst v63  }
0x12d: {  	v20 =	vld [tilespmem:$0x8];
	_ =	sdelay $0x4  }
0x12e: {  	(v2sf) =	vpush v20, $0x0;
	_ =	sdelay $0x7  }
0x12f: {  	(v2sf) =	vpush v20, $0x1;
	_ =	sdelay $0x6  }
0x130: {  	s22 =	spop (v2sf)  }
0x131: {  	(v2sf) =	vpush v20, $0x2;
	s24 =	sand.u32 $0x7F, s22  }
0x132: {  	s25 =	sshra.s32 s22, $0x1F;
	p6 =	slt.s32 s22, $0x1;
	p5 =	sne.s32 s24, $0x0  }
0x133: {  	s23 =	sshrl.u32 s25, $0x19;
	p0 =	por !p6, !p5  }
0x134: {  	s22 =	sadd.s32 s23, s22;
	s23 =	simm.s32 $0x1;
	p0 =	por !p0, !p0  }
0x135: {  	s22 =	sshrl.u32 s22, $0x7;
	s23 =	simm.s32 @!p0 $0x0  }
0x136: {  	s22 =	ssub.s32 s22, s23  }
0x137: {  	s22 =	sshll.u32 s22, $0x7  }
0x138: {  	s24 =	spop (v2sf);
	s22 =	sand.u32 $0x1FFFFF80, s22  }
0x139: {  	s25 =	sand.u32 $0x7F, s24;
	s22 =	sadd.s32 s0, s22  }
0x13a: {  	[tilespmem:s26], [sflag:$0x3] =	stream.strided.gather [hbm4b:s22+s9], $0x1000, s10, s9, $0x38;
	[tilespmem:$0x1C280] =	vst v63  }
0x13b: {  	(v2sf) =	vpush v20, $0x3;
	p2 =	slt.s32 s24, $0x1;
	p1 =	sne.s32 s25, $0x0;
	s26 =	sshra.s32 s24, $0x1F  }
0x13c: {  	p0 =	por !p2, !p1;
	s23 =	sshrl.u32 s26, $0x19  }
0x13d: {  	p0 =	por !p0, !p0;
	s22 =	sadd.s32 s23, s24;
	s23 =	simm.s32 $0x1  }
0x13e: {  	s22 =	sshrl.u32 s22, $0x7;
	s23 =	simm.s32 @!p0 $0x0  }
0x13f: {  	s22 =	ssub.s32 s22, s23  }
0x140: {  	s22 =	sshll.u32 s22, $0x7;
	s24 =	spop (v2sf)  }
0x141: {  	s22 =	sand.u32 $0x1FFFFF80, s22;
	s25 =	sand.u32 $0x7F, s24;
	s26 =	sshra.s32 s24, $0x1F  }
0x142: {  	p4 =	slt.s32 s24, $0x1;
	s22 =	sadd.s32 s0, s22;
	p3 =	sne.s32 s25, $0x0  }
0x143: {  	[tilespmem:s28], [sflag:$0x3] =	stream.strided.gather [hbm4b:s22+s9], $0x1000, s10, s9, $0x38;
	[tilespmem:$0x1C280] =	vst v63  }
0x144: {  	s23 =	sshrl.u32 s26, $0x19;
	p0 =	por !p4, !p3  }
0x145: {  	s22 =	sadd.s32 s23, s24;
	s23 =	simm.s32 $0x1;
	p0 =	por !p0, !p0  }
0x146: {  	s22 =	sshrl.u32 s22, $0x7;
	s23 =	simm.s32 @!p0 $0x0  }
0x147: {  	s22 =	ssub.s32 s22, s23  }
0x148: {  	s22 =	sshll.u32 s22, $0x7  }
0x149: {  	s22 =	sand.u32 $0x1FFFFF80, s22  }
0x14a: {  	s28 =	spop (v2sf);
	s22 =	sadd.s32 s0, s22  }
0x14b: {  	[tilespmem:s29], [sflag:$0x3] =	stream.strided.gather [hbm4b:s22+s9], $0x1000, s10, s9, $0x38;
	[tilespmem:$0x1C280] =	vst v63  }
0x14c: {  	s29 =	sand.u32 $0x7F, s28  }
0x14d: {  	s24 =	sshra.s32 s28, $0x1F;
	p6 =	slt.s32 s28, $0x1;
	p5 =	sne.s32 s29, $0x0  }
0x14e: {  	s23 =	sshrl.u32 s24, $0x19;
	p0 =	por !p6, !p5  }
0x14f: {  	s22 =	sadd.s32 s23, s28;
	s23 =	simm.s32 $0x1;
	p0 =	por !p0, !p0  }
0x150: {  	s22 =	sshrl.u32 s22, $0x7;
	s23 =	simm.s32 @!p0 $0x0  }
0x151: {  	s22 =	ssub.s32 s22, s23  }
0x152: {  	s22 =	sshll.u32 s22, $0x7  }
0x153: {  	s22 =	sand.u32 $0x1FFFFF80, s22  }
0x154: {  	s22 =	sadd.s32 s0, s22  }
0x155: {  	[tilespmem:s30], [sflag:$0x3] =	stream.strided.gather [hbm4b:s22+s9], $0x1000, s10, s9, $0x38;
	[tilespmem:$0x1C280] =	vst v63  }
0x156: {  	v20 =	vld [tilespmem:$0x8];
	_ =	sdelay $0x4  }
0x157: {  	(v2sf) =	vpush v20, $0x4;
	_ =	sdelay $0x7  }
0x158: {  	(v2sf) =	vpush v20, $0x5;
	_ =	sdelay $0x6  }
0x159: {  	s25 =	spop (v2sf)  }
0x15a: {  	s26 =	sand.u32 $0x7F, s25  }
0x15b: {  	s28 =	sshra.s32 s25, $0x1F;
	p2 =	slt.s32 s25, $0x1;
	p1 =	sne.s32 s26, $0x0  }
0x15c: {  	s23 =	sshrl.u32 s28, $0x19;
	p0 =	por !p2, !p1  }
0x15d: {  	s22 =	sadd.s32 s23, s25;
	s23 =	simm.s32 $0x1;
	p0 =	por !p0, !p0  }
0x15e: {  	(v2sf) =	vpush v20, $0x6;
	s22 =	sshrl.u32 s22, $0x7;
	s23 =	simm.s32 @!p0 $0x0  }
0x15f: {  	s22 =	ssub.s32 s22, s23  }
0x160: {  	s22 =	sshll.u32 s22, $0x7  }
0x161: {  	s29 =	spop (v2sf);
	s22 =	sand.u32 $0x1FFFFF80, s22  }
0x162: {  	s30 =	sand.u32 $0x7F, s29;
	s22 =	sadd.s32 s0, s22  }
0x163: {  	[tilespmem:s31], [sflag:$0x4] =	stream.strided.gather [hbm4b:s22+s9], $0x1000, s10, s9, $0x38;
	[tilespmem:$0x1C280] =	vst v63  }
0x164: {  	(v2sf) =	vpush v20, $0x7;
	p4 =	slt.s32 s29, $0x1;
	p3 =	sne.s32 s30, $0x0;
	s31 =	sshra.s32 s29, $0x1F  }
0x165: {  	p0 =	por !p4, !p3;
	s23 =	sshrl.u32 s31, $0x19  }
0x166: {  	p0 =	por !p0, !p0;
	s22 =	sadd.s32 s23, s29;
	s23 =	simm.s32 $0x1  }
0x167: {  	s22 =	sshrl.u32 s22, $0x7;
	s23 =	simm.s32 @!p0 $0x0  }
0x168: {  	s22 =	ssub.s32 s22, s23  }
0x169: {  	s22 =	sshll.u32 s22, $0x7  }
0x16a: {  	s22 =	sand.u32 $0x1FFFFF80, s22  }
0x16b: {  	s22 =	sadd.s32 s0, s22  }
0x16c: {  	[tilespmem:s2], [sflag:$0x4] =	stream.strided.gather [hbm4b:s22+s9], $0x1000, s10, s9, $0x38;
	[tilespmem:$0x1C280] =	vst v63  }
0x16d: {  	s2 =	spop (v2sf)  }
0x16e: {  	s24 =	sand.u32 $0x7F, s2  }
0x16f: {  	s25 =	sshra.s32 s2, $0x1F;
	p6 =	slt.s32 s2, $0x1;
	p5 =	sne.s32 s24, $0x0  }
0x170: {  	s23 =	sshrl.u32 s25, $0x19;
	p0 =	por !p6, !p5  }
0x171: {  	s22 =	sadd.s32 s23, s2;
	s23 =	simm.s32 $0x1;
	p0 =	por !p0, !p0  }
0x172: {  	s22 =	sshrl.u32 s22, $0x7;
	s23 =	simm.s32 @!p0 $0x0  }
0x173: {  	s26 =	spop (v2sf);
	s22 =	ssub.s32 s22, s23  }
0x174: {  	s28 =	sand.u32 $0x7F, s26;
	s29 =	sshra.s32 s26, $0x1F;
	s22 =	sshll.u32 s22, $0x7  }
0x175: {  	p2 =	slt.s32 s26, $0x1;
	p1 =	sne.s32 s28, $0x0;
	s22 =	sand.u32 $0x1FFFFF80, s22  }
0x176: {  	p0 =	por !p2, !p1;
	s23 =	sshrl.u32 s29, $0x19;
	s22 =	sadd.s32 s0, s22  }
0x177: {  	[tilespmem:s1], [sflag:$0x4] =	stream.strided.gather [hbm4b:s22+s9], $0x1000, s10, s9, $0x38;
	[tilespmem:$0x1C280] =	vst v63  }
0x178: {  	p0 =	por !p0, !p0;
	s22 =	sadd.s32 s23, s26;
	s23 =	simm.s32 $0x1  }
0x179: {  	s22 =	sshrl.u32 s22, $0x7;
	s23 =	simm.s32 @!p0 $0x0  }
0x17a: {  	s22 =	ssub.s32 s22, s23  }
0x17b: {  	s22 =	sshll.u32 s22, $0x7  }
0x17c: {  	s22 =	sand.u32 $0x1FFFFF80, s22  }
0x17d: {  	s22 =	sadd.s32 s0, s22  }
0x17e: {  	[tilespmem:s3], [sflag:$0x4] =	stream.strided.gather [hbm4b:s22+s9], $0x1000, s10, s9, $0x38;
	[tilespmem:$0x1C280] =	vst v63  }
0x17f: {  	v20 =	vld [tilespmem:$0x10];
	_ =	sdelay $0x4  }
0x180: {  	(v2sf) =	vpush v20, $0x0;
	_ =	sdelay $0x7  }
0x181: {  	(v2sf) =	vpush v20, $0x1;
	_ =	sdelay $0x6  }
0x182: {  	s30 =	spop (v2sf)  }
0x183: {  	s31 =	sand.u32 $0x7F, s30  }
0x184: {  	s1 =	sshra.s32 s30, $0x1F;
	p4 =	slt.s32 s30, $0x1;
	p3 =	sne.s32 s31, $0x0  }
0x185: {  	s23 =	sshrl.u32 s1, $0x19;
	p0 =	por !p4, !p3  }
0x186: {  	s22 =	sadd.s32 s23, s30;
	s23 =	simm.s32 $0x1;
	p0 =	por !p0, !p0  }
0x187: {  	(v2sf) =	vpush v20, $0x2;
	s22 =	sshrl.u32 s22, $0x7;
	s23 =	simm.s32 @!p0 $0x0  }
0x188: {  	s22 =	ssub.s32 s22, s23  }
0x189: {  	s22 =	sshll.u32 s22, $0x7  }
0x18a: {  	s2 =	spop (v2sf);
	s22 =	sand.u32 $0x1FFFFF80, s22  }
0x18b: {  	s3 =	sand.u32 $0x7F, s2;
	s22 =	sadd.s32 s0, s22  }
0x18c: {  	[tilespmem:s4], [sflag:$0x5] =	stream.strided.gather [hbm4b:s22+s9], $0x1000, s10, s9, $0x38;
	[tilespmem:$0x1C280] =	vst v63  }
0x18d: {  	(v2sf) =	vpush v20, $0x3;
	p6 =	slt.s32 s2, $0x1;
	p5 =	sne.s32 s3, $0x0;
	s4 =	sshra.s32 s2, $0x1F  }
0x18e: {  	p0 =	por !p6, !p5;
	s23 =	sshrl.u32 s4, $0x19  }
0x18f: {  	p0 =	por !p0, !p0;
	s22 =	sadd.s32 s23, s2;
	s23 =	simm.s32 $0x1  }
0x190: {  	s22 =	sshrl.u32 s22, $0x7;
	s23 =	simm.s32 @!p0 $0x0  }
0x191: {  	s22 =	ssub.s32 s22, s23  }
0x192: {  	s22 =	sshll.u32 s22, $0x7  }
0x193: {  	s22 =	sand.u32 $0x1FFFFF80, s22  }
0x194: {  	s22 =	sadd.s32 s0, s22  }
0x195: {  	[tilespmem:s11], [sflag:$0x5] =	stream.strided.gather [hbm4b:s22+s9], $0x1000, s10, s9, $0x38;
	[tilespmem:$0x1C280] =	vst v63  }
0x196: {  	s11 =	spop (v2sf)  }
0x197: {  	s24 =	sand.u32 $0x7F, s11  }
0x198: {  	s25 =	sshra.s32 s11, $0x1F;
	p2 =	slt.s32 s11, $0x1;
	p1 =	sne.s32 s24, $0x0  }
0x199: {  	s23 =	sshrl.u32 s25, $0x19;
	p0 =	por !p2, !p1  }
0x19a: {  	s22 =	sadd.s32 s23, s11;
	s23 =	simm.s32 $0x1;
	p0 =	por !p0, !p0  }
0x19b: {  	s22 =	sshrl.u32 s22, $0x7;
	s23 =	simm.s32 @!p0 $0x0  }
0x19c: {  	s26 =	spop (v2sf);
	s22 =	ssub.s32 s22, s23  }
0x19d: {  	s28 =	sand.u32 $0x7F, s26;
	s29 =	sshra.s32 s26, $0x1F;
	s22 =	sshll.u32 s22, $0x7  }
0x19e: {  	p4 =	slt.s32 s26, $0x1;
	p3 =	sne.s32 s28, $0x0;
	s22 =	sand.u32 $0x1FFFFF80, s22  }
0x19f: {  	p0 =	por !p4, !p3;
	s23 =	sshrl.u32 s29, $0x19;
	s22 =	sadd.s32 s0, s22  }
0x1a0: {  	[tilespmem:s12], [sflag:$0x5] =	stream.strided.gather [hbm4b:s22+s9], $0x1000, s10, s9, $0x38;
	[tilespmem:$0x1C280] =	vst v63  }
0x1a1: {  	p0 =	por !p0, !p0;
	s22 =	sadd.s32 s23, s26;
	s23 =	simm.s32 $0x1  }
0x1a2: {  	s22 =	sshrl.u32 s22, $0x7;
	s23 =	simm.s32 @!p0 $0x0  }
0x1a3: {  	s22 =	ssub.s32 s22, s23  }
0x1a4: {  	s22 =	sshll.u32 s22, $0x7  }
0x1a5: {  	s22 =	sand.u32 $0x1FFFFF80, s22  }
0x1a6: {  	s22 =	sadd.s32 s0, s22  }
0x1a7: {  	[tilespmem:s13], [sflag:$0x5] =	stream.strided.gather [hbm4b:s22+s9], $0x1000, s10, s9, $0x38;
	[tilespmem:$0x1C280] =	vst v63  }
0x1a8: {  	v20 =	vld [tilespmem:$0x10];
	_ =	sdelay $0x4  }
0x1a9: {  	(v2sf) =	vpush v20, $0x4;
	_ =	sdelay $0x5  }
0x1aa: {  	(v2sf) =	vpush v20, $0x5;
	_ =	sdelay $0x8  }
0x1ab: {  	s30 =	spop (v2sf)  }
0x1ac: {  	(v2sf) =	vpush v20, $0x6;
	s31 =	sand.u32 $0x7F, s30  }
0x1ad: {  	s1 =	sshra.s32 s30, $0x1F;
	p6 =	slt.s32 s30, $0x1;
	p5 =	sne.s32 s31, $0x0  }
0x1ae: {  	s23 =	sshrl.u32 s1, $0x19;
	p0 =	por !p6, !p5  }
0x1af: {  	s22 =	sadd.s32 s23, s30;
	s23 =	simm.s32 $0x1;
	p0 =	por !p0, !p0  }
0x1b0: {  	s22 =	sshrl.u32 s22, $0x7;
	s23 =	simm.s32 @!p0 $0x0  }
0x1b1: {  	s2 =	simm.s32 $0x14280;
	s3 =	spop (v2sf);
	s22 =	ssub.s32 s22, s23  }
0x1b2: {  	s4 =	sand.u32 $0x7F, s3;
	s11 =	sshra.s32 s3, $0x1F;
	s22 =	sshll.u32 s22, $0x7  }
0x1b3: {  	(v2sf) =	vpush v20, $0x7;
	p2 =	slt.s32 s3, $0x1;
	p1 =	sne.s32 s4, $0x0;
	s22 =	sand.u32 $0x1FFFFF80, s22  }
0x1b4: {  	p0 =	por !p2, !p1;
	s23 =	sshrl.u32 s11, $0x19;
	s22 =	sadd.s32 s0, s22  }
0x1b5: {  	[tilespmem:s2], [sflag:$0x6] =	stream.strided.gather [hbm4b:s22+s9], $0x1000, s10, s9, $0x38;
	[tilespmem:$0x1C280] =	vst v63  }
0x1b6: {  	p0 =	por !p0, !p0;
	s22 =	sadd.s32 s23, s3;
	s23 =	simm.s32 $0x1  }
0x1b7: {  	s22 =	sshrl.u32 s22, $0x7;
	s23 =	simm.s32 @!p0 $0x0  }
0x1b8: {  	s22 =	ssub.s32 s22, s23  }
0x1b9: {  	s22 =	sshll.u32 s22, $0x7  }
0x1ba: {  	s22 =	sand.u32 $0x1FFFFF80, s22  }
0x1bb: {  	s13 =	simm.s32 $0x15280;
	s12 =	spop (v2sf);
	s22 =	sadd.s32 s0, s22  }
0x1bc: {  	[tilespmem:s13], [sflag:$0x6] =	stream.strided.gather [hbm4b:s22+s9], $0x1000, s10, s9, $0x38;
	[tilespmem:$0x1C280] =	vst v63  }
0x1bd: {  	s24 =	sand.u32 $0x7F, s12  }
0x1be: {  	s25 =	sshra.s32 s12, $0x1F;
	p4 =	slt.s32 s12, $0x1;
	p3 =	sne.s32 s24, $0x0  }
0x1bf: {  	s22 =	sshrl.u32 s25, $0x19;
	p0 =	por !p4, !p3  }
0x1c0: {  	s23 =	simm.s32 $0x1;
	s22 =	sadd.s32 s22, s12;
	p0 =	por !p0, !p0  }
0x1c1: {  	s22 =	sshrl.u32 s22, $0x7;
	s23 =	simm.s32 @!p0 $0x0  }
0x1c2: {  	s26 =	simm.s32 $0x16280;
	s28 =	spop (v2sf);
	s22 =	ssub.s32 s22, s23  }
0x1c3: {  	s29 =	sand.u32 $0x7F, s28;
	s30 =	sshra.s32 s28, $0x1F;
	s22 =	sshll.u32 s22, $0x7  }
0x1c4: {  	p6 =	slt.s32 s28, $0x1;
	p5 =	sne.s32 s29, $0x0;
	s22 =	sand.u32 $0x1FFFFF80, s22  }
0x1c5: {  	p0 =	por !p6, !p5;
	s23 =	sshrl.u32 s30, $0x19;
	s22 =	sadd.s32 s0, s22  }
0x1c6: {  	[tilespmem:s26], [sflag:$0x6] =	stream.strided.gather [hbm4b:s22+s9], $0x1000, s10, s9, $0x38;
	[tilespmem:$0x1C280] =	vst v63  }
0x1c7: {  	p0 =	por !p0, !p0;
	s22 =	sadd.s32 s23, s28;
	s23 =	simm.s32 $0x1  }
0x1c8: {  	s22 =	sshrl.u32 s22, $0x7;
	s23 =	simm.s32 @!p0 $0x0  }
0x1c9: {  	s22 =	ssub.s32 s22, s23  }
0x1ca: {  	s22 =	sshll.u32 s22, $0x7  }
0x1cb: {  	s22 =	sand.u32 $0x1FFFFF80, s22  }
0x1cc: {  	s31 =	simm.s32 $0x17280;
	s22 =	sadd.s32 s0, s22  }
0x1cd: {  	[tilespmem:s31], [sflag:$0x6] =	stream.strided.gather [hbm4b:s22+s9], $0x1000, s10, s9, $0x38;
	[tilespmem:$0x1C280] =	vst v63  }
0x1ce: {  	s23 =	simm.s32 $0x0;
	s22 =	simm.s32 $0x18  }
.LBB2_2:
0x1cf: {  	_ =	swait.ge [sflag:s8], $0x1000  }
0x1d0: {  	[sflag:s8] =	ssyncset.done $0x0  }
0x1d1: {  	[sflag:s8] =	ssyncadd.s32 $0xFFFFF000  }
0x1d2: {  	_ =	swait.ge [sflag:s8], $0x1000  }
0x1d3: {  	[sflag:s8] =	ssyncset.done $0x0  }
0x1d4: {  	[sflag:s8] =	ssyncadd.s32 $0xFFFFF000  }
0x1d5: {  	_ =	swait.ge [sflag:s8], $0x1000  }
0x1d6: {  	[sflag:s8] =	ssyncset.done $0x0  }
0x1d7: {  	[sflag:s8] =	ssyncadd.s32 $0xFFFFF000  }
0x1d8: {  	_ =	swait.ge [sflag:s8], $0x1000  }
0x1d9: {  	[sflag:s8] =	ssyncset.done $0x0  }
0x1da: {  	[sflag:s8] =	ssyncadd.s32 $0xFFFFF000  }
0x1db: {  	v20 =	vld [tilespmem:s22+$0xFFFFFFE8];
	_ =	sdelay $0x4  }
0x1dc: {  	(v2sf) =	vpush v20, $0x0;
	_ =	sdelay $0xb  }
0x1dd: {  	(v2sf) =	vpush v20, $0x1;
	_ =	sdelay $0x2  }
0x1de: {  	s24 =	spop (v2sf)  }
0x1df: {  	s24 =	sand.u32 $0x7F, s24  }
0x1e0: {  	v21 =	vor.u32 s24, v0  }
0x1e1: {  	v22 =	vmov s23  }
0x1e2: {  	v23 =	vshll.u32 v22, $0x3  }
0x1e3: {  	v22 =	vand.u32 $0x78, v22;
	v23 =	vand.u32 $0x1C00, v23  }
0x1e4: {  	s1 =	simm.s32 $0x280;
	v22 =	vor.u32 v22, v23  }
0x1e5: {  	v23 =	vadd.s32 v1, v22;
	v21 =	vld.idx.msk [tilespmem:v21+s1+$0x0], $0xffff  }
0x1e6: {  	v24 =	vor.u32 s24, v2  }
0x1e7: {  	(v2sf) =	vpush v20, $0x2;
	_ =	sdelay $0x2  }
0x1e8: {  	s3 =	spop (v2sf);
	[tilespmem:v23+s5+$0x0] =	vst.idx.msk $0xffff, v21  }
0x1e9: {  	v22 =	vadd.s32 v3, v22;
	s24 =	sand.u32 $0x7F, s3;
	v21 =	vld.idx.msk [tilespmem:v24+s1+$0x0], $0xffff  }
0x1ea: {  	s25 =	sadd.s32 $0x1, s23;
	v45 =	vor.u32 s24, v0  }
0x1eb: {  	v46 =	vmov s25  }
0x1ec: {  	v25 =	vshll.u32 v46, $0x3  }
0x1ed: {  	v25 =	vand.u32 $0x1C00, v25;
	v24 =	vand.u32 $0x79, v46  }
0x1ee: {  	s2 =	simm.s32 $0x1280;
	v47 =	vor.u32 v24, v25;
	[tilespmem:v22+s5+$0x0] =	vst.idx.msk $0xffff, v21  }
0x1ef: {  	v48 =	vadd.s32 v1, v47;
	v22 =	vld.idx.msk [tilespmem:v45+s2+$0x0], $0xffff  }
0x1f0: {  	v49 =	vor.u32 s24, v2  }
0x1f1: {  	(v2sf) =	vpush v20, $0x3;
	_ =	sdelay $0x2  }
0x1f2: {  	s4 =	spop (v2sf);
	[tilespmem:v48+s5+$0x0] =	vst.idx.msk $0xffff, v22  }
0x1f3: {  	s24 =	sand.u32 $0x7F, s4;
	v21 =	vadd.s32 v3, v47;
	v20 =	vld.idx.msk [tilespmem:v49+s2+$0x0], $0xffff  }
0x1f4: {  	s11 =	sadd.s32 $0x2, s23;
	v50 =	vor.u32 s24, v0  }
0x1f5: {  	v51 =	vmov s11  }
0x1f6: {  	v52 =	vshll.u32 v51, $0x3  }
0x1f7: {  	v23 =	vand.u32 $0x7A, v51;
	v24 =	vand.u32 $0x1C00, v52  }
0x1f8: {  	s3 =	simm.s32 $0x2280;
	[tilespmem:v21+s5+$0x0] =	vst.idx.msk $0xffff, v20;
	v20 =	vor.u32 v23, v24  }
0x1f9: {  	v21 =	vld.idx.msk [tilespmem:v50+s3+$0x0], $0xffff;
	v53 =	vadd.s32 v1, v20  }
0x1fa: {  	v54 =	vor.u32 s24, v2;
	_ =	sdelay $0x3  }
0x1fb: {  	s12 =	spop (v2sf);
	[tilespmem:v53+s5+$0x0] =	vst.idx.msk $0xffff, v21  }
0x1fc: {  	s24 =	sand.u32 $0x7F, s12;
	v20 =	vadd.s32 v3, v20;
	v21 =	vld.idx.msk [tilespmem:v54+s3+$0x0], $0xffff  }
0x1fd: {  	s13 =	sadd.s32 $0x3, s23;
	v55 =	vor.u32 s24, v0  }
0x1fe: {  	v56 =	vmov s13  }
0x1ff: {  	v57 =	vshll.u32 v56, $0x3  }
0x200: {  	v23 =	vand.u32 $0x7B, v56;
	v24 =	vand.u32 $0x1C00, v57  }
0x201: {  	[tilespmem:v20+s5+$0x0] =	vst.idx.msk $0xffff, v21;
	v20 =	vor.u32 v23, v24  }
0x202: {  	v21 =	vld.idx.msk [tilespmem:v55+s14+$0x0], $0xffff;
	v58 =	vadd.s32 v1, v20  }
0x203: {  	v59 =	vor.u32 s24, v2;
	_ =	sdelay $0x3  }
0x204: {  	[tilespmem:v58+s5+$0x0] =	vst.idx.msk $0xffff, v21  }
0x205: {  	v20 =	vadd.s32 v3, v20;
	v21 =	vld.idx.msk [tilespmem:v59+s14+$0x0], $0xffff;
	_ =	sdelay $0x4  }
0x206: {  	[tilespmem:v20+s5+$0x0] =	vst.idx.msk $0xffff, v21  }
0x207: {  	v20 =	vld [tilespmem:s22+$0x0];
	_ =	sdelay $0x4  }
0x208: {  	(v2sf) =	vpush v20, $0x0;
	_ =	sdelay $0x5  }
0x209: {  	(v2sf) =	vpush v20, $0x1;
	_ =	sdelay $0x8  }
0x20a: {  	s26 =	spop (v2sf)  }
0x20b: {  	(v2sf) =	vpush v20, $0x2;
	s31 =	sand.u32 $0x7F, s26  }
0x20c: {  	s4 =	sshra.s32 s26, $0x1F;
	p1 =	slt.s32 s26, $0x1;
	p0 =	sne.s32 s31, $0x0  }
0x20d: {  	s25 =	sshrl.u32 s4, $0x19;
	p0 =	por !p1, !p0  }
0x20e: {  	s24 =	sadd.s32 s25, s26;
	s25 =	simm.s32 $0x1;
	p0 =	por !p0, !p0  }
0x20f: {  	s24 =	sshrl.u32 s24, $0x7;
	s25 =	simm.s32 @!p0 $0x0  }
0x210: {  	s11 =	spop (v2sf);
	s24 =	ssub.s32 s24, s25  }
0x211: {  	s12 =	sand.u32 $0x7F, s11;
	s13 =	sshra.s32 s11, $0x1F;
	s24 =	sshll.u32 s24, $0x7  }
0x212: {  	p6 =	slt.s32 s11, $0x1;
	p5 =	sne.s32 s12, $0x0;
	s24 =	sand.u32 $0x1FFFFF80, s24  }
0x213: {  	p0 =	por !p6, !p5;
	s25 =	sshrl.u32 s13, $0x19;
	s24 =	sadd.s32 s0, s24  }
0x214: {  	[tilespmem:s1], [sflag:$0x1] =	stream.strided.gather [hbm4b:s24+s9], $0x1000, s10, s9, $0x38;
	[tilespmem:$0x1C280] =	vst v63  }
0x215: {  	(v2sf) =	vpush v20, $0x3;
	p0 =	por !p0, !p0;
	s24 =	sadd.s32 s25, s11;
	s25 =	simm.s32 $0x1  }
0x216: {  	s24 =	sshrl.u32 s24, $0x7;
	s25 =	simm.s32 @!p0 $0x0  }
0x217: {  	s24 =	ssub.s32 s24, s25  }
0x218: {  	s24 =	sshll.u32 s24, $0x7  }
0x219: {  	s24 =	sand.u32 $0x1FFFFF80, s24  }
0x21a: {  	s24 =	sadd.s32 s0, s24;
	s26 =	spop (v2sf)  }
0x21b: {  	[tilespmem:s2], [sflag:$0x1] =	stream.strided.gather [hbm4b:s24+s9], $0x1000, s10, s9, $0x38;
	[tilespmem:$0x1C280] =	vst v63  }
0x21c: {  	s31 =	sand.u32 $0x7F, s26  }
0x21d: {  	s1 =	sshra.s32 s26, $0x1F;
	p2 =	slt.s32 s26, $0x1;
	p1 =	sne.s32 s31, $0x0  }
0x21e: {  	s25 =	sshrl.u32 s1, $0x19;
	p0 =	por !p2, !p1  }
0x21f: {  	s24 =	sadd.s32 s25, s26;
	s25 =	simm.s32 $0x1;
	p0 =	por !p0, !p0  }
0x220: {  	s24 =	sshrl.u32 s24, $0x7;
	s25 =	simm.s32 @!p0 $0x0  }
0x221: {  	s24 =	ssub.s32 s24, s25  }
0x222: {  	s24 =	sshll.u32 s24, $0x7  }
0x223: {  	s24 =	sand.u32 $0x1FFFFF80, s24  }
0x224: {  	s2 =	spop (v2sf);
	s24 =	sadd.s32 s0, s24  }
0x225: {  	[tilespmem:s3], [sflag:$0x1] =	stream.strided.gather [hbm4b:s24+s9], $0x1000, s10, s9, $0x38;
	[tilespmem:$0x1C280] =	vst v63  }
0x226: {  	s3 =	sand.u32 $0x7F, s2  }
0x227: {  	s4 =	sshra.s32 s2, $0x1F;
	p4 =	slt.s32 s2, $0x1;
	p3 =	sne.s32 s3, $0x0  }
0x228: {  	s25 =	sshrl.u32 s4, $0x19;
	p0 =	por !p4, !p3  }
0x229: {  	s24 =	sadd.s32 s25, s2;
	s25 =	simm.s32 $0x1;
	p0 =	por !p0, !p0  }
0x22a: {  	s24 =	sshrl.u32 s24, $0x7;
	s25 =	simm.s32 @!p0 $0x0  }
0x22b: {  	s24 =	ssub.s32 s24, s25  }
0x22c: {  	s24 =	sshll.u32 s24, $0x7  }
0x22d: {  	s24 =	sand.u32 $0x1FFFFF80, s24  }
0x22e: {  	s24 =	sadd.s32 s0, s24  }
0x22f: {  	[tilespmem:s14], [sflag:$0x1] =	stream.strided.gather [hbm4b:s24+s9], $0x1000, s10, s9, $0x38;
	[tilespmem:$0x1C280] =	vst v63  }
0x230: {  	_ =	swait.ge [sflag:s6], $0x1000  }
0x231: {  	[sflag:s6] =	ssyncset.done $0x0  }
0x232: {  	[sflag:s6] =	ssyncadd.s32 $0xFFFFF000  }
0x233: {  	_ =	swait.ge [sflag:s6], $0x1000  }
0x234: {  	[sflag:s6] =	ssyncset.done $0x0  }
0x235: {  	[sflag:s6] =	ssyncadd.s32 $0xFFFFF000  }
0x236: {  	_ =	swait.ge [sflag:s6], $0x1000  }
0x237: {  	[sflag:s6] =	ssyncset.done $0x0  }
0x238: {  	[sflag:s6] =	ssyncadd.s32 $0xFFFFF000  }
0x239: {  	_ =	swait.ge [sflag:s6], $0x1000  }
0x23a: {  	[sflag:s6] =	ssyncset.done $0x0  }
0x23b: {  	[sflag:s6] =	ssyncadd.s32 $0xFFFFF000  }
0x23c: {  	v20 =	vld [tilespmem:s22+$0xFFFFFFE8];
	_ =	sdelay $0x4  }
0x23d: {  	(v2sf) =	vpush v20, $0x4;
	_ =	sdelay $0xb  }
0x23e: {  	(v2sf) =	vpush v20, $0x5;
	_ =	sdelay $0x2  }
0x23f: {  	s11 =	spop (v2sf)  }
0x240: {  	s24 =	sand.u32 $0x7F, s11  }
0x241: {  	s12 =	sadd.s32 $0x4, s23;
	v60 =	vor.u32 s24, v0  }
0x242: {  	v61 =	vmov s12  }
0x243: {  	v62 =	vshll.u32 v61, $0x3  }
0x244: {  	v22 =	vand.u32 $0x7C, v61;
	v23 =	vand.u32 $0x1C00, v62  }
0x245: {  	v22 =	vor.u32 v22, v23  }
0x246: {  	v23 =	vadd.s32 v1, v22;
	v21 =	vld.idx.msk [tilespmem:v60+s15+$0x0], $0xffff  }
0x247: {  	v63 =	vor.u32 s24, v2  }
0x248: {  	(v2sf) =	vpush v20, $0x6;
	_ =	sdelay $0x2  }
0x249: {  	s13 =	spop (v2sf);
	[tilespmem:v23+s5+$0x0] =	vst.idx.msk $0xffff, v21  }
0x24a: {  	v22 =	vadd.s32 v3, v22;
	s24 =	sand.u32 $0x7F, s13;
	v21 =	vld.idx.msk [tilespmem:v63+s15+$0x0], $0xffff  }
0x24b: {  	s14 =	sadd.s32 $0x5, s23;
	v28 =	vor.u32 s24, v0  }
0x24c: {  	v29 =	vmov s14  }
0x24d: {  	v30 =	vshll.u32 v29, $0x3  }
0x24e: {  	v24 =	vand.u32 $0x7D, v29;
	v25 =	vand.u32 $0x1C00, v30  }
0x24f: {  	v31 =	vor.u32 v24, v25;
	[tilespmem:v22+s5+$0x0] =	vst.idx.msk $0xffff, v21  }
0x250: {  	v32 =	vadd.s32 v1, v31;
	v22 =	vld.idx.msk [tilespmem:v28+s16+$0x0], $0xffff  }
0x251: {  	v33 =	vor.u32 s24, v2  }
0x252: {  	(v2sf) =	vpush v20, $0x7;
	_ =	sdelay $0x2  }
0x253: {  	s25 =	spop (v2sf);
	[tilespmem:v32+s5+$0x0] =	vst.idx.msk $0xffff, v22  }
0x254: {  	s24 =	sand.u32 $0x7F, s25;
	v21 =	vadd.s32 v3, v31;
	v20 =	vld.idx.msk [tilespmem:v33+s16+$0x0], $0xffff  }
0x255: {  	s26 =	sadd.s32 $0x6, s23;
	v34 =	vor.u32 s24, v0  }
0x256: {  	v35 =	vmov s26  }
0x257: {  	v36 =	vshll.u32 v35, $0x3  }
0x258: {  	v24 =	vand.u32 $0x1C00, v36;
	v23 =	vand.u32 $0x7E, v35  }
0x259: {  	[tilespmem:v21+s5+$0x0] =	vst.idx.msk $0xffff, v20;
	v20 =	vor.u32 v23, v24  }
0x25a: {  	v21 =	vld.idx.msk [tilespmem:v34+s17+$0x0], $0xffff;
	v37 =	vadd.s32 v1, v20  }
0x25b: {  	v38 =	vor.u32 s24, v2;
	_ =	sdelay $0x3  }
0x25c: {  	s31 =	spop (v2sf);
	[tilespmem:v37+s5+$0x0] =	vst.idx.msk $0xffff, v21  }
0x25d: {  	s24 =	sand.u32 $0x7F, s31;
	v20 =	vadd.s32 v3, v20;
	v21 =	vld.idx.msk [tilespmem:v38+s17+$0x0], $0xffff  }
0x25e: {  	s1 =	sadd.s32 $0x7, s23;
	v39 =	vor.u32 s24, v0  }
0x25f: {  	v40 =	vmov s1  }
0x260: {  	v41 =	vshll.u32 v40, $0x3  }
0x261: {  	v23 =	vand.u32 $0x7F, v40;
	v24 =	vand.u32 $0x1C00, v41  }
0x262: {  	[tilespmem:v20+s5+$0x0] =	vst.idx.msk $0xffff, v21;
	v20 =	vor.u32 v23, v24  }
0x263: {  	v21 =	vld.idx.msk [tilespmem:v39+s18+$0x0], $0xffff;
	v42 =	vadd.s32 v1, v20  }
0x264: {  	v43 =	vor.u32 s24, v2;
	_ =	sdelay $0x3  }
0x265: {  	[tilespmem:v42+s5+$0x0] =	vst.idx.msk $0xffff, v21  }
0x266: {  	v20 =	vadd.s32 v3, v20;
	v21 =	vld.idx.msk [tilespmem:v43+s18+$0x0], $0xffff;
	_ =	sdelay $0x4  }
0x267: {  	[tilespmem:v20+s5+$0x0] =	vst.idx.msk $0xffff, v21  }
0x268: {  	v20 =	vld [tilespmem:s22+$0x0];
	_ =	sdelay $0x4  }
0x269: {  	(v2sf) =	vpush v20, $0x4;
	_ =	sdelay $0x5  }
0x26a: {  	(v2sf) =	vpush v20, $0x5;
	_ =	sdelay $0x8  }
0x26b: {  	s2 =	spop (v2sf)  }
0x26c: {  	(v2sf) =	vpush v20, $0x6;
	s3 =	sand.u32 $0x7F, s2  }
0x26d: {  	s4 =	sshra.s32 s2, $0x1F;
	p6 =	slt.s32 s2, $0x1;
	p5 =	sne.s32 s3, $0x0  }
0x26e: {  	s25 =	sshrl.u32 s4, $0x19;
	p0 =	por !p6, !p5  }
0x26f: {  	s24 =	sadd.s32 s25, s2;
	s25 =	simm.s32 $0x1;
	p0 =	por !p0, !p0  }
0x270: {  	s24 =	sshrl.u32 s24, $0x7;
	s25 =	simm.s32 @!p0 $0x0  }
0x271: {  	s11 =	spop (v2sf);
	s24 =	ssub.s32 s24, s25  }
0x272: {  	s12 =	sand.u32 $0x7F, s11;
	s13 =	sshra.s32 s11, $0x1F;
	s24 =	sshll.u32 s24, $0x7  }
0x273: {  	p2 =	slt.s32 s11, $0x1;
	p1 =	sne.s32 s12, $0x0;
	s24 =	sand.u32 $0x1FFFFF80, s24  }
0x274: {  	p0 =	por !p2, !p1;
	s25 =	sshrl.u32 s13, $0x19;
	s24 =	sadd.s32 s0, s24  }
0x275: {  	[tilespmem:s15], [sflag:$0x2] =	stream.strided.gather [hbm4b:s24+s9], $0x1000, s10, s9, $0x38;
	[tilespmem:$0x1C280] =	vst v63  }
0x276: {  	p0 =	por !p0, !p0;
	s24 =	sadd.s32 s25, s11;
	s25 =	simm.s32 $0x1  }
0x277: {  	s24 =	sshrl.u32 s24, $0x7;
	s25 =	simm.s32 @!p0 $0x0  }
0x278: {  	(v2sf) =	vpush v20, $0x7;
	s24 =	ssub.s32 s24, s25  }
0x279: {  	s24 =	sshll.u32 s24, $0x7  }
0x27a: {  	s24 =	sand.u32 $0x1FFFFF80, s24  }
0x27b: {  	s24 =	sadd.s32 s0, s24;
	s14 =	spop (v2sf)  }
0x27c: {  	[tilespmem:s16], [sflag:$0x2] =	stream.strided.gather [hbm4b:s24+s9], $0x1000, s10, s9, $0x38;
	[tilespmem:$0x1C280] =	vst v63  }
0x27d: {  	s15 =	sand.u32 $0x7F, s14  }
0x27e: {  	s16 =	sshra.s32 s14, $0x1F;
	p4 =	slt.s32 s14, $0x1;
	p3 =	sne.s32 s15, $0x0  }
0x27f: {  	s25 =	sshrl.u32 s16, $0x19;
	p0 =	por !p4, !p3  }
0x280: {  	s24 =	sadd.s32 s25, s14;
	s25 =	simm.s32 $0x1;
	p0 =	por !p0, !p0  }
0x281: {  	s24 =	sshrl.u32 s24, $0x7;
	s25 =	simm.s32 @!p0 $0x0  }
0x282: {  	s24 =	ssub.s32 s24, s25  }
0x283: {  	s24 =	sshll.u32 s24, $0x7  }
0x284: {  	s24 =	sand.u32 $0x1FFFFF80, s24  }
0x285: {  	s24 =	sadd.s32 s0, s24  }
0x286: {  	[tilespmem:s17], [sflag:$0x2] =	stream.strided.gather [hbm4b:s24+s9], $0x1000, s10, s9, $0x38;
	[tilespmem:$0x1C280] =	vst v63  }
0x287: {  	s17 =	spop (v2sf)  }
0x288: {  	s26 =	sand.u32 $0x7F, s17  }
0x289: {  	s31 =	sshra.s32 s17, $0x1F;
	p6 =	slt.s32 s17, $0x1;
	p5 =	sne.s32 s26, $0x0  }
0x28a: {  	s25 =	sshrl.u32 s31, $0x19;
	p0 =	por !p6, !p5  }
0x28b: {  	s24 =	sadd.s32 s25, s17;
	s25 =	simm.s32 $0x1;
	p0 =	por !p0, !p0  }
0x28c: {  	s24 =	sshrl.u32 s24, $0x7;
	s25 =	simm.s32 @!p0 $0x0  }
0x28d: {  	s24 =	ssub.s32 s24, s25  }
0x28e: {  	s24 =	sshll.u32 s24, $0x7  }
0x28f: {  	s24 =	sand.u32 $0x1FFFFF80, s24  }
0x290: {  	s24 =	sadd.s32 s0, s24  }
0x291: {  	[tilespmem:s18], [sflag:$0x2] =	stream.strided.gather [hbm4b:s24+s9], $0x1000, s10, s9, $0x38;
	[tilespmem:$0x1C280] =	vst v63  }
0x292: {  	_ =	swait.ge [sflag:s7], $0x1000  }
0x293: {  	[sflag:s7] =	ssyncset.done $0x0  }
0x294: {  	[sflag:s7] =	ssyncadd.s32 $0xFFFFF000  }
0x295: {  	_ =	swait.ge [sflag:s7], $0x1000  }
0x296: {  	[sflag:s7] =	ssyncset.done $0x0  }
0x297: {  	[sflag:s7] =	ssyncadd.s32 $0xFFFFF000  }
0x298: {  	_ =	swait.ge [sflag:s7], $0x1000  }
0x299: {  	[sflag:s7] =	ssyncset.done $0x0  }
0x29a: {  	[sflag:s7] =	ssyncadd.s32 $0xFFFFF000  }
0x29b: {  	_ =	swait.ge [sflag:s7], $0x1000  }
0x29c: {  	[sflag:s7] =	ssyncset.done $0x0  }
0x29d: {  	[sflag:s7] =	ssyncadd.s32 $0xFFFFF000  }
0x29e: {  	v20 =	vld [tilespmem:s22+$0xFFFFFFF0];
	_ =	sdelay $0x4  }
0x29f: {  	(v2sf) =	vpush v20, $0x0;
	_ =	sdelay $0xb  }
0x2a0: {  	(v2sf) =	vpush v20, $0x1;
	_ =	sdelay $0x2  }
0x2a1: {  	s1 =	spop (v2sf)  }
0x2a2: {  	s24 =	sand.u32 $0x7F, s1  }
0x2a3: {  	s2 =	sadd.s32 $0x8, s23;
	v44 =	vor.u32 s24, v0  }
0x2a4: {  	v45 =	vmov s2  }
0x2a5: {  	v46 =	vshll.u32 v45, $0x3  }
0x2a6: {  	v22 =	vand.u32 $0x78, v45;
	v23 =	vand.u32 $0x7FFFFC00, v46  }
0x2a7: {  	s3 =	simm.s32 $0x8280;
	v22 =	vor.u32 v22, v23  }
0x2a8: {  	v23 =	vadd.s32 v1, v22;
	v21 =	vld.idx.msk [tilespmem:v44+s3+$0x0], $0xffff  }
0x2a9: {  	v47 =	vor.u32 s24, v2  }
0x2aa: {  	(v2sf) =	vpush v20, $0x2;
	_ =	sdelay $0x2  }
0x2ab: {  	s4 =	spop (v2sf);
	[tilespmem:v23+s5+$0x0] =	vst.idx.msk $0xffff, v21  }
0x2ac: {  	v22 =	vadd.s32 v3, v22;
	s24 =	sand.u32 $0x7F, s4;
	v21 =	vld.idx.msk [tilespmem:v47+s3+$0x0], $0xffff  }
0x2ad: {  	s11 =	sadd.s32 $0x9, s23;
	v48 =	vor.u32 s24, v0  }
0x2ae: {  	v49 =	vmov s11  }
0x2af: {  	v50 =	vshll.u32 v49, $0x3  }
0x2b0: {  	v24 =	vand.u32 $0x79, v49;
	v25 =	vand.u32 $0x7FFFFC00, v50  }
0x2b1: {  	s12 =	simm.s32 $0x9280;
	v51 =	vor.u32 v24, v25;
	[tilespmem:v22+s5+$0x0] =	vst.idx.msk $0xffff, v21  }
0x2b2: {  	v52 =	vadd.s32 v1, v51;
	v22 =	vld.idx.msk [tilespmem:v48+s12+$0x0], $0xffff  }
0x2b3: {  	v53 =	vor.u32 s24, v2  }
0x2b4: {  	(v2sf) =	vpush v20, $0x3;
	_ =	sdelay $0x2  }
0x2b5: {  	s13 =	spop (v2sf);
	[tilespmem:v52+s5+$0x0] =	vst.idx.msk $0xffff, v22  }
0x2b6: {  	s24 =	sand.u32 $0x7F, s13;
	v21 =	vadd.s32 v3, v51;
	v20 =	vld.idx.msk [tilespmem:v53+s12+$0x0], $0xffff  }
0x2b7: {  	s14 =	sadd.s32 $0xA, s23;
	v54 =	vor.u32 s24, v0  }
0x2b8: {  	v55 =	vmov s14  }
0x2b9: {  	v56 =	vshll.u32 v55, $0x3  }
0x2ba: {  	v24 =	vand.u32 $0x7FFFFC00, v56;
	v23 =	vand.u32 $0x7A, v55  }
0x2bb: {  	s15 =	simm.s32 $0xA280;
	[tilespmem:v21+s5+$0x0] =	vst.idx.msk $0xffff, v20;
	v20 =	vor.u32 v23, v24  }
0x2bc: {  	v21 =	vld.idx.msk [tilespmem:v54+s15+$0x0], $0xffff;
	v57 =	vadd.s32 v1, v20  }
0x2bd: {  	v58 =	vor.u32 s24, v2;
	_ =	sdelay $0x3  }
0x2be: {  	s16 =	spop (v2sf);
	[tilespmem:v57+s5+$0x0] =	vst.idx.msk $0xffff, v21  }
0x2bf: {  	s24 =	sand.u32 $0x7F, s16;
	v20 =	vadd.s32 v3, v20;
	v21 =	vld.idx.msk [tilespmem:v58+s15+$0x0], $0xffff  }
0x2c0: {  	s17 =	sadd.s32 $0xB, s23;
	v59 =	vor.u32 s24, v0  }
0x2c1: {  	v60 =	vmov s17  }
0x2c2: {  	v61 =	vshll.u32 v60, $0x3  }
0x2c3: {  	v23 =	vand.u32 $0x7B, v60;
	v24 =	vand.u32 $0x7FFFFC00, v61  }
0x2c4: {  	s31 =	simm.s32 $0xB280;
	[tilespmem:v20+s5+$0x0] =	vst.idx.msk $0xffff, v21;
	v20 =	vor.u32 v23, v24  }
0x2c5: {  	v21 =	vld.idx.msk [tilespmem:v59+s31+$0x0], $0xffff;
	v62 =	vadd.s32 v1, v20  }
0x2c6: {  	v63 =	vor.u32 s24, v2;
	_ =	sdelay $0x3  }
0x2c7: {  	[tilespmem:v62+s5+$0x0] =	vst.idx.msk $0xffff, v21  }
0x2c8: {  	p0 =	seq.s32 s23, $0x1E0;
	v20 =	vadd.s32 v3, v20;
	v21 =	vld.idx.msk [tilespmem:v63+s31+$0x0], $0xffff  }
.Ltmp2:
0x2c9: {  	_ = 	snop;
	(pc) =	sbr.rel @p0 .LBB2_4-.Ltmp2, $3  }
0x2ca: {  	_ =	sdelay $0x1  }
0x2cb: {  	s28 =	simm.s32 $0x9280  }
0x2cc: {  	s29 =	simm.s32 $0xA280;
	s30 =	simm.s32 $0xB280;
	s26 =	simm.s32 $0x8280;
	[tilespmem:v20+s5+$0x0] =	vst.idx.msk $0xffff, v21  }
0x2cd: {  	v20 =	vld [tilespmem:s22+$0x8];
	_ =	sdelay $0x4  }
0x2ce: {  	(v2sf) =	vpush v20, $0x0;
	_ =	sdelay $0x5  }
0x2cf: {  	(v2sf) =	vpush v20, $0x1;
	_ =	sdelay $0x8  }
0x2d0: {  	s24 =	spop (v2sf)  }
0x2d1: {  	(v2sf) =	vpush v20, $0x2;
	s25 =	sand.u32 $0x7F, s24  }
0x2d2: {  	s3 =	sshra.s32 s24, $0x1F;
	p2 =	slt.s32 s24, $0x1;
	p1 =	sne.s32 s25, $0x0  }
0x2d3: {  	s25 =	sshrl.u32 s3, $0x19;
	p1 =	por !p2, !p1  }
0x2d4: {  	s24 =	sadd.s32 s25, s24;
	s25 =	simm.s32 $0x1;
	p1 =	por !p1, !p1  }
0x2d5: {  	s24 =	sshrl.u32 s24, $0x7;
	s25 =	simm.s32 @!p1 $0x0  }
0x2d6: {  	s4 =	spop (v2sf);
	s24 =	ssub.s32 s24, s25  }
0x2d7: {  	s11 =	sand.u32 $0x7F, s4;
	s12 =	sshra.s32 s4, $0x1F;
	s24 =	sshll.u32 s24, $0x7  }
0x2d8: {  	(v2sf) =	vpush v20, $0x3;
	p6 =	slt.s32 s4, $0x1;
	p5 =	sne.s32 s11, $0x0;
	s24 =	sand.u32 $0x1FFFFF80, s24  }
0x2d9: {  	p1 =	por !p6, !p5;
	s25 =	sshrl.u32 s12, $0x19;
	s24 =	sadd.s32 s0, s24  }
0x2da: {  	[tilespmem:s26], [sflag:$0x3] =	stream.strided.gather [hbm4b:s24+s9], $0x1000, s10, s9, $0x38;
	[tilespmem:$0x1C280] =	vst v63  }
0x2db: {  	p1 =	por !p1, !p1;
	s24 =	sadd.s32 s25, s4;
	s25 =	simm.s32 $0x1  }
0x2dc: {  	s24 =	sshrl.u32 s24, $0x7;
	s25 =	simm.s32 @!p1 $0x0  }
0x2dd: {  	s24 =	ssub.s32 s24, s25  }
0x2de: {  	s24 =	sshll.u32 s24, $0x7  }
0x2df: {  	s24 =	sand.u32 $0x1FFFFF80, s24  }
0x2e0: {  	s13 =	spop (v2sf);
	s24 =	sadd.s32 s0, s24  }
0x2e1: {  	[tilespmem:s28], [sflag:$0x3] =	stream.strided.gather [hbm4b:s24+s9], $0x1000, s10, s9, $0x38;
	[tilespmem:$0x1C280] =	vst v63  }
0x2e2: {  	s14 =	sand.u32 $0x7F, s13  }
0x2e3: {  	s15 =	sshra.s32 s13, $0x1F;
	p4 =	slt.s32 s13, $0x1;
	p3 =	sne.s32 s14, $0x0  }
0x2e4: {  	s24 =	sshrl.u32 s15, $0x19;
	p1 =	por !p4, !p3  }
0x2e5: {  	s25 =	simm.s32 $0x1;
	s24 =	sadd.s32 s24, s13;
	p1 =	por !p1, !p1  }
0x2e6: {  	s24 =	sshrl.u32 s24, $0x7;
	s25 =	simm.s32 @!p1 $0x0  }
0x2e7: {  	s16 =	spop (v2sf);
	s24 =	ssub.s32 s24, s25  }
0x2e8: {  	s17 =	sand.u32 $0x7F, s16;
	s31 =	sshra.s32 s16, $0x1F;
	s24 =	sshll.u32 s24, $0x7  }
0x2e9: {  	p6 =	slt.s32 s16, $0x1;
	p5 =	sne.s32 s17, $0x0;
	s24 =	sand.u32 $0x1FFFFF80, s24  }
0x2ea: {  	p1 =	por !p6, !p5;
	s25 =	sshrl.u32 s31, $0x19;
	s24 =	sadd.s32 s0, s24  }
0x2eb: {  	[tilespmem:s29], [sflag:$0x3] =	stream.strided.gather [hbm4b:s24+s9], $0x1000, s10, s9, $0x38;
	[tilespmem:$0x1C280] =	vst v63  }
0x2ec: {  	p1 =	por !p1, !p1;
	s24 =	sadd.s32 s25, s16;
	s25 =	simm.s32 $0x1  }
0x2ed: {  	s24 =	sshrl.u32 s24, $0x7;
	s25 =	simm.s32 @!p1 $0x0  }
0x2ee: {  	s24 =	ssub.s32 s24, s25  }
0x2ef: {  	s24 =	sshll.u32 s24, $0x7  }
0x2f0: {  	s24 =	sand.u32 $0x1FFFFF80, s24  }
0x2f1: {  	s24 =	sadd.s32 s0, s24  }
0x2f2: {  	[tilespmem:s30], [sflag:$0x3] =	stream.strided.gather [hbm4b:s24+s9], $0x1000, s10, s9, $0x38;
	[tilespmem:$0x1C280] =	vst v63  }
.LBB2_4:
0x2f3: {  	_ =	swait.ge [sflag:s19], $0x1000  }
0x2f4: {  	[sflag:s19] =	ssyncset.done $0x0  }
0x2f5: {  	[sflag:s19] =	ssyncadd.s32 $0xFFFFF000  }
0x2f6: {  	_ =	swait.ge [sflag:s19], $0x1000  }
0x2f7: {  	[sflag:s19] =	ssyncset.done $0x0  }
0x2f8: {  	[sflag:s19] =	ssyncadd.s32 $0xFFFFF000  }
0x2f9: {  	_ =	swait.ge [sflag:s19], $0x1000  }
0x2fa: {  	[sflag:s19] =	ssyncset.done $0x0  }
0x2fb: {  	[sflag:s19] =	ssyncadd.s32 $0xFFFFF000  }
0x2fc: {  	_ =	swait.ge [sflag:s19], $0x1000  }
0x2fd: {  	[sflag:s19] =	ssyncset.done $0x0  }
0x2fe: {  	[sflag:s19] =	ssyncadd.s32 $0xFFFFF000  }
0x2ff: {  	v20 =	vld [tilespmem:s22+$0xFFFFFFF0];
	_ =	sdelay $0x4  }
0x300: {  	(v2sf) =	vpush v20, $0x4;
	_ =	sdelay $0xb  }
0x301: {  	(v2sf) =	vpush v20, $0x5;
	_ =	sdelay $0x2  }
0x302: {  	s24 =	spop (v2sf)  }
0x303: {  	s24 =	sand.u32 $0x7F, s24  }
0x304: {  	s25 =	sadd.s32 $0xC, s23;
	v21 =	vor.u32 s24, v0  }
0x305: {  	v22 =	vmov s25  }
0x306: {  	v23 =	vshll.u32 v22, $0x3  }
0x307: {  	v22 =	vand.u32 $0x7C, v22;
	v23 =	vand.u32 $0x7FFFFC00, v23  }
0x308: {  	s2 =	simm.s32 $0xC280;
	v22 =	vor.u32 v22, v23  }
0x309: {  	v23 =	vadd.s32 v1, v22;
	v21 =	vld.idx.msk [tilespmem:v21+s2+$0x0], $0xffff  }
0x30a: {  	v24 =	vor.u32 s24, v2  }
0x30b: {  	(v2sf) =	vpush v20, $0x6;
	_ =	sdelay $0x2  }
0x30c: {  	s3 =	spop (v2sf);
	[tilespmem:v23+s5+$0x0] =	vst.idx.msk $0xffff, v21  }
0x30d: {  	v22 =	vadd.s32 v3, v22;
	s24 =	sand.u32 $0x7F, s3;
	v21 =	vld.idx.msk [tilespmem:v24+s2+$0x0], $0xffff  }
0x30e: {  	s4 =	sadd.s32 $0xD, s23;
	v49 =	vor.u32 s24, v0  }
0x30f: {  	v50 =	vmov s4  }
0x310: {  	v25 =	vshll.u32 v50, $0x3  }
0x311: {  	v25 =	vand.u32 $0x7FFFFC00, v25;
	v24 =	vand.u32 $0x7D, v50  }
0x312: {  	s11 =	simm.s32 $0xD280;
	v51 =	vor.u32 v24, v25;
	[tilespmem:v22+s5+$0x0] =	vst.idx.msk $0xffff, v21  }
0x313: {  	v52 =	vadd.s32 v1, v51;
	v22 =	vld.idx.msk [tilespmem:v49+s11+$0x0], $0xffff  }
0x314: {  	v53 =	vor.u32 s24, v2  }
0x315: {  	(v2sf) =	vpush v20, $0x7;
	_ =	sdelay $0x2  }
0x316: {  	s12 =	spop (v2sf);
	[tilespmem:v52+s5+$0x0] =	vst.idx.msk $0xffff, v22  }
0x317: {  	s24 =	sand.u32 $0x7F, s12;
	v21 =	vadd.s32 v3, v51;
	v20 =	vld.idx.msk [tilespmem:v53+s11+$0x0], $0xffff  }
0x318: {  	s13 =	sadd.s32 $0xE, s23;
	v54 =	vor.u32 s24, v0  }
0x319: {  	v55 =	vmov s13  }
0x31a: {  	v56 =	vshll.u32 v55, $0x3  }
0x31b: {  	v23 =	vand.u32 $0x7E, v55;
	v24 =	vand.u32 $0x7FFFFC00, v56  }
0x31c: {  	s14 =	simm.s32 $0xE280;
	[tilespmem:v21+s5+$0x0] =	vst.idx.msk $0xffff, v20;
	v20 =	vor.u32 v23, v24  }
0x31d: {  	v21 =	vld.idx.msk [tilespmem:v54+s14+$0x0], $0xffff;
	v57 =	vadd.s32 v1, v20  }
0x31e: {  	v58 =	vor.u32 s24, v2;
	_ =	sdelay $0x3  }
0x31f: {  	s15 =	spop (v2sf);
	[tilespmem:v57+s5+$0x0] =	vst.idx.msk $0xffff, v21  }
0x320: {  	s24 =	sand.u32 $0x7F, s15;
	v20 =	vadd.s32 v3, v20;
	v21 =	vld.idx.msk [tilespmem:v58+s14+$0x0], $0xffff  }
0x321: {  	s16 =	sadd.s32 $0xF, s23;
	v59 =	vor.u32 s24, v0  }
0x322: {  	v60 =	vmov s16  }
0x323: {  	v61 =	vshll.u32 v60, $0x3  }
0x324: {  	v23 =	vand.u32 $0x7F, v60;
	v24 =	vand.u32 $0x7FFFFC00, v61  }
0x325: {  	s17 =	simm.s32 $0xF280;
	[tilespmem:v20+s5+$0x0] =	vst.idx.msk $0xffff, v21;
	v20 =	vor.u32 v23, v24  }
0x326: {  	v21 =	vld.idx.msk [tilespmem:v59+s17+$0x0], $0xffff;
	v62 =	vadd.s32 v1, v20  }
0x327: {  	v63 =	vor.u32 s24, v2;
	_ =	sdelay $0x3  }
0x328: {  	[tilespmem:v62+s5+$0x0] =	vst.idx.msk $0xffff, v21  }
0x329: {  	v20 =	vadd.s32 v3, v20;
	v21 =	vld.idx.msk [tilespmem:v63+s17+$0x0], $0xffff  }
.Ltmp3:
0x32a: {  	_ = 	snop;
	(pc) =	sbr.rel @p0 .LBB2_6-.Ltmp3, $3  }
0x32b: {  	_ =	sdelay $0x1  }
0x32c: {  	s31 =	simm.s32 $0xC280  }
0x32d: {  	s1 =	simm.s32 $0xE280;
	s3 =	simm.s32 $0xF280;
	s2 =	simm.s32 $0xD280;
	[tilespmem:v20+s5+$0x0] =	vst.idx.msk $0xffff, v21  }
0x32e: {  	v20 =	vld [tilespmem:s22+$0x8];
	_ =	sdelay $0x4  }
0x32f: {  	(v2sf) =	vpush v20, $0x4;
	_ =	sdelay $0x5  }
0x330: {  	(v2sf) =	vpush v20, $0x5;
	_ =	sdelay $0x8  }
0x331: {  	s24 =	spop (v2sf)  }
0x332: {  	(v2sf) =	vpush v20, $0x6;
	s25 =	sand.u32 $0x7F, s24  }
0x333: {  	s16 =	sshra.s32 s24, $0x1F;
	p2 =	slt.s32 s24, $0x1;
	p1 =	sne.s32 s25, $0x0  }
0x334: {  	s25 =	sshrl.u32 s16, $0x19;
	p1 =	por !p2, !p1  }
0x335: {  	s24 =	sadd.s32 s25, s24;
	s25 =	simm.s32 $0x1;
	p1 =	por !p1, !p1  }
0x336: {  	s24 =	sshrl.u32 s24, $0x7;
	s25 =	simm.s32 @!p1 $0x0  }
0x337: {  	s17 =	spop (v2sf);
	s24 =	ssub.s32 s24, s25  }
0x338: {  	s4 =	sand.u32 $0x7F, s17;
	s11 =	sshra.s32 s17, $0x1F;
	s24 =	sshll.u32 s24, $0x7  }
0x339: {  	(v2sf) =	vpush v20, $0x7;
	p6 =	slt.s32 s17, $0x1;
	p5 =	sne.s32 s4, $0x0;
	s24 =	sand.u32 $0x1FFFFF80, s24  }
0x33a: {  	p1 =	por !p6, !p5;
	s25 =	sshrl.u32 s11, $0x19;
	s24 =	sadd.s32 s0, s24  }
0x33b: {  	[tilespmem:s31], [sflag:$0x4] =	stream.strided.gather [hbm4b:s24+s9], $0x1000, s10, s9, $0x38;
	[tilespmem:$0x1C280] =	vst v63  }
0x33c: {  	p1 =	por !p1, !p1;
	s24 =	sadd.s32 s25, s17;
	s25 =	simm.s32 $0x1  }
0x33d: {  	s24 =	sshrl.u32 s24, $0x7;
	s25 =	simm.s32 @!p1 $0x0  }
0x33e: {  	s24 =	ssub.s32 s24, s25  }
0x33f: {  	s24 =	sshll.u32 s24, $0x7  }
0x340: {  	s24 =	sand.u32 $0x1FFFFF80, s24  }
0x341: {  	s12 =	spop (v2sf);
	s24 =	sadd.s32 s0, s24  }
0x342: {  	[tilespmem:s2], [sflag:$0x4] =	stream.strided.gather [hbm4b:s24+s9], $0x1000, s10, s9, $0x38;
	[tilespmem:$0x1C280] =	vst v63  }
0x343: {  	s13 =	sand.u32 $0x7F, s12  }
0x344: {  	s14 =	sshra.s32 s12, $0x1F;
	p4 =	slt.s32 s12, $0x1;
	p3 =	sne.s32 s13, $0x0  }
0x345: {  	s24 =	sshrl.u32 s14, $0x19;
	p1 =	por !p4, !p3  }
0x346: {  	s25 =	simm.s32 $0x1;
	s24 =	sadd.s32 s24, s12;
	p1 =	por !p1, !p1  }
0x347: {  	s24 =	sshrl.u32 s24, $0x7;
	s25 =	simm.s32 @!p1 $0x0  }
0x348: {  	s15 =	spop (v2sf);
	s24 =	ssub.s32 s24, s25  }
0x349: {  	s16 =	sand.u32 $0x7F, s15;
	s17 =	sshra.s32 s15, $0x1F;
	s24 =	sshll.u32 s24, $0x7  }
0x34a: {  	p6 =	slt.s32 s15, $0x1;
	p5 =	sne.s32 s16, $0x0;
	s24 =	sand.u32 $0x1FFFFF80, s24  }
0x34b: {  	p1 =	por !p6, !p5;
	s25 =	sshrl.u32 s17, $0x19;
	s24 =	sadd.s32 s0, s24  }
0x34c: {  	[tilespmem:s1], [sflag:$0x4] =	stream.strided.gather [hbm4b:s24+s9], $0x1000, s10, s9, $0x38;
	[tilespmem:$0x1C280] =	vst v63  }
0x34d: {  	p1 =	por !p1, !p1;
	s24 =	sadd.s32 s25, s15;
	s25 =	simm.s32 $0x1  }
0x34e: {  	s24 =	sshrl.u32 s24, $0x7;
	s25 =	simm.s32 @!p1 $0x0  }
0x34f: {  	s24 =	ssub.s32 s24, s25  }
0x350: {  	s24 =	sshll.u32 s24, $0x7  }
0x351: {  	s24 =	sand.u32 $0x1FFFFF80, s24  }
0x352: {  	s24 =	sadd.s32 s0, s24  }
0x353: {  	[tilespmem:s3], [sflag:$0x4] =	stream.strided.gather [hbm4b:s24+s9], $0x1000, s10, s9, $0x38;
	[tilespmem:$0x1C280] =	vst v63  }
.LBB2_6:
0x354: {  	_ =	swait.ge [sflag:s20], $0x1000  }
0x355: {  	[sflag:s20] =	ssyncset.done $0x0  }
0x356: {  	[sflag:s20] =	ssyncadd.s32 $0xFFFFF000  }
0x357: {  	_ =	swait.ge [sflag:s20], $0x1000  }
0x358: {  	[sflag:s20] =	ssyncset.done $0x0  }
0x359: {  	[sflag:s20] =	ssyncadd.s32 $0xFFFFF000  }
0x35a: {  	_ =	swait.ge [sflag:s20], $0x1000  }
0x35b: {  	[sflag:s20] =	ssyncset.done $0x0  }
0x35c: {  	[sflag:s20] =	ssyncadd.s32 $0xFFFFF000  }
0x35d: {  	_ =	swait.ge [sflag:s20], $0x1000  }
0x35e: {  	[sflag:s20] =	ssyncset.done $0x0  }
0x35f: {  	[sflag:s20] =	ssyncadd.s32 $0xFFFFF000  }
0x360: {  	v20 =	vld [tilespmem:s22+$0xFFFFFFF8];
	_ =	sdelay $0x4  }
0x361: {  	(v2sf) =	vpush v20, $0x0;
	_ =	sdelay $0xb  }
0x362: {  	(v2sf) =	vpush v20, $0x1;
	_ =	sdelay $0x2  }
0x363: {  	s24 =	spop (v2sf)  }
0x364: {  	s24 =	sand.u32 $0x7F, s24  }
0x365: {  	s25 =	sadd.s32 $0x10, s23;
	v21 =	vor.u32 s24, v0  }
0x366: {  	v22 =	vmov s25  }
0x367: {  	v23 =	vshll.u32 v22, $0x3  }
0x368: {  	v22 =	vand.u32 $0x78, v22;
	v23 =	vand.u32 $0x7FFFFC00, v23  }
0x369: {  	s14 =	simm.s32 $0x10280;
	v22 =	vor.u32 v22, v23  }
0x36a: {  	v23 =	vadd.s32 v1, v22;
	v21 =	vld.idx.msk [tilespmem:v21+s14+$0x0], $0xffff  }
0x36b: {  	v24 =	vor.u32 s24, v2  }
0x36c: {  	(v2sf) =	vpush v20, $0x2;
	_ =	sdelay $0x2  }
0x36d: {  	s15 =	spop (v2sf);
	[tilespmem:v23+s5+$0x0] =	vst.idx.msk $0xffff, v21  }
0x36e: {  	v22 =	vadd.s32 v3, v22;
	s24 =	sand.u32 $0x7F, s15;
	v21 =	vld.idx.msk [tilespmem:v24+s14+$0x0], $0xffff  }
0x36f: {  	s16 =	sadd.s32 $0x11, s23;
	v49 =	vor.u32 s24, v0  }
0x370: {  	v50 =	vmov s16  }
0x371: {  	v25 =	vshll.u32 v50, $0x3  }
0x372: {  	v25 =	vand.u32 $0x7FFFFC00, v25;
	v24 =	vand.u32 $0x79, v50  }
0x373: {  	s17 =	simm.s32 $0x11280;
	v51 =	vor.u32 v24, v25;
	[tilespmem:v22+s5+$0x0] =	vst.idx.msk $0xffff, v21  }
0x374: {  	v52 =	vadd.s32 v1, v51;
	v22 =	vld.idx.msk [tilespmem:v49+s17+$0x0], $0xffff  }
0x375: {  	v53 =	vor.u32 s24, v2  }
0x376: {  	(v2sf) =	vpush v20, $0x3;
	_ =	sdelay $0x2  }
0x377: {  	s12 =	spop (v2sf);
	[tilespmem:v52+s5+$0x0] =	vst.idx.msk $0xffff, v22  }
0x378: {  	s24 =	sand.u32 $0x7F, s12;
	v21 =	vadd.s32 v3, v51;
	v20 =	vld.idx.msk [tilespmem:v53+s17+$0x0], $0xffff  }
0x379: {  	s13 =	sadd.s32 $0x12, s23;
	v54 =	vor.u32 s24, v0  }
0x37a: {  	v55 =	vmov s13  }
0x37b: {  	v56 =	vshll.u32 v55, $0x3  }
0x37c: {  	v23 =	vand.u32 $0x7A, v55;
	v24 =	vand.u32 $0x7FFFFC00, v56  }
0x37d: {  	s14 =	simm.s32 $0x12280;
	[tilespmem:v21+s5+$0x0] =	vst.idx.msk $0xffff, v20;
	v20 =	vor.u32 v23, v24  }
0x37e: {  	v21 =	vld.idx.msk [tilespmem:v54+s14+$0x0], $0xffff;
	v57 =	vadd.s32 v1, v20  }
0x37f: {  	v58 =	vor.u32 s24, v2;
	_ =	sdelay $0x3  }
0x380: {  	s15 =	spop (v2sf);
	[tilespmem:v57+s5+$0x0] =	vst.idx.msk $0xffff, v21  }
0x381: {  	s24 =	sand.u32 $0x7F, s15;
	v20 =	vadd.s32 v3, v20;
	v21 =	vld.idx.msk [tilespmem:v58+s14+$0x0], $0xffff  }
0x382: {  	s16 =	sadd.s32 $0x13, s23;
	v59 =	vor.u32 s24, v0  }
0x383: {  	v60 =	vmov s16  }
0x384: {  	v61 =	vshll.u32 v60, $0x3  }
0x385: {  	v23 =	vand.u32 $0x7B, v60;
	v24 =	vand.u32 $0x7FFFFC00, v61  }
0x386: {  	s17 =	simm.s32 $0x13280;
	[tilespmem:v20+s5+$0x0] =	vst.idx.msk $0xffff, v21;
	v20 =	vor.u32 v23, v24  }
0x387: {  	v21 =	vld.idx.msk [tilespmem:v59+s17+$0x0], $0xffff;
	v62 =	vadd.s32 v1, v20  }
0x388: {  	v63 =	vor.u32 s24, v2;
	_ =	sdelay $0x3  }
0x389: {  	[tilespmem:v62+s5+$0x0] =	vst.idx.msk $0xffff, v21  }
0x38a: {  	v20 =	vadd.s32 v3, v20;
	v21 =	vld.idx.msk [tilespmem:v63+s17+$0x0], $0xffff  }
.Ltmp4:
0x38b: {  	_ = 	snop;
	(pc) =	sbr.rel @p0 .LBB2_8-.Ltmp4, $3  }
0x38c: {  	_ =	sdelay $0x1  }
0x38d: {  	s4 =	simm.s32 $0x10280  }
0x38e: {  	s11 =	simm.s32 $0x11280;
	s13 =	simm.s32 $0x13280;
	s12 =	simm.s32 $0x12280;
	[tilespmem:v20+s5+$0x0] =	vst.idx.msk $0xffff, v21  }
0x38f: {  	v20 =	vld [tilespmem:s22+$0x10];
	_ =	sdelay $0x4  }
0x390: {  	(v2sf) =	vpush v20, $0x0;
	_ =	sdelay $0x5  }
0x391: {  	(v2sf) =	vpush v20, $0x1;
	_ =	sdelay $0x8  }
0x392: {  	s24 =	spop (v2sf)  }
0x393: {  	(v2sf) =	vpush v20, $0x2;
	s25 =	sand.u32 $0x7F, s24  }
0x394: {  	s16 =	sshra.s32 s24, $0x1F;
	p2 =	slt.s32 s24, $0x1;
	p1 =	sne.s32 s25, $0x0  }
0x395: {  	s25 =	sshrl.u32 s16, $0x19;
	p1 =	por !p2, !p1  }
0x396: {  	s24 =	sadd.s32 s25, s24;
	s25 =	simm.s32 $0x1;
	p1 =	por !p1, !p1  }
0x397: {  	s24 =	sshrl.u32 s24, $0x7;
	s25 =	simm.s32 @!p1 $0x0  }
0x398: {  	s17 =	spop (v2sf);
	s24 =	ssub.s32 s24, s25  }
0x399: {  	s14 =	sand.u32 $0x7F, s17;
	s15 =	sshra.s32 s17, $0x1F;
	s24 =	sshll.u32 s24, $0x7  }
0x39a: {  	(v2sf) =	vpush v20, $0x3;
	p6 =	slt.s32 s17, $0x1;
	p5 =	sne.s32 s14, $0x0;
	s24 =	sand.u32 $0x1FFFFF80, s24  }
0x39b: {  	p1 =	por !p6, !p5;
	s25 =	sshrl.u32 s15, $0x19;
	s24 =	sadd.s32 s0, s24  }
0x39c: {  	[tilespmem:s4], [sflag:$0x5] =	stream.strided.gather [hbm4b:s24+s9], $0x1000, s10, s9, $0x38;
	[tilespmem:$0x1C280] =	vst v63  }
0x39d: {  	p1 =	por !p1, !p1;
	s24 =	sadd.s32 s25, s17;
	s25 =	simm.s32 $0x1  }
0x39e: {  	s24 =	sshrl.u32 s24, $0x7;
	s25 =	simm.s32 @!p1 $0x0  }
0x39f: {  	s24 =	ssub.s32 s24, s25  }
0x3a0: {  	s24 =	sshll.u32 s24, $0x7  }
0x3a1: {  	s24 =	sand.u32 $0x1FFFFF80, s24  }
0x3a2: {  	s16 =	spop (v2sf);
	s24 =	sadd.s32 s0, s24  }
0x3a3: {  	[tilespmem:s11], [sflag:$0x5] =	stream.strided.gather [hbm4b:s24+s9], $0x1000, s10, s9, $0x38;
	[tilespmem:$0x1C280] =	vst v63  }
0x3a4: {  	s17 =	sand.u32 $0x7F, s16  }
0x3a5: {  	s14 =	sshra.s32 s16, $0x1F;
	p4 =	slt.s32 s16, $0x1;
	p3 =	sne.s32 s17, $0x0  }
0x3a6: {  	s24 =	sshrl.u32 s14, $0x19;
	p1 =	por !p4, !p3  }
0x3a7: {  	s25 =	simm.s32 $0x1;
	s24 =	sadd.s32 s24, s16;
	p1 =	por !p1, !p1  }
0x3a8: {  	s24 =	sshrl.u32 s24, $0x7;
	s25 =	simm.s32 @!p1 $0x0  }
0x3a9: {  	s15 =	spop (v2sf);
	s24 =	ssub.s32 s24, s25  }
0x3aa: {  	s17 =	sshra.s32 s15, $0x1F;
	s16 =	sand.u32 $0x7F, s15;
	s24 =	sshll.u32 s24, $0x7  }
0x3ab: {  	p6 =	slt.s32 s15, $0x1;
	p5 =	sne.s32 s16, $0x0;
	s24 =	sand.u32 $0x1FFFFF80, s24  }
0x3ac: {  	p1 =	por !p6, !p5;
	s25 =	sshrl.u32 s17, $0x19;
	s24 =	sadd.s32 s0, s24  }
0x3ad: {  	[tilespmem:s12], [sflag:$0x5] =	stream.strided.gather [hbm4b:s24+s9], $0x1000, s10, s9, $0x38;
	[tilespmem:$0x1C280] =	vst v63  }
0x3ae: {  	p1 =	por !p1, !p1;
	s24 =	sadd.s32 s25, s15;
	s25 =	simm.s32 $0x1  }
0x3af: {  	s24 =	sshrl.u32 s24, $0x7;
	s25 =	simm.s32 @!p1 $0x0  }
0x3b0: {  	s24 =	ssub.s32 s24, s25  }
0x3b1: {  	s24 =	sshll.u32 s24, $0x7  }
0x3b2: {  	s24 =	sand.u32 $0x1FFFFF80, s24  }
0x3b3: {  	s24 =	sadd.s32 s0, s24  }
0x3b4: {  	[tilespmem:s13], [sflag:$0x5] =	stream.strided.gather [hbm4b:s24+s9], $0x1000, s10, s9, $0x38;
	[tilespmem:$0x1C280] =	vst v63  }
.LBB2_8:
0x3b5: {  	_ =	swait.ge [sflag:s21], $0x1000  }
0x3b6: {  	[sflag:s21] =	ssyncset.done $0x0  }
0x3b7: {  	[sflag:s21] =	ssyncadd.s32 $0xFFFFF000  }
0x3b8: {  	_ =	swait.ge [sflag:s21], $0x1000  }
0x3b9: {  	[sflag:s21] =	ssyncset.done $0x0  }
0x3ba: {  	[sflag:s21] =	ssyncadd.s32 $0xFFFFF000  }
0x3bb: {  	_ =	swait.ge [sflag:s21], $0x1000  }
0x3bc: {  	[sflag:s21] =	ssyncset.done $0x0  }
0x3bd: {  	[sflag:s21] =	ssyncadd.s32 $0xFFFFF000  }
0x3be: {  	_ =	swait.ge [sflag:s21], $0x1000  }
0x3bf: {  	[sflag:s21] =	ssyncset.done $0x0  }
0x3c0: {  	[sflag:s21] =	ssyncadd.s32 $0xFFFFF000  }
0x3c1: {  	v20 =	vld [tilespmem:s22+$0xFFFFFFF8];
	_ =	sdelay $0x4  }
0x3c2: {  	(v2sf) =	vpush v20, $0x4;
	_ =	sdelay $0xb  }
0x3c3: {  	(v2sf) =	vpush v20, $0x5;
	_ =	sdelay $0x2  }
0x3c4: {  	s24 =	spop (v2sf)  }
0x3c5: {  	s24 =	sand.u32 $0x7F, s24  }
0x3c6: {  	s25 =	sadd.s32 $0x14, s23;
	v21 =	vor.u32 s24, v0  }
0x3c7: {  	v22 =	vmov s25  }
0x3c8: {  	v23 =	vshll.u32 v22, $0x3  }
0x3c9: {  	v22 =	vand.u32 $0x7C, v22;
	v23 =	vand.u32 $0x7FFFFC00, v23  }
0x3ca: {  	s14 =	simm.s32 $0x14280;
	v22 =	vor.u32 v22, v23  }
0x3cb: {  	v23 =	vadd.s32 v1, v22;
	v21 =	vld.idx.msk [tilespmem:v21+s14+$0x0], $0xffff  }
0x3cc: {  	v24 =	vor.u32 s24, v2  }
0x3cd: {  	(v2sf) =	vpush v20, $0x6;
	_ =	sdelay $0x2  }
0x3ce: {  	s25 =	spop (v2sf);
	[tilespmem:v23+s5+$0x0] =	vst.idx.msk $0xffff, v21  }
0x3cf: {  	v22 =	vadd.s32 v3, v22;
	s24 =	sand.u32 $0x7F, s25;
	v21 =	vld.idx.msk [tilespmem:v24+s14+$0x0], $0xffff  }
0x3d0: {  	s15 =	sadd.s32 $0x15, s23;
	v49 =	vor.u32 s24, v0  }
0x3d1: {  	v50 =	vmov s15  }
0x3d2: {  	v25 =	vshll.u32 v50, $0x3  }
0x3d3: {  	v25 =	vand.u32 $0x7FFFFC00, v25;
	v24 =	vand.u32 $0x7D, v50  }
0x3d4: {  	s15 =	simm.s32 $0x15280;
	v51 =	vor.u32 v24, v25;
	[tilespmem:v22+s5+$0x0] =	vst.idx.msk $0xffff, v21  }
0x3d5: {  	v52 =	vadd.s32 v1, v51;
	v22 =	vld.idx.msk [tilespmem:v49+s15+$0x0], $0xffff  }
0x3d6: {  	v53 =	vor.u32 s24, v2  }
0x3d7: {  	(v2sf) =	vpush v20, $0x7;
	_ =	sdelay $0x2  }
0x3d8: {  	s16 =	spop (v2sf);
	[tilespmem:v52+s5+$0x0] =	vst.idx.msk $0xffff, v22  }
0x3d9: {  	s24 =	sand.u32 $0x7F, s16;
	v21 =	vadd.s32 v3, v51;
	v20 =	vld.idx.msk [tilespmem:v53+s15+$0x0], $0xffff  }
0x3da: {  	s17 =	sadd.s32 $0x16, s23;
	v54 =	vor.u32 s24, v0  }
0x3db: {  	v55 =	vmov s17  }
0x3dc: {  	v56 =	vshll.u32 v55, $0x3  }
0x3dd: {  	v23 =	vand.u32 $0x7E, v55;
	v24 =	vand.u32 $0x7FFFFC00, v56  }
0x3de: {  	s16 =	simm.s32 $0x16280;
	[tilespmem:v21+s5+$0x0] =	vst.idx.msk $0xffff, v20;
	v20 =	vor.u32 v23, v24  }
0x3df: {  	v21 =	vld.idx.msk [tilespmem:v54+s16+$0x0], $0xffff;
	v57 =	vadd.s32 v1, v20  }
0x3e0: {  	v58 =	vor.u32 s24, v2;
	_ =	sdelay $0x3  }
0x3e1: {  	s25 =	spop (v2sf);
	[tilespmem:v57+s5+$0x0] =	vst.idx.msk $0xffff, v21  }
0x3e2: {  	s24 =	sand.u32 $0x7F, s25;
	v20 =	vadd.s32 v3, v20;
	v21 =	vld.idx.msk [tilespmem:v58+s16+$0x0], $0xffff  }
0x3e3: {  	s17 =	sadd.s32 $0x17, s23;
	v59 =	vor.u32 s24, v0  }
0x3e4: {  	v60 =	vmov s17  }
0x3e5: {  	v61 =	vshll.u32 v60, $0x3  }
0x3e6: {  	v23 =	vand.u32 $0x7F, v60;
	v24 =	vand.u32 $0x7FFFFC00, v61  }
0x3e7: {  	s17 =	simm.s32 $0x17280;
	[tilespmem:v20+s5+$0x0] =	vst.idx.msk $0xffff, v21;
	v20 =	vor.u32 v23, v24  }
0x3e8: {  	v21 =	vld.idx.msk [tilespmem:v59+s17+$0x0], $0xffff;
	v62 =	vadd.s32 v1, v20  }
0x3e9: {  	v63 =	vor.u32 s24, v2;
	_ =	sdelay $0x3  }
0x3ea: {  	[tilespmem:v62+s5+$0x0] =	vst.idx.msk $0xffff, v21  }
0x3eb: {  	v20 =	vadd.s32 v3, v20;
	v21 =	vld.idx.msk [tilespmem:v63+s17+$0x0], $0xffff  }
.Ltmp5:
0x3ec: {  	_ = 	snop;
	(pc) =	sbr.rel @p0 .LBB2_10-.Ltmp5, $2  }
0x3ed: {  	_ =	sdelay $0x2  }
0x3ee: {  	[tilespmem:v20+s5+$0x0] =	vst.idx.msk $0xffff, v21  }
0x3ef: {  	v20 =	vld [tilespmem:s22+$0x10];
	_ =	sdelay $0x4  }
0x3f0: {  	(v2sf) =	vpush v20, $0x4;
	_ =	sdelay $0x5  }
0x3f1: {  	(v2sf) =	vpush v20, $0x5;
	_ =	sdelay $0x8  }
0x3f2: {  	s24 =	spop (v2sf)  }
0x3f3: {  	(v2sf) =	vpush v20, $0x6;
	s25 =	sand.u32 $0x7F, s24  }
0x3f4: {  	s4 =	sshra.s32 s24, $0x1F;
	p1 =	slt.s32 s24, $0x1;
	p0 =	sne.s32 s25, $0x0  }
0x3f5: {  	s25 =	sshrl.u32 s4, $0x19;
	p0 =	por !p1, !p0  }
0x3f6: {  	s24 =	sadd.s32 s25, s24;
	s25 =	simm.s32 $0x1;
	p0 =	por !p0, !p0  }
0x3f7: {  	s24 =	sshrl.u32 s24, $0x7;
	s25 =	simm.s32 @!p0 $0x0  }
0x3f8: {  	s11 =	spop (v2sf);
	s24 =	ssub.s32 s24, s25  }
0x3f9: {  	s12 =	sand.u32 $0x7F, s11;
	s13 =	sshra.s32 s11, $0x1F;
	s24 =	sshll.u32 s24, $0x7  }
0x3fa: {  	(v2sf) =	vpush v20, $0x7;
	p2 =	slt.s32 s11, $0x1;
	p1 =	sne.s32 s12, $0x0;
	s24 =	sand.u32 $0x1FFFFF80, s24  }
0x3fb: {  	p0 =	por !p2, !p1;
	s25 =	sshrl.u32 s13, $0x19;
	s24 =	sadd.s32 s0, s24  }
0x3fc: {  	[tilespmem:s14], [sflag:$0x6] =	stream.strided.gather [hbm4b:s24+s9], $0x1000, s10, s9, $0x38;
	[tilespmem:$0x1C280] =	vst v63  }
0x3fd: {  	p0 =	por !p0, !p0;
	s24 =	sadd.s32 s25, s11;
	s25 =	simm.s32 $0x1  }
0x3fe: {  	s24 =	sshrl.u32 s24, $0x7;
	s25 =	simm.s32 @!p0 $0x0  }
0x3ff: {  	s24 =	ssub.s32 s24, s25  }
0x400: {  	s24 =	sshll.u32 s24, $0x7  }
0x401: {  	s24 =	sand.u32 $0x1FFFFF80, s24  }
0x402: {  	s14 =	spop (v2sf);
	s24 =	sadd.s32 s0, s24  }
0x403: {  	[tilespmem:s15], [sflag:$0x6] =	stream.strided.gather [hbm4b:s24+s9], $0x1000, s10, s9, $0x38;
	[tilespmem:$0x1C280] =	vst v63  }
0x404: {  	s26 =	sand.u32 $0x7F, s14  }
0x405: {  	s28 =	sshra.s32 s14, $0x1F;
	p4 =	slt.s32 s14, $0x1;
	p3 =	sne.s32 s26, $0x0  }
0x406: {  	s24 =	sshrl.u32 s28, $0x19;
	p0 =	por !p4, !p3  }
0x407: {  	s25 =	simm.s32 $0x1;
	s24 =	sadd.s32 s24, s14;
	p0 =	por !p0, !p0  }
0x408: {  	s24 =	sshrl.u32 s24, $0x7;
	s25 =	simm.s32 @!p0 $0x0  }
0x409: {  	s29 =	spop (v2sf);
	s24 =	ssub.s32 s24, s25  }
0x40a: {  	s30 =	sand.u32 $0x7F, s29;
	s31 =	sshra.s32 s29, $0x1F;
	s24 =	sshll.u32 s24, $0x7  }
0x40b: {  	p6 =	slt.s32 s29, $0x1;
	p5 =	sne.s32 s30, $0x0;
	s24 =	sand.u32 $0x1FFFFF80, s24  }
0x40c: {  	p0 =	por !p6, !p5;
	s25 =	sshrl.u32 s31, $0x19;
	s24 =	sadd.s32 s0, s24  }
0x40d: {  	[tilespmem:s16], [sflag:$0x6] =	stream.strided.gather [hbm4b:s24+s9], $0x1000, s10, s9, $0x38;
	[tilespmem:$0x1C280] =	vst v63  }
0x40e: {  	p0 =	por !p0, !p0;
	s24 =	sadd.s32 s25, s29;
	s25 =	simm.s32 $0x1  }
0x40f: {  	s24 =	sshrl.u32 s24, $0x7;
	s25 =	simm.s32 @!p0 $0x0  }
0x410: {  	s24 =	ssub.s32 s24, s25  }
.Ltmp6:
0x411: {  	s24 =	sshll.u32 s24, $0x7;
	(pc) =	sbr.rel .LBB2_2-.Ltmp6, $4  }
0x412: {  	s23 =	sadd.s32 $0x18, s23;
	s24 =	sand.u32 $0x1FFFFF80, s24  }
0x413: {  	s22 =	sadd.s32 $0x18, s22;
	s15 =	simm.s32 $0x4280;
	s24 =	sadd.s32 s0, s24  }
0x414: {  	[tilespmem:s17], [sflag:$0x6] =	stream.strided.gather [hbm4b:s24+s9], $0x1000, s10, s9, $0x38;
	[tilespmem:$0x1C280] =	vst v63  }
0x415: {  	s14 =	simm.s32 $0x3280;
	s16 =	simm.s32 $0x5280;
	s17 =	simm.s32 $0x6280  }
.LBB2_11:
0x416: {  	_ =	sfence.sel $0x180000  }
0x417: {  	[bflag:$0x0] =	sbarrier.arrive $0xFFFF  }
0x418: {  	_ =	strace $0x90000047  }
0x419: {  	s0 =	stileid.u32;
	[bflag:$0x2] =	sbarrier.arrive $0xFFFF  }
0x41a: {  	p0 =	sne.s32 s0, $0x0;
	s0 =	rddreg [dreg:$0x3]  }
0x41b: {  	s0 =	sadd.s32 @!p0 $0x100000, s0  }
0x41c: {  	[sflag:s0] =	ssyncadd.tile.s32 @!p0 $0x1;
	_ =	shalt  }
.Lfunc_end2:
_tile_overlayer_lowered:
.L_overlay_start_2:
0x41d: {  	(tag) =	ssettag $0x2  }
0x41e: {  	s0 =	rddreg [dreg:$0x0];
	s2 =	stileid.u32  }
0x41f: {  	s1 =	rddreg [dreg:$0x1];
	p0 =	sne.s32 s2, $0x0  }
0x420: {  	s3 =	rddreg [dreg:$0x2];
	[bflag:$0x3] =	sbarrier.arrive $0xFFFF;
	s2 =	simm.s32 @!p0 $0x1C07  }
0x421: {  	[timem:s3], [sflag:s2] =	dma.local @!p0 [hbm:s0], s1  }
0x422: {  	s0 =	simm.s32 @!p0 $0x7  }
0x423: {  	_ =	swait.ge @!p0 [sflag:s0], s1  }
0x424: {  	s1 =	ssub.s32 @!p0 $0x0, s1;
	[sflag:s0] =	ssyncset.done @!p0 $0x0  }
0x425: {  	[sflag:s0] =	ssyncadd.s32 @!p0 s1  }
0x426: {  	[bflag:$0x3] =	sbarrier.arrive $0xFFFF  }
0x427: {  	_ =	shalt  }

</sc_bundles>
